<compile_context>
chip_gen: v7x
topology: tpu7x:2x2x1
jax: 0.10.2.dev20260603
libtpu: 0.0.44.dev20260713+nightly
codegen_flags: <defaults>
</compile_context>

<pallas_src>
import functools

import jax
import jax.numpy as jnp
from jax import lax
from jax.experimental import pallas as pl
from jax.experimental.pallas import tpu as pltpu
from jax.experimental.pallas import tpu_sc as plsc

NC = 2
NS = 16
NW = NC * NS
SB = 80
NP = 10240


def _sc_scatter(E, W, gather):
    epw = E // NW
    nloop = epw // SB
    assert epw % SB == 0
    rpt = NP // NS
    zr = 32
    assert rpt % zr == 0

    mesh = plsc.VectorSubcoreMesh(core_axis_name="c", subcore_axis_name="s")
    scratch = [
        pltpu.VMEM((6, SB), jnp.int32),
        pltpu.VMEM((4, SB, W), jnp.float32),
        pltpu.VMEM((zr, W), jnp.float32),
        pltpu.VMEM_SHARED((NP, W), jnp.float32),
        pltpu.SemaphoreType.DMA,
        pltpu.SemaphoreType.DMA,
    ]
    if gather:
        scratch = [pltpu.VMEM((6, SB), jnp.int32)] + scratch

    def body(*refs):
        if gather:
            (src_h, dst_h, g_hbm, out_hbm,
             s4, d4, rows_v, zb_v, acc, sem_g, sem_s) = refs
        else:
            dst_h, out_hbm, d4, rows_v, zb_v, acc, sem_g, sem_s = refs
        cid = lax.axis_index("c")
        sid = lax.axis_index("s")
        wid = cid * NS + sid
        ebase = wid * epw

        zval = jnp.zeros((16,), jnp.float32)

        def zrow(r, _):
            for c in range(W // 16):
                zb_v[r, pl.ds(c * 16, 16)] = zval
            return 0

        lax.fori_loop(0, zr, zrow, 0)
        if not gather:
            ones = zval + 1.0

            def orow(r, _):
                for c in range(W // 16):
                    rows_v[0, r, pl.ds(c * 16, 16)] = ones
                return 0

            lax.fori_loop(0, SB, orow, 0)

        for j in range(rpt // zr):
            pltpu.sync_copy(zb_v, acc.at[pl.ds(sid * rpt + j * zr, zr)])

        for j in range(3):
            if nloop > j:
                pltpu.sync_copy(dst_h.at[pl.ds(ebase + j * SB, SB)], d4.at[j])
                if gather:
                    pltpu.sync_copy(src_h.at[pl.ds(ebase + j * SB, SB)],
                                    s4.at[j])
        plsc.subcore_barrier()
        if gather:
            pltpu.async_copy(g_hbm.at[s4.at[0]], rows_v.at[0], sem_g)
            if nloop > 1:
                pltpu.async_copy(g_hbm.at[s4.at[1]], rows_v.at[1], sem_g)

        def step(i, _):
            slot = lax.rem(i, 4)
            islot = lax.rem(i, 6)
            b2 = lax.rem(i + 2, 4)
            i2 = lax.rem(i + 2, 6)
            p3 = lax.rem(i + 3, 6)
            rsrc = rows_v.at[slot] if gather else rows_v.at[0]

            @pl.when(i >= 2)
            def _():
                pltpu.make_async_copy(rsrc, acc.at[d4.at[islot]], sem_s).wait()

            @pl.when(i + 3 < nloop)
            def _():
                off = ebase + (i + 3) * SB
                pltpu.sync_copy(dst_h.at[pl.ds(off, SB)], d4.at[p3])
                if gather:
                    pltpu.sync_copy(src_h.at[pl.ds(off, SB)], s4.at[p3])

            if gather:
                @pl.when(i + 2 < nloop)
                def _():
                    pltpu.async_copy(g_hbm.at[s4.at[i2]], rows_v.at[b2], sem_g)

                pltpu.make_async_copy(g_hbm.at[s4.at[islot]], rsrc,
                                      sem_g).wait()
            pltpu.async_copy(rsrc, acc.at[d4.at[islot]], sem_s, add=True)
            return 0

        lax.fori_loop(0, nloop, step, 0)
        for _ in range(2):
            pltpu.make_async_copy(rows_v.at[0], acc.at[d4.at[0]], sem_s).wait()
        plsc.subcore_barrier()
        pltpu.sync_copy(acc.at[pl.ds(sid * rpt, rpt)],
                        out_hbm.at[cid, pl.ds(sid * rpt, rpt)])

    out = jax.ShapeDtypeStruct((NC, NP, W), jnp.float32)
    return functools.partial(pl.kernel, body, out_type=out, mesh=mesh,
                             scratch_types=scratch)()


BLK = 1000


def _tc_first(x, W0, degp):
    Nn, D = x.shape
    H = W0.shape[1]

    def body(x_ref, w_ref, p_ref, g_ref, dis_ref):
        p = p_ref[...]
        deg = 1.0 + p[0, :, :1] + p[1, :, :1]
        dis = lax.rsqrt(deg)
        g_ref[...] = jnp.dot(x_ref[...], w_ref[...],
                             preferred_element_type=jnp.float32) * dis
        dis_ref[...] = jnp.broadcast_to(dis, (BLK, 16))

    return pl.pallas_call(
        body,
        grid=(Nn // BLK,),
        in_specs=[
            pl.BlockSpec((BLK, D), lambda i: (i, 0)),
            pl.BlockSpec((D, H), lambda i: (0, 0)),
            pl.BlockSpec((NC, BLK, 128), lambda i: (0, i, 0)),
        ],
        out_specs=[
            pl.BlockSpec((BLK, H), lambda i: (i, 0)),
            pl.BlockSpec((BLK, 16), lambda i: (i, 0)),
        ],
        out_shape=[
            jax.ShapeDtypeStruct((Nn, H), jnp.float32),
            jax.ShapeDtypeStruct((Nn, 16), jnp.float32),
        ],
    )(x, W0, degp)


def _tc_mid(P, g, dis16, b, Wn):
    Nn, H = g.shape
    Ho = Wn.shape[1]

    def body(p_ref, g_ref, d_ref, b_ref, w_ref, o_ref):
        p = p_ref[...]
        dis = d_ref[...][:, :1]
        h = jnp.maximum((p[0] + p[1] + g_ref[...]) * dis + b_ref[...], 0.0)
        o_ref[...] = jnp.dot(h, w_ref[...],
                             preferred_element_type=jnp.float32) * dis

    return pl.pallas_call(
        body,
        grid=(Nn // BLK,),
        in_specs=[
            pl.BlockSpec((NC, BLK, H), lambda i: (0, i, 0)),
            pl.BlockSpec((BLK, H), lambda i: (i, 0)),
            pl.BlockSpec((BLK, 16), lambda i: (i, 0)),
            pl.BlockSpec((1, H), lambda i: (0, 0)),
            pl.BlockSpec((H, Ho), lambda i: (0, 0)),
        ],
        out_specs=pl.BlockSpec((BLK, H), lambda i: (i, 0)),
        out_shape=jax.ShapeDtypeStruct((Nn, Ho), jnp.float32),
    )(P, g, dis16, b, Wn)


def _tc_last_pool_head(P, g, dis16, b, batch2d, G, Wm1, bm1, Wm2, bm2):
    Nn, H = g.shape
    M = Wm1.shape[1]
    nblk = Nn // BLK

    def body(p_ref, g_ref, d_ref, b_ref, t_ref, w1_ref, b1_ref, w2_ref,
             b2_ref, o_ref, s_ref, c_ref):
        i = pl.program_id(0)

        @pl.when(i == 0)
        def _():
            s_ref[...] = jnp.zeros_like(s_ref)
            c_ref[...] = jnp.zeros_like(c_ref)

        p = p_ref[...]
        dis = d_ref[...][:, :1]
        h = jnp.maximum((p[0] + p[1] + g_ref[...]) * dis + b_ref[...], 0.0)
        seg = lax.broadcasted_iota(jnp.int32, (BLK, G), 1)
        oh = (t_ref[...] == seg).astype(jnp.float32)
        dn = (((0,), (0,)), ((), ()))
        s_ref[...] += lax.dot_general(oh, h, dn,
                                      preferred_element_type=jnp.float32)
        c_ref[...] += lax.dot_general(oh, jnp.ones((BLK, H), jnp.float32), dn,
                                      preferred_element_type=jnp.float32)

        @pl.when(i == nblk - 1)
        def _():
            pooled = s_ref[...] / jnp.maximum(c_ref[...], 1.0)
            hm = jnp.maximum(jnp.dot(pooled, w1_ref[...],
                                     preferred_element_type=jnp.float32)
                             + b1_ref[...], 0.0)
            o_ref[...] = jnp.dot(hm, w2_ref[...],
                                 preferred_element_type=jnp.float32) + b2_ref[...]

    return pl.pallas_call(
        body,
        grid=(nblk,),
        in_specs=[
            pl.BlockSpec((NC, BLK, H), lambda i: (0, i, 0)),
            pl.BlockSpec((BLK, H), lambda i: (i, 0)),
            pl.BlockSpec((BLK, 16), lambda i: (i, 0)),
            pl.BlockSpec((1, H), lambda i: (0, 0)),
            pl.BlockSpec((BLK, 1), lambda i: (i, 0)),
            pl.BlockSpec((H, M), lambda i: (0, 0)),
            pl.BlockSpec((1, M), lambda i: (0, 0)),
            pl.BlockSpec((M, 1), lambda i: (0, 0)),
            pl.BlockSpec((1, 1), lambda i: (0, 0)),
        ],
        out_specs=pl.BlockSpec((G, 1), lambda i: (0, 0)),
        out_shape=jax.ShapeDtypeStruct((G, 1), jnp.float32),
        scratch_shapes=[
            pltpu.VMEM((G, H), jnp.float32),
            pltpu.VMEM((G, H), jnp.float32),
        ],
    )(P, g, dis16, b, batch2d, Wm1, bm1, Wm2, bm2)


def kernel(x, edge_index, batch, W0, b0, W1, b1, W2, b2, Wm1, bm1, Wm2, bm2):
    Nn, D = x.shape
    E = edge_index.shape[1]
    G = 64
    src = edge_index[0]
    dst = edge_index[1]

    degp = _sc_scatter(E, 128, gather=False)(dst)
    g0, dis16 = _tc_first(x, W0, degp)
    P = _sc_scatter(E, 128, gather=True)(src, dst, g0)
    g1 = _tc_mid(P, g0, dis16, b0.reshape(1, -1), W1)
    P = _sc_scatter(E, 128, gather=True)(src, dst, g1)
    g2 = _tc_mid(P, g1, dis16, b1.reshape(1, -1), W2)
    P = _sc_scatter(E, 128, gather=True)(src, dst, g2)
    out = _tc_last_pool_head(P, g2, dis16, b2.reshape(1, -1),
                             batch.reshape(-1, 1), G,
                             Wm1, bm1.reshape(1, -1), Wm2, bm2.reshape(1, -1))
    return out.reshape(-1)

# --- scband reference (transcript-rebuilt; emitter-appended) ---
"""Pipeline reference for scband-gnn2-2508260901137 (READ-ONLY COPY).

The authoritative reference and input builder live on the scoring server;
editing this copy changes nothing except your own understanding.
"""

import jax, jax.numpy as jnp
import numpy as np

N = 10000
E = 320000
D = 128
H = 128
G = 64


def setup_inputs(seed: int = 0) -> dict:
    key = jax.random.key(seed)
    ks = jax.random.split(key, 16)
    x = jax.random.normal(ks[0], (N, D), dtype=jnp.float32)
    edge_index = jax.random.randint(ks[1], (2, E), 0, N, dtype=jnp.int32)
    batch = jnp.sort(jax.random.randint(ks[2], (N,), 0, G, dtype=jnp.int32))
    def lin(k, fan_in, fan_out):
        lim = 1.0 / np.sqrt(fan_in)
        kw, kb = jax.random.split(k)
        W = jax.random.uniform(kw, (fan_in, fan_out), minval=-lim, maxval=lim, dtype=jnp.float32)
        b = jax.random.uniform(kb, (fan_out,), minval=-lim, maxval=lim, dtype=jnp.float32)
        return W, b
    W0, b0 = lin(ks[3], D, H)
    W1, b1 = lin(ks[4], H, H)
    W2, b2 = lin(ks[5], H, H)
    Wm1, bm1 = lin(ks[6], H, H // 2)
    Wm2, bm2 = lin(ks[7], H // 2, 1)
    return {"x": x, "edge_index": edge_index, "batch": batch,
            "W0": W0, "b0": b0, "W1": W1, "b1": b1, "W2": W2, "b2": b2,
            "Wm1": Wm1, "bm1": bm1, "Wm2": Wm2, "bm2": bm2}


def reference(x, edge_index, batch, W0, b0, W1, b1, W2, b2, Wm1, bm1, Wm2, bm2):
    # GCNConv (PyG semantics): add self-loops, symmetric normalization, aggregate, bias
    src = edge_index[0]
    dst = edge_index[1]
    loop = jnp.arange(N, dtype=src.dtype)
    src_f = jnp.concatenate([src, loop])
    dst_f = jnp.concatenate([dst, loop])
    deg = jnp.zeros((N,), dtype=jnp.float32).at[dst_f].add(1.0)
    dis = jax.lax.rsqrt(jnp.maximum(deg, 1.0))
    norm = dis[src_f] * dis[dst_f]

    def conv(h, W, b):
        h = h @ W
        msg = h[src_f] * norm[:, None]
        out = jnp.zeros((N, W.shape[1]), dtype=jnp.float32).at[dst_f].add(msg) + b
        return jax.nn.relu(out)

    h = conv(x, W0, b0)
    h = conv(h, W1, b1)
    h = conv(h, W2, b2)

    # global_mean_pool
    sums = jax.ops.segment_sum(h, batch, num_segments=G)
    counts = jax.ops.segment_sum(jnp.ones((N,), dtype=jnp.float32), batch, num_segments=G)
    pooled = sums / jnp.maximum(counts, 1.0)[:, None]

    # MLP head (dropout is identity in eval)
    hm = jax.nn.relu(pooled @ Wm1 + bm1)
    out = (hm @ Wm2 + bm2).reshape(-1)
    return out

if __name__ == "__main__":
    import jax
    _d = setup_inputs()
    print(jax.jit(kernel)(*tuple(_d.values())))

</pallas_src>

<mosaic_0001>
#map = affine_map<(d0, d1) -> (0)>
#map1 = affine_map<(d0, d1) -> (0, 0)>
#map2 = affine_map<(d0, d1) -> (0, 0, 0)>
module attributes {stable_mosaic.version = 14 : i64} {
  func.func @body(%arg0: i32, %arg1: i32, %arg2: memref<320000xi32, #tpu.memory_space<hbm>>, %arg3: memref<320000xi32, #tpu.memory_space<hbm>>, %arg4: memref<10000x128xf32, #tpu.memory_space<hbm>>, %arg5: memref<2x10240x128xf32, #tpu.memory_space<hbm>>, %arg6: memref<6x80xi32, #tpu.memory_space<vmem>>, %arg7: memref<6x80xi32, #tpu.memory_space<vmem>>, %arg8: memref<4x80x128xf32, #tpu.memory_space<vmem>>, %arg9: memref<32x128xf32, #tpu.memory_space<vmem>>, %arg10: memref<10240x128xf32, #tpu.memory_space<vmem_shared>>, %arg11: memref<!tpu.dma_semaphore, #tpu.memory_space<semaphore_mem>>, %arg12: memref<!tpu.dma_semaphore, #tpu.memory_space<semaphore_mem>>) attributes {dimension_semantics = [#tpu.dimension_semantics<core_parallel>, #tpu.dimension_semantics<subcore_parallel>], iteration_bounds = array<i64: 2, 16>, scalar_prefetch = 0 : i64, scratch_operands = 7 : i64, tpu.core_type = #tpu.core_type<sc_vector_subcore>, window_params = [{transform_indices = #map}, {transform_indices = #map}, {transform_indices = #map1}, {transform_indices = #map2}]} {
    %mul3A = arith.constant 16 : i32
    %mul3A_0 = arith.muli %arg0, %mul3A : i32
    %add3A = arith.addi %mul3A_0, %arg1 : i32
    %mul3A_1 = arith.constant 10000 : i32
    %mul3A_2 = arith.muli %add3A, %mul3A_1 : i32
    %broadcast_in_dim3A = arith.constant 0.000000e+00 : f32
    %broadcast_in_dim3A_3 = vector.broadcast %broadcast_in_dim3A : f32 to vector<16xf32>
    %scan3A = arith.constant 0 : i32
    %scan3A_4 = arith.constant 0 : i32
    %scan3A_5 = arith.constant 32 : i32
    %scan3A_6 = arith.addi %scan3A_4, %scan3A_5 : i32
    %scan3A_7 = arith.constant 1 : i32
    %scan3A_8 = scf.for %scan3A_165 = %scan3A_4 to %scan3A_6 step %scan3A_7 iter_args(%scan3A_166 = %scan3A) -> (i32)  : i32 {
      %swap3A = arith.index_cast %scan3A_165 : i32 to index
      %swap3A_167 = arith.constant 0 : index
      %swap3A_168 = tpu.vector_load %arg9[%swap3A, %swap3A_167] {strides = array<i32>} : memref<32x128xf32, #tpu.memory_space<vmem>>, vector<1x16xf32>,
      %swap3A_169 = vector.shape_cast %swap3A_168 : vector<1x16xf32> to vector<16xf32>
      %swap3A_170 = vector.shape_cast %broadcast_in_dim3A_3 : vector<16xf32> to vector<1x16xf32>
      tpu.vector_store %arg9[%swap3A, %swap3A_167], %swap3A_170 {strides = array<i32>} : memref<32x128xf32, #tpu.memory_space<vmem>>, vector<1x16xf32>,
      %swap3A_171 = arith.index_cast %scan3A_165 : i32 to index
      %swap3A_172 = arith.constant 16 : index
      %swap3A_173 = tpu.vector_load %arg9[%swap3A_171, %swap3A_172] {strides = array<i32>} : memref<32x128xf32, #tpu.memory_space<vmem>>, vector<1x16xf32>,
      %swap3A_174 = vector.shape_cast %swap3A_173 : vector<1x16xf32> to vector<16xf32>
      %swap3A_175 = vector.shape_cast %broadcast_in_dim3A_3 : vector<16xf32> to vector<1x16xf32>
      tpu.vector_store %arg9[%swap3A_171, %swap3A_172], %swap3A_175 {strides = array<i32>} : memref<32x128xf32, #tpu.memory_space<vmem>>, vector<1x16xf32>,
      %swap3A_176 = arith.index_cast %scan3A_165 : i32 to index
      %swap3A_177 = arith.constant 32 : index
      %swap3A_178 = tpu.vector_load %arg9[%swap3A_176, %swap3A_177] {strides = array<i32>} : memref<32x128xf32, #tpu.memory_space<vmem>>, vector<1x16xf32>,
      %swap3A_179 = vector.shape_cast %swap3A_178 : vector<1x16xf32> to vector<16xf32>
      %swap3A_180 = vector.shape_cast %broadcast_in_dim3A_3 : vector<16xf32> to vector<1x16xf32>
      tpu.vector_store %arg9[%swap3A_176, %swap3A_177], %swap3A_180 {strides = array<i32>} : memref<32x128xf32, #tpu.memory_space<vmem>>, vector<1x16xf32>,
      %swap3A_181 = arith.index_cast %scan3A_165 : i32 to index
      %swap3A_182 = arith.constant 48 : index
      %swap3A_183 = tpu.vector_load %arg9[%swap3A_181, %swap3A_182] {strides = array<i32>} : memref<32x128xf32, #tpu.memory_space<vmem>>, vector<1x16xf32>,
      %swap3A_184 = vector.shape_cast %swap3A_183 : vector<1x16xf32> to vector<16xf32>
      %swap3A_185 = vector.shape_cast %broadcast_in_dim3A_3 : vector<16xf32> to vector<1x16xf32>
      tpu.vector_store %arg9[%swap3A_181, %swap3A_182], %swap3A_185 {strides = array<i32>} : memref<32x128xf32, #tpu.memory_space<vmem>>, vector<1x16xf32>,
      %swap3A_186 = arith.index_cast %scan3A_165 : i32 to index
      %swap3A_187 = arith.constant 64 : index
      %swap3A_188 = tpu.vector_load %arg9[%swap3A_186, %swap3A_187] {strides = array<i32>} : memref<32x128xf32, #tpu.memory_space<vmem>>, vector<1x16xf32>,
      %swap3A_189 = vector.shape_cast %swap3A_188 : vector<1x16xf32> to vector<16xf32>
      %swap3A_190 = vector.shape_cast %broadcast_in_dim3A_3 : vector<16xf32> to vector<1x16xf32>
      tpu.vector_store %arg9[%swap3A_186, %swap3A_187], %swap3A_190 {strides = array<i32>} : memref<32x128xf32, #tpu.memory_space<vmem>>, vector<1x16xf32>,
      %swap3A_191 = arith.index_cast %scan3A_165 : i32 to index
      %swap3A_192 = arith.constant 80 : index
      %swap3A_193 = tpu.vector_load %arg9[%swap3A_191, %swap3A_192] {strides = array<i32>} : memref<32x128xf32, #tpu.memory_space<vmem>>, vector<1x16xf32>,
      %swap3A_194 = vector.shape_cast %swap3A_193 : vector<1x16xf32> to vector<16xf32>
      %swap3A_195 = vector.shape_cast %broadcast_in_dim3A_3 : vector<16xf32> to vector<1x16xf32>
      tpu.vector_store %arg9[%swap3A_191, %swap3A_192], %swap3A_195 {strides = array<i32>} : memref<32x128xf32, #tpu.memory_space<vmem>>, vector<1x16xf32>,
      %swap3A_196 = arith.index_cast %scan3A_165 : i32 to index
      %swap3A_197 = arith.constant 96 : index
      %swap3A_198 = tpu.vector_load %arg9[%swap3A_196, %swap3A_197] {strides = array<i32>} : memref<32x128xf32, #tpu.memory_space<vmem>>, vector<1x16xf32>,
      %swap3A_199 = vector.shape_cast %swap3A_198 : vector<1x16xf32> to vector<16xf32>
      %swap3A_200 = vector.shape_cast %broadcast_in_dim3A_3 : vector<16xf32> to vector<1x16xf32>
      tpu.vector_store %arg9[%swap3A_196, %swap3A_197], %swap3A_200 {strides = array<i32>} : memref<32x128xf32, #tpu.memory_space<vmem>>, vector<1x16xf32>,
      %swap3A_201 = arith.index_cast %scan3A_165 : i32 to index
      %swap3A_202 = arith.constant 112 : index
      %swap3A_203 = tpu.vector_load %arg9[%swap3A_201, %swap3A_202] {strides = array<i32>} : memref<32x128xf32, #tpu.memory_space<vmem>>, vector<1x16xf32>,
      %swap3A_204 = vector.shape_cast %swap3A_203 : vector<1x16xf32> to vector<16xf32>
      %swap3A_205 = vector.shape_cast %broadcast_in_dim3A_3 : vector<16xf32> to vector<1x16xf32>
      tpu.vector_store %arg9[%swap3A_201, %swap3A_202], %swap3A_205 {strides = array<i32>} : memref<32x128xf32, #tpu.memory_space<vmem>>, vector<1x16xf32>,
      %scan3A_206 = arith.constant 0 : i32
      scf.yield %scan3A_206 : i32
    }
    %scan3A_9 = arith.constant 32 : i32
    %mul3A_10 = arith.constant 640 : i32
    %mul3A_11 = arith.muli %arg1, %mul3A_10 : i32
    %add3A_12 = arith.constant 0 : i32
    %add3A_13 = arith.addi %mul3A_11, %add3A_12 : i32
    "tpu.region"() ({
      %run_scoped3A_165 = tpu.sem_alloc : memref<!tpu.dma_semaphore, #tpu.memory_space<semaphore_mem>>
      %dma_start3A_166 = arith.constant 0 : i32
      %dma_start3A_167 = tpu.memref_slice %arg10[%add3A_13, %dma_start3A_166] : memref<10240x128xf32, #tpu.memory_space<vmem_shared>> -> memref<32x128xf32, #tpu.memory_space<vmem_shared>>
      %dma_start3A_168 = arith.constant 0 : i32
      %dma_start3A_169 = tpu.memref_slice %arg10[%add3A_13, %dma_start3A_168] : memref<10240x128xf32, #tpu.memory_space<vmem_shared>> -> memref<32x128xf32, #tpu.memory_space<vmem_shared>>
      tpu.enqueue_dma source(%arg9 : memref<32x128xf32, #tpu.memory_space<vmem>>) target(%dma_start3A_169 : memref<32x128xf32, #tpu.memory_space<vmem_shared>>) target_semaphore(%run_scoped3A_165 : memref<!tpu.dma_semaphore, #tpu.memory_space<semaphore_mem>>)
      %dma_wait3A_170 = arith.constant 0 : i32
      %dma_wait3A_171 = tpu.memref_slice %arg10[%add3A_13, %dma_wait3A_170] : memref<10240x128xf32, #tpu.memory_space<vmem_shared>> -> memref<32x128xf32, #tpu.memory_space<vmem_shared>>
      %dma_wait3A_172 = arith.constant 0 : i32
      %dma_wait3A_173 = tpu.memref_slice %arg10[%add3A_13, %dma_wait3A_172] : memref<10240x128xf32, #tpu.memory_space<vmem_shared>> -> memref<32x128xf32, #tpu.memory_space<vmem_shared>>
      tpu.wait_dma2 semaphore(%run_scoped3A_165 : memref<!tpu.dma_semaphore, #tpu.memory_space<semaphore_mem>>) src(%arg9 : memref<32x128xf32, #tpu.memory_space<vmem>>) dst(%dma_wait3A_173 : memref<32x128xf32, #tpu.memory_space<vmem_shared>>)
      tpu.yield
    }) : () -> ()
    %mul3A_14 = arith.constant 640 : i32
    %mul3A_15 = arith.muli %arg1, %mul3A_14 : i32
    %add3A_16 = arith.constant 32 : i32
    %add3A_17 = arith.addi %mul3A_15, %add3A_16 : i32
    "tpu.region"() ({
      %run_scoped3A_165 = tpu.sem_alloc : memref<!tpu.dma_semaphore, #tpu.memory_space<semaphore_mem>>
      %dma_start3A_166 = arith.constant 0 : i32
      %dma_start3A_167 = tpu.memref_slice %arg10[%add3A_17, %dma_start3A_166] : memref<10240x128xf32, #tpu.memory_space<vmem_shared>> -> memref<32x128xf32, #tpu.memory_space<vmem_shared>>
      %dma_start3A_168 = arith.constant 0 : i32
      %dma_start3A_169 = tpu.memref_slice %arg10[%add3A_17, %dma_start3A_168] : memref<10240x128xf32, #tpu.memory_space<vmem_shared>> -> memref<32x128xf32, #tpu.memory_space<vmem_shared>>
      tpu.enqueue_dma source(%arg9 : memref<32x128xf32, #tpu.memory_space<vmem>>) target(%dma_start3A_169 : memref<32x128xf32, #tpu.memory_space<vmem_shared>>) target_semaphore(%run_scoped3A_165 : memref<!tpu.dma_semaphore, #tpu.memory_space<semaphore_mem>>)
      %dma_wait3A_170 = arith.constant 0 : i32
      %dma_wait3A_171 = tpu.memref_slice %arg10[%add3A_17, %dma_wait3A_170] : memref<10240x128xf32, #tpu.memory_space<vmem_shared>> -> memref<32x128xf32, #tpu.memory_space<vmem_shared>>
      %dma_wait3A_172 = arith.constant 0 : i32
      %dma_wait3A_173 = tpu.memref_slice %arg10[%add3A_17, %dma_wait3A_172] : memref<10240x128xf32, #tpu.memory_space<vmem_shared>> -> memref<32x128xf32, #tpu.memory_space<vmem_shared>>
      tpu.wait_dma2 semaphore(%run_scoped3A_165 : memref<!tpu.dma_semaphore, #tpu.memory_space<semaphore_mem>>) src(%arg9 : memref<32x128xf32, #tpu.memory_space<vmem>>) dst(%dma_wait3A_173 : memref<32x128xf32, #tpu.memory_space<vmem_shared>>)
      tpu.yield
    }) : () -> ()
    %mul3A_18 = arith.constant 640 : i32
    %mul3A_19 = arith.muli %arg1, %mul3A_18 : i32
    %add3A_20 = arith.constant 64 : i32
    %add3A_21 = arith.addi %mul3A_19, %add3A_20 : i32
    "tpu.region"() ({
      %run_scoped3A_165 = tpu.sem_alloc : memref<!tpu.dma_semaphore, #tpu.memory_space<semaphore_mem>>
      %dma_start3A_166 = arith.constant 0 : i32
      %dma_start3A_167 = tpu.memref_slice %arg10[%add3A_21, %dma_start3A_166] : memref<10240x128xf32, #tpu.memory_space<vmem_shared>> -> memref<32x128xf32, #tpu.memory_space<vmem_shared>>
      %dma_start3A_168 = arith.constant 0 : i32
      %dma_start3A_169 = tpu.memref_slice %arg10[%add3A_21, %dma_start3A_168] : memref<10240x128xf32, #tpu.memory_space<vmem_shared>> -> memref<32x128xf32, #tpu.memory_space<vmem_shared>>
      tpu.enqueue_dma source(%arg9 : memref<32x128xf32, #tpu.memory_space<vmem>>) target(%dma_start3A_169 : memref<32x128xf32, #tpu.memory_space<vmem_shared>>) target_semaphore(%run_scoped3A_165 : memref<!tpu.dma_semaphore, #tpu.memory_space<semaphore_mem>>)
      %dma_wait3A_170 = arith.constant 0 : i32
      %dma_wait3A_171 = tpu.memref_slice %arg10[%add3A_21, %dma_wait3A_170] : memref<10240x128xf32, #tpu.memory_space<vmem_shared>> -> memref<32x128xf32, #tpu.memory_space<vmem_shared>>
      %dma_wait3A_172 = arith.constant 0 : i32
      %dma_wait3A_173 = tpu.memref_slice %arg10[%add3A_21, %dma_wait3A_172] : memref<10240x128xf32, #tpu.memory_space<vmem_shared>> -> memref<32x128xf32, #tpu.memory_space<vmem_shared>>
      tpu.wait_dma2 semaphore(%run_scoped3A_165 : memref<!tpu.dma_semaphore, #tpu.memory_space<semaphore_mem>>) src(%arg9 : memref<32x128xf32, #tpu.memory_space<vmem>>) dst(%dma_wait3A_173 : memref<32x128xf32, #tpu.memory_space<vmem_shared>>)
      tpu.yield
    }) : () -> ()
    %mul3A_22 = arith.constant 640 : i32
    %mul3A_23 = arith.muli %arg1, %mul3A_22 : i32
    %add3A_24 = arith.constant 96 : i32
    %add3A_25 = arith.addi %mul3A_23, %add3A_24 : i32
    "tpu.region"() ({
      %run_scoped3A_165 = tpu.sem_alloc : memref<!tpu.dma_semaphore, #tpu.memory_space<semaphore_mem>>
      %dma_start3A_166 = arith.constant 0 : i32
      %dma_start3A_167 = tpu.memref_slice %arg10[%add3A_25, %dma_start3A_166] : memref<10240x128xf32, #tpu.memory_space<vmem_shared>> -> memref<32x128xf32, #tpu.memory_space<vmem_shared>>
      %dma_start3A_168 = arith.constant 0 : i32
      %dma_start3A_169 = tpu.memref_slice %arg10[%add3A_25, %dma_start3A_168] : memref<10240x128xf32, #tpu.memory_space<vmem_shared>> -> memref<32x128xf32, #tpu.memory_space<vmem_shared>>
      tpu.enqueue_dma source(%arg9 : memref<32x128xf32, #tpu.memory_space<vmem>>) target(%dma_start3A_169 : memref<32x128xf32, #tpu.memory_space<vmem_shared>>) target_semaphore(%run_scoped3A_165 : memref<!tpu.dma_semaphore, #tpu.memory_space<semaphore_mem>>)
      %dma_wait3A_170 = arith.constant 0 : i32
      %dma_wait3A_171 = tpu.memref_slice %arg10[%add3A_25, %dma_wait3A_170] : memref<10240x128xf32, #tpu.memory_space<vmem_shared>> -> memref<32x128xf32, #tpu.memory_space<vmem_shared>>
      %dma_wait3A_172 = arith.constant 0 : i32
      %dma_wait3A_173 = tpu.memref_slice %arg10[%add3A_25, %dma_wait3A_172] : memref<10240x128xf32, #tpu.memory_space<vmem_shared>> -> memref<32x128xf32, #tpu.memory_space<vmem_shared>>
      tpu.wait_dma2 semaphore(%run_scoped3A_165 : memref<!tpu.dma_semaphore, #tpu.memory_space<semaphore_mem>>) src(%arg9 : memref<32x128xf32, #tpu.memory_space<vmem>>) dst(%dma_wait3A_173 : memref<32x128xf32, #tpu.memory_space<vmem_shared>>)
      tpu.yield
    }) : () -> ()
    %mul3A_26 = arith.constant 640 : i32
    %mul3A_27 = arith.muli %arg1, %mul3A_26 : i32
    %add3A_28 = arith.constant 128 : i32
    %add3A_29 = arith.addi %mul3A_27, %add3A_28 : i32
    "tpu.region"() ({
      %run_scoped3A_165 = tpu.sem_alloc : memref<!tpu.dma_semaphore, #tpu.memory_space<semaphore_mem>>
      %dma_start3A_166 = arith.constant 0 : i32
      %dma_start3A_167 = tpu.memref_slice %arg10[%add3A_29, %dma_start3A_166] : memref<10240x128xf32, #tpu.memory_space<vmem_shared>> -> memref<32x128xf32, #tpu.memory_space<vmem_shared>>
      %dma_start3A_168 = arith.constant 0 : i32
      %dma_start3A_169 = tpu.memref_slice %arg10[%add3A_29, %dma_start3A_168] : memref<10240x128xf32, #tpu.memory_space<vmem_shared>> -> memref<32x128xf32, #tpu.memory_space<vmem_shared>>
      tpu.enqueue_dma source(%arg9 : memref<32x128xf32, #tpu.memory_space<vmem>>) target(%dma_start3A_169 : memref<32x128xf32, #tpu.memory_space<vmem_shared>>) target_semaphore(%run_scoped3A_165 : memref<!tpu.dma_semaphore, #tpu.memory_space<semaphore_mem>>)
      %dma_wait3A_170 = arith.constant 0 : i32
      %dma_wait3A_171 = tpu.memref_slice %arg10[%add3A_29, %dma_wait3A_170] : memref<10240x128xf32, #tpu.memory_space<vmem_shared>> -> memref<32x128xf32, #tpu.memory_space<vmem_shared>>
      %dma_wait3A_172 = arith.constant 0 : i32
      %dma_wait3A_173 = tpu.memref_slice %arg10[%add3A_29, %dma_wait3A_172] : memref<10240x128xf32, #tpu.memory_space<vmem_shared>> -> memref<32x128xf32, #tpu.memory_space<vmem_shared>>
      tpu.wait_dma2 semaphore(%run_scoped3A_165 : memref<!tpu.dma_semaphore, #tpu.memory_space<semaphore_mem>>) src(%arg9 : memref<32x128xf32, #tpu.memory_space<vmem>>) dst(%dma_wait3A_173 : memref<32x128xf32, #tpu.memory_space<vmem_shared>>)
      tpu.yield
    }) : () -> ()
    %mul3A_30 = arith.constant 640 : i32
    %mul3A_31 = arith.muli %arg1, %mul3A_30 : i32
    %add3A_32 = arith.constant 160 : i32
    %add3A_33 = arith.addi %mul3A_31, %add3A_32 : i32
    "tpu.region"() ({
      %run_scoped3A_165 = tpu.sem_alloc : memref<!tpu.dma_semaphore, #tpu.memory_space<semaphore_mem>>
      %dma_start3A_166 = arith.constant 0 : i32
      %dma_start3A_167 = tpu.memref_slice %arg10[%add3A_33, %dma_start3A_166] : memref<10240x128xf32, #tpu.memory_space<vmem_shared>> -> memref<32x128xf32, #tpu.memory_space<vmem_shared>>
      %dma_start3A_168 = arith.constant 0 : i32
      %dma_start3A_169 = tpu.memref_slice %arg10[%add3A_33, %dma_start3A_168] : memref<10240x128xf32, #tpu.memory_space<vmem_shared>> -> memref<32x128xf32, #tpu.memory_space<vmem_shared>>
      tpu.enqueue_dma source(%arg9 : memref<32x128xf32, #tpu.memory_space<vmem>>) target(%dma_start3A_169 : memref<32x128xf32, #tpu.memory_space<vmem_shared>>) target_semaphore(%run_scoped3A_165 : memref<!tpu.dma_semaphore, #tpu.memory_space<semaphore_mem>>)
      %dma_wait3A_170 = arith.constant 0 : i32
      %dma_wait3A_171 = tpu.memref_slice %arg10[%add3A_33, %dma_wait3A_170] : memref<10240x128xf32, #tpu.memory_space<vmem_shared>> -> memref<32x128xf32, #tpu.memory_space<vmem_shared>>
      %dma_wait3A_172 = arith.constant 0 : i32
      %dma_wait3A_173 = tpu.memref_slice %arg10[%add3A_33, %dma_wait3A_172] : memref<10240x128xf32, #tpu.memory_space<vmem_shared>> -> memref<32x128xf32, #tpu.memory_space<vmem_shared>>
      tpu.wait_dma2 semaphore(%run_scoped3A_165 : memref<!tpu.dma_semaphore, #tpu.memory_space<semaphore_mem>>) src(%arg9 : memref<32x128xf32, #tpu.memory_space<vmem>>) dst(%dma_wait3A_173 : memref<32x128xf32, #tpu.memory_space<vmem_shared>>)
      tpu.yield
    }) : () -> ()
    %mul3A_34 = arith.constant 640 : i32
    %mul3A_35 = arith.muli %arg1, %mul3A_34 : i32
    %add3A_36 = arith.constant 192 : i32
    %add3A_37 = arith.addi %mul3A_35, %add3A_36 : i32
    "tpu.region"() ({
      %run_scoped3A_165 = tpu.sem_alloc : memref<!tpu.dma_semaphore, #tpu.memory_space<semaphore_mem>>
      %dma_start3A_166 = arith.constant 0 : i32
      %dma_start3A_167 = tpu.memref_slice %arg10[%add3A_37, %dma_start3A_166] : memref<10240x128xf32, #tpu.memory_space<vmem_shared>> -> memref<32x128xf32, #tpu.memory_space<vmem_shared>>
      %dma_start3A_168 = arith.constant 0 : i32
      %dma_start3A_169 = tpu.memref_slice %arg10[%add3A_37, %dma_start3A_168] : memref<10240x128xf32, #tpu.memory_space<vmem_shared>> -> memref<32x128xf32, #tpu.memory_space<vmem_shared>>
      tpu.enqueue_dma source(%arg9 : memref<32x128xf32, #tpu.memory_space<vmem>>) target(%dma_start3A_169 : memref<32x128xf32, #tpu.memory_space<vmem_shared>>) target_semaphore(%run_scoped3A_165 : memref<!tpu.dma_semaphore, #tpu.memory_space<semaphore_mem>>)
      %dma_wait3A_170 = arith.constant 0 : i32
      %dma_wait3A_171 = tpu.memref_slice %arg10[%add3A_37, %dma_wait3A_170] : memref<10240x128xf32, #tpu.memory_space<vmem_shared>> -> memref<32x128xf32, #tpu.memory_space<vmem_shared>>
      %dma_wait3A_172 = arith.constant 0 : i32
      %dma_wait3A_173 = tpu.memref_slice %arg10[%add3A_37, %dma_wait3A_172] : memref<10240x128xf32, #tpu.memory_space<vmem_shared>> -> memref<32x128xf32, #tpu.memory_space<vmem_shared>>
      tpu.wait_dma2 semaphore(%run_scoped3A_165 : memref<!tpu.dma_semaphore, #tpu.memory_space<semaphore_mem>>) src(%arg9 : memref<32x128xf32, #tpu.memory_space<vmem>>) dst(%dma_wait3A_173 : memref<32x128xf32, #tpu.memory_space<vmem_shared>>)
      tpu.yield
    }) : () -> ()
    %mul3A_38 = arith.constant 640 : i32
    %mul3A_39 = arith.muli %arg1, %mul3A_38 : i32
    %add3A_40 = arith.constant 224 : i32
    %add3A_41 = arith.addi %mul3A_39, %add3A_40 : i32
    "tpu.region"() ({
      %run_scoped3A_165 = tpu.sem_alloc : memref<!tpu.dma_semaphore, #tpu.memory_space<semaphore_mem>>
      %dma_start3A_166 = arith.constant 0 : i32
      %dma_start3A_167 = tpu.memref_slice %arg10[%add3A_41, %dma_start3A_166] : memref<10240x128xf32, #tpu.memory_space<vmem_shared>> -> memref<32x128xf32, #tpu.memory_space<vmem_shared>>
      %dma_start3A_168 = arith.constant 0 : i32
      %dma_start3A_169 = tpu.memref_slice %arg10[%add3A_41, %dma_start3A_168] : memref<10240x128xf32, #tpu.memory_space<vmem_shared>> -> memref<32x128xf32, #tpu.memory_space<vmem_shared>>
      tpu.enqueue_dma source(%arg9 : memref<32x128xf32, #tpu.memory_space<vmem>>) target(%dma_start3A_169 : memref<32x128xf32, #tpu.memory_space<vmem_shared>>) target_semaphore(%run_scoped3A_165 : memref<!tpu.dma_semaphore, #tpu.memory_space<semaphore_mem>>)
      %dma_wait3A_170 = arith.constant 0 : i32
      %dma_wait3A_171 = tpu.memref_slice %arg10[%add3A_41, %dma_wait3A_170] : memref<10240x128xf32, #tpu.memory_space<vmem_shared>> -> memref<32x128xf32, #tpu.memory_space<vmem_shared>>
      %dma_wait3A_172 = arith.constant 0 : i32
      %dma_wait3A_173 = tpu.memref_slice %arg10[%add3A_41, %dma_wait3A_172] : memref<10240x128xf32, #tpu.memory_space<vmem_shared>> -> memref<32x128xf32, #tpu.memory_space<vmem_shared>>
      tpu.wait_dma2 semaphore(%run_scoped3A_165 : memref<!tpu.dma_semaphore, #tpu.memory_space<semaphore_mem>>) src(%arg9 : memref<32x128xf32, #tpu.memory_space<vmem>>) dst(%dma_wait3A_173 : memref<32x128xf32, #tpu.memory_space<vmem_shared>>)
      tpu.yield
    }) : () -> ()
    %mul3A_42 = arith.constant 640 : i32
    %mul3A_43 = arith.muli %arg1, %mul3A_42 : i32
    %add3A_44 = arith.constant 256 : i32
    %add3A_45 = arith.addi %mul3A_43, %add3A_44 : i32
    "tpu.region"() ({
      %run_scoped3A_165 = tpu.sem_alloc : memref<!tpu.dma_semaphore, #tpu.memory_space<semaphore_mem>>
      %dma_start3A_166 = arith.constant 0 : i32
      %dma_start3A_167 = tpu.memref_slice %arg10[%add3A_45, %dma_start3A_166] : memref<10240x128xf32, #tpu.memory_space<vmem_shared>> -> memref<32x128xf32, #tpu.memory_space<vmem_shared>>
      %dma_start3A_168 = arith.constant 0 : i32
      %dma_start3A_169 = tpu.memref_slice %arg10[%add3A_45, %dma_start3A_168] : memref<10240x128xf32, #tpu.memory_space<vmem_shared>> -> memref<32x128xf32, #tpu.memory_space<vmem_shared>>
      tpu.enqueue_dma source(%arg9 : memref<32x128xf32, #tpu.memory_space<vmem>>) target(%dma_start3A_169 : memref<32x128xf32, #tpu.memory_space<vmem_shared>>) target_semaphore(%run_scoped3A_165 : memref<!tpu.dma_semaphore, #tpu.memory_space<semaphore_mem>>)
      %dma_wait3A_170 = arith.constant 0 : i32
      %dma_wait3A_171 = tpu.memref_slice %arg10[%add3A_45, %dma_wait3A_170] : memref<10240x128xf32, #tpu.memory_space<vmem_shared>> -> memref<32x128xf32, #tpu.memory_space<vmem_shared>>
      %dma_wait3A_172 = arith.constant 0 : i32
      %dma_wait3A_173 = tpu.memref_slice %arg10[%add3A_45, %dma_wait3A_172] : memref<10240x128xf32, #tpu.memory_space<vmem_shared>> -> memref<32x128xf32, #tpu.memory_space<vmem_shared>>
      tpu.wait_dma2 semaphore(%run_scoped3A_165 : memref<!tpu.dma_semaphore, #tpu.memory_space<semaphore_mem>>) src(%arg9 : memref<32x128xf32, #tpu.memory_space<vmem>>) dst(%dma_wait3A_173 : memref<32x128xf32, #tpu.memory_space<vmem_shared>>)
      tpu.yield
    }) : () -> ()
    %mul3A_46 = arith.constant 640 : i32
    %mul3A_47 = arith.muli %arg1, %mul3A_46 : i32
    %add3A_48 = arith.constant 288 : i32
    %add3A_49 = arith.addi %mul3A_47, %add3A_48 : i32
    "tpu.region"() ({
      %run_scoped3A_165 = tpu.sem_alloc : memref<!tpu.dma_semaphore, #tpu.memory_space<semaphore_mem>>
      %dma_start3A_166 = arith.constant 0 : i32
      %dma_start3A_167 = tpu.memref_slice %arg10[%add3A_49, %dma_start3A_166] : memref<10240x128xf32, #tpu.memory_space<vmem_shared>> -> memref<32x128xf32, #tpu.memory_space<vmem_shared>>
      %dma_start3A_168 = arith.constant 0 : i32
      %dma_start3A_169 = tpu.memref_slice %arg10[%add3A_49, %dma_start3A_168] : memref<10240x128xf32, #tpu.memory_space<vmem_shared>> -> memref<32x128xf32, #tpu.memory_space<vmem_shared>>
      tpu.enqueue_dma source(%arg9 : memref<32x128xf32, #tpu.memory_space<vmem>>) target(%dma_start3A_169 : memref<32x128xf32, #tpu.memory_space<vmem_shared>>) target_semaphore(%run_scoped3A_165 : memref<!tpu.dma_semaphore, #tpu.memory_space<semaphore_mem>>)
      %dma_wait3A_170 = arith.constant 0 : i32
      %dma_wait3A_171 = tpu.memref_slice %arg10[%add3A_49, %dma_wait3A_170] : memref<10240x128xf32, #tpu.memory_space<vmem_shared>> -> memref<32x128xf32, #tpu.memory_space<vmem_shared>>
      %dma_wait3A_172 = arith.constant 0 : i32
      %dma_wait3A_173 = tpu.memref_slice %arg10[%add3A_49, %dma_wait3A_172] : memref<10240x128xf32, #tpu.memory_space<vmem_shared>> -> memref<32x128xf32, #tpu.memory_space<vmem_shared>>
      tpu.wait_dma2 semaphore(%run_scoped3A_165 : memref<!tpu.dma_semaphore, #tpu.memory_space<semaphore_mem>>) src(%arg9 : memref<32x128xf32, #tpu.memory_space<vmem>>) dst(%dma_wait3A_173 : memref<32x128xf32, #tpu.memory_space<vmem_shared>>)
      tpu.yield
    }) : () -> ()
    %mul3A_50 = arith.constant 640 : i32
    %mul3A_51 = arith.muli %arg1, %mul3A_50 : i32
    %add3A_52 = arith.constant 320 : i32
    %add3A_53 = arith.addi %mul3A_51, %add3A_52 : i32
    "tpu.region"() ({
      %run_scoped3A_165 = tpu.sem_alloc : memref<!tpu.dma_semaphore, #tpu.memory_space<semaphore_mem>>
      %dma_start3A_166 = arith.constant 0 : i32
      %dma_start3A_167 = tpu.memref_slice %arg10[%add3A_53, %dma_start3A_166] : memref<10240x128xf32, #tpu.memory_space<vmem_shared>> -> memref<32x128xf32, #tpu.memory_space<vmem_shared>>
      %dma_start3A_168 = arith.constant 0 : i32
      %dma_start3A_169 = tpu.memref_slice %arg10[%add3A_53, %dma_start3A_168] : memref<10240x128xf32, #tpu.memory_space<vmem_shared>> -> memref<32x128xf32, #tpu.memory_space<vmem_shared>>
      tpu.enqueue_dma source(%arg9 : memref<32x128xf32, #tpu.memory_space<vmem>>) target(%dma_start3A_169 : memref<32x128xf32, #tpu.memory_space<vmem_shared>>) target_semaphore(%run_scoped3A_165 : memref<!tpu.dma_semaphore, #tpu.memory_space<semaphore_mem>>)
      %dma_wait3A_170 = arith.constant 0 : i32
      %dma_wait3A_171 = tpu.memref_slice %arg10[%add3A_53, %dma_wait3A_170] : memref<10240x128xf32, #tpu.memory_space<vmem_shared>> -> memref<32x128xf32, #tpu.memory_space<vmem_shared>>
      %dma_wait3A_172 = arith.constant 0 : i32
      %dma_wait3A_173 = tpu.memref_slice %arg10[%add3A_53, %dma_wait3A_172] : memref<10240x128xf32, #tpu.memory_space<vmem_shared>> -> memref<32x128xf32, #tpu.memory_space<vmem_shared>>
      tpu.wait_dma2 semaphore(%run_scoped3A_165 : memref<!tpu.dma_semaphore, #tpu.memory_space<semaphore_mem>>) src(%arg9 : memref<32x128xf32, #tpu.memory_space<vmem>>) dst(%dma_wait3A_173 : memref<32x128xf32, #tpu.memory_space<vmem_shared>>)
      tpu.yield
    }) : () -> ()
    %mul3A_54 = arith.constant 640 : i32
    %mul3A_55 = arith.muli %arg1, %mul3A_54 : i32
    %add3A_56 = arith.constant 352 : i32
    %add3A_57 = arith.addi %mul3A_55, %add3A_56 : i32
    "tpu.region"() ({
      %run_scoped3A_165 = tpu.sem_alloc : memref<!tpu.dma_semaphore, #tpu.memory_space<semaphore_mem>>
      %dma_start3A_166 = arith.constant 0 : i32
      %dma_start3A_167 = tpu.memref_slice %arg10[%add3A_57, %dma_start3A_166] : memref<10240x128xf32, #tpu.memory_space<vmem_shared>> -> memref<32x128xf32, #tpu.memory_space<vmem_shared>>
      %dma_start3A_168 = arith.constant 0 : i32
      %dma_start3A_169 = tpu.memref_slice %arg10[%add3A_57, %dma_start3A_168] : memref<10240x128xf32, #tpu.memory_space<vmem_shared>> -> memref<32x128xf32, #tpu.memory_space<vmem_shared>>
      tpu.enqueue_dma source(%arg9 : memref<32x128xf32, #tpu.memory_space<vmem>>) target(%dma_start3A_169 : memref<32x128xf32, #tpu.memory_space<vmem_shared>>) target_semaphore(%run_scoped3A_165 : memref<!tpu.dma_semaphore, #tpu.memory_space<semaphore_mem>>)
      %dma_wait3A_170 = arith.constant 0 : i32
      %dma_wait3A_171 = tpu.memref_slice %arg10[%add3A_57, %dma_wait3A_170] : memref<10240x128xf32, #tpu.memory_space<vmem_shared>> -> memref<32x128xf32, #tpu.memory_space<vmem_shared>>
      %dma_wait3A_172 = arith.constant 0 : i32
      %dma_wait3A_173 = tpu.memref_slice %arg10[%add3A_57, %dma_wait3A_172] : memref<10240x128xf32, #tpu.memory_space<vmem_shared>> -> memref<32x128xf32, #tpu.memory_space<vmem_shared>>
      tpu.wait_dma2 semaphore(%run_scoped3A_165 : memref<!tpu.dma_semaphore, #tpu.memory_space<semaphore_mem>>) src(%arg9 : memref<32x128xf32, #tpu.memory_space<vmem>>) dst(%dma_wait3A_173 : memref<32x128xf32, #tpu.memory_space<vmem_shared>>)
      tpu.yield
    }) : () -> ()
    %mul3A_58 = arith.constant 640 : i32
    %mul3A_59 = arith.muli %arg1, %mul3A_58 : i32
    %add3A_60 = arith.constant 384 : i32
    %add3A_61 = arith.addi %mul3A_59, %add3A_60 : i32
    "tpu.region"() ({
      %run_scoped3A_165 = tpu.sem_alloc : memref<!tpu.dma_semaphore, #tpu.memory_space<semaphore_mem>>
      %dma_start3A_166 = arith.constant 0 : i32
      %dma_start3A_167 = tpu.memref_slice %arg10[%add3A_61, %dma_start3A_166] : memref<10240x128xf32, #tpu.memory_space<vmem_shared>> -> memref<32x128xf32, #tpu.memory_space<vmem_shared>>
      %dma_start3A_168 = arith.constant 0 : i32
      %dma_start3A_169 = tpu.memref_slice %arg10[%add3A_61, %dma_start3A_168] : memref<10240x128xf32, #tpu.memory_space<vmem_shared>> -> memref<32x128xf32, #tpu.memory_space<vmem_shared>>
      tpu.enqueue_dma source(%arg9 : memref<32x128xf32, #tpu.memory_space<vmem>>) target(%dma_start3A_169 : memref<32x128xf32, #tpu.memory_space<vmem_shared>>) target_semaphore(%run_scoped3A_165 : memref<!tpu.dma_semaphore, #tpu.memory_space<semaphore_mem>>)
      %dma_wait3A_170 = arith.constant 0 : i32
      %dma_wait3A_171 = tpu.memref_slice %arg10[%add3A_61, %dma_wait3A_170] : memref<10240x128xf32, #tpu.memory_space<vmem_shared>> -> memref<32x128xf32, #tpu.memory_space<vmem_shared>>
      %dma_wait3A_172 = arith.constant 0 : i32
      %dma_wait3A_173 = tpu.memref_slice %arg10[%add3A_61, %dma_wait3A_172] : memref<10240x128xf32, #tpu.memory_space<vmem_shared>> -> memref<32x128xf32, #tpu.memory_space<vmem_shared>>
      tpu.wait_dma2 semaphore(%run_scoped3A_165 : memref<!tpu.dma_semaphore, #tpu.memory_space<semaphore_mem>>) src(%arg9 : memref<32x128xf32, #tpu.memory_space<vmem>>) dst(%dma_wait3A_173 : memref<32x128xf32, #tpu.memory_space<vmem_shared>>)
      tpu.yield
    }) : () -> ()
    %mul3A_62 = arith.constant 640 : i32
    %mul3A_63 = arith.muli %arg1, %mul3A_62 : i32
    %add3A_64 = arith.constant 416 : i32
    %add3A_65 = arith.addi %mul3A_63, %add3A_64 : i32
    "tpu.region"() ({
      %run_scoped3A_165 = tpu.sem_alloc : memref<!tpu.dma_semaphore, #tpu.memory_space<semaphore_mem>>
      %dma_start3A_166 = arith.constant 0 : i32
      %dma_start3A_167 = tpu.memref_slice %arg10[%add3A_65, %dma_start3A_166] : memref<10240x128xf32, #tpu.memory_space<vmem_shared>> -> memref<32x128xf32, #tpu.memory_space<vmem_shared>>
      %dma_start3A_168 = arith.constant 0 : i32
      %dma_start3A_169 = tpu.memref_slice %arg10[%add3A_65, %dma_start3A_168] : memref<10240x128xf32, #tpu.memory_space<vmem_shared>> -> memref<32x128xf32, #tpu.memory_space<vmem_shared>>
      tpu.enqueue_dma source(%arg9 : memref<32x128xf32, #tpu.memory_space<vmem>>) target(%dma_start3A_169 : memref<32x128xf32, #tpu.memory_space<vmem_shared>>) target_semaphore(%run_scoped3A_165 : memref<!tpu.dma_semaphore, #tpu.memory_space<semaphore_mem>>)
      %dma_wait3A_170 = arith.constant 0 : i32
      %dma_wait3A_171 = tpu.memref_slice %arg10[%add3A_65, %dma_wait3A_170] : memref<10240x128xf32, #tpu.memory_space<vmem_shared>> -> memref<32x128xf32, #tpu.memory_space<vmem_shared>>
      %dma_wait3A_172 = arith.constant 0 : i32
      %dma_wait3A_173 = tpu.memref_slice %arg10[%add3A_65, %dma_wait3A_172] : memref<10240x128xf32, #tpu.memory_space<vmem_shared>> -> memref<32x128xf32, #tpu.memory_space<vmem_shared>>
      tpu.wait_dma2 semaphore(%run_scoped3A_165 : memref<!tpu.dma_semaphore, #tpu.memory_space<semaphore_mem>>) src(%arg9 : memref<32x128xf32, #tpu.memory_space<vmem>>) dst(%dma_wait3A_173 : memref<32x128xf32, #tpu.memory_space<vmem_shared>>)
      tpu.yield
    }) : () -> ()
    %mul3A_66 = arith.constant 640 : i32
    %mul3A_67 = arith.muli %arg1, %mul3A_66 : i32
    %add3A_68 = arith.constant 448 : i32
    %add3A_69 = arith.addi %mul3A_67, %add3A_68 : i32
    "tpu.region"() ({
      %run_scoped3A_165 = tpu.sem_alloc : memref<!tpu.dma_semaphore, #tpu.memory_space<semaphore_mem>>
      %dma_start3A_166 = arith.constant 0 : i32
      %dma_start3A_167 = tpu.memref_slice %arg10[%add3A_69, %dma_start3A_166] : memref<10240x128xf32, #tpu.memory_space<vmem_shared>> -> memref<32x128xf32, #tpu.memory_space<vmem_shared>>
      %dma_start3A_168 = arith.constant 0 : i32
      %dma_start3A_169 = tpu.memref_slice %arg10[%add3A_69, %dma_start3A_168] : memref<10240x128xf32, #tpu.memory_space<vmem_shared>> -> memref<32x128xf32, #tpu.memory_space<vmem_shared>>
      tpu.enqueue_dma source(%arg9 : memref<32x128xf32, #tpu.memory_space<vmem>>) target(%dma_start3A_169 : memref<32x128xf32, #tpu.memory_space<vmem_shared>>) target_semaphore(%run_scoped3A_165 : memref<!tpu.dma_semaphore, #tpu.memory_space<semaphore_mem>>)
      %dma_wait3A_170 = arith.constant 0 : i32
      %dma_wait3A_171 = tpu.memref_slice %arg10[%add3A_69, %dma_wait3A_170] : memref<10240x128xf32, #tpu.memory_space<vmem_shared>> -> memref<32x128xf32, #tpu.memory_space<vmem_shared>>
      %dma_wait3A_172 = arith.constant 0 : i32
      %dma_wait3A_173 = tpu.memref_slice %arg10[%add3A_69, %dma_wait3A_172] : memref<10240x128xf32, #tpu.memory_space<vmem_shared>> -> memref<32x128xf32, #tpu.memory_space<vmem_shared>>
      tpu.wait_dma2 semaphore(%run_scoped3A_165 : memref<!tpu.dma_semaphore, #tpu.memory_space<semaphore_mem>>) src(%arg9 : memref<32x128xf32, #tpu.memory_space<vmem>>) dst(%dma_wait3A_173 : memref<32x128xf32, #tpu.memory_space<vmem_shared>>)
      tpu.yield
    }) : () -> ()
    %mul3A_70 = arith.constant 640 : i32
    %mul3A_71 = arith.muli %arg1, %mul3A_70 : i32
    %add3A_72 = arith.constant 480 : i32
    %add3A_73 = arith.addi %mul3A_71, %add3A_72 : i32
    "tpu.region"() ({
      %run_scoped3A_165 = tpu.sem_alloc : memref<!tpu.dma_semaphore, #tpu.memory_space<semaphore_mem>>
      %dma_start3A_166 = arith.constant 0 : i32
      %dma_start3A_167 = tpu.memref_slice %arg10[%add3A_73, %dma_start3A_166] : memref<10240x128xf32, #tpu.memory_space<vmem_shared>> -> memref<32x128xf32, #tpu.memory_space<vmem_shared>>
      %dma_start3A_168 = arith.constant 0 : i32
      %dma_start3A_169 = tpu.memref_slice %arg10[%add3A_73, %dma_start3A_168] : memref<10240x128xf32, #tpu.memory_space<vmem_shared>> -> memref<32x128xf32, #tpu.memory_space<vmem_shared>>
      tpu.enqueue_dma source(%arg9 : memref<32x128xf32, #tpu.memory_space<vmem>>) target(%dma_start3A_169 : memref<32x128xf32, #tpu.memory_space<vmem_shared>>) target_semaphore(%run_scoped3A_165 : memref<!tpu.dma_semaphore, #tpu.memory_space<semaphore_mem>>)
      %dma_wait3A_170 = arith.constant 0 : i32
      %dma_wait3A_171 = tpu.memref_slice %arg10[%add3A_73, %dma_wait3A_170] : memref<10240x128xf32, #tpu.memory_space<vmem_shared>> -> memref<32x128xf32, #tpu.memory_space<vmem_shared>>
      %dma_wait3A_172 = arith.constant 0 : i32
      %dma_wait3A_173 = tpu.memref_slice %arg10[%add3A_73, %dma_wait3A_172] : memref<10240x128xf32, #tpu.memory_space<vmem_shared>> -> memref<32x128xf32, #tpu.memory_space<vmem_shared>>
      tpu.wait_dma2 semaphore(%run_scoped3A_165 : memref<!tpu.dma_semaphore, #tpu.memory_space<semaphore_mem>>) src(%arg9 : memref<32x128xf32, #tpu.memory_space<vmem>>) dst(%dma_wait3A_173 : memref<32x128xf32, #tpu.memory_space<vmem_shared>>)
      tpu.yield
    }) : () -> ()
    %mul3A_74 = arith.constant 640 : i32
    %mul3A_75 = arith.muli %arg1, %mul3A_74 : i32
    %add3A_76 = arith.constant 512 : i32
    %add3A_77 = arith.addi %mul3A_75, %add3A_76 : i32
    "tpu.region"() ({
      %run_scoped3A_165 = tpu.sem_alloc : memref<!tpu.dma_semaphore, #tpu.memory_space<semaphore_mem>>
      %dma_start3A_166 = arith.constant 0 : i32
      %dma_start3A_167 = tpu.memref_slice %arg10[%add3A_77, %dma_start3A_166] : memref<10240x128xf32, #tpu.memory_space<vmem_shared>> -> memref<32x128xf32, #tpu.memory_space<vmem_shared>>
      %dma_start3A_168 = arith.constant 0 : i32
      %dma_start3A_169 = tpu.memref_slice %arg10[%add3A_77, %dma_start3A_168] : memref<10240x128xf32, #tpu.memory_space<vmem_shared>> -> memref<32x128xf32, #tpu.memory_space<vmem_shared>>
      tpu.enqueue_dma source(%arg9 : memref<32x128xf32, #tpu.memory_space<vmem>>) target(%dma_start3A_169 : memref<32x128xf32, #tpu.memory_space<vmem_shared>>) target_semaphore(%run_scoped3A_165 : memref<!tpu.dma_semaphore, #tpu.memory_space<semaphore_mem>>)
      %dma_wait3A_170 = arith.constant 0 : i32
      %dma_wait3A_171 = tpu.memref_slice %arg10[%add3A_77, %dma_wait3A_170] : memref<10240x128xf32, #tpu.memory_space<vmem_shared>> -> memref<32x128xf32, #tpu.memory_space<vmem_shared>>
      %dma_wait3A_172 = arith.constant 0 : i32
      %dma_wait3A_173 = tpu.memref_slice %arg10[%add3A_77, %dma_wait3A_172] : memref<10240x128xf32, #tpu.memory_space<vmem_shared>> -> memref<32x128xf32, #tpu.memory_space<vmem_shared>>
      tpu.wait_dma2 semaphore(%run_scoped3A_165 : memref<!tpu.dma_semaphore, #tpu.memory_space<semaphore_mem>>) src(%arg9 : memref<32x128xf32, #tpu.memory_space<vmem>>) dst(%dma_wait3A_173 : memref<32x128xf32, #tpu.memory_space<vmem_shared>>)
      tpu.yield
    }) : () -> ()
    %mul3A_78 = arith.constant 640 : i32
    %mul3A_79 = arith.muli %arg1, %mul3A_78 : i32
    %add3A_80 = arith.constant 544 : i32
    %add3A_81 = arith.addi %mul3A_79, %add3A_80 : i32
    "tpu.region"() ({
      %run_scoped3A_165 = tpu.sem_alloc : memref<!tpu.dma_semaphore, #tpu.memory_space<semaphore_mem>>
      %dma_start3A_166 = arith.constant 0 : i32
      %dma_start3A_167 = tpu.memref_slice %arg10[%add3A_81, %dma_start3A_166] : memref<10240x128xf32, #tpu.memory_space<vmem_shared>> -> memref<32x128xf32, #tpu.memory_space<vmem_shared>>
      %dma_start3A_168 = arith.constant 0 : i32
      %dma_start3A_169 = tpu.memref_slice %arg10[%add3A_81, %dma_start3A_168] : memref<10240x128xf32, #tpu.memory_space<vmem_shared>> -> memref<32x128xf32, #tpu.memory_space<vmem_shared>>
      tpu.enqueue_dma source(%arg9 : memref<32x128xf32, #tpu.memory_space<vmem>>) target(%dma_start3A_169 : memref<32x128xf32, #tpu.memory_space<vmem_shared>>) target_semaphore(%run_scoped3A_165 : memref<!tpu.dma_semaphore, #tpu.memory_space<semaphore_mem>>)
      %dma_wait3A_170 = arith.constant 0 : i32
      %dma_wait3A_171 = tpu.memref_slice %arg10[%add3A_81, %dma_wait3A_170] : memref<10240x128xf32, #tpu.memory_space<vmem_shared>> -> memref<32x128xf32, #tpu.memory_space<vmem_shared>>
      %dma_wait3A_172 = arith.constant 0 : i32
      %dma_wait3A_173 = tpu.memref_slice %arg10[%add3A_81, %dma_wait3A_172] : memref<10240x128xf32, #tpu.memory_space<vmem_shared>> -> memref<32x128xf32, #tpu.memory_space<vmem_shared>>
      tpu.wait_dma2 semaphore(%run_scoped3A_165 : memref<!tpu.dma_semaphore, #tpu.memory_space<semaphore_mem>>) src(%arg9 : memref<32x128xf32, #tpu.memory_space<vmem>>) dst(%dma_wait3A_173 : memref<32x128xf32, #tpu.memory_space<vmem_shared>>)
      tpu.yield
    }) : () -> ()
    %mul3A_82 = arith.constant 640 : i32
    %mul3A_83 = arith.muli %arg1, %mul3A_82 : i32
    %add3A_84 = arith.constant 576 : i32
    %add3A_85 = arith.addi %mul3A_83, %add3A_84 : i32
    "tpu.region"() ({
      %run_scoped3A_165 = tpu.sem_alloc : memref<!tpu.dma_semaphore, #tpu.memory_space<semaphore_mem>>
      %dma_start3A_166 = arith.constant 0 : i32
      %dma_start3A_167 = tpu.memref_slice %arg10[%add3A_85, %dma_start3A_166] : memref<10240x128xf32, #tpu.memory_space<vmem_shared>> -> memref<32x128xf32, #tpu.memory_space<vmem_shared>>
      %dma_start3A_168 = arith.constant 0 : i32
      %dma_start3A_169 = tpu.memref_slice %arg10[%add3A_85, %dma_start3A_168] : memref<10240x128xf32, #tpu.memory_space<vmem_shared>> -> memref<32x128xf32, #tpu.memory_space<vmem_shared>>
      tpu.enqueue_dma source(%arg9 : memref<32x128xf32, #tpu.memory_space<vmem>>) target(%dma_start3A_169 : memref<32x128xf32, #tpu.memory_space<vmem_shared>>) target_semaphore(%run_scoped3A_165 : memref<!tpu.dma_semaphore, #tpu.memory_space<semaphore_mem>>)
      %dma_wait3A_170 = arith.constant 0 : i32
      %dma_wait3A_171 = tpu.memref_slice %arg10[%add3A_85, %dma_wait3A_170] : memref<10240x128xf32, #tpu.memory_space<vmem_shared>> -> memref<32x128xf32, #tpu.memory_space<vmem_shared>>
      %dma_wait3A_172 = arith.constant 0 : i32
      %dma_wait3A_173 = tpu.memref_slice %arg10[%add3A_85, %dma_wait3A_172] : memref<10240x128xf32, #tpu.memory_space<vmem_shared>> -> memref<32x128xf32, #tpu.memory_space<vmem_shared>>
      tpu.wait_dma2 semaphore(%run_scoped3A_165 : memref<!tpu.dma_semaphore, #tpu.memory_space<semaphore_mem>>) src(%arg9 : memref<32x128xf32, #tpu.memory_space<vmem>>) dst(%dma_wait3A_173 : memref<32x128xf32, #tpu.memory_space<vmem_shared>>)
      tpu.yield
    }) : () -> ()
    %mul3A_86 = arith.constant 640 : i32
    %mul3A_87 = arith.muli %arg1, %mul3A_86 : i32
    %add3A_88 = arith.constant 608 : i32
    %add3A_89 = arith.addi %mul3A_87, %add3A_88 : i32
    "tpu.region"() ({
      %run_scoped3A_165 = tpu.sem_alloc : memref<!tpu.dma_semaphore, #tpu.memory_space<semaphore_mem>>
      %dma_start3A_166 = arith.constant 0 : i32
      %dma_start3A_167 = tpu.memref_slice %arg10[%add3A_89, %dma_start3A_166] : memref<10240x128xf32, #tpu.memory_space<vmem_shared>> -> memref<32x128xf32, #tpu.memory_space<vmem_shared>>
      %dma_start3A_168 = arith.constant 0 : i32
      %dma_start3A_169 = tpu.memref_slice %arg10[%add3A_89, %dma_start3A_168] : memref<10240x128xf32, #tpu.memory_space<vmem_shared>> -> memref<32x128xf32, #tpu.memory_space<vmem_shared>>
      tpu.enqueue_dma source(%arg9 : memref<32x128xf32, #tpu.memory_space<vmem>>) target(%dma_start3A_169 : memref<32x128xf32, #tpu.memory_space<vmem_shared>>) target_semaphore(%run_scoped3A_165 : memref<!tpu.dma_semaphore, #tpu.memory_space<semaphore_mem>>)
      %dma_wait3A_170 = arith.constant 0 : i32
      %dma_wait3A_171 = tpu.memref_slice %arg10[%add3A_89, %dma_wait3A_170] : memref<10240x128xf32, #tpu.memory_space<vmem_shared>> -> memref<32x128xf32, #tpu.memory_space<vmem_shared>>
      %dma_wait3A_172 = arith.constant 0 : i32
      %dma_wait3A_173 = tpu.memref_slice %arg10[%add3A_89, %dma_wait3A_172] : memref<10240x128xf32, #tpu.memory_space<vmem_shared>> -> memref<32x128xf32, #tpu.memory_space<vmem_shared>>
      tpu.wait_dma2 semaphore(%run_scoped3A_165 : memref<!tpu.dma_semaphore, #tpu.memory_space<semaphore_mem>>) src(%arg9 : memref<32x128xf32, #tpu.memory_space<vmem>>) dst(%dma_wait3A_173 : memref<32x128xf32, #tpu.memory_space<vmem_shared>>)
      tpu.yield
    }) : () -> ()
    %add3A_90 = arith.constant 0 : i32
    %add3A_91 = arith.addi %mul3A_2, %add3A_90 : i32
    %run_scoped3A = arith.constant 0 : i32
    "tpu.region"() ({
      %run_scoped3A_165 = tpu.sem_alloc : memref<!tpu.dma_semaphore, #tpu.memory_space<semaphore_mem>>
      %dma_start3A_166 = arith.constant 0 : i32
      %dma_start3A_167 = tpu.memref_slice %arg7[%run_scoped3A, %dma_start3A_166] : memref<6x80xi32, #tpu.memory_space<vmem>> -> memref<1x80xi32, #tpu.memory_space<vmem>>
      %dma_start3A_168 = tpu.memref_squeeze %dma_start3A_167 : memref<1x80xi32, #tpu.memory_space<vmem>> -> memref<80xi32, #tpu.memory_space<vmem>>
      %dma_start3A_169 = tpu.memref_slice %arg3[%add3A_91] : memref<320000xi32, #tpu.memory_space<hbm>> -> memref<80xi32, #tpu.memory_space<hbm>>
      %dma_start3A_170 = arith.constant 0 : i32
      %dma_start3A_171 = tpu.memref_slice %arg7[%run_scoped3A, %dma_start3A_170] : memref<6x80xi32, #tpu.memory_space<vmem>> -> memref<1x80xi32, #tpu.memory_space<vmem>>
      %dma_start3A_172 = tpu.memref_squeeze %dma_start3A_171 : memref<1x80xi32, #tpu.memory_space<vmem>> -> memref<80xi32, #tpu.memory_space<vmem>>
      %dma_start3A_173 = tpu.memref_slice %arg3[%add3A_91] : memref<320000xi32, #tpu.memory_space<hbm>> -> memref<80xi32, #tpu.memory_space<hbm>>
      tpu.enqueue_dma source(%dma_start3A_173 : memref<80xi32, #tpu.memory_space<hbm>>) target(%dma_start3A_172 : memref<80xi32, #tpu.memory_space<vmem>>) target_semaphore(%run_scoped3A_165 : memref<!tpu.dma_semaphore, #tpu.memory_space<semaphore_mem>>)
      %dma_wait3A_174 = arith.constant 0 : i32
      %dma_wait3A_175 = tpu.memref_slice %arg7[%run_scoped3A, %dma_wait3A_174] : memref<6x80xi32, #tpu.memory_space<vmem>> -> memref<1x80xi32, #tpu.memory_space<vmem>>
      %dma_wait3A_176 = tpu.memref_squeeze %dma_wait3A_175 : memref<1x80xi32, #tpu.memory_space<vmem>> -> memref<80xi32, #tpu.memory_space<vmem>>
      %dma_wait3A_177 = tpu.memref_slice %arg3[%add3A_91] : memref<320000xi32, #tpu.memory_space<hbm>> -> memref<80xi32, #tpu.memory_space<hbm>>
      %dma_wait3A_178 = arith.constant 0 : i32
      %dma_wait3A_179 = tpu.memref_slice %arg7[%run_scoped3A, %dma_wait3A_178] : memref<6x80xi32, #tpu.memory_space<vmem>> -> memref<1x80xi32, #tpu.memory_space<vmem>>
      %dma_wait3A_180 = tpu.memref_squeeze %dma_wait3A_179 : memref<1x80xi32, #tpu.memory_space<vmem>> -> memref<80xi32, #tpu.memory_space<vmem>>
      %dma_wait3A_181 = tpu.memref_slice %arg3[%add3A_91] : memref<320000xi32, #tpu.memory_space<hbm>> -> memref<80xi32, #tpu.memory_space<hbm>>
      tpu.wait_dma2 semaphore(%run_scoped3A_165 : memref<!tpu.dma_semaphore, #tpu.memory_space<semaphore_mem>>) src(%dma_wait3A_181 : memref<80xi32, #tpu.memory_space<hbm>>) dst(%dma_wait3A_180 : memref<80xi32, #tpu.memory_space<vmem>>)
      tpu.yield
    }) : () -> ()
    %add3A_92 = arith.constant 0 : i32
    %add3A_93 = arith.addi %mul3A_2, %add3A_92 : i32
    %run_scoped3A_94 = arith.constant 0 : i32
    "tpu.region"() ({
      %run_scoped3A_165 = tpu.sem_alloc : memref<!tpu.dma_semaphore, #tpu.memory_space<semaphore_mem>>
      %dma_start3A_166 = arith.constant 0 : i32
      %dma_start3A_167 = tpu.memref_slice %arg6[%run_scoped3A_94, %dma_start3A_166] : memref<6x80xi32, #tpu.memory_space<vmem>> -> memref<1x80xi32, #tpu.memory_space<vmem>>
      %dma_start3A_168 = tpu.memref_squeeze %dma_start3A_167 : memref<1x80xi32, #tpu.memory_space<vmem>> -> memref<80xi32, #tpu.memory_space<vmem>>
      %dma_start3A_169 = tpu.memref_slice %arg2[%add3A_93] : memref<320000xi32, #tpu.memory_space<hbm>> -> memref<80xi32, #tpu.memory_space<hbm>>
      %dma_start3A_170 = arith.constant 0 : i32
      %dma_start3A_171 = tpu.memref_slice %arg6[%run_scoped3A_94, %dma_start3A_170] : memref<6x80xi32, #tpu.memory_space<vmem>> -> memref<1x80xi32, #tpu.memory_space<vmem>>
      %dma_start3A_172 = tpu.memref_squeeze %dma_start3A_171 : memref<1x80xi32, #tpu.memory_space<vmem>> -> memref<80xi32, #tpu.memory_space<vmem>>
      %dma_start3A_173 = tpu.memref_slice %arg2[%add3A_93] : memref<320000xi32, #tpu.memory_space<hbm>> -> memref<80xi32, #tpu.memory_space<hbm>>
      tpu.enqueue_dma source(%dma_start3A_173 : memref<80xi32, #tpu.memory_space<hbm>>) target(%dma_start3A_172 : memref<80xi32, #tpu.memory_space<vmem>>) target_semaphore(%run_scoped3A_165 : memref<!tpu.dma_semaphore, #tpu.memory_space<semaphore_mem>>)
      %dma_wait3A_174 = arith.constant 0 : i32
      %dma_wait3A_175 = tpu.memref_slice %arg6[%run_scoped3A_94, %dma_wait3A_174] : memref<6x80xi32, #tpu.memory_space<vmem>> -> memref<1x80xi32, #tpu.memory_space<vmem>>
      %dma_wait3A_176 = tpu.memref_squeeze %dma_wait3A_175 : memref<1x80xi32, #tpu.memory_space<vmem>> -> memref<80xi32, #tpu.memory_space<vmem>>
      %dma_wait3A_177 = tpu.memref_slice %arg2[%add3A_93] : memref<320000xi32, #tpu.memory_space<hbm>> -> memref<80xi32, #tpu.memory_space<hbm>>
      %dma_wait3A_178 = arith.constant 0 : i32
      %dma_wait3A_179 = tpu.memref_slice %arg6[%run_scoped3A_94, %dma_wait3A_178] : memref<6x80xi32, #tpu.memory_space<vmem>> -> memref<1x80xi32, #tpu.memory_space<vmem>>
      %dma_wait3A_180 = tpu.memref_squeeze %dma_wait3A_179 : memref<1x80xi32, #tpu.memory_space<vmem>> -> memref<80xi32, #tpu.memory_space<vmem>>
      %dma_wait3A_181 = tpu.memref_slice %arg2[%add3A_93] : memref<320000xi32, #tpu.memory_space<hbm>> -> memref<80xi32, #tpu.memory_space<hbm>>
      tpu.wait_dma2 semaphore(%run_scoped3A_165 : memref<!tpu.dma_semaphore, #tpu.memory_space<semaphore_mem>>) src(%dma_wait3A_181 : memref<80xi32, #tpu.memory_space<hbm>>) dst(%dma_wait3A_180 : memref<80xi32, #tpu.memory_space<vmem>>)
      tpu.yield
    }) : () -> ()
    %add3A_95 = arith.constant 80 : i32
    %add3A_96 = arith.addi %mul3A_2, %add3A_95 : i32
    %run_scoped3A_97 = arith.constant 1 : i32
    "tpu.region"() ({
      %run_scoped3A_165 = tpu.sem_alloc : memref<!tpu.dma_semaphore, #tpu.memory_space<semaphore_mem>>
      %dma_start3A_166 = arith.constant 0 : i32
      %dma_start3A_167 = tpu.memref_slice %arg7[%run_scoped3A_97, %dma_start3A_166] : memref<6x80xi32, #tpu.memory_space<vmem>> -> memref<1x80xi32, #tpu.memory_space<vmem>>
      %dma_start3A_168 = tpu.memref_squeeze %dma_start3A_167 : memref<1x80xi32, #tpu.memory_space<vmem>> -> memref<80xi32, #tpu.memory_space<vmem>>
      %dma_start3A_169 = tpu.memref_slice %arg3[%add3A_96] : memref<320000xi32, #tpu.memory_space<hbm>> -> memref<80xi32, #tpu.memory_space<hbm>>
      %dma_start3A_170 = arith.constant 0 : i32
      %dma_start3A_171 = tpu.memref_slice %arg7[%run_scoped3A_97, %dma_start3A_170] : memref<6x80xi32, #tpu.memory_space<vmem>> -> memref<1x80xi32, #tpu.memory_space<vmem>>
      %dma_start3A_172 = tpu.memref_squeeze %dma_start3A_171 : memref<1x80xi32, #tpu.memory_space<vmem>> -> memref<80xi32, #tpu.memory_space<vmem>>
      %dma_start3A_173 = tpu.memref_slice %arg3[%add3A_96] : memref<320000xi32, #tpu.memory_space<hbm>> -> memref<80xi32, #tpu.memory_space<hbm>>
      tpu.enqueue_dma source(%dma_start3A_173 : memref<80xi32, #tpu.memory_space<hbm>>) target(%dma_start3A_172 : memref<80xi32, #tpu.memory_space<vmem>>) target_semaphore(%run_scoped3A_165 : memref<!tpu.dma_semaphore, #tpu.memory_space<semaphore_mem>>)
      %dma_wait3A_174 = arith.constant 0 : i32
      %dma_wait3A_175 = tpu.memref_slice %arg7[%run_scoped3A_97, %dma_wait3A_174] : memref<6x80xi32, #tpu.memory_space<vmem>> -> memref<1x80xi32, #tpu.memory_space<vmem>>
      %dma_wait3A_176 = tpu.memref_squeeze %dma_wait3A_175 : memref<1x80xi32, #tpu.memory_space<vmem>> -> memref<80xi32, #tpu.memory_space<vmem>>
      %dma_wait3A_177 = tpu.memref_slice %arg3[%add3A_96] : memref<320000xi32, #tpu.memory_space<hbm>> -> memref<80xi32, #tpu.memory_space<hbm>>
      %dma_wait3A_178 = arith.constant 0 : i32
      %dma_wait3A_179 = tpu.memref_slice %arg7[%run_scoped3A_97, %dma_wait3A_178] : memref<6x80xi32, #tpu.memory_space<vmem>> -> memref<1x80xi32, #tpu.memory_space<vmem>>
      %dma_wait3A_180 = tpu.memref_squeeze %dma_wait3A_179 : memref<1x80xi32, #tpu.memory_space<vmem>> -> memref<80xi32, #tpu.memory_space<vmem>>
      %dma_wait3A_181 = tpu.memref_slice %arg3[%add3A_96] : memref<320000xi32, #tpu.memory_space<hbm>> -> memref<80xi32, #tpu.memory_space<hbm>>
      tpu.wait_dma2 semaphore(%run_scoped3A_165 : memref<!tpu.dma_semaphore, #tpu.memory_space<semaphore_mem>>) src(%dma_wait3A_181 : memref<80xi32, #tpu.memory_space<hbm>>) dst(%dma_wait3A_180 : memref<80xi32, #tpu.memory_space<vmem>>)
      tpu.yield
    }) : () -> ()
    %add3A_98 = arith.constant 80 : i32
    %add3A_99 = arith.addi %mul3A_2, %add3A_98 : i32
    %run_scoped3A_100 = arith.constant 1 : i32
    "tpu.region"() ({
      %run_scoped3A_165 = tpu.sem_alloc : memref<!tpu.dma_semaphore, #tpu.memory_space<semaphore_mem>>
      %dma_start3A_166 = arith.constant 0 : i32
      %dma_start3A_167 = tpu.memref_slice %arg6[%run_scoped3A_100, %dma_start3A_166] : memref<6x80xi32, #tpu.memory_space<vmem>> -> memref<1x80xi32, #tpu.memory_space<vmem>>
      %dma_start3A_168 = tpu.memref_squeeze %dma_start3A_167 : memref<1x80xi32, #tpu.memory_space<vmem>> -> memref<80xi32, #tpu.memory_space<vmem>>
      %dma_start3A_169 = tpu.memref_slice %arg2[%add3A_99] : memref<320000xi32, #tpu.memory_space<hbm>> -> memref<80xi32, #tpu.memory_space<hbm>>
      %dma_start3A_170 = arith.constant 0 : i32
      %dma_start3A_171 = tpu.memref_slice %arg6[%run_scoped3A_100, %dma_start3A_170] : memref<6x80xi32, #tpu.memory_space<vmem>> -> memref<1x80xi32, #tpu.memory_space<vmem>>
      %dma_start3A_172 = tpu.memref_squeeze %dma_start3A_171 : memref<1x80xi32, #tpu.memory_space<vmem>> -> memref<80xi32, #tpu.memory_space<vmem>>
      %dma_start3A_173 = tpu.memref_slice %arg2[%add3A_99] : memref<320000xi32, #tpu.memory_space<hbm>> -> memref<80xi32, #tpu.memory_space<hbm>>
      tpu.enqueue_dma source(%dma_start3A_173 : memref<80xi32, #tpu.memory_space<hbm>>) target(%dma_start3A_172 : memref<80xi32, #tpu.memory_space<vmem>>) target_semaphore(%run_scoped3A_165 : memref<!tpu.dma_semaphore, #tpu.memory_space<semaphore_mem>>)
      %dma_wait3A_174 = arith.constant 0 : i32
      %dma_wait3A_175 = tpu.memref_slice %arg6[%run_scoped3A_100, %dma_wait3A_174] : memref<6x80xi32, #tpu.memory_space<vmem>> -> memref<1x80xi32, #tpu.memory_space<vmem>>
      %dma_wait3A_176 = tpu.memref_squeeze %dma_wait3A_175 : memref<1x80xi32, #tpu.memory_space<vmem>> -> memref<80xi32, #tpu.memory_space<vmem>>
      %dma_wait3A_177 = tpu.memref_slice %arg2[%add3A_99] : memref<320000xi32, #tpu.memory_space<hbm>> -> memref<80xi32, #tpu.memory_space<hbm>>
      %dma_wait3A_178 = arith.constant 0 : i32
      %dma_wait3A_179 = tpu.memref_slice %arg6[%run_scoped3A_100, %dma_wait3A_178] : memref<6x80xi32, #tpu.memory_space<vmem>> -> memref<1x80xi32, #tpu.memory_space<vmem>>
      %dma_wait3A_180 = tpu.memref_squeeze %dma_wait3A_179 : memref<1x80xi32, #tpu.memory_space<vmem>> -> memref<80xi32, #tpu.memory_space<vmem>>
      %dma_wait3A_181 = tpu.memref_slice %arg2[%add3A_99] : memref<320000xi32, #tpu.memory_space<hbm>> -> memref<80xi32, #tpu.memory_space<hbm>>
      tpu.wait_dma2 semaphore(%run_scoped3A_165 : memref<!tpu.dma_semaphore, #tpu.memory_space<semaphore_mem>>) src(%dma_wait3A_181 : memref<80xi32, #tpu.memory_space<hbm>>) dst(%dma_wait3A_180 : memref<80xi32, #tpu.memory_space<vmem>>)
      tpu.yield
    }) : () -> ()
    %add3A_101 = arith.constant 160 : i32
    %add3A_102 = arith.addi %mul3A_2, %add3A_101 : i32
    %run_scoped3A_103 = arith.constant 2 : i32
    "tpu.region"() ({
      %run_scoped3A_165 = tpu.sem_alloc : memref<!tpu.dma_semaphore, #tpu.memory_space<semaphore_mem>>
      %dma_start3A_166 = arith.constant 0 : i32
      %dma_start3A_167 = tpu.memref_slice %arg7[%run_scoped3A_103, %dma_start3A_166] : memref<6x80xi32, #tpu.memory_space<vmem>> -> memref<1x80xi32, #tpu.memory_space<vmem>>
      %dma_start3A_168 = tpu.memref_squeeze %dma_start3A_167 : memref<1x80xi32, #tpu.memory_space<vmem>> -> memref<80xi32, #tpu.memory_space<vmem>>
      %dma_start3A_169 = tpu.memref_slice %arg3[%add3A_102] : memref<320000xi32, #tpu.memory_space<hbm>> -> memref<80xi32, #tpu.memory_space<hbm>>
      %dma_start3A_170 = arith.constant 0 : i32
      %dma_start3A_171 = tpu.memref_slice %arg7[%run_scoped3A_103, %dma_start3A_170] : memref<6x80xi32, #tpu.memory_space<vmem>> -> memref<1x80xi32, #tpu.memory_space<vmem>>
      %dma_start3A_172 = tpu.memref_squeeze %dma_start3A_171 : memref<1x80xi32, #tpu.memory_space<vmem>> -> memref<80xi32, #tpu.memory_space<vmem>>
      %dma_start3A_173 = tpu.memref_slice %arg3[%add3A_102] : memref<320000xi32, #tpu.memory_space<hbm>> -> memref<80xi32, #tpu.memory_space<hbm>>
      tpu.enqueue_dma source(%dma_start3A_173 : memref<80xi32, #tpu.memory_space<hbm>>) target(%dma_start3A_172 : memref<80xi32, #tpu.memory_space<vmem>>) target_semaphore(%run_scoped3A_165 : memref<!tpu.dma_semaphore, #tpu.memory_space<semaphore_mem>>)
      %dma_wait3A_174 = arith.constant 0 : i32
      %dma_wait3A_175 = tpu.memref_slice %arg7[%run_scoped3A_103, %dma_wait3A_174] : memref<6x80xi32, #tpu.memory_space<vmem>> -> memref<1x80xi32, #tpu.memory_space<vmem>>
      %dma_wait3A_176 = tpu.memref_squeeze %dma_wait3A_175 : memref<1x80xi32, #tpu.memory_space<vmem>> -> memref<80xi32, #tpu.memory_space<vmem>>
      %dma_wait3A_177 = tpu.memref_slice %arg3[%add3A_102] : memref<320000xi32, #tpu.memory_space<hbm>> -> memref<80xi32, #tpu.memory_space<hbm>>
      %dma_wait3A_178 = arith.constant 0 : i32
      %dma_wait3A_179 = tpu.memref_slice %arg7[%run_scoped3A_103, %dma_wait3A_178] : memref<6x80xi32, #tpu.memory_space<vmem>> -> memref<1x80xi32, #tpu.memory_space<vmem>>
      %dma_wait3A_180 = tpu.memref_squeeze %dma_wait3A_179 : memref<1x80xi32, #tpu.memory_space<vmem>> -> memref<80xi32, #tpu.memory_space<vmem>>
      %dma_wait3A_181 = tpu.memref_slice %arg3[%add3A_102] : memref<320000xi32, #tpu.memory_space<hbm>> -> memref<80xi32, #tpu.memory_space<hbm>>
      tpu.wait_dma2 semaphore(%run_scoped3A_165 : memref<!tpu.dma_semaphore, #tpu.memory_space<semaphore_mem>>) src(%dma_wait3A_181 : memref<80xi32, #tpu.memory_space<hbm>>) dst(%dma_wait3A_180 : memref<80xi32, #tpu.memory_space<vmem>>)
      tpu.yield
    }) : () -> ()
    %add3A_104 = arith.constant 160 : i32
    %add3A_105 = arith.addi %mul3A_2, %add3A_104 : i32
    %run_scoped3A_106 = arith.constant 2 : i32
    "tpu.region"() ({
      %run_scoped3A_165 = tpu.sem_alloc : memref<!tpu.dma_semaphore, #tpu.memory_space<semaphore_mem>>
      %dma_start3A_166 = arith.constant 0 : i32
      %dma_start3A_167 = tpu.memref_slice %arg6[%run_scoped3A_106, %dma_start3A_166] : memref<6x80xi32, #tpu.memory_space<vmem>> -> memref<1x80xi32, #tpu.memory_space<vmem>>
      %dma_start3A_168 = tpu.memref_squeeze %dma_start3A_167 : memref<1x80xi32, #tpu.memory_space<vmem>> -> memref<80xi32, #tpu.memory_space<vmem>>
      %dma_start3A_169 = tpu.memref_slice %arg2[%add3A_105] : memref<320000xi32, #tpu.memory_space<hbm>> -> memref<80xi32, #tpu.memory_space<hbm>>
      %dma_start3A_170 = arith.constant 0 : i32
      %dma_start3A_171 = tpu.memref_slice %arg6[%run_scoped3A_106, %dma_start3A_170] : memref<6x80xi32, #tpu.memory_space<vmem>> -> memref<1x80xi32, #tpu.memory_space<vmem>>
      %dma_start3A_172 = tpu.memref_squeeze %dma_start3A_171 : memref<1x80xi32, #tpu.memory_space<vmem>> -> memref<80xi32, #tpu.memory_space<vmem>>
      %dma_start3A_173 = tpu.memref_slice %arg2[%add3A_105] : memref<320000xi32, #tpu.memory_space<hbm>> -> memref<80xi32, #tpu.memory_space<hbm>>
      tpu.enqueue_dma source(%dma_start3A_173 : memref<80xi32, #tpu.memory_space<hbm>>) target(%dma_start3A_172 : memref<80xi32, #tpu.memory_space<vmem>>) target_semaphore(%run_scoped3A_165 : memref<!tpu.dma_semaphore, #tpu.memory_space<semaphore_mem>>)
      %dma_wait3A_174 = arith.constant 0 : i32
      %dma_wait3A_175 = tpu.memref_slice %arg6[%run_scoped3A_106, %dma_wait3A_174] : memref<6x80xi32, #tpu.memory_space<vmem>> -> memref<1x80xi32, #tpu.memory_space<vmem>>
      %dma_wait3A_176 = tpu.memref_squeeze %dma_wait3A_175 : memref<1x80xi32, #tpu.memory_space<vmem>> -> memref<80xi32, #tpu.memory_space<vmem>>
      %dma_wait3A_177 = tpu.memref_slice %arg2[%add3A_105] : memref<320000xi32, #tpu.memory_space<hbm>> -> memref<80xi32, #tpu.memory_space<hbm>>
      %dma_wait3A_178 = arith.constant 0 : i32
      %dma_wait3A_179 = tpu.memref_slice %arg6[%run_scoped3A_106, %dma_wait3A_178] : memref<6x80xi32, #tpu.memory_space<vmem>> -> memref<1x80xi32, #tpu.memory_space<vmem>>
      %dma_wait3A_180 = tpu.memref_squeeze %dma_wait3A_179 : memref<1x80xi32, #tpu.memory_space<vmem>> -> memref<80xi32, #tpu.memory_space<vmem>>
      %dma_wait3A_181 = tpu.memref_slice %arg2[%add3A_105] : memref<320000xi32, #tpu.memory_space<hbm>> -> memref<80xi32, #tpu.memory_space<hbm>>
      tpu.wait_dma2 semaphore(%run_scoped3A_165 : memref<!tpu.dma_semaphore, #tpu.memory_space<semaphore_mem>>) src(%dma_wait3A_181 : memref<80xi32, #tpu.memory_space<hbm>>) dst(%dma_wait3A_180 : memref<80xi32, #tpu.memory_space<vmem>>)
      tpu.yield
    }) : () -> ()
    %barrier3A = arith.constant 0 : index
    tpu.barrier barrier_id(%barrier3A)
    %dma_start3A = arith.constant 0 : i32
    %dma_start3A_107 = arith.constant 0 : i32
    %dma_start3A_108 = arith.constant 0 : i32
    %dma_start3A_109 = arith.constant 0 : i32
    %dma_start3A_110 = tpu.memref_slice %arg8[%dma_start3A_107, %dma_start3A_108, %dma_start3A_109] : memref<4x80x128xf32, #tpu.memory_space<vmem>> -> memref<1x80x128xf32, #tpu.memory_space<vmem>>
    %dma_start3A_111 = tpu.memref_squeeze %dma_start3A_110 : memref<1x80x128xf32, #tpu.memory_space<vmem>> -> memref<80x128xf32, #tpu.memory_space<vmem>>
    %dma_start3A_112 = arith.constant 0 : i32
    %dma_start3A_113 = tpu.memref_slice %arg6[%dma_start3A, %dma_start3A_112] : memref<6x80xi32, #tpu.memory_space<vmem>> -> memref<1x80xi32, #tpu.memory_space<vmem>>
    %dma_start3A_114 = tpu.memref_squeeze %dma_start3A_113 : memref<1x80xi32, #tpu.memory_space<vmem>> -> memref<80xi32, #tpu.memory_space<vmem>>
    %dma_start3A_115 = arith.constant 0 : i32
    %dma_start3A_116 = arith.constant 0 : i32
    %dma_start3A_117 = tpu.memref_slice %arg4[%dma_start3A_115, %dma_start3A_116] : memref<10000x128xf32, #tpu.memory_space<hbm>> -> memref<10000x128xf32, #tpu.memory_space<hbm>>
    tpu.enqueue_indirect_dma source(%dma_start3A_117 : memref<10000x128xf32, #tpu.memory_space<hbm>>) target(%dma_start3A_111 : memref<80x128xf32, #tpu.memory_space<vmem>>) offsets(%dma_start3A_114 : memref<80xi32, #tpu.memory_space<vmem>>) semaphore(%arg11 : memref<!tpu.dma_semaphore, #tpu.memory_space<semaphore_mem>>)
    %dma_start3A_118 = arith.constant 1 : i32
    %dma_start3A_119 = arith.constant 1 : i32
    %dma_start3A_120 = arith.constant 0 : i32
    %dma_start3A_121 = arith.constant 0 : i32
    %dma_start3A_122 = tpu.memref_slice %arg8[%dma_start3A_119, %dma_start3A_120, %dma_start3A_121] : memref<4x80x128xf32, #tpu.memory_space<vmem>> -> memref<1x80x128xf32, #tpu.memory_space<vmem>>
    %dma_start3A_123 = tpu.memref_squeeze %dma_start3A_122 : memref<1x80x128xf32, #tpu.memory_space<vmem>> -> memref<80x128xf32, #tpu.memory_space<vmem>>
    %dma_start3A_124 = arith.constant 0 : i32
    %dma_start3A_125 = tpu.memref_slice %arg6[%dma_start3A_118, %dma_start3A_124] : memref<6x80xi32, #tpu.memory_space<vmem>> -> memref<1x80xi32, #tpu.memory_space<vmem>>
    %dma_start3A_126 = tpu.memref_squeeze %dma_start3A_125 : memref<1x80xi32, #tpu.memory_space<vmem>> -> memref<80xi32, #tpu.memory_space<vmem>>
    %dma_start3A_127 = arith.constant 0 : i32
    %dma_start3A_128 = arith.constant 0 : i32
    %dma_start3A_129 = tpu.memref_slice %arg4[%dma_start3A_127, %dma_start3A_128] : memref<10000x128xf32, #tpu.memory_space<hbm>> -> memref<10000x128xf32, #tpu.memory_space<hbm>>
    tpu.enqueue_indirect_dma source(%dma_start3A_129 : memref<10000x128xf32, #tpu.memory_space<hbm>>) target(%dma_start3A_123 : memref<80x128xf32, #tpu.memory_space<vmem>>) offsets(%dma_start3A_126 : memref<80xi32, #tpu.memory_space<vmem>>) semaphore(%arg11 : memref<!tpu.dma_semaphore, #tpu.memory_space<semaphore_mem>>)
    %scan3A_130 = arith.constant 0 : i32
    %scan3A_131 = arith.constant 0 : i32
    %scan3A_132 = arith.constant 125 : i32
    %scan3A_133 = arith.addi %scan3A_131, %scan3A_132 : i32
    %scan3A_134 = arith.constant 1 : i32
    %scan3A_135 = scf.for %scan3A_165 = %scan3A_131 to %scan3A_133 step %scan3A_134 iter_args(%scan3A_166 = %scan3A_130) -> (i32)  : i32 {
      %rem3A = arith.constant 4 : i32
      %rem3A_167 = arith.remsi %scan3A_165, %rem3A : i32
      %rem3A_168 = arith.constant 6 : i32
      %rem3A_169 = arith.remsi %scan3A_165, %rem3A_168 : i32
      %add3A_170 = arith.constant 2 : i32
      %add3A_171 = arith.addi %scan3A_165, %add3A_170 : i32
      %rem3A_172 = arith.constant 4 : i32
      %rem3A_173 = arith.remsi %add3A_171, %rem3A_172 : i32
      %add3A_174 = arith.constant 2 : i32
      %add3A_175 = arith.addi %scan3A_165, %add3A_174 : i32
      %rem3A_176 = arith.constant 6 : i32
      %rem3A_177 = arith.remsi %add3A_175, %rem3A_176 : i32
      %add3A_178 = arith.constant 3 : i32
      %add3A_179 = arith.addi %scan3A_165, %add3A_178 : i32
      %rem3A_180 = arith.constant 6 : i32
      %rem3A_181 = arith.remsi %add3A_179, %rem3A_180 : i32
      %ge3A = arith.constant 2 : i32
      %ge3A_182 = arith.cmpi sge, %scan3A_165, %ge3A : i32
      %convert_element_type3A = arith.extui %ge3A_182 : i1 to i32
      %cond3A = arith.constant 0 : i32
      %cond3A_183 = arith.cmpi ne, %convert_element_type3A, %cond3A : i32
      scf.if %cond3A_183 {
        %dma_wait3A_218 = arith.constant 0 : i32
        %dma_wait3A_219 = arith.constant 0 : i32
        %dma_wait3A_220 = tpu.memref_slice %arg8[%rem3A_167, %dma_wait3A_218, %dma_wait3A_219] : memref<4x80x128xf32, #tpu.memory_space<vmem>> -> memref<1x80x128xf32, #tpu.memory_space<vmem>>
        %dma_wait3A_221 = tpu.memref_squeeze %dma_wait3A_220 : memref<1x80x128xf32, #tpu.memory_space<vmem>> -> memref<80x128xf32, #tpu.memory_space<vmem>>
        %dma_wait3A_222 = arith.constant 0 : i32
        %dma_wait3A_223 = tpu.memref_slice %arg7[%rem3A_169, %dma_wait3A_222] : memref<6x80xi32, #tpu.memory_space<vmem>> -> memref<1x80xi32, #tpu.memory_space<vmem>>
        %dma_wait3A_224 = tpu.memref_squeeze %dma_wait3A_223 : memref<1x80xi32, #tpu.memory_space<vmem>> -> memref<80xi32, #tpu.memory_space<vmem>>
        %dma_wait3A_225 = arith.constant 0 : i32
        %dma_wait3A_226 = arith.constant 0 : i32
        %dma_wait3A_227 = tpu.memref_slice %arg10[%dma_wait3A_225, %dma_wait3A_226] : memref<10240x128xf32, #tpu.memory_space<vmem_shared>> -> memref<10240x128xf32, #tpu.memory_space<vmem_shared>>
        tpu.wait_indirect_dma semaphore(%arg12 : memref<!tpu.dma_semaphore, #tpu.memory_space<semaphore_mem>>) src(%dma_wait3A_221 : memref<80x128xf32, #tpu.memory_space<vmem>>) dst(%dma_wait3A_227 : memref<10240x128xf32, #tpu.memory_space<vmem_shared>>)
      } else {
      }
      %add3A_184 = arith.constant 3 : i32
      %add3A_185 = arith.addi %scan3A_165, %add3A_184 : i32
      %lt3A = arith.constant 125 : i32
      %lt3A_186 = arith.cmpi slt, %add3A_185, %lt3A : i32
      %convert_element_type3A_187 = arith.extui %lt3A_186 : i1 to i32
      %cond3A_188 = arith.constant 0 : i32
      %cond3A_189 = arith.cmpi ne, %convert_element_type3A_187, %cond3A_188 : i32
      scf.if %cond3A_189 {
        %add3A_218 = arith.constant 3 : i32
        %add3A_219 = arith.addi %scan3A_165, %add3A_218 : i32
        %mul3A_220 = arith.constant 80 : i32
        %mul3A_221 = arith.muli %add3A_219, %mul3A_220 : i32
        %add3A_222 = arith.addi %mul3A_2, %mul3A_221 : i32
        "tpu.region"() ({
          %run_scoped3A_223 = tpu.sem_alloc : memref<!tpu.dma_semaphore, #tpu.memory_space<semaphore_mem>>
          %dma_start3A_224 = arith.constant 0 : i32
          %dma_start3A_225 = tpu.memref_slice %arg7[%rem3A_181, %dma_start3A_224] : memref<6x80xi32, #tpu.memory_space<vmem>> -> memref<1x80xi32, #tpu.memory_space<vmem>>
          %dma_start3A_226 = tpu.memref_squeeze %dma_start3A_225 : memref<1x80xi32, #tpu.memory_space<vmem>> -> memref<80xi32, #tpu.memory_space<vmem>>
          %dma_start3A_227 = tpu.memref_slice %arg3[%add3A_222] : memref<320000xi32, #tpu.memory_space<hbm>> -> memref<80xi32, #tpu.memory_space<hbm>>
          %dma_start3A_228 = arith.constant 0 : i32
          %dma_start3A_229 = tpu.memref_slice %arg7[%rem3A_181, %dma_start3A_228] : memref<6x80xi32, #tpu.memory_space<vmem>> -> memref<1x80xi32, #tpu.memory_space<vmem>>
          %dma_start3A_230 = tpu.memref_squeeze %dma_start3A_229 : memref<1x80xi32, #tpu.memory_space<vmem>> -> memref<80xi32, #tpu.memory_space<vmem>>
          %dma_start3A_231 = tpu.memref_slice %arg3[%add3A_222] : memref<320000xi32, #tpu.memory_space<hbm>> -> memref<80xi32, #tpu.memory_space<hbm>>
          tpu.enqueue_dma source(%dma_start3A_231 : memref<80xi32, #tpu.memory_space<hbm>>) target(%dma_start3A_230 : memref<80xi32, #tpu.memory_space<vmem>>) target_semaphore(%run_scoped3A_223 : memref<!tpu.dma_semaphore, #tpu.memory_space<semaphore_mem>>)
          %dma_wait3A_232 = arith.constant 0 : i32
          %dma_wait3A_233 = tpu.memref_slice %arg7[%rem3A_181, %dma_wait3A_232] : memref<6x80xi32, #tpu.memory_space<vmem>> -> memref<1x80xi32, #tpu.memory_space<vmem>>
          %dma_wait3A_234 = tpu.memref_squeeze %dma_wait3A_233 : memref<1x80xi32, #tpu.memory_space<vmem>> -> memref<80xi32, #tpu.memory_space<vmem>>
          %dma_wait3A_235 = tpu.memref_slice %arg3[%add3A_222] : memref<320000xi32, #tpu.memory_space<hbm>> -> memref<80xi32, #tpu.memory_space<hbm>>
          %dma_wait3A_236 = arith.constant 0 : i32
          %dma_wait3A_237 = tpu.memref_slice %arg7[%rem3A_181, %dma_wait3A_236] : memref<6x80xi32, #tpu.memory_space<vmem>> -> memref<1x80xi32, #tpu.memory_space<vmem>>
          %dma_wait3A_238 = tpu.memref_squeeze %dma_wait3A_237 : memref<1x80xi32, #tpu.memory_space<vmem>> -> memref<80xi32, #tpu.memory_space<vmem>>
          %dma_wait3A_239 = tpu.memref_slice %arg3[%add3A_222] : memref<320000xi32, #tpu.memory_space<hbm>> -> memref<80xi32, #tpu.memory_space<hbm>>
          tpu.wait_dma2 semaphore(%run_scoped3A_223 : memref<!tpu.dma_semaphore, #tpu.memory_space<semaphore_mem>>) src(%dma_wait3A_239 : memref<80xi32, #tpu.memory_space<hbm>>) dst(%dma_wait3A_238 : memref<80xi32, #tpu.memory_space<vmem>>)
          tpu.yield
        }) : () -> ()
        "tpu.region"() ({
          %run_scoped3A_223 = tpu.sem_alloc : memref<!tpu.dma_semaphore, #tpu.memory_space<semaphore_mem>>
          %dma_start3A_224 = arith.constant 0 : i32
          %dma_start3A_225 = tpu.memref_slice %arg6[%rem3A_181, %dma_start3A_224] : memref<6x80xi32, #tpu.memory_space<vmem>> -> memref<1x80xi32, #tpu.memory_space<vmem>>
          %dma_start3A_226 = tpu.memref_squeeze %dma_start3A_225 : memref<1x80xi32, #tpu.memory_space<vmem>> -> memref<80xi32, #tpu.memory_space<vmem>>
          %dma_start3A_227 = tpu.memref_slice %arg2[%add3A_222] : memref<320000xi32, #tpu.memory_space<hbm>> -> memref<80xi32, #tpu.memory_space<hbm>>
          %dma_start3A_228 = arith.constant 0 : i32
          %dma_start3A_229 = tpu.memref_slice %arg6[%rem3A_181, %dma_start3A_228] : memref<6x80xi32, #tpu.memory_space<vmem>> -> memref<1x80xi32, #tpu.memory_space<vmem>>
          %dma_start3A_230 = tpu.memref_squeeze %dma_start3A_229 : memref<1x80xi32, #tpu.memory_space<vmem>> -> memref<80xi32, #tpu.memory_space<vmem>>
          %dma_start3A_231 = tpu.memref_slice %arg2[%add3A_222] : memref<320000xi32, #tpu.memory_space<hbm>> -> memref<80xi32, #tpu.memory_space<hbm>>
          tpu.enqueue_dma source(%dma_start3A_231 : memref<80xi32, #tpu.memory_space<hbm>>) target(%dma_start3A_230 : memref<80xi32, #tpu.memory_space<vmem>>) target_semaphore(%run_scoped3A_223 : memref<!tpu.dma_semaphore, #tpu.memory_space<semaphore_mem>>)
          %dma_wait3A_232 = arith.constant 0 : i32
          %dma_wait3A_233 = tpu.memref_slice %arg6[%rem3A_181, %dma_wait3A_232] : memref<6x80xi32, #tpu.memory_space<vmem>> -> memref<1x80xi32, #tpu.memory_space<vmem>>
          %dma_wait3A_234 = tpu.memref_squeeze %dma_wait3A_233 : memref<1x80xi32, #tpu.memory_space<vmem>> -> memref<80xi32, #tpu.memory_space<vmem>>
          %dma_wait3A_235 = tpu.memref_slice %arg2[%add3A_222] : memref<320000xi32, #tpu.memory_space<hbm>> -> memref<80xi32, #tpu.memory_space<hbm>>
          %dma_wait3A_236 = arith.constant 0 : i32
          %dma_wait3A_237 = tpu.memref_slice %arg6[%rem3A_181, %dma_wait3A_236] : memref<6x80xi32, #tpu.memory_space<vmem>> -> memref<1x80xi32, #tpu.memory_space<vmem>>
          %dma_wait3A_238 = tpu.memref_squeeze %dma_wait3A_237 : memref<1x80xi32, #tpu.memory_space<vmem>> -> memref<80xi32, #tpu.memory_space<vmem>>
          %dma_wait3A_239 = tpu.memref_slice %arg2[%add3A_222] : memref<320000xi32, #tpu.memory_space<hbm>> -> memref<80xi32, #tpu.memory_space<hbm>>
          tpu.wait_dma2 semaphore(%run_scoped3A_223 : memref<!tpu.dma_semaphore, #tpu.memory_space<semaphore_mem>>) src(%dma_wait3A_239 : memref<80xi32, #tpu.memory_space<hbm>>) dst(%dma_wait3A_238 : memref<80xi32, #tpu.memory_space<vmem>>)
          tpu.yield
        }) : () -> ()
      } else {
      }
      %add3A_190 = arith.constant 2 : i32
      %add3A_191 = arith.addi %scan3A_165, %add3A_190 : i32
      %lt3A_192 = arith.constant 125 : i32
      %lt3A_193 = arith.cmpi slt, %add3A_191, %lt3A_192 : i32
      %convert_element_type3A_194 = arith.extui %lt3A_193 : i1 to i32
      %cond3A_195 = arith.constant 0 : i32
      %cond3A_196 = arith.cmpi ne, %convert_element_type3A_194, %cond3A_195 : i32
      scf.if %cond3A_196 {
        %dma_start3A_218 = arith.constant 0 : i32
        %dma_start3A_219 = arith.constant 0 : i32
        %dma_start3A_220 = tpu.memref_slice %arg8[%rem3A_173, %dma_start3A_218, %dma_start3A_219] : memref<4x80x128xf32, #tpu.memory_space<vmem>> -> memref<1x80x128xf32, #tpu.memory_space<vmem>>
        %dma_start3A_221 = tpu.memref_squeeze %dma_start3A_220 : memref<1x80x128xf32, #tpu.memory_space<vmem>> -> memref<80x128xf32, #tpu.memory_space<vmem>>
        %dma_start3A_222 = arith.constant 0 : i32
        %dma_start3A_223 = tpu.memref_slice %arg6[%rem3A_177, %dma_start3A_222] : memref<6x80xi32, #tpu.memory_space<vmem>> -> memref<1x80xi32, #tpu.memory_space<vmem>>
        %dma_start3A_224 = tpu.memref_squeeze %dma_start3A_223 : memref<1x80xi32, #tpu.memory_space<vmem>> -> memref<80xi32, #tpu.memory_space<vmem>>
        %dma_start3A_225 = arith.constant 0 : i32
        %dma_start3A_226 = arith.constant 0 : i32
        %dma_start3A_227 = tpu.memref_slice %arg4[%dma_start3A_225, %dma_start3A_226] : memref<10000x128xf32, #tpu.memory_space<hbm>> -> memref<10000x128xf32, #tpu.memory_space<hbm>>
        tpu.enqueue_indirect_dma source(%dma_start3A_227 : memref<10000x128xf32, #tpu.memory_space<hbm>>) target(%dma_start3A_221 : memref<80x128xf32, #tpu.memory_space<vmem>>) offsets(%dma_start3A_224 : memref<80xi32, #tpu.memory_space<vmem>>) semaphore(%arg11 : memref<!tpu.dma_semaphore, #tpu.memory_space<semaphore_mem>>)
      } else {
      }
      %dma_wait3A_197 = arith.constant 0 : i32
      %dma_wait3A_198 = arith.constant 0 : i32
      %dma_wait3A_199 = tpu.memref_slice %arg8[%rem3A_167, %dma_wait3A_197, %dma_wait3A_198] : memref<4x80x128xf32, #tpu.memory_space<vmem>> -> memref<1x80x128xf32, #tpu.memory_space<vmem>>
      %dma_wait3A_200 = tpu.memref_squeeze %dma_wait3A_199 : memref<1x80x128xf32, #tpu.memory_space<vmem>> -> memref<80x128xf32, #tpu.memory_space<vmem>>
      %dma_wait3A_201 = arith.constant 0 : i32
      %dma_wait3A_202 = tpu.memref_slice %arg6[%rem3A_169, %dma_wait3A_201] : memref<6x80xi32, #tpu.memory_space<vmem>> -> memref<1x80xi32, #tpu.memory_space<vmem>>
      %dma_wait3A_203 = tpu.memref_squeeze %dma_wait3A_202 : memref<1x80xi32, #tpu.memory_space<vmem>> -> memref<80xi32, #tpu.memory_space<vmem>>
      %dma_wait3A_204 = arith.constant 0 : i32
      %dma_wait3A_205 = arith.constant 0 : i32
      %dma_wait3A_206 = tpu.memref_slice %arg4[%dma_wait3A_204, %dma_wait3A_205] : memref<10000x128xf32, #tpu.memory_space<hbm>> -> memref<10000x128xf32, #tpu.memory_space<hbm>>
      tpu.wait_indirect_dma semaphore(%arg11 : memref<!tpu.dma_semaphore, #tpu.memory_space<semaphore_mem>>) src(%dma_wait3A_206 : memref<10000x128xf32, #tpu.memory_space<hbm>>) dst(%dma_wait3A_200 : memref<80x128xf32, #tpu.memory_space<vmem>>)
      %dma_start3A_207 = arith.constant 0 : i32
      %dma_start3A_208 = arith.constant 0 : i32
      %dma_start3A_209 = tpu.memref_slice %arg8[%rem3A_167, %dma_start3A_207, %dma_start3A_208] : memref<4x80x128xf32, #tpu.memory_space<vmem>> -> memref<1x80x128xf32, #tpu.memory_space<vmem>>
      %dma_start3A_210 = tpu.memref_squeeze %dma_start3A_209 : memref<1x80x128xf32, #tpu.memory_space<vmem>> -> memref<80x128xf32, #tpu.memory_space<vmem>>
      %dma_start3A_211 = arith.constant 0 : i32
      %dma_start3A_212 = tpu.memref_slice %arg7[%rem3A_169, %dma_start3A_211] : memref<6x80xi32, #tpu.memory_space<vmem>> -> memref<1x80xi32, #tpu.memory_space<vmem>>
      %dma_start3A_213 = tpu.memref_squeeze %dma_start3A_212 : memref<1x80xi32, #tpu.memory_space<vmem>> -> memref<80xi32, #tpu.memory_space<vmem>>
      %dma_start3A_214 = arith.constant 0 : i32
      %dma_start3A_215 = arith.constant 0 : i32
      %dma_start3A_216 = tpu.memref_slice %arg10[%dma_start3A_214, %dma_start3A_215] : memref<10240x128xf32, #tpu.memory_space<vmem_shared>> -> memref<10240x128xf32, #tpu.memory_space<vmem_shared>>
      tpu.enqueue_indirect_dma source(%dma_start3A_210 : memref<80x128xf32, #tpu.memory_space<vmem>>) target(%dma_start3A_216 : memref<10240x128xf32, #tpu.memory_space<vmem_shared>>) offsets(%dma_start3A_213 : memref<80xi32, #tpu.memory_space<vmem>>) semaphore(%arg12 : memref<!tpu.dma_semaphore, #tpu.memory_space<semaphore_mem>>) {add = true}
      %scan3A_217 = arith.constant 0 : i32
      scf.yield %scan3A_217 : i32
    }
    %scan3A_136 = arith.constant 125 : i32
    %dma_wait3A = arith.constant 0 : i32
    %dma_wait3A_137 = arith.constant 0 : i32
    %dma_wait3A_138 = arith.constant 0 : i32
    %dma_wait3A_139 = arith.constant 0 : i32
    %dma_wait3A_140 = tpu.memref_slice %arg8[%dma_wait3A, %dma_wait3A_138, %dma_wait3A_139] : memref<4x80x128xf32, #tpu.memory_space<vmem>> -> memref<1x80x128xf32, #tpu.memory_space<vmem>>
    %dma_wait3A_141 = tpu.memref_squeeze %dma_wait3A_140 : memref<1x80x128xf32, #tpu.memory_space<vmem>> -> memref<80x128xf32, #tpu.memory_space<vmem>>
    %dma_wait3A_142 = arith.constant 0 : i32
    %dma_wait3A_143 = tpu.memref_slice %arg7[%dma_wait3A_137, %dma_wait3A_142] : memref<6x80xi32, #tpu.memory_space<vmem>> -> memref<1x80xi32, #tpu.memory_space<vmem>>
    %dma_wait3A_144 = tpu.memref_squeeze %dma_wait3A_143 : memref<1x80xi32, #tpu.memory_space<vmem>> -> memref<80xi32, #tpu.memory_space<vmem>>
    %dma_wait3A_145 = arith.constant 0 : i32
    %dma_wait3A_146 = arith.constant 0 : i32
    %dma_wait3A_147 = tpu.memref_slice %arg10[%dma_wait3A_145, %dma_wait3A_146] : memref<10240x128xf32, #tpu.memory_space<vmem_shared>> -> memref<10240x128xf32, #tpu.memory_space<vmem_shared>>
    tpu.wait_indirect_dma semaphore(%arg12 : memref<!tpu.dma_semaphore, #tpu.memory_space<semaphore_mem>>) src(%dma_wait3A_141 : memref<80x128xf32, #tpu.memory_space<vmem>>) dst(%dma_wait3A_147 : memref<10240x128xf32, #tpu.memory_space<vmem_shared>>)
    %dma_wait3A_148 = arith.constant 0 : i32
    %dma_wait3A_149 = arith.constant 0 : i32
    %dma_wait3A_150 = arith.constant 0 : i32
    %dma_wait3A_151 = arith.constant 0 : i32
    %dma_wait3A_152 = tpu.memref_slice %arg8[%dma_wait3A_148, %dma_wait3A_150, %dma_wait3A_151] : memref<4x80x128xf32, #tpu.memory_space<vmem>> -> memref<1x80x128xf32, #tpu.memory_space<vmem>>
    %dma_wait3A_153 = tpu.memref_squeeze %dma_wait3A_152 : memref<1x80x128xf32, #tpu.memory_space<vmem>> -> memref<80x128xf32, #tpu.memory_space<vmem>>
    %dma_wait3A_154 = arith.constant 0 : i32
    %dma_wait3A_155 = tpu.memref_slice %arg7[%dma_wait3A_149, %dma_wait3A_154] : memref<6x80xi32, #tpu.memory_space<vmem>> -> memref<1x80xi32, #tpu.memory_space<vmem>>
    %dma_wait3A_156 = tpu.memref_squeeze %dma_wait3A_155 : memref<1x80xi32, #tpu.memory_space<vmem>> -> memref<80xi32, #tpu.memory_space<vmem>>
    %dma_wait3A_157 = arith.constant 0 : i32
    %dma_wait3A_158 = arith.constant 0 : i32
    %dma_wait3A_159 = tpu.memref_slice %arg10[%dma_wait3A_157, %dma_wait3A_158] : memref<10240x128xf32, #tpu.memory_space<vmem_shared>> -> memref<10240x128xf32, #tpu.memory_space<vmem_shared>>
    tpu.wait_indirect_dma semaphore(%arg12 : memref<!tpu.dma_semaphore, #tpu.memory_space<semaphore_mem>>) src(%dma_wait3A_153 : memref<80x128xf32, #tpu.memory_space<vmem>>) dst(%dma_wait3A_159 : memref<10240x128xf32, #tpu.memory_space<vmem_shared>>)
    %barrier3A_160 = arith.constant 0 : index
    tpu.barrier barrier_id(%barrier3A_160)
    %mul3A_161 = arith.constant 640 : i32
    %mul3A_162 = arith.muli %arg1, %mul3A_161 : i32
    %mul3A_163 = arith.constant 640 : i32
    %mul3A_164 = arith.muli %arg1, %mul3A_163 : i32
    "tpu.region"() ({
      %run_scoped3A_165 = tpu.sem_alloc : memref<!tpu.dma_semaphore, #tpu.memory_space<semaphore_mem>>
      %dma_start3A_166 = arith.constant 0 : i32
      %dma_start3A_167 = tpu.memref_slice %arg5[%arg0, %mul3A_164, %dma_start3A_166] : memref<2x10240x128xf32, #tpu.memory_space<hbm>> -> memref<1x640x128xf32, #tpu.memory_space<hbm>>
      %dma_start3A_168 = tpu.memref_squeeze %dma_start3A_167 : memref<1x640x128xf32, #tpu.memory_space<hbm>> -> memref<640x128xf32, #tpu.memory_space<hbm>>
      %dma_start3A_169 = arith.constant 0 : i32
      %dma_start3A_170 = tpu.memref_slice %arg10[%mul3A_162, %dma_start3A_169] : memref<10240x128xf32, #tpu.memory_space<vmem_shared>> -> memref<640x128xf32, #tpu.memory_space<vmem_shared>>
      tpu.enqueue_dma source(%dma_start3A_170 : memref<640x128xf32, #tpu.memory_space<vmem_shared>>) target(%dma_start3A_168 : memref<640x128xf32, #tpu.memory_space<hbm>>) target_semaphore(%run_scoped3A_165 : memref<!tpu.dma_semaphore, #tpu.memory_space<semaphore_mem>>)
      %dma_wait3A_171 = arith.constant 0 : i32
      %dma_wait3A_172 = tpu.memref_slice %arg5[%arg0, %mul3A_164, %dma_wait3A_171] : memref<2x10240x128xf32, #tpu.memory_space<hbm>> -> memref<1x640x128xf32, #tpu.memory_space<hbm>>
      %dma_wait3A_173 = tpu.memref_squeeze %dma_wait3A_172 : memref<1x640x128xf32, #tpu.memory_space<hbm>> -> memref<640x128xf32, #tpu.memory_space<hbm>>
      %dma_wait3A_174 = arith.constant 0 : i32
      %dma_wait3A_175 = tpu.memref_slice %arg10[%mul3A_162, %dma_wait3A_174] : memref<10240x128xf32, #tpu.memory_space<vmem_shared>> -> memref<640x128xf32, #tpu.memory_space<vmem_shared>>
      tpu.wait_dma2 semaphore(%run_scoped3A_165 : memref<!tpu.dma_semaphore, #tpu.memory_space<semaphore_mem>>) src(%dma_wait3A_175 : memref<640x128xf32, #tpu.memory_space<vmem_shared>>) dst(%dma_wait3A_173 : memref<640x128xf32, #tpu.memory_space<hbm>>)
      tpu.yield
    }) : () -> ()
    return
  }
}

#map = affine_map<(d0, d1) -> (0)>
#map1 = affine_map<(d0, d1) -> (0, 0)>
#map2 = affine_map<(d0, d1) -> (0, 0, 0)>
module attributes {stable_mosaic.version = 14 : i64} {
  func.func @body(%arg0: i32, %arg1: i32, %arg2: memref<320000xi32, #tpu.memory_space<hbm>>, %arg3: memref<320000xi32, #tpu.memory_space<hbm>>, %arg4: memref<10000x128xf32, #tpu.memory_space<hbm>>, %arg5: memref<2x10240x128xf32, #tpu.memory_space<hbm>>, %arg6: memref<6x80xi32, #tpu.memory_space<vmem>>, %arg7: memref<6x80xi32, #tpu.memory_space<vmem>>, %arg8: memref<4x80x128xf32, #tpu.memory_space<vmem>>, %arg9: memref<32x128xf32, #tpu.memory_space<vmem>>, %arg10: memref<10240x128xf32, #tpu.memory_space<vmem_shared>>, %arg11: memref<!tpu.dma_semaphore, #tpu.memory_space<semaphore_mem>>, %arg12: memref<!tpu.dma_semaphore, #tpu.memory_space<semaphore_mem>>) attributes {dimension_semantics = [#tpu.dimension_semantics<core_parallel>, #tpu.dimension_semantics<subcore_parallel>], iteration_bounds = array<i64: 2, 16>, scalar_prefetch = 0 : i64, scratch_operands = 7 : i64, tpu.core_type = #tpu.core_type<sc_vector_subcore>, window_params = [{transform_indices = #map}, {transform_indices = #map}, {transform_indices = #map1}, {transform_indices = #map2}]} {
    %mul3A = arith.constant 16 : i32
    %mul3A_0 = arith.muli %arg0, %mul3A : i32
    %add3A = arith.addi %mul3A_0, %arg1 : i32
    %mul3A_1 = arith.constant 10000 : i32
    %mul3A_2 = arith.muli %add3A, %mul3A_1 : i32
    %broadcast_in_dim3A = arith.constant 0.000000e+00 : f32
    %broadcast_in_dim3A_3 = vector.broadcast %broadcast_in_dim3A : f32 to vector<16xf32>
    %scan3A = arith.constant 0 : i32
    %scan3A_4 = arith.constant 0 : i32
    %scan3A_5 = arith.constant 32 : i32
    %scan3A_6 = arith.addi %scan3A_4, %scan3A_5 : i32
    %scan3A_7 = arith.constant 1 : i32
    %scan3A_8 = scf.for %scan3A_165 = %scan3A_4 to %scan3A_6 step %scan3A_7 iter_args(%scan3A_166 = %scan3A) -> (i32)  : i32 {
      %swap3A = arith.index_cast %scan3A_165 : i32 to index
      %swap3A_167 = arith.constant 0 : index
      %swap3A_168 = tpu.vector_load %arg9[%swap3A, %swap3A_167] {strides = array<i32>} : memref<32x128xf32, #tpu.memory_space<vmem>>, vector<1x16xf32>,
      %swap3A_169 = vector.shape_cast %swap3A_168 : vector<1x16xf32> to vector<16xf32>
      %swap3A_170 = vector.shape_cast %broadcast_in_dim3A_3 : vector<16xf32> to vector<1x16xf32>
      tpu.vector_store %arg9[%swap3A, %swap3A_167], %swap3A_170 {strides = array<i32>} : memref<32x128xf32, #tpu.memory_space<vmem>>, vector<1x16xf32>,
      %swap3A_171 = arith.index_cast %scan3A_165 : i32 to index
      %swap3A_172 = arith.constant 16 : index
      %swap3A_173 = tpu.vector_load %arg9[%swap3A_171, %swap3A_172] {strides = array<i32>} : memref<32x128xf32, #tpu.memory_space<vmem>>, vector<1x16xf32>,
      %swap3A_174 = vector.shape_cast %swap3A_173 : vector<1x16xf32> to vector<16xf32>
      %swap3A_175 = vector.shape_cast %broadcast_in_dim3A_3 : vector<16xf32> to vector<1x16xf32>
      tpu.vector_store %arg9[%swap3A_171, %swap3A_172], %swap3A_175 {strides = array<i32>} : memref<32x128xf32, #tpu.memory_space<vmem>>, vector<1x16xf32>,
      %swap3A_176 = arith.index_cast %scan3A_165 : i32 to index
      %swap3A_177 = arith.constant 32 : index
      %swap3A_178 = tpu.vector_load %arg9[%swap3A_176, %swap3A_177] {strides = array<i32>} : memref<32x128xf32, #tpu.memory_space<vmem>>, vector<1x16xf32>,
      %swap3A_179 = vector.shape_cast %swap3A_178 : vector<1x16xf32> to vector<16xf32>
      %swap3A_180 = vector.shape_cast %broadcast_in_dim3A_3 : vector<16xf32> to vector<1x16xf32>
      tpu.vector_store %arg9[%swap3A_176, %swap3A_177], %swap3A_180 {strides = array<i32>} : memref<32x128xf32, #tpu.memory_space<vmem>>, vector<1x16xf32>,
      %swap3A_181 = arith.index_cast %scan3A_165 : i32 to index
      %swap3A_182 = arith.constant 48 : index
      %swap3A_183 = tpu.vector_load %arg9[%swap3A_181, %swap3A_182] {strides = array<i32>} : memref<32x128xf32, #tpu.memory_space<vmem>>, vector<1x16xf32>,
      %swap3A_184 = vector.shape_cast %swap3A_183 : vector<1x16xf32> to vector<16xf32>
      %swap3A_185 = vector.shape_cast %broadcast_in_dim3A_3 : vector<16xf32> to vector<1x16xf32>
      tpu.vector_store %arg9[%swap3A_181, %swap3A_182], %swap3A_185 {strides = array<i32>} : memref<32x128xf32, #tpu.memory_space<vmem>>, vector<1x16xf32>,
      %swap3A_186 = arith.index_cast %scan3A_165 : i32 to index
      %swap3A_187 = arith.constant 64 : index
      %swap3A_188 = tpu.vector_load %arg9[%swap3A_186, %swap3A_187] {strides = array<i32>} : memref<32x128xf32, #tpu.memory_space<vmem>>, vector<1x16xf32>,
      %swap3A_189 = vector.shape_cast %swap3A_188 : vector<1x16xf32> to vector<16xf32>
      %swap3A_190 = vector.shape_cast %broadcast_in_dim3A_3 : vector<16xf32> to vector<1x16xf32>
      tpu.vector_store %arg9[%swap3A_186, %swap3A_187], %swap3A_190 {strides = array<i32>} : memref<32x128xf32, #tpu.memory_space<vmem>>, vector<1x16xf32>,
      %swap3A_191 = arith.index_cast %scan3A_165 : i32 to index
      %swap3A_192 = arith.constant 80 : index
      %swap3A_193 = tpu.vector_load %arg9[%swap3A_191, %swap3A_192] {strides = array<i32>} : memref<32x128xf32, #tpu.memory_space<vmem>>, vector<1x16xf32>,
      %swap3A_194 = vector.shape_cast %swap3A_193 : vector<1x16xf32> to vector<16xf32>
      %swap3A_195 = vector.shape_cast %broadcast_in_dim3A_3 : vector<16xf32> to vector<1x16xf32>
      tpu.vector_store %arg9[%swap3A_191, %swap3A_192], %swap3A_195 {strides = array<i32>} : memref<32x128xf32, #tpu.memory_space<vmem>>, vector<1x16xf32>,
      %swap3A_196 = arith.index_cast %scan3A_165 : i32 to index
      %swap3A_197 = arith.constant 96 : index
      %swap3A_198 = tpu.vector_load %arg9[%swap3A_196, %swap3A_197] {strides = array<i32>} : memref<32x128xf32, #tpu.memory_space<vmem>>, vector<1x16xf32>,
      %swap3A_199 = vector.shape_cast %swap3A_198 : vector<1x16xf32> to vector<16xf32>
      %swap3A_200 = vector.shape_cast %broadcast_in_dim3A_3 : vector<16xf32> to vector<1x16xf32>
      tpu.vector_store %arg9[%swap3A_196, %swap3A_197], %swap3A_200 {strides = array<i32>} : memref<32x128xf32, #tpu.memory_space<vmem>>, vector<1x16xf32>,
      %swap3A_201 = arith.index_cast %scan3A_165 : i32 to index
      %swap3A_202 = arith.constant 112 : index
      %swap3A_203 = tpu.vector_load %arg9[%swap3A_201, %swap3A_202] {strides = array<i32>} : memref<32x128xf32, #tpu.memory_space<vmem>>, vector<1x16xf32>,
      %swap3A_204 = vector.shape_cast %swap3A_203 : vector<1x16xf32> to vector<16xf32>
      %swap3A_205 = vector.shape_cast %broadcast_in_dim3A_3 : vector<16xf32> to vector<1x16xf32>
      tpu.vector_store %arg9[%swap3A_201, %swap3A_202], %swap3A_205 {strides = array<i32>} : memref<32x128xf32, #tpu.memory_space<vmem>>, vector<1x16xf32>,
      %scan3A_206 = arith.constant 0 : i32
      scf.yield %scan3A_206 : i32
    }
    %scan3A_9 = arith.constant 32 : i32
    %mul3A_10 = arith.constant 640 : i32
    %mul3A_11 = arith.muli %arg1, %mul3A_10 : i32
    %add3A_12 = arith.constant 0 : i32
    %add3A_13 = arith.addi %mul3A_11, %add3A_12 : i32
    "tpu.region"() ({
      %run_scoped3A_165 = tpu.sem_alloc : memref<!tpu.dma_semaphore, #tpu.memory_space<semaphore_mem>>
      %dma_start3A_166 = arith.constant 0 : i32
      %dma_start3A_167 = tpu.memref_slice %arg10[%add3A_13, %dma_start3A_166] : memref<10240x128xf32, #tpu.memory_space<vmem_shared>> -> memref<32x128xf32, #tpu.memory_space<vmem_shared>>
      %dma_start3A_168 = arith.constant 0 : i32
      %dma_start3A_169 = tpu.memref_slice %arg10[%add3A_13, %dma_start3A_168] : memref<10240x128xf32, #tpu.memory_space<vmem_shared>> -> memref<32x128xf32, #tpu.memory_space<vmem_shared>>
      tpu.enqueue_dma source(%arg9 : memref<32x128xf32, #tpu.memory_space<vmem>>) target(%dma_start3A_169 : memref<32x128xf32, #tpu.memory_space<vmem_shared>>) target_semaphore(%run_scoped3A_165 : memref<!tpu.dma_semaphore, #tpu.memory_space<semaphore_mem>>)
      %dma_wait3A_170 = arith.constant 0 : i32
      %dma_wait3A_171 = tpu.memref_slice %arg10[%add3A_13, %dma_wait3A_170] : memref<10240x128xf32, #tpu.memory_space<vmem_shared>> -> memref<32x128xf32, #tpu.memory_space<vmem_shared>>
      %dma_wait3A_172 = arith.constant 0 : i32
      %dma_wait3A_173 = tpu.memref_slice %arg10[%add3A_13, %dma_wait3A_172] : memref<10240x128xf32, #tpu.memory_space<vmem_shared>> -> memref<32x128xf32, #tpu.memory_space<vmem_shared>>
      tpu.wait_dma2 semaphore(%run_scoped3A_165 : memref<!tpu.dma_semaphore, #tpu.memory_space<semaphore_mem>>) src(%arg9 : memref<32x128xf32, #tpu.memory_space<vmem>>) dst(%dma_wait3A_173 : memref<32x128xf32, #tpu.memory_space<vmem_shared>>)
      tpu.yield
    }) : () -> ()
    %mul3A_14 = arith.constant 640 : i32
    %mul3A_15 = arith.muli %arg1, %mul3A_14 : i32
    %add3A_16 = arith.constant 32 : i32
    %add3A_17 = arith.addi %mul3A_15, %add3A_16 : i32
    "tpu.region"() ({
      %run_scoped3A_165 = tpu.sem_alloc : memref<!tpu.dma_semaphore, #tpu.memory_space<semaphore_mem>>
      %dma_start3A_166 = arith.constant 0 : i32
      %dma_start3A_167 = tpu.memref_slice %arg10[%add3A_17, %dma_start3A_166] : memref<10240x128xf32, #tpu.memory_space<vmem_shared>> -> memref<32x128xf32, #tpu.memory_space<vmem_shared>>
      %dma_start3A_168 = arith.constant 0 : i32
      %dma_start3A_169 = tpu.memref_slice %arg10[%add3A_17, %dma_start3A_168] : memref<10240x128xf32, #tpu.memory_space<vmem_shared>> -> memref<32x128xf32, #tpu.memory_space<vmem_shared>>
      tpu.enqueue_dma source(%arg9 : memref<32x128xf32, #tpu.memory_space<vmem>>) target(%dma_start3A_169 : memref<32x128xf32, #tpu.memory_space<vmem_shared>>) target_semaphore(%run_scoped3A_165 : memref<!tpu.dma_semaphore, #tpu.memory_space<semaphore_mem>>)
      %dma_wait3A_170 = arith.constant 0 : i32
      %dma_wait3A_171 = tpu.memref_slice %arg10[%add3A_17, %dma_wait3A_170] : memref<10240x128xf32, #tpu.memory_space<vmem_shared>> -> memref<32x128xf32, #tpu.memory_space<vmem_shared>>
      %dma_wait3A_172 = arith.constant 0 : i32
      %dma_wait3A_173 = tpu.memref_slice %arg10[%add3A_17, %dma_wait3A_172] : memref<10240x128xf32, #tpu.memory_space<vmem_shared>> -> memref<32x128xf32, #tpu.memory_space<vmem_shared>>
      tpu.wait_dma2 semaphore(%run_scoped3A_165 : memref<!tpu.dma_semaphore, #tpu.memory_space<semaphore_mem>>) src(%arg9 : memref<32x128xf32, #tpu.memory_space<vmem>>) dst(%dma_wait3A_173 : memref<32x128xf32, #tpu.memory_space<vmem_shared>>)
      tpu.yield
    }) : () -> ()
    %mul3A_18 = arith.constant 640 : i32
    %mul3A_19 = arith.muli %arg1, %mul3A_18 : i32
    %add3A_20 = arith.constant 64 : i32
    %add3A_21 = arith.addi %mul3A_19, %add3A_20 : i32
    "tpu.region"() ({
      %run_scoped3A_165 = tpu.sem_alloc : memref<!tpu.dma_semaphore, #tpu.memory_space<semaphore_mem>>
      %dma_start3A_166 = arith.constant 0 : i32
      %dma_start3A_167 = tpu.memref_slice %arg10[%add3A_21, %dma_start3A_166] : memref<10240x128xf32, #tpu.memory_space<vmem_shared>> -> memref<32x128xf32, #tpu.memory_space<vmem_shared>>
      %dma_start3A_168 = arith.constant 0 : i32
      %dma_start3A_169 = tpu.memref_slice %arg10[%add3A_21, %dma_start3A_168] : memref<10240x128xf32, #tpu.memory_space<vmem_shared>> -> memref<32x128xf32, #tpu.memory_space<vmem_shared>>
      tpu.enqueue_dma source(%arg9 : memref<32x128xf32, #tpu.memory_space<vmem>>) target(%dma_start3A_169 : memref<32x128xf32, #tpu.memory_space<vmem_shared>>) target_semaphore(%run_scoped3A_165 : memref<!tpu.dma_semaphore, #tpu.memory_space<semaphore_mem>>)
      %dma_wait3A_170 = arith.constant 0 : i32
      %dma_wait3A_171 = tpu.memref_slice %arg10[%add3A_21, %dma_wait3A_170] : memref<10240x128xf32, #tpu.memory_space<vmem_shared>> -> memref<32x128xf32, #tpu.memory_space<vmem_shared>>
      %dma_wait3A_172 = arith.constant 0 : i32
      %dma_wait3A_173 = tpu.memref_slice %arg10[%add3A_21, %dma_wait3A_172] : memref<10240x128xf32, #tpu.memory_space<vmem_shared>> -> memref<32x128xf32, #tpu.memory_space<vmem_shared>>
      tpu.wait_dma2 semaphore(%run_scoped3A_165 : memref<!tpu.dma_semaphore, #tpu.memory_space<semaphore_mem>>) src(%arg9 : memref<32x128xf32, #tpu.memory_space<vmem>>) dst(%dma_wait3A_173 : memref<32x128xf32, #tpu.memory_space<vmem_shared>>)
      tpu.yield
    }) : () -> ()
    %mul3A_22 = arith.constant 640 : i32
    %mul3A_23 = arith.muli %arg1, %mul3A_22 : i32
    %add3A_24 = arith.constant 96 : i32
    %add3A_25 = arith.addi %mul3A_23, %add3A_24 : i32
    "tpu.region"() ({
      %run_scoped3A_165 = tpu.sem_alloc : memref<!tpu.dma_semaphore, #tpu.memory_space<semaphore_mem>>
      %dma_start3A_166 = arith.constant 0 : i32
      %dma_start3A_167 = tpu.memref_slice %arg10[%add3A_25, %dma_start3A_166] : memref<10240x128xf32, #tpu.memory_space<vmem_shared>> -> memref<32x128xf32, #tpu.memory_space<vmem_shared>>
      %dma_start3A_168 = arith.constant 0 : i32
      %dma_start3A_169 = tpu.memref_slice %arg10[%add3A_25, %dma_start3A_168] : memref<10240x128xf32, #tpu.memory_space<vmem_shared>> -> memref<32x128xf32, #tpu.memory_space<vmem_shared>>
      tpu.enqueue_dma source(%arg9 : memref<32x128xf32, #tpu.memory_space<vmem>>) target(%dma_start3A_169 : memref<32x128xf32, #tpu.memory_space<vmem_shared>>) target_semaphore(%run_scoped3A_165 : memref<!tpu.dma_semaphore, #tpu.memory_space<semaphore_mem>>)
      %dma_wait3A_170 = arith.constant 0 : i32
      %dma_wait3A_171 = tpu.memref_slice %arg10[%add3A_25, %dma_wait3A_170] : memref<10240x128xf32, #tpu.memory_space<vmem_shared>> -> memref<32x128xf32, #tpu.memory_space<vmem_shared>>
      %dma_wait3A_172 = arith.constant 0 : i32
      %dma_wait3A_173 = tpu.memref_slice %arg10[%add3A_25, %dma_wait3A_172] : memref<10240x128xf32, #tpu.memory_space<vmem_shared>> -> memref<32x128xf32, #tpu.memory_space<vmem_shared>>
      tpu.wait_dma2 semaphore(%run_scoped3A_165 : memref<!tpu.dma_semaphore, #tpu.memory_space<semaphore_mem>>) src(%arg9 : memref<32x128xf32, #tpu.memory_space<vmem>>) dst(%dma_wait3A_173 : memref<32x128xf32, #tpu.memory_space<vmem_shared>>)
      tpu.yield
    }) : () -> ()
    %mul3A_26 = arith.constant 640 : i32
    %mul3A_27 = arith.muli %arg1, %mul3A_26 : i32
    %add3A_28 = arith.constant 128 : i32
    %add3A_29 = arith.addi %mul3A_27, %add3A_28 : i32
    "tpu.region"() ({
      %run_scoped3A_165 = tpu.sem_alloc : memref<!tpu.dma_semaphore, #tpu.memory_space<semaphore_mem>>
      %dma_start3A_166 = arith.constant 0 : i32
      %dma_start3A_167 = tpu.memref_slice %arg10[%add3A_29, %dma_start3A_166] : memref<10240x128xf32, #tpu.memory_space<vmem_shared>> -> memref<32x128xf32, #tpu.memory_space<vmem_shared>>
      %dma_start3A_168 = arith.constant 0 : i32
      %dma_start3A_169 = tpu.memref_slice %arg10[%add3A_29, %dma_start3A_168] : memref<10240x128xf32, #tpu.memory_space<vmem_shared>> -> memref<32x128xf32, #tpu.memory_space<vmem_shared>>
      tpu.enqueue_dma source(%arg9 : memref<32x128xf32, #tpu.memory_space<vmem>>) target(%dma_start3A_169 : memref<32x128xf32, #tpu.memory_space<vmem_shared>>) target_semaphore(%run_scoped3A_165 : memref<!tpu.dma_semaphore, #tpu.memory_space<semaphore_mem>>)
      %dma_wait3A_170 = arith.constant 0 : i32
      %dma_wait3A_171 = tpu.memref_slice %arg10[%add3A_29, %dma_wait3A_170] : memref<10240x128xf32, #tpu.memory_space<vmem_shared>> -> memref<32x128xf32, #tpu.memory_space<vmem_shared>>
      %dma_wait3A_172 = arith.constant 0 : i32
      %dma_wait3A_173 = tpu.memref_slice %arg10[%add3A_29, %dma_wait3A_172] : memref<10240x128xf32, #tpu.memory_space<vmem_shared>> -> memref<32x128xf32, #tpu.memory_space<vmem_shared>>
      tpu.wait_dma2 semaphore(%run_scoped3A_165 : memref<!tpu.dma_semaphore, #tpu.memory_space<semaphore_mem>>) src(%arg9 : memref<32x128xf32, #tpu.memory_space<vmem>>) dst(%dma_wait3A_173 : memref<32x128xf32, #tpu.memory_space<vmem_shared>>)
      tpu.yield
    }) : () -> ()
    %mul3A_30 = arith.constant 640 : i32
    %mul3A_31 = arith.muli %arg1, %mul3A_30 : i32
    %add3A_32 = arith.constant 160 : i32
    %add3A_33 = arith.addi %mul3A_31, %add3A_32 : i32
    "tpu.region"() ({
      %run_scoped3A_165 = tpu.sem_alloc : memref<!tpu.dma_semaphore, #tpu.memory_space<semaphore_mem>>
      %dma_start3A_166 = arith.constant 0 : i32
      %dma_start3A_167 = tpu.memref_slice %arg10[%add3A_33, %dma_start3A_166] : memref<10240x128xf32, #tpu.memory_space<vmem_shared>> -> memref<32x128xf32, #tpu.memory_space<vmem_shared>>
      %dma_start3A_168 = arith.constant 0 : i32
      %dma_start3A_169 = tpu.memref_slice %arg10[%add3A_33, %dma_start3A_168] : memref<10240x128xf32, #tpu.memory_space<vmem_shared>> -> memref<32x128xf32, #tpu.memory_space<vmem_shared>>
      tpu.enqueue_dma source(%arg9 : memref<32x128xf32, #tpu.memory_space<vmem>>) target(%dma_start3A_169 : memref<32x128xf32, #tpu.memory_space<vmem_shared>>) target_semaphore(%run_scoped3A_165 : memref<!tpu.dma_semaphore, #tpu.memory_space<semaphore_mem>>)
      %dma_wait3A_170 = arith.constant 0 : i32
      %dma_wait3A_171 = tpu.memref_slice %arg10[%add3A_33, %dma_wait3A_170] : memref<10240x128xf32, #tpu.memory_space<vmem_shared>> -> memref<32x128xf32, #tpu.memory_space<vmem_shared>>
      %dma_wait3A_172 = arith.constant 0 : i32
      %dma_wait3A_173 = tpu.memref_slice %arg10[%add3A_33, %dma_wait3A_172] : memref<10240x128xf32, #tpu.memory_space<vmem_shared>> -> memref<32x128xf32, #tpu.memory_space<vmem_shared>>
      tpu.wait_dma2 semaphore(%run_scoped3A_165 : memref<!tpu.dma_semaphore, #tpu.memory_space<semaphore_mem>>) src(%arg9 : memref<32x128xf32, #tpu.memory_space<vmem>>) dst(%dma_wait3A_173 : memref<32x128xf32, #tpu.memory_space<vmem_shared>>)
      tpu.yield
    }) : () -> ()
    %mul3A_34 = arith.constant 640 : i32
    %mul3A_35 = arith.muli %arg1, %mul3A_34 : i32
    %add3A_36 = arith.constant 192 : i32
    %add3A_37 = arith.addi %mul3A_35, %add3A_36 : i32
    "tpu.region"() ({
      %run_scoped3A_165 = tpu.sem_alloc : memref<!tpu.dma_semaphore, #tpu.memory_space<semaphore_mem>>
      %dma_start3A_166 = arith.constant 0 : i32
      %dma_start3A_167 = tpu.memref_slice %arg10[%add3A_37, %dma_start3A_166] : memref<10240x128xf32, #tpu.memory_space<vmem_shared>> -> memref<32x128xf32, #tpu.memory_space<vmem_shared>>
      %dma_start3A_168 = arith.constant 0 : i32
      %dma_start3A_169 = tpu.memref_slice %arg10[%add3A_37, %dma_start3A_168] : memref<10240x128xf32, #tpu.memory_space<vmem_shared>> -> memref<32x128xf32, #tpu.memory_space<vmem_shared>>
      tpu.enqueue_dma source(%arg9 : memref<32x128xf32, #tpu.memory_space<vmem>>) target(%dma_start3A_169 : memref<32x128xf32, #tpu.memory_space<vmem_shared>>) target_semaphore(%run_scoped3A_165 : memref<!tpu.dma_semaphore, #tpu.memory_space<semaphore_mem>>)
      %dma_wait3A_170 = arith.constant 0 : i32
      %dma_wait3A_171 = tpu.memref_slice %arg10[%add3A_37, %dma_wait3A_170] : memref<10240x128xf32, #tpu.memory_space<vmem_shared>> -> memref<32x128xf32, #tpu.memory_space<vmem_shared>>
      %dma_wait3A_172 = arith.constant 0 : i32
      %dma_wait3A_173 = tpu.memref_slice %arg10[%add3A_37, %dma_wait3A_172] : memref<10240x128xf32, #tpu.memory_space<vmem_shared>> -> memref<32x128xf32, #tpu.memory_space<vmem_shared>>
      tpu.wait_dma2 semaphore(%run_scoped3A_165 : memref<!tpu.dma_semaphore, #tpu.memory_space<semaphore_mem>>) src(%arg9 : memref<32x128xf32, #tpu.memory_space<vmem>>) dst(%dma_wait3A_173 : memref<32x128xf32, #tpu.memory_space<vmem_shared>>)
      tpu.yield
    }) : () -> ()
    %mul3A_38 = arith.constant 640 : i32
    %mul3A_39 = arith.muli %arg1, %mul3A_38 : i32
    %add3A_40 = arith.constant 224 : i32
    %add3A_41 = arith.addi %mul3A_39, %add3A_40 : i32
    "tpu.region"() ({
      %run_scoped3A_165 = tpu.sem_alloc : memref<!tpu.dma_semaphore, #tpu.memory_space<semaphore_mem>>
      %dma_start3A_166 = arith.constant 0 : i32
      %dma_start3A_167 = tpu.memref_slice %arg10[%add3A_41, %dma_start3A_166] : memref<10240x128xf32, #tpu.memory_space<vmem_shared>> -> memref<32x128xf32, #tpu.memory_space<vmem_shared>>
      %dma_start3A_168 = arith.constant 0 : i32
      %dma_start3A_169 = tpu.memref_slice %arg10[%add3A_41, %dma_start3A_168] : memref<10240x128xf32, #tpu.memory_space<vmem_shared>> -> memref<32x128xf32, #tpu.memory_space<vmem_shared>>
      tpu.enqueue_dma source(%arg9 : memref<32x128xf32, #tpu.memory_space<vmem>>) target(%dma_start3A_169 : memref<32x128xf32, #tpu.memory_space<vmem_shared>>) target_semaphore(%run_scoped3A_165 : memref<!tpu.dma_semaphore, #tpu.memory_space<semaphore_mem>>)
      %dma_wait3A_170 = arith.constant 0 : i32
      %dma_wait3A_171 = tpu.memref_slice %arg10[%add3A_41, %dma_wait3A_170] : memref<10240x128xf32, #tpu.memory_space<vmem_shared>> -> memref<32x128xf32, #tpu.memory_space<vmem_shared>>
      %dma_wait3A_172 = arith.constant 0 : i32
      %dma_wait3A_173 = tpu.memref_slice %arg10[%add3A_41, %dma_wait3A_172] : memref<10240x128xf32, #tpu.memory_space<vmem_shared>> -> memref<32x128xf32, #tpu.memory_space<vmem_shared>>
      tpu.wait_dma2 semaphore(%run_scoped3A_165 : memref<!tpu.dma_semaphore, #tpu.memory_space<semaphore_mem>>) src(%arg9 : memref<32x128xf32, #tpu.memory_space<vmem>>) dst(%dma_wait3A_173 : memref<32x128xf32, #tpu.memory_space<vmem_shared>>)
      tpu.yield
    }) : () -> ()
    %mul3A_42 = arith.constant 640 : i32
    %mul3A_43 = arith.muli %arg1, %mul3A_42 : i32
    %add3A_44 = arith.constant 256 : i32
    %add3A_45 = arith.addi %mul3A_43, %add3A_44 : i32
    "tpu.region"() ({
      %run_scoped3A_165 = tpu.sem_alloc : memref<!tpu.dma_semaphore, #tpu.memory_space<semaphore_mem>>
      %dma_start3A_166 = arith.constant 0 : i32
      %dma_start3A_167 = tpu.memref_slice %arg10[%add3A_45, %dma_start3A_166] : memref<10240x128xf32, #tpu.memory_space<vmem_shared>> -> memref<32x128xf32, #tpu.memory_space<vmem_shared>>
      %dma_start3A_168 = arith.constant 0 : i32
      %dma_start3A_169 = tpu.memref_slice %arg10[%add3A_45, %dma_start3A_168] : memref<10240x128xf32, #tpu.memory_space<vmem_shared>> -> memref<32x128xf32, #tpu.memory_space<vmem_shared>>
      tpu.enqueue_dma source(%arg9 : memref<32x128xf32, #tpu.memory_space<vmem>>) target(%dma_start3A_169 : memref<32x128xf32, #tpu.memory_space<vmem_shared>>) target_semaphore(%run_scoped3A_165 : memref<!tpu.dma_semaphore, #tpu.memory_space<semaphore_mem>>)
      %dma_wait3A_170 = arith.constant 0 : i32
      %dma_wait3A_171 = tpu.memref_slice %arg10[%add3A_45, %dma_wait3A_170] : memref<10240x128xf32, #tpu.memory_space<vmem_shared>> -> memref<32x128xf32, #tpu.memory_space<vmem_shared>>
      %dma_wait3A_172 = arith.constant 0 : i32
      %dma_wait3A_173 = tpu.memref_slice %arg10[%add3A_45, %dma_wait3A_172] : memref<10240x128xf32, #tpu.memory_space<vmem_shared>> -> memref<32x128xf32, #tpu.memory_space<vmem_shared>>
      tpu.wait_dma2 semaphore(%run_scoped3A_165 : memref<!tpu.dma_semaphore, #tpu.memory_space<semaphore_mem>>) src(%arg9 : memref<32x128xf32, #tpu.memory_space<vmem>>) dst(%dma_wait3A_173 : memref<32x128xf32, #tpu.memory_space<vmem_shared>>)
      tpu.yield
    }) : () -> ()
    %mul3A_46 = arith.constant 640 : i32
    %mul3A_47 = arith.muli %arg1, %mul3A_46 : i32
    %add3A_48 = arith.constant 288 : i32
    %add3A_49 = arith.addi %mul3A_47, %add3A_48 : i32
    "tpu.region"() ({
      %run_scoped3A_165 = tpu.sem_alloc : memref<!tpu.dma_semaphore, #tpu.memory_space<semaphore_mem>>
      %dma_start3A_166 = arith.constant 0 : i32
      %dma_start3A_167 = tpu.memref_slice %arg10[%add3A_49, %dma_start3A_166] : memref<10240x128xf32, #tpu.memory_space<vmem_shared>> -> memref<32x128xf32, #tpu.memory_space<vmem_shared>>
      %dma_start3A_168 = arith.constant 0 : i32
      %dma_start3A_169 = tpu.memref_slice %arg10[%add3A_49, %dma_start3A_168] : memref<10240x128xf32, #tpu.memory_space<vmem_shared>> -> memref<32x128xf32, #tpu.memory_space<vmem_shared>>
      tpu.enqueue_dma source(%arg9 : memref<32x128xf32, #tpu.memory_space<vmem>>) target(%dma_start3A_169 : memref<32x128xf32, #tpu.memory_space<vmem_shared>>) target_semaphore(%run_scoped3A_165 : memref<!tpu.dma_semaphore, #tpu.memory_space<semaphore_mem>>)
      %dma_wait3A_170 = arith.constant 0 : i32
      %dma_wait3A_171 = tpu.memref_slice %arg10[%add3A_49, %dma_wait3A_170] : memref<10240x128xf32, #tpu.memory_space<vmem_shared>> -> memref<32x128xf32, #tpu.memory_space<vmem_shared>>
      %dma_wait3A_172 = arith.constant 0 : i32
      %dma_wait3A_173 = tpu.memref_slice %arg10[%add3A_49, %dma_wait3A_172] : memref<10240x128xf32, #tpu.memory_space<vmem_shared>> -> memref<32x128xf32, #tpu.memory_space<vmem_shared>>
      tpu.wait_dma2 semaphore(%run_scoped3A_165 : memref<!tpu.dma_semaphore, #tpu.memory_space<semaphore_mem>>) src(%arg9 : memref<32x128xf32, #tpu.memory_space<vmem>>) dst(%dma_wait3A_173 : memref<32x128xf32, #tpu.memory_space<vmem_shared>>)
      tpu.yield
    }) : () -> ()
    %mul3A_50 = arith.constant 640 : i32
    %mul3A_51 = arith.muli %arg1, %mul3A_50 : i32
    %add3A_52 = arith.constant 320 : i32
    %add3A_53 = arith.addi %mul3A_51, %add3A_52 : i32
    "tpu.region"() ({
      %run_scoped3A_165 = tpu.sem_alloc : memref<!tpu.dma_semaphore, #tpu.memory_space<semaphore_mem>>
      %dma_start3A_166 = arith.constant 0 : i32
      %dma_start3A_167 = tpu.memref_slice %arg10[%add3A_53, %dma_start3A_166] : memref<10240x128xf32, #tpu.memory_space<vmem_shared>> -> memref<32x128xf32, #tpu.memory_space<vmem_shared>>
      %dma_start3A_168 = arith.constant 0 : i32
      %dma_start3A_169 = tpu.memref_slice %arg10[%add3A_53, %dma_start3A_168] : memref<10240x128xf32, #tpu.memory_space<vmem_shared>> -> memref<32x128xf32, #tpu.memory_space<vmem_shared>>
      tpu.enqueue_dma source(%arg9 : memref<32x128xf32, #tpu.memory_space<vmem>>) target(%dma_start3A_169 : memref<32x128xf32, #tpu.memory_space<vmem_shared>>) target_semaphore(%run_scoped3A_165 : memref<!tpu.dma_semaphore, #tpu.memory_space<semaphore_mem>>)
      %dma_wait3A_170 = arith.constant 0 : i32
      %dma_wait3A_171 = tpu.memref_slice %arg10[%add3A_53, %dma_wait3A_170] : memref<10240x128xf32, #tpu.memory_space<vmem_shared>> -> memref<32x128xf32, #tpu.memory_space<vmem_shared>>
      %dma_wait3A_172 = arith.constant 0 : i32
      %dma_wait3A_173 = tpu.memref_slice %arg10[%add3A_53, %dma_wait3A_172] : memref<10240x128xf32, #tpu.memory_space<vmem_shared>> -> memref<32x128xf32, #tpu.memory_space<vmem_shared>>
      tpu.wait_dma2 semaphore(%run_scoped3A_165 : memref<!tpu.dma_semaphore, #tpu.memory_space<semaphore_mem>>) src(%arg9 : memref<32x128xf32, #tpu.memory_space<vmem>>) dst(%dma_wait3A_173 : memref<32x128xf32, #tpu.memory_space<vmem_shared>>)
      tpu.yield
    }) : () -> ()
    %mul3A_54 = arith.constant 640 : i32
    %mul3A_55 = arith.muli %arg1, %mul3A_54 : i32
    %add3A_56 = arith.constant 352 : i32
    %add3A_57 = arith.addi %mul3A_55, %add3A_56 : i32
    "tpu.region"() ({
      %run_scoped3A_165 = tpu.sem_alloc : memref<!tpu.dma_semaphore, #tpu.memory_space<semaphore_mem>>
      %dma_start3A_166 = arith.constant 0 : i32
      %dma_start3A_167 = tpu.memref_slice %arg10[%add3A_57, %dma_start3A_166] : memref<10240x128xf32, #tpu.memory_space<vmem_shared>> -> memref<32x128xf32, #tpu.memory_space<vmem_shared>>
      %dma_start3A_168 = arith.constant 0 : i32
      %dma_start3A_169 = tpu.memref_slice %arg10[%add3A_57, %dma_start3A_168] : memref<10240x128xf32, #tpu.memory_space<vmem_shared>> -> memref<32x128xf32, #tpu.memory_space<vmem_shared>>
      tpu.enqueue_dma source(%arg9 : memref<32x128xf32, #tpu.memory_space<vmem>>) target(%dma_start3A_169 : memref<32x128xf32, #tpu.memory_space<vmem_shared>>) target_semaphore(%run_scoped3A_165 : memref<!tpu.dma_semaphore, #tpu.memory_space<semaphore_mem>>)
      %dma_wait3A_170 = arith.constant 0 : i32
      %dma_wait3A_171 = tpu.memref_slice %arg10[%add3A_57, %dma_wait3A_170] : memref<10240x128xf32, #tpu.memory_space<vmem_shared>> -> memref<32x128xf32, #tpu.memory_space<vmem_shared>>
      %dma_wait3A_172 = arith.constant 0 : i32
      %dma_wait3A_173 = tpu.memref_slice %arg10[%add3A_57, %dma_wait3A_172] : memref<10240x128xf32, #tpu.memory_space<vmem_shared>> -> memref<32x128xf32, #tpu.memory_space<vmem_shared>>
      tpu.wait_dma2 semaphore(%run_scoped3A_165 : memref<!tpu.dma_semaphore, #tpu.memory_space<semaphore_mem>>) src(%arg9 : memref<32x128xf32, #tpu.memory_space<vmem>>) dst(%dma_wait3A_173 : memref<32x128xf32, #tpu.memory_space<vmem_shared>>)
      tpu.yield
    }) : () -> ()
    %mul3A_58 = arith.constant 640 : i32
    %mul3A_59 = arith.muli %arg1, %mul3A_58 : i32
    %add3A_60 = arith.constant 384 : i32
    %add3A_61 = arith.addi %mul3A_59, %add3A_60 : i32
    "tpu.region"() ({
      %run_scoped3A_165 = tpu.sem_alloc : memref<!tpu.dma_semaphore, #tpu.memory_space<semaphore_mem>>
      %dma_start3A_166 = arith.constant 0 : i32
      %dma_start3A_167 = tpu.memref_slice %arg10[%add3A_61, %dma_start3A_166] : memref<10240x128xf32, #tpu.memory_space<vmem_shared>> -> memref<32x128xf32, #tpu.memory_space<vmem_shared>>
      %dma_start3A_168 = arith.constant 0 : i32
      %dma_start3A_169 = tpu.memref_slice %arg10[%add3A_61, %dma_start3A_168] : memref<10240x128xf32, #tpu.memory_space<vmem_shared>> -> memref<32x128xf32, #tpu.memory_space<vmem_shared>>
      tpu.enqueue_dma source(%arg9 : memref<32x128xf32, #tpu.memory_space<vmem>>) target(%dma_start3A_169 : memref<32x128xf32, #tpu.memory_space<vmem_shared>>) target_semaphore(%run_scoped3A_165 : memref<!tpu.dma_semaphore, #tpu.memory_space<semaphore_mem>>)
      %dma_wait3A_170 = arith.constant 0 : i32
      %dma_wait3A_171 = tpu.memref_slice %arg10[%add3A_61, %dma_wait3A_170] : memref<10240x128xf32, #tpu.memory_space<vmem_shared>> -> memref<32x128xf32, #tpu.memory_space<vmem_shared>>
      %dma_wait3A_172 = arith.constant 0 : i32
      %dma_wait3A_173 = tpu.memref_slice %arg10[%add3A_61, %dma_wait3A_172] : memref<10240x128xf32, #tpu.memory_space<vmem_shared>> -> memref<32x128xf32, #tpu.memory_space<vmem_shared>>
      tpu.wait_dma2 semaphore(%run_scoped3A_165 : memref<!tpu.dma_semaphore, #tpu.memory_space<semaphore_mem>>) src(%arg9 : memref<32x128xf32, #tpu.memory_space<vmem>>) dst(%dma_wait3A_173 : memref<32x128xf32, #tpu.memory_space<vmem_shared>>)
      tpu.yield
    }) : () -> ()
    %mul3A_62 = arith.constant 640 : i32
    %mul3A_63 = arith.muli %arg1, %mul3A_62 : i32
    %add3A_64 = arith.constant 416 : i32
    %add3A_65 = arith.addi %mul3A_63, %add3A_64 : i32
    "tpu.region"() ({
      %run_scoped3A_165 = tpu.sem_alloc : memref<!tpu.dma_semaphore, #tpu.memory_space<semaphore_mem>>
      %dma_start3A_166 = arith.constant 0 : i32
      %dma_start3A_167 = tpu.memref_slice %arg10[%add3A_65, %dma_start3A_166] : memref<10240x128xf32, #tpu.memory_space<vmem_shared>> -> memref<32x128xf32, #tpu.memory_space<vmem_shared>>
      %dma_start3A_168 = arith.constant 0 : i32
      %dma_start3A_169 = tpu.memref_slice %arg10[%add3A_65, %dma_start3A_168] : memref<10240x128xf32, #tpu.memory_space<vmem_shared>> -> memref<32x128xf32, #tpu.memory_space<vmem_shared>>
      tpu.enqueue_dma source(%arg9 : memref<32x128xf32, #tpu.memory_space<vmem>>) target(%dma_start3A_169 : memref<32x128xf32, #tpu.memory_space<vmem_shared>>) target_semaphore(%run_scoped3A_165 : memref<!tpu.dma_semaphore, #tpu.memory_space<semaphore_mem>>)
      %dma_wait3A_170 = arith.constant 0 : i32
      %dma_wait3A_171 = tpu.memref_slice %arg10[%add3A_65, %dma_wait3A_170] : memref<10240x128xf32, #tpu.memory_space<vmem_shared>> -> memref<32x128xf32, #tpu.memory_space<vmem_shared>>
      %dma_wait3A_172 = arith.constant 0 : i32
      %dma_wait3A_173 = tpu.memref_slice %arg10[%add3A_65, %dma_wait3A_172] : memref<10240x128xf32, #tpu.memory_space<vmem_shared>> -> memref<32x128xf32, #tpu.memory_space<vmem_shared>>
      tpu.wait_dma2 semaphore(%run_scoped3A_165 : memref<!tpu.dma_semaphore, #tpu.memory_space<semaphore_mem>>) src(%arg9 : memref<32x128xf32, #tpu.memory_space<vmem>>) dst(%dma_wait3A_173 : memref<32x128xf32, #tpu.memory_space<vmem_shared>>)
      tpu.yield
    }) : () -> ()
    %mul3A_66 = arith.constant 640 : i32
    %mul3A_67 = arith.muli %arg1, %mul3A_66 : i32
    %add3A_68 = arith.constant 448 : i32
    %add3A_69 = arith.addi %mul3A_67, %add3A_68 : i32
    "tpu.region"() ({
      %run_scoped3A_165 = tpu.sem_alloc : memref<!tpu.dma_semaphore, #tpu.memory_space<semaphore_mem>>
      %dma_start3A_166 = arith.constant 0 : i32
      %dma_start3A_167 = tpu.memref_slice %arg10[%add3A_69, %dma_start3A_166] : memref<10240x128xf32, #tpu.memory_space<vmem_shared>> -> memref<32x128xf32, #tpu.memory_space<vmem_shared>>
      %dma_start3A_168 = arith.constant 0 : i32
      %dma_start3A_169 = tpu.memref_slice %arg10[%add3A_69, %dma_start3A_168] : memref<10240x128xf32, #tpu.memory_space<vmem_shared>> -> memref<32x128xf32, #tpu.memory_space<vmem_shared>>
      tpu.enqueue_dma source(%arg9 : memref<32x128xf32, #tpu.memory_space<vmem>>) target(%dma_start3A_169 : memref<32x128xf32, #tpu.memory_space<vmem_shared>>) target_semaphore(%run_scoped3A_165 : memref<!tpu.dma_semaphore, #tpu.memory_space<semaphore_mem>>)
      %dma_wait3A_170 = arith.constant 0 : i32
      %dma_wait3A_171 = tpu.memref_slice %arg10[%add3A_69, %dma_wait3A_170] : memref<10240x128xf32, #tpu.memory_space<vmem_shared>> -> memref<32x128xf32, #tpu.memory_space<vmem_shared>>
      %dma_wait3A_172 = arith.constant 0 : i32
      %dma_wait3A_173 = tpu.memref_slice %arg10[%add3A_69, %dma_wait3A_172] : memref<10240x128xf32, #tpu.memory_space<vmem_shared>> -> memref<32x128xf32, #tpu.memory_space<vmem_shared>>
      tpu.wait_dma2 semaphore(%run_scoped3A_165 : memref<!tpu.dma_semaphore, #tpu.memory_space<semaphore_mem>>) src(%arg9 : memref<32x128xf32, #tpu.memory_space<vmem>>) dst(%dma_wait3A_173 : memref<32x128xf32, #tpu.memory_space<vmem_shared>>)
      tpu.yield
    }) : () -> ()
    %mul3A_70 = arith.constant 640 : i32
    %mul3A_71 = arith.muli %arg1, %mul3A_70 : i32
    %add3A_72 = arith.constant 480 : i32
    %add3A_73 = arith.addi %mul3A_71, %add3A_72 : i32
    "tpu.region"() ({
      %run_scoped3A_165 = tpu.sem_alloc : memref<!tpu.dma_semaphore, #tpu.memory_space<semaphore_mem>>
      %dma_start3A_166 = arith.constant 0 : i32
      %dma_start3A_167 = tpu.memref_slice %arg10[%add3A_73, %dma_start3A_166] : memref<10240x128xf32, #tpu.memory_space<vmem_shared>> -> memref<32x128xf32, #tpu.memory_space<vmem_shared>>
      %dma_start3A_168 = arith.constant 0 : i32
      %dma_start3A_169 = tpu.memref_slice %arg10[%add3A_73, %dma_start3A_168] : memref<10240x128xf32, #tpu.memory_space<vmem_shared>> -> memref<32x128xf32, #tpu.memory_space<vmem_shared>>
      tpu.enqueue_dma source(%arg9 : memref<32x128xf32, #tpu.memory_space<vmem>>) target(%dma_start3A_169 : memref<32x128xf32, #tpu.memory_space<vmem_shared>>) target_semaphore(%run_scoped3A_165 : memref<!tpu.dma_semaphore, #tpu.memory_space<semaphore_mem>>)
      %dma_wait3A_170 = arith.constant 0 : i32
      %dma_wait3A_171 = tpu.memref_slice %arg10[%add3A_73, %dma_wait3A_170] : memref<10240x128xf32, #tpu.memory_space<vmem_shared>> -> memref<32x128xf32, #tpu.memory_space<vmem_shared>>
      %dma_wait3A_172 = arith.constant 0 : i32
      %dma_wait3A_173 = tpu.memref_slice %arg10[%add3A_73, %dma_wait3A_172] : memref<10240x128xf32, #tpu.memory_space<vmem_shared>> -> memref<32x128xf32, #tpu.memory_space<vmem_shared>>
      tpu.wait_dma2 semaphore(%run_scoped3A_165 : memref<!tpu.dma_semaphore, #tpu.memory_space<semaphore_mem>>) src(%arg9 : memref<32x128xf32, #tpu.memory_space<vmem>>) dst(%dma_wait3A_173 : memref<32x128xf32, #tpu.memory_space<vmem_shared>>)
      tpu.yield
    }) : () -> ()
    %mul3A_74 = arith.constant 640 : i32
    %mul3A_75 = arith.muli %arg1, %mul3A_74 : i32
    %add3A_76 = arith.constant 512 : i32
    %add3A_77 = arith.addi %mul3A_75, %add3A_76 : i32
    "tpu.region"() ({
      %run_scoped3A_165 = tpu.sem_alloc : memref<!tpu.dma_semaphore, #tpu.memory_space<semaphore_mem>>
      %dma_start3A_166 = arith.constant 0 : i32
      %dma_start3A_167 = tpu.memref_slice %arg10[%add3A_77, %dma_start3A_166] : memref<10240x128xf32, #tpu.memory_space<vmem_shared>> -> memref<32x128xf32, #tpu.memory_space<vmem_shared>>
      %dma_start3A_168 = arith.constant 0 : i32
      %dma_start3A_169 = tpu.memref_slice %arg10[%add3A_77, %dma_start3A_168] : memref<10240x128xf32, #tpu.memory_space<vmem_shared>> -> memref<32x128xf32, #tpu.memory_space<vmem_shared>>
      tpu.enqueue_dma source(%arg9 : memref<32x128xf32, #tpu.memory_space<vmem>>) target(%dma_start3A_169 : memref<32x128xf32, #tpu.memory_space<vmem_shared>>) target_semaphore(%run_scoped3A_165 : memref<!tpu.dma_semaphore, #tpu.memory_space<semaphore_mem>>)
      %dma_wait3A_170 = arith.constant 0 : i32
      %dma_wait3A_171 = tpu.memref_slice %arg10[%add3A_77, %dma_wait3A_170] : memref<10240x128xf32, #tpu.memory_space<vmem_shared>> -> memref<32x128xf32, #tpu.memory_space<vmem_shared>>
      %dma_wait3A_172 = arith.constant 0 : i32
      %dma_wait3A_173 = tpu.memref_slice %arg10[%add3A_77, %dma_wait3A_172] : memref<10240x128xf32, #tpu.memory_space<vmem_shared>> -> memref<32x128xf32, #tpu.memory_space<vmem_shared>>
      tpu.wait_dma2 semaphore(%run_scoped3A_165 : memref<!tpu.dma_semaphore, #tpu.memory_space<semaphore_mem>>) src(%arg9 : memref<32x128xf32, #tpu.memory_space<vmem>>) dst(%dma_wait3A_173 : memref<32x128xf32, #tpu.memory_space<vmem_shared>>)
      tpu.yield
    }) : () -> ()
    %mul3A_78 = arith.constant 640 : i32
    %mul3A_79 = arith.muli %arg1, %mul3A_78 : i32
    %add3A_80 = arith.constant 544 : i32
    %add3A_81 = arith.addi %mul3A_79, %add3A_80 : i32
    "tpu.region"() ({
      %run_scoped3A_165 = tpu.sem_alloc : memref<!tpu.dma_semaphore, #tpu.memory_space<semaphore_mem>>
      %dma_start3A_166 = arith.constant 0 : i32
      %dma_start3A_167 = tpu.memref_slice %arg10[%add3A_81, %dma_start3A_166] : memref<10240x128xf32, #tpu.memory_space<vmem_shared>> -> memref<32x128xf32, #tpu.memory_space<vmem_shared>>
      %dma_start3A_168 = arith.constant 0 : i32
      %dma_start3A_169 = tpu.memref_slice %arg10[%add3A_81, %dma_start3A_168] : memref<10240x128xf32, #tpu.memory_space<vmem_shared>> -> memref<32x128xf32, #tpu.memory_space<vmem_shared>>
      tpu.enqueue_dma source(%arg9 : memref<32x128xf32, #tpu.memory_space<vmem>>) target(%dma_start3A_169 : memref<32x128xf32, #tpu.memory_space<vmem_shared>>) target_semaphore(%run_scoped3A_165 : memref<!tpu.dma_semaphore, #tpu.memory_space<semaphore_mem>>)
      %dma_wait3A_170 = arith.constant 0 : i32
      %dma_wait3A_171 = tpu.memref_slice %arg10[%add3A_81, %dma_wait3A_170] : memref<10240x128xf32, #tpu.memory_space<vmem_shared>> -> memref<32x128xf32, #tpu.memory_space<vmem_shared>>
      %dma_wait3A_172 = arith.constant 0 : i32
      %dma_wait3A_173 = tpu.memref_slice %arg10[%add3A_81, %dma_wait3A_172] : memref<10240x128xf32, #tpu.memory_space<vmem_shared>> -> memref<32x128xf32, #tpu.memory_space<vmem_shared>>
      tpu.wait_dma2 semaphore(%run_scoped3A_165 : memref<!tpu.dma_semaphore, #tpu.memory_space<semaphore_mem>>) src(%arg9 : memref<32x128xf32, #tpu.memory_space<vmem>>) dst(%dma_wait3A_173 : memref<32x128xf32, #tpu.memory_space<vmem_shared>>)
      tpu.yield
    }) : () -> ()
    %mul3A_82 = arith.constant 640 : i32
    %mul3A_83 = arith.muli %arg1, %mul3A_82 : i32
    %add3A_84 = arith.constant 576 : i32
    %add3A_85 = arith.addi %mul3A_83, %add3A_84 : i32
    "tpu.region"() ({
      %run_scoped3A_165 = tpu.sem_alloc : memref<!tpu.dma_semaphore, #tpu.memory_space<semaphore_mem>>
      %dma_start3A_166 = arith.constant 0 : i32
      %dma_start3A_167 = tpu.memref_slice %arg10[%add3A_85, %dma_start3A_166] : memref<10240x128xf32, #tpu.memory_space<vmem_shared>> -> memref<32x128xf32, #tpu.memory_space<vmem_shared>>
      %dma_start3A_168 = arith.constant 0 : i32
      %dma_start3A_169 = tpu.memref_slice %arg10[%add3A_85, %dma_start3A_168] : memref<10240x128xf32, #tpu.memory_space<vmem_shared>> -> memref<32x128xf32, #tpu.memory_space<vmem_shared>>
      tpu.enqueue_dma source(%arg9 : memref<32x128xf32, #tpu.memory_space<vmem>>) target(%dma_start3A_169 : memref<32x128xf32, #tpu.memory_space<vmem_shared>>) target_semaphore(%run_scoped3A_165 : memref<!tpu.dma_semaphore, #tpu.memory_space<semaphore_mem>>)
      %dma_wait3A_170 = arith.constant 0 : i32
      %dma_wait3A_171 = tpu.memref_slice %arg10[%add3A_85, %dma_wait3A_170] : memref<10240x128xf32, #tpu.memory_space<vmem_shared>> -> memref<32x128xf32, #tpu.memory_space<vmem_shared>>
      %dma_wait3A_172 = arith.constant 0 : i32
      %dma_wait3A_173 = tpu.memref_slice %arg10[%add3A_85, %dma_wait3A_172] : memref<10240x128xf32, #tpu.memory_space<vmem_shared>> -> memref<32x128xf32, #tpu.memory_space<vmem_shared>>
      tpu.wait_dma2 semaphore(%run_scoped3A_165 : memref<!tpu.dma_semaphore, #tpu.memory_space<semaphore_mem>>) src(%arg9 : memref<32x128xf32, #tpu.memory_space<vmem>>) dst(%dma_wait3A_173 : memref<32x128xf32, #tpu.memory_space<vmem_shared>>)
      tpu.yield
    }) : () -> ()
    %mul3A_86 = arith.constant 640 : i32
    %mul3A_87 = arith.muli %arg1, %mul3A_86 : i32
    %add3A_88 = arith.constant 608 : i32
    %add3A_89 = arith.addi %mul3A_87, %add3A_88 : i32
    "tpu.region"() ({
      %run_scoped3A_165 = tpu.sem_alloc : memref<!tpu.dma_semaphore, #tpu.memory_space<semaphore_mem>>
      %dma_start3A_166 = arith.constant 0 : i32
      %dma_start3A_167 = tpu.memref_slice %arg10[%add3A_89, %dma_start3A_166] : memref<10240x128xf32, #tpu.memory_space<vmem_shared>> -> memref<32x128xf32, #tpu.memory_space<vmem_shared>>
      %dma_start3A_168 = arith.constant 0 : i32
      %dma_start3A_169 = tpu.memref_slice %arg10[%add3A_89, %dma_start3A_168] : memref<10240x128xf32, #tpu.memory_space<vmem_shared>> -> memref<32x128xf32, #tpu.memory_space<vmem_shared>>
      tpu.enqueue_dma source(%arg9 : memref<32x128xf32, #tpu.memory_space<vmem>>) target(%dma_start3A_169 : memref<32x128xf32, #tpu.memory_space<vmem_shared>>) target_semaphore(%run_scoped3A_165 : memref<!tpu.dma_semaphore, #tpu.memory_space<semaphore_mem>>)
      %dma_wait3A_170 = arith.constant 0 : i32
      %dma_wait3A_171 = tpu.memref_slice %arg10[%add3A_89, %dma_wait3A_170] : memref<10240x128xf32, #tpu.memory_space<vmem_shared>> -> memref<32x128xf32, #tpu.memory_space<vmem_shared>>
      %dma_wait3A_172 = arith.constant 0 : i32
      %dma_wait3A_173 = tpu.memref_slice %arg10[%add3A_89, %dma_wait3A_172] : memref<10240x128xf32, #tpu.memory_space<vmem_shared>> -> memref<32x128xf32, #tpu.memory_space<vmem_shared>>
      tpu.wait_dma2 semaphore(%run_scoped3A_165 : memref<!tpu.dma_semaphore, #tpu.memory_space<semaphore_mem>>) src(%arg9 : memref<32x128xf32, #tpu.memory_space<vmem>>) dst(%dma_wait3A_173 : memref<32x128xf32, #tpu.memory_space<vmem_shared>>)
      tpu.yield
    }) : () -> ()
    %add3A_90 = arith.constant 0 : i32
    %add3A_91 = arith.addi %mul3A_2, %add3A_90 : i32
    %run_scoped3A = arith.constant 0 : i32
    "tpu.region"() ({
      %run_scoped3A_165 = tpu.sem_alloc : memref<!tpu.dma_semaphore, #tpu.memory_space<semaphore_mem>>
      %dma_start3A_166 = arith.constant 0 : i32
      %dma_start3A_167 = tpu.memref_slice %arg7[%run_scoped3A, %dma_start3A_166] : memref<6x80xi32, #tpu.memory_space<vmem>> -> memref<1x80xi32, #tpu.memory_space<vmem>>
      %dma_start3A_168 = tpu.memref_squeeze %dma_start3A_167 : memref<1x80xi32, #tpu.memory_space<vmem>> -> memref<80xi32, #tpu.memory_space<vmem>>
      %dma_start3A_169 = tpu.memref_slice %arg3[%add3A_91] : memref<320000xi32, #tpu.memory_space<hbm>> -> memref<80xi32, #tpu.memory_space<hbm>>
      %dma_start3A_170 = arith.constant 0 : i32
      %dma_start3A_171 = tpu.memref_slice %arg7[%run_scoped3A, %dma_start3A_170] : memref<6x80xi32, #tpu.memory_space<vmem>> -> memref<1x80xi32, #tpu.memory_space<vmem>>
      %dma_start3A_172 = tpu.memref_squeeze %dma_start3A_171 : memref<1x80xi32, #tpu.memory_space<vmem>> -> memref<80xi32, #tpu.memory_space<vmem>>
      %dma_start3A_173 = tpu.memref_slice %arg3[%add3A_91] : memref<320000xi32, #tpu.memory_space<hbm>> -> memref<80xi32, #tpu.memory_space<hbm>>
      tpu.enqueue_dma source(%dma_start3A_173 : memref<80xi32, #tpu.memory_space<hbm>>) target(%dma_start3A_172 : memref<80xi32, #tpu.memory_space<vmem>>) target_semaphore(%run_scoped3A_165 : memref<!tpu.dma_semaphore, #tpu.memory_space<semaphore_mem>>)
      %dma_wait3A_174 = arith.constant 0 : i32
      %dma_wait3A_175 = tpu.memref_slice %arg7[%run_scoped3A, %dma_wait3A_174] : memref<6x80xi32, #tpu.memory_space<vmem>> -> memref<1x80xi32, #tpu.memory_space<vmem>>
      %dma_wait3A_176 = tpu.memref_squeeze %dma_wait3A_175 : memref<1x80xi32, #tpu.memory_space<vmem>> -> memref<80xi32, #tpu.memory_space<vmem>>
      %dma_wait3A_177 = tpu.memref_slice %arg3[%add3A_91] : memref<320000xi32, #tpu.memory_space<hbm>> -> memref<80xi32, #tpu.memory_space<hbm>>
      %dma_wait3A_178 = arith.constant 0 : i32
      %dma_wait3A_179 = tpu.memref_slice %arg7[%run_scoped3A, %dma_wait3A_178] : memref<6x80xi32, #tpu.memory_space<vmem>> -> memref<1x80xi32, #tpu.memory_space<vmem>>
      %dma_wait3A_180 = tpu.memref_squeeze %dma_wait3A_179 : memref<1x80xi32, #tpu.memory_space<vmem>> -> memref<80xi32, #tpu.memory_space<vmem>>
      %dma_wait3A_181 = tpu.memref_slice %arg3[%add3A_91] : memref<320000xi32, #tpu.memory_space<hbm>> -> memref<80xi32, #tpu.memory_space<hbm>>
      tpu.wait_dma2 semaphore(%run_scoped3A_165 : memref<!tpu.dma_semaphore, #tpu.memory_space<semaphore_mem>>) src(%dma_wait3A_181 : memref<80xi32, #tpu.memory_space<hbm>>) dst(%dma_wait3A_180 : memref<80xi32, #tpu.memory_space<vmem>>)
      tpu.yield
    }) : () -> ()
    %add3A_92 = arith.constant 0 : i32
    %add3A_93 = arith.addi %mul3A_2, %add3A_92 : i32
    %run_scoped3A_94 = arith.constant 0 : i32
    "tpu.region"() ({
      %run_scoped3A_165 = tpu.sem_alloc : memref<!tpu.dma_semaphore, #tpu.memory_space<semaphore_mem>>
      %dma_start3A_166 = arith.constant 0 : i32
      %dma_start3A_167 = tpu.memref_slice %arg6[%run_scoped3A_94, %dma_start3A_166] : memref<6x80xi32, #tpu.memory_space<vmem>> -> memref<1x80xi32, #tpu.memory_space<vmem>>
      %dma_start3A_168 = tpu.memref_squeeze %dma_start3A_167 : memref<1x80xi32, #tpu.memory_space<vmem>> -> memref<80xi32, #tpu.memory_space<vmem>>
      %dma_start3A_169 = tpu.memref_slice %arg2[%add3A_93] : memref<320000xi32, #tpu.memory_space<hbm>> -> memref<80xi32, #tpu.memory_space<hbm>>
      %dma_start3A_170 = arith.constant 0 : i32
      %dma_start3A_171 = tpu.memref_slice %arg6[%run_scoped3A_94, %dma_start3A_170] : memref<6x80xi32, #tpu.memory_space<vmem>> -> memref<1x80xi32, #tpu.memory_space<vmem>>
      %dma_start3A_172 = tpu.memref_squeeze %dma_start3A_171 : memref<1x80xi32, #tpu.memory_space<vmem>> -> memref<80xi32, #tpu.memory_space<vmem>>
      %dma_start3A_173 = tpu.memref_slice %arg2[%add3A_93] : memref<320000xi32, #tpu.memory_space<hbm>> -> memref<80xi32, #tpu.memory_space<hbm>>
      tpu.enqueue_dma source(%dma_start3A_173 : memref<80xi32, #tpu.memory_space<hbm>>) target(%dma_start3A_172 : memref<80xi32, #tpu.memory_space<vmem>>) target_semaphore(%run_scoped3A_165 : memref<!tpu.dma_semaphore, #tpu.memory_space<semaphore_mem>>)
      %dma_wait3A_174 = arith.constant 0 : i32
      %dma_wait3A_175 = tpu.memref_slice %arg6[%run_scoped3A_94, %dma_wait3A_174] : memref<6x80xi32, #tpu.memory_space<vmem>> -> memref<1x80xi32, #tpu.memory_space<vmem>>
      %dma_wait3A_176 = tpu.memref_squeeze %dma_wait3A_175 : memref<1x80xi32, #tpu.memory_space<vmem>> -> memref<80xi32, #tpu.memory_space<vmem>>
      %dma_wait3A_177 = tpu.memref_slice %arg2[%add3A_93] : memref<320000xi32, #tpu.memory_space<hbm>> -> memref<80xi32, #tpu.memory_space<hbm>>
      %dma_wait3A_178 = arith.constant 0 : i32
      %dma_wait3A_179 = tpu.memref_slice %arg6[%run_scoped3A_94, %dma_wait3A_178] : memref<6x80xi32, #tpu.memory_space<vmem>> -> memref<1x80xi32, #tpu.memory_space<vmem>>
      %dma_wait3A_180 = tpu.memref_squeeze %dma_wait3A_179 : memref<1x80xi32, #tpu.memory_space<vmem>> -> memref<80xi32, #tpu.memory_space<vmem>>
      %dma_wait3A_181 = tpu.memref_slice %arg2[%add3A_93] : memref<320000xi32, #tpu.memory_space<hbm>> -> memref<80xi32, #tpu.memory_space<hbm>>
      tpu.wait_dma2 semaphore(%run_scoped3A_165 : memref<!tpu.dma_semaphore, #tpu.memory_space<semaphore_mem>>) src(%dma_wait3A_181 : memref<80xi32, #tpu.memory_space<hbm>>) dst(%dma_wait3A_180 : memref<80xi32, #tpu.memory_space<vmem>>)
      tpu.yield
    }) : () -> ()
    %add3A_95 = arith.constant 80 : i32
    %add3A_96 = arith.addi %mul3A_2, %add3A_95 : i32
    %run_scoped3A_97 = arith.constant 1 : i32
    "tpu.region"() ({
      %run_scoped3A_165 = tpu.sem_alloc : memref<!tpu.dma_semaphore, #tpu.memory_space<semaphore_mem>>
      %dma_start3A_166 = arith.constant 0 : i32
      %dma_start3A_167 = tpu.memref_slice %arg7[%run_scoped3A_97, %dma_start3A_166] : memref<6x80xi32, #tpu.memory_space<vmem>> -> memref<1x80xi32, #tpu.memory_space<vmem>>
      %dma_start3A_168 = tpu.memref_squeeze %dma_start3A_167 : memref<1x80xi32, #tpu.memory_space<vmem>> -> memref<80xi32, #tpu.memory_space<vmem>>
      %dma_start3A_169 = tpu.memref_slice %arg3[%add3A_96] : memref<320000xi32, #tpu.memory_space<hbm>> -> memref<80xi32, #tpu.memory_space<hbm>>
      %dma_start3A_170 = arith.constant 0 : i32
      %dma_start3A_171 = tpu.memref_slice %arg7[%run_scoped3A_97, %dma_start3A_170] : memref<6x80xi32, #tpu.memory_space<vmem>> -> memref<1x80xi32, #tpu.memory_space<vmem>>
      %dma_start3A_172 = tpu.memref_squeeze %dma_start3A_171 : memref<1x80xi32, #tpu.memory_space<vmem>> -> memref<80xi32, #tpu.memory_space<vmem>>
      %dma_start3A_173 = tpu.memref_slice %arg3[%add3A_96] : memref<320000xi32, #tpu.memory_space<hbm>> -> memref<80xi32, #tpu.memory_space<hbm>>
      tpu.enqueue_dma source(%dma_start3A_173 : memref<80xi32, #tpu.memory_space<hbm>>) target(%dma_start3A_172 : memref<80xi32, #tpu.memory_space<vmem>>) target_semaphore(%run_scoped3A_165 : memref<!tpu.dma_semaphore, #tpu.memory_space<semaphore_mem>>)
      %dma_wait3A_174 = arith.constant 0 : i32
      %dma_wait3A_175 = tpu.memref_slice %arg7[%run_scoped3A_97, %dma_wait3A_174] : memref<6x80xi32, #tpu.memory_space<vmem>> -> memref<1x80xi32, #tpu.memory_space<vmem>>
      %dma_wait3A_176 = tpu.memref_squeeze %dma_wait3A_175 : memref<1x80xi32, #tpu.memory_space<vmem>> -> memref<80xi32, #tpu.memory_space<vmem>>
      %dma_wait3A_177 = tpu.memref_slice %arg3[%add3A_96] : memref<320000xi32, #tpu.memory_space<hbm>> -> memref<80xi32, #tpu.memory_space<hbm>>
      %dma_wait3A_178 = arith.constant 0 : i32
      %dma_wait3A_179 = tpu.memref_slice %arg7[%run_scoped3A_97, %dma_wait3A_178] : memref<6x80xi32, #tpu.memory_space<vmem>> -> memref<1x80xi32, #tpu.memory_space<vmem>>
      %dma_wait3A_180 = tpu.memref_squeeze %dma_wait3A_179 : memref<1x80xi32, #tpu.memory_space<vmem>> -> memref<80xi32, #tpu.memory_space<vmem>>
      %dma_wait3A_181 = tpu.memref_slice %arg3[%add3A_96] : memref<320000xi32, #tpu.memory_space<hbm>> -> memref<80xi32, #tpu.memory_space<hbm>>
      tpu.wait_dma2 semaphore(%run_scoped3A_165 : memref<!tpu.dma_semaphore, #tpu.memory_space<semaphore_mem>>) src(%dma_wait3A_181 : memref<80xi32, #tpu.memory_space<hbm>>) dst(%dma_wait3A_180 : memref<80xi32, #tpu.memory_space<vmem>>)
      tpu.yield
    }) : () -> ()
    %add3A_98 = arith.constant 80 : i32
    %add3A_99 = arith.addi %mul3A_2, %add3A_98 : i32
    %run_scoped3A_100 = arith.constant 1 : i32
    "tpu.region"() ({
      %run_scoped3A_165 = tpu.sem_alloc : memref<!tpu.dma_semaphore, #tpu.memory_space<semaphore_mem>>
      %dma_start3A_166 = arith.constant 0 : i32
      %dma_start3A_167 = tpu.memref_slice %arg6[%run_scoped3A_100, %dma_start3A_166] : memref<6x80xi32, #tpu.memory_space<vmem>> -> memref<1x80xi32, #tpu.memory_space<vmem>>
      %dma_start3A_168 = tpu.memref_squeeze %dma_start3A_167 : memref<1x80xi32, #tpu.memory_space<vmem>> -> memref<80xi32, #tpu.memory_space<vmem>>
      %dma_start3A_169 = tpu.memref_slice %arg2[%add3A_99] : memref<320000xi32, #tpu.memory_space<hbm>> -> memref<80xi32, #tpu.memory_space<hbm>>
      %dma_start3A_170 = arith.constant 0 : i32
      %dma_start3A_171 = tpu.memref_slice %arg6[%run_scoped3A_100, %dma_start3A_170] : memref<6x80xi32, #tpu.memory_space<vmem>> -> memref<1x80xi32, #tpu.memory_space<vmem>>
      %dma_start3A_172 = tpu.memref_squeeze %dma_start3A_171 : memref<1x80xi32, #tpu.memory_space<vmem>> -> memref<80xi32, #tpu.memory_space<vmem>>
      %dma_start3A_173 = tpu.memref_slice %arg2[%add3A_99] : memref<320000xi32, #tpu.memory_space<hbm>> -> memref<80xi32, #tpu.memory_space<hbm>>
      tpu.enqueue_dma source(%dma_start3A_173 : memref<80xi32, #tpu.memory_space<hbm>>) target(%dma_start3A_172 : memref<80xi32, #tpu.memory_space<vmem>>) target_semaphore(%run_scoped3A_165 : memref<!tpu.dma_semaphore, #tpu.memory_space<semaphore_mem>>)
      %dma_wait3A_174 = arith.constant 0 : i32
      %dma_wait3A_175 = tpu.memref_slice %arg6[%run_scoped3A_100, %dma_wait3A_174] : memref<6x80xi32, #tpu.memory_space<vmem>> -> memref<1x80xi32, #tpu.memory_space<vmem>>
      %dma_wait3A_176 = tpu.memref_squeeze %dma_wait3A_175 : memref<1x80xi32, #tpu.memory_space<vmem>> -> memref<80xi32, #tpu.memory_space<vmem>>
      %dma_wait3A_177 = tpu.memref_slice %arg2[%add3A_99] : memref<320000xi32, #tpu.memory_space<hbm>> -> memref<80xi32, #tpu.memory_space<hbm>>
      %dma_wait3A_178 = arith.constant 0 : i32
      %dma_wait3A_179 = tpu.memref_slice %arg6[%run_scoped3A_100, %dma_wait3A_178] : memref<6x80xi32, #tpu.memory_space<vmem>> -> memref<1x80xi32, #tpu.memory_space<vmem>>
      %dma_wait3A_180 = tpu.memref_squeeze %dma_wait3A_179 : memref<1x80xi32, #tpu.memory_space<vmem>> -> memref<80xi32, #tpu.memory_space<vmem>>
      %dma_wait3A_181 = tpu.memref_slice %arg2[%add3A_99] : memref<320000xi32, #tpu.memory_space<hbm>> -> memref<80xi32, #tpu.memory_space<hbm>>
      tpu.wait_dma2 semaphore(%run_scoped3A_165 : memref<!tpu.dma_semaphore, #tpu.memory_space<semaphore_mem>>) src(%dma_wait3A_181 : memref<80xi32, #tpu.memory_space<hbm>>) dst(%dma_wait3A_180 : memref<80xi32, #tpu.memory_space<vmem>>)
      tpu.yield
    }) : () -> ()
    %add3A_101 = arith.constant 160 : i32
    %add3A_102 = arith.addi %mul3A_2, %add3A_101 : i32
    %run_scoped3A_103 = arith.constant 2 : i32
    "tpu.region"() ({
      %run_scoped3A_165 = tpu.sem_alloc : memref<!tpu.dma_semaphore, #tpu.memory_space<semaphore_mem>>
      %dma_start3A_166 = arith.constant 0 : i32
      %dma_start3A_167 = tpu.memref_slice %arg7[%run_scoped3A_103, %dma_start3A_166] : memref<6x80xi32, #tpu.memory_space<vmem>> -> memref<1x80xi32, #tpu.memory_space<vmem>>
      %dma_start3A_168 = tpu.memref_squeeze %dma_start3A_167 : memref<1x80xi32, #tpu.memory_space<vmem>> -> memref<80xi32, #tpu.memory_space<vmem>>
      %dma_start3A_169 = tpu.memref_slice %arg3[%add3A_102] : memref<320000xi32, #tpu.memory_space<hbm>> -> memref<80xi32, #tpu.memory_space<hbm>>
      %dma_start3A_170 = arith.constant 0 : i32
      %dma_start3A_171 = tpu.memref_slice %arg7[%run_scoped3A_103, %dma_start3A_170] : memref<6x80xi32, #tpu.memory_space<vmem>> -> memref<1x80xi32, #tpu.memory_space<vmem>>
      %dma_start3A_172 = tpu.memref_squeeze %dma_start3A_171 : memref<1x80xi32, #tpu.memory_space<vmem>> -> memref<80xi32, #tpu.memory_space<vmem>>
      %dma_start3A_173 = tpu.memref_slice %arg3[%add3A_102] : memref<320000xi32, #tpu.memory_space<hbm>> -> memref<80xi32, #tpu.memory_space<hbm>>
      tpu.enqueue_dma source(%dma_start3A_173 : memref<80xi32, #tpu.memory_space<hbm>>) target(%dma_start3A_172 : memref<80xi32, #tpu.memory_space<vmem>>) target_semaphore(%run_scoped3A_165 : memref<!tpu.dma_semaphore, #tpu.memory_space<semaphore_mem>>)
      %dma_wait3A_174 = arith.constant 0 : i32
      %dma_wait3A_175 = tpu.memref_slice %arg7[%run_scoped3A_103, %dma_wait3A_174] : memref<6x80xi32, #tpu.memory_space<vmem>> -> memref<1x80xi32, #tpu.memory_space<vmem>>
      %dma_wait3A_176 = tpu.memref_squeeze %dma_wait3A_175 : memref<1x80xi32, #tpu.memory_space<vmem>> -> memref<80xi32, #tpu.memory_space<vmem>>
      %dma_wait3A_177 = tpu.memref_slice %arg3[%add3A_102] : memref<320000xi32, #tpu.memory_space<hbm>> -> memref<80xi32, #tpu.memory_space<hbm>>
      %dma_wait3A_178 = arith.constant 0 : i32
      %dma_wait3A_179 = tpu.memref_slice %arg7[%run_scoped3A_103, %dma_wait3A_178] : memref<6x80xi32, #tpu.memory_space<vmem>> -> memref<1x80xi32, #tpu.memory_space<vmem>>
      %dma_wait3A_180 = tpu.memref_squeeze %dma_wait3A_179 : memref<1x80xi32, #tpu.memory_space<vmem>> -> memref<80xi32, #tpu.memory_space<vmem>>
      %dma_wait3A_181 = tpu.memref_slice %arg3[%add3A_102] : memref<320000xi32, #tpu.memory_space<hbm>> -> memref<80xi32, #tpu.memory_space<hbm>>
      tpu.wait_dma2 semaphore(%run_scoped3A_165 : memref<!tpu.dma_semaphore, #tpu.memory_space<semaphore_mem>>) src(%dma_wait3A_181 : memref<80xi32, #tpu.memory_space<hbm>>) dst(%dma_wait3A_180 : memref<80xi32, #tpu.memory_space<vmem>>)
      tpu.yield
    }) : () -> ()
    %add3A_104 = arith.constant 160 : i32
    %add3A_105 = arith.addi %mul3A_2, %add3A_104 : i32
    %run_scoped3A_106 = arith.constant 2 : i32
    "tpu.region"() ({
      %run_scoped3A_165 = tpu.sem_alloc : memref<!tpu.dma_semaphore, #tpu.memory_space<semaphore_mem>>
      %dma_start3A_166 = arith.constant 0 : i32
      %dma_start3A_167 = tpu.memref_slice %arg6[%run_scoped3A_106, %dma_start3A_166] : memref<6x80xi32, #tpu.memory_space<vmem>> -> memref<1x80xi32, #tpu.memory_space<vmem>>
      %dma_start3A_168 = tpu.memref_squeeze %dma_start3A_167 : memref<1x80xi32, #tpu.memory_space<vmem>> -> memref<80xi32, #tpu.memory_space<vmem>>
      %dma_start3A_169 = tpu.memref_slice %arg2[%add3A_105] : memref<320000xi32, #tpu.memory_space<hbm>> -> memref<80xi32, #tpu.memory_space<hbm>>
      %dma_start3A_170 = arith.constant 0 : i32
      %dma_start3A_171 = tpu.memref_slice %arg6[%run_scoped3A_106, %dma_start3A_170] : memref<6x80xi32, #tpu.memory_space<vmem>> -> memref<1x80xi32, #tpu.memory_space<vmem>>
      %dma_start3A_172 = tpu.memref_squeeze %dma_start3A_171 : memref<1x80xi32, #tpu.memory_space<vmem>> -> memref<80xi32, #tpu.memory_space<vmem>>
      %dma_start3A_173 = tpu.memref_slice %arg2[%add3A_105] : memref<320000xi32, #tpu.memory_space<hbm>> -> memref<80xi32, #tpu.memory_space<hbm>>
      tpu.enqueue_dma source(%dma_start3A_173 : memref<80xi32, #tpu.memory_space<hbm>>) target(%dma_start3A_172 : memref<80xi32, #tpu.memory_space<vmem>>) target_semaphore(%run_scoped3A_165 : memref<!tpu.dma_semaphore, #tpu.memory_space<semaphore_mem>>)
      %dma_wait3A_174 = arith.constant 0 : i32
      %dma_wait3A_175 = tpu.memref_slice %arg6[%run_scoped3A_106, %dma_wait3A_174] : memref<6x80xi32, #tpu.memory_space<vmem>> -> memref<1x80xi32, #tpu.memory_space<vmem>>
      %dma_wait3A_176 = tpu.memref_squeeze %dma_wait3A_175 : memref<1x80xi32, #tpu.memory_space<vmem>> -> memref<80xi32, #tpu.memory_space<vmem>>
      %dma_wait3A_177 = tpu.memref_slice %arg2[%add3A_105] : memref<320000xi32, #tpu.memory_space<hbm>> -> memref<80xi32, #tpu.memory_space<hbm>>
      %dma_wait3A_178 = arith.constant 0 : i32
      %dma_wait3A_179 = tpu.memref_slice %arg6[%run_scoped3A_106, %dma_wait3A_178] : memref<6x80xi32, #tpu.memory_space<vmem>> -> memref<1x80xi32, #tpu.memory_space<vmem>>
      %dma_wait3A_180 = tpu.memref_squeeze %dma_wait3A_179 : memref<1x80xi32, #tpu.memory_space<vmem>> -> memref<80xi32, #tpu.memory_space<vmem>>
      %dma_wait3A_181 = tpu.memref_slice %arg2[%add3A_105] : memref<320000xi32, #tpu.memory_space<hbm>> -> memref<80xi32, #tpu.memory_space<hbm>>
      tpu.wait_dma2 semaphore(%run_scoped3A_165 : memref<!tpu.dma_semaphore, #tpu.memory_space<semaphore_mem>>) src(%dma_wait3A_181 : memref<80xi32, #tpu.memory_space<hbm>>) dst(%dma_wait3A_180 : memref<80xi32, #tpu.memory_space<vmem>>)
      tpu.yield
    }) : () -> ()
    %barrier3A = arith.constant 0 : index
    tpu.barrier barrier_id(%barrier3A)
    %dma_start3A = arith.constant 0 : i32
    %dma_start3A_107 = arith.constant 0 : i32
    %dma_start3A_108 = arith.constant 0 : i32
    %dma_start3A_109 = arith.constant 0 : i32
    %dma_start3A_110 = tpu.memref_slice %arg8[%dma_start3A_107, %dma_start3A_108, %dma_start3A_109] : memref<4x80x128xf32, #tpu.memory_space<vmem>> -> memref<1x80x128xf32, #tpu.memory_space<vmem>>
    %dma_start3A_111 = tpu.memref_squeeze %dma_start3A_110 : memref<1x80x128xf32, #tpu.memory_space<vmem>> -> memref<80x128xf32, #tpu.memory_space<vmem>>
    %dma_start3A_112 = arith.constant 0 : i32
    %dma_start3A_113 = tpu.memref_slice %arg6[%dma_start3A, %dma_start3A_112] : memref<6x80xi32, #tpu.memory_space<vmem>> -> memref<1x80xi32, #tpu.memory_space<vmem>>
    %dma_start3A_114 = tpu.memref_squeeze %dma_start3A_113 : memref<1x80xi32, #tpu.memory_space<vmem>> -> memref<80xi32, #tpu.memory_space<vmem>>
    %dma_start3A_115 = arith.constant 0 : i32
    %dma_start3A_116 = arith.constant 0 : i32
    %dma_start3A_117 = tpu.memref_slice %arg4[%dma_start3A_115, %dma_start3A_116] : memref<10000x128xf32, #tpu.memory_space<hbm>> -> memref<10000x128xf32, #tpu.memory_space<hbm>>
    tpu.enqueue_indirect_dma source(%dma_start3A_117 : memref<10000x128xf32, #tpu.memory_space<hbm>>) target(%dma_start3A_111 : memref<80x128xf32, #tpu.memory_space<vmem>>) offsets(%dma_start3A_114 : memref<80xi32, #tpu.memory_space<vmem>>) semaphore(%arg11 : memref<!tpu.dma_semaphore, #tpu.memory_space<semaphore_mem>>)
    %dma_start3A_118 = arith.constant 1 : i32
    %dma_start3A_119 = arith.constant 1 : i32
    %dma_start3A_120 = arith.constant 0 : i32
    %dma_start3A_121 = arith.constant 0 : i32
    %dma_start3A_122 = tpu.memref_slice %arg8[%dma_start3A_119, %dma_start3A_120, %dma_start3A_121] : memref<4x80x128xf32, #tpu.memory_space<vmem>> -> memref<1x80x128xf32, #tpu.memory_space<vmem>>
    %dma_start3A_123 = tpu.memref_squeeze %dma_start3A_122 : memref<1x80x128xf32, #tpu.memory_space<vmem>> -> memref<80x128xf32, #tpu.memory_space<vmem>>
    %dma_start3A_124 = arith.constant 0 : i32
    %dma_start3A_125 = tpu.memref_slice %arg6[%dma_start3A_118, %dma_start3A_124] : memref<6x80xi32, #tpu.memory_space<vmem>> -> memref<1x80xi32, #tpu.memory_space<vmem>>
    %dma_start3A_126 = tpu.memref_squeeze %dma_start3A_125 : memref<1x80xi32, #tpu.memory_space<vmem>> -> memref<80xi32, #tpu.memory_space<vmem>>
    %dma_start3A_127 = arith.constant 0 : i32
    %dma_start3A_128 = arith.constant 0 : i32
    %dma_start3A_129 = tpu.memref_slice %arg4[%dma_start3A_127, %dma_start3A_128] : memref<10000x128xf32, #tpu.memory_space<hbm>> -> memref<10000x128xf32, #tpu.memory_space<hbm>>
    tpu.enqueue_indirect_dma source(%dma_start3A_129 : memref<10000x128xf32, #tpu.memory_space<hbm>>) target(%dma_start3A_123 : memref<80x128xf32, #tpu.memory_space<vmem>>) offsets(%dma_start3A_126 : memref<80xi32, #tpu.memory_space<vmem>>) semaphore(%arg11 : memref<!tpu.dma_semaphore, #tpu.memory_space<semaphore_mem>>)
    %scan3A_130 = arith.constant 0 : i32
    %scan3A_131 = arith.constant 0 : i32
    %scan3A_132 = arith.constant 125 : i32
    %scan3A_133 = arith.addi %scan3A_131, %scan3A_132 : i32
    %scan3A_134 = arith.constant 1 : i32
    %scan3A_135 = scf.for %scan3A_165 = %scan3A_131 to %scan3A_133 step %scan3A_134 iter_args(%scan3A_166 = %scan3A_130) -> (i32)  : i32 {
      %rem3A = arith.constant 4 : i32
      %rem3A_167 = arith.remsi %scan3A_165, %rem3A : i32
      %rem3A_168 = arith.constant 6 : i32
      %rem3A_169 = arith.remsi %scan3A_165, %rem3A_168 : i32
      %add3A_170 = arith.constant 2 : i32
      %add3A_171 = arith.addi %scan3A_165, %add3A_170 : i32
      %rem3A_172 = arith.constant 4 : i32
      %rem3A_173 = arith.remsi %add3A_171, %rem3A_172 : i32
      %add3A_174 = arith.constant 2 : i32
      %add3A_175 = arith.addi %scan3A_165, %add3A_174 : i32
      %rem3A_176 = arith.constant 6 : i32
      %rem3A_177 = arith.remsi %add3A_175, %rem3A_176 : i32
      %add3A_178 = arith.constant 3 : i32
      %add3A_179 = arith.addi %scan3A_165, %add3A_178 : i32
      %rem3A_180 = arith.constant 6 : i32
      %rem3A_181 = arith.remsi %add3A_179, %rem3A_180 : i32
      %ge3A = arith.constant 2 : i32
      %ge3A_182 = arith.cmpi sge, %scan3A_165, %ge3A : i32
      %convert_element_type3A = arith.extui %ge3A_182 : i1 to i32
      %cond3A = arith.constant 0 : i32
      %cond3A_183 = arith.cmpi ne, %convert_element_type3A, %cond3A : i32
      scf.if %cond3A_183 {
        %dma_wait3A_218 = arith.constant 0 : i32
        %dma_wait3A_219 = arith.constant 0 : i32
        %dma_wait3A_220 = tpu.memref_slice %arg8[%rem3A_167, %dma_wait3A_218, %dma_wait3A_219] : memref<4x80x128xf32, #tpu.memory_space<vmem>> -> memref<1x80x128xf32, #tpu.memory_space<vmem>>
        %dma_wait3A_221 = tpu.memref_squeeze %dma_wait3A_220 : memref<1x80x128xf32, #tpu.memory_space<vmem>> -> memref<80x128xf32, #tpu.memory_space<vmem>>
        %dma_wait3A_222 = arith.constant 0 : i32
        %dma_wait3A_223 = tpu.memref_slice %arg7[%rem3A_169, %dma_wait3A_222] : memref<6x80xi32, #tpu.memory_space<vmem>> -> memref<1x80xi32, #tpu.memory_space<vmem>>
        %dma_wait3A_224 = tpu.memref_squeeze %dma_wait3A_223 : memref<1x80xi32, #tpu.memory_space<vmem>> -> memref<80xi32, #tpu.memory_space<vmem>>
        %dma_wait3A_225 = arith.constant 0 : i32
        %dma_wait3A_226 = arith.constant 0 : i32
        %dma_wait3A_227 = tpu.memref_slice %arg10[%dma_wait3A_225, %dma_wait3A_226] : memref<10240x128xf32, #tpu.memory_space<vmem_shared>> -> memref<10240x128xf32, #tpu.memory_space<vmem_shared>>
        tpu.wait_indirect_dma semaphore(%arg12 : memref<!tpu.dma_semaphore, #tpu.memory_space<semaphore_mem>>) src(%dma_wait3A_221 : memref<80x128xf32, #tpu.memory_space<vmem>>) dst(%dma_wait3A_227 : memref<10240x128xf32, #tpu.memory_space<vmem_shared>>)
      } else {
      }
      %add3A_184 = arith.constant 3 : i32
      %add3A_185 = arith.addi %scan3A_165, %add3A_184 : i32
      %lt3A = arith.constant 125 : i32
      %lt3A_186 = arith.cmpi slt, %add3A_185, %lt3A : i32
      %convert_element_type3A_187 = arith.extui %lt3A_186 : i1 to i32
      %cond3A_188 = arith.constant 0 : i32
      %cond3A_189 = arith.cmpi ne, %convert_element_type3A_187, %cond3A_188 : i32
      scf.if %cond3A_189 {
        %add3A_218 = arith.constant 3 : i32
        %add3A_219 = arith.addi %scan3A_165, %add3A_218 : i32
        %mul3A_220 = arith.constant 80 : i32
        %mul3A_221 = arith.muli %add3A_219, %mul3A_220 : i32
        %add3A_222 = arith.addi %mul3A_2, %mul3A_221 : i32
        "tpu.region"() ({
          %run_scoped3A_223 = tpu.sem_alloc : memref<!tpu.dma_semaphore, #tpu.memory_space<semaphore_mem>>
          %dma_start3A_224 = arith.constant 0 : i32
          %dma_start3A_225 = tpu.memref_slice %arg7[%rem3A_181, %dma_start3A_224] : memref<6x80xi32, #tpu.memory_space<vmem>> -> memref<1x80xi32, #tpu.memory_space<vmem>>
          %dma_start3A_226 = tpu.memref_squeeze %dma_start3A_225 : memref<1x80xi32, #tpu.memory_space<vmem>> -> memref<80xi32, #tpu.memory_space<vmem>>
          %dma_start3A_227 = tpu.memref_slice %arg3[%add3A_222] : memref<320000xi32, #tpu.memory_space<hbm>> -> memref<80xi32, #tpu.memory_space<hbm>>
          %dma_start3A_228 = arith.constant 0 : i32
          %dma_start3A_229 = tpu.memref_slice %arg7[%rem3A_181, %dma_start3A_228] : memref<6x80xi32, #tpu.memory_space<vmem>> -> memref<1x80xi32, #tpu.memory_space<vmem>>
          %dma_start3A_230 = tpu.memref_squeeze %dma_start3A_229 : memref<1x80xi32, #tpu.memory_space<vmem>> -> memref<80xi32, #tpu.memory_space<vmem>>
          %dma_start3A_231 = tpu.memref_slice %arg3[%add3A_222] : memref<320000xi32, #tpu.memory_space<hbm>> -> memref<80xi32, #tpu.memory_space<hbm>>
          tpu.enqueue_dma source(%dma_start3A_231 : memref<80xi32, #tpu.memory_space<hbm>>) target(%dma_start3A_230 : memref<80xi32, #tpu.memory_space<vmem>>) target_semaphore(%run_scoped3A_223 : memref<!tpu.dma_semaphore, #tpu.memory_space<semaphore_mem>>)
          %dma_wait3A_232 = arith.constant 0 : i32
          %dma_wait3A_233 = tpu.memref_slice %arg7[%rem3A_181, %dma_wait3A_232] : memref<6x80xi32, #tpu.memory_space<vmem>> -> memref<1x80xi32, #tpu.memory_space<vmem>>
          %dma_wait3A_234 = tpu.memref_squeeze %dma_wait3A_233 : memref<1x80xi32, #tpu.memory_space<vmem>> -> memref<80xi32, #tpu.memory_space<vmem>>
          %dma_wait3A_235 = tpu.memref_slice %arg3[%add3A_222] : memref<320000xi32, #tpu.memory_space<hbm>> -> memref<80xi32, #tpu.memory_space<hbm>>
          %dma_wait3A_236 = arith.constant 0 : i32
          %dma_wait3A_237 = tpu.memref_slice %arg7[%rem3A_181, %dma_wait3A_236] : memref<6x80xi32, #tpu.memory_space<vmem>> -> memref<1x80xi32, #tpu.memory_space<vmem>>
          %dma_wait3A_238 = tpu.memref_squeeze %dma_wait3A_237 : memref<1x80xi32, #tpu.memory_space<vmem>> -> memref<80xi32, #tpu.memory_space<vmem>>
          %dma_wait3A_239 = tpu.memref_slice %arg3[%add3A_222] : memref<320000xi32, #tpu.memory_space<hbm>> -> memref<80xi32, #tpu.memory_space<hbm>>
          tpu.wait_dma2 semaphore(%run_scoped3A_223 : memref<!tpu.dma_semaphore, #tpu.memory_space<semaphore_mem>>) src(%dma_wait3A_239 : memref<80xi32, #tpu.memory_space<hbm>>) dst(%dma_wait3A_238 : memref<80xi32, #tpu.memory_space<vmem>>)
          tpu.yield
        }) : () -> ()
        "tpu.region"() ({
          %run_scoped3A_223 = tpu.sem_alloc : memref<!tpu.dma_semaphore, #tpu.memory_space<semaphore_mem>>
          %dma_start3A_224 = arith.constant 0 : i32
          %dma_start3A_225 = tpu.memref_slice %arg6[%rem3A_181, %dma_start3A_224] : memref<6x80xi32, #tpu.memory_space<vmem>> -> memref<1x80xi32, #tpu.memory_space<vmem>>
          %dma_start3A_226 = tpu.memref_squeeze %dma_start3A_225 : memref<1x80xi32, #tpu.memory_space<vmem>> -> memref<80xi32, #tpu.memory_space<vmem>>
          %dma_start3A_227 = tpu.memref_slice %arg2[%add3A_222] : memref<320000xi32, #tpu.memory_space<hbm>> -> memref<80xi32, #tpu.memory_space<hbm>>
          %dma_start3A_228 = arith.constant 0 : i32
          %dma_start3A_229 = tpu.memref_slice %arg6[%rem3A_181, %dma_start3A_228] : memref<6x80xi32, #tpu.memory_space<vmem>> -> memref<1x80xi32, #tpu.memory_space<vmem>>
          %dma_start3A_230 = tpu.memref_squeeze %dma_start3A_229 : memref<1x80xi32, #tpu.memory_space<vmem>> -> memref<80xi32, #tpu.memory_space<vmem>>
          %dma_start3A_231 = tpu.memref_slice %arg2[%add3A_222] : memref<320000xi32, #tpu.memory_space<hbm>> -> memref<80xi32, #tpu.memory_space<hbm>>
          tpu.enqueue_dma source(%dma_start3A_231 : memref<80xi32, #tpu.memory_space<hbm>>) target(%dma_start3A_230 : memref<80xi32, #tpu.memory_space<vmem>>) target_semaphore(%run_scoped3A_223 : memref<!tpu.dma_semaphore, #tpu.memory_space<semaphore_mem>>)
          %dma_wait3A_232 = arith.constant 0 : i32
          %dma_wait3A_233 = tpu.memref_slice %arg6[%rem3A_181, %dma_wait3A_232] : memref<6x80xi32, #tpu.memory_space<vmem>> -> memref<1x80xi32, #tpu.memory_space<vmem>>
          %dma_wait3A_234 = tpu.memref_squeeze %dma_wait3A_233 : memref<1x80xi32, #tpu.memory_space<vmem>> -> memref<80xi32, #tpu.memory_space<vmem>>
          %dma_wait3A_235 = tpu.memref_slice %arg2[%add3A_222] : memref<320000xi32, #tpu.memory_space<hbm>> -> memref<80xi32, #tpu.memory_space<hbm>>
          %dma_wait3A_236 = arith.constant 0 : i32
          %dma_wait3A_237 = tpu.memref_slice %arg6[%rem3A_181, %dma_wait3A_236] : memref<6x80xi32, #tpu.memory_space<vmem>> -> memref<1x80xi32, #tpu.memory_space<vmem>>
          %dma_wait3A_238 = tpu.memref_squeeze %dma_wait3A_237 : memref<1x80xi32, #tpu.memory_space<vmem>> -> memref<80xi32, #tpu.memory_space<vmem>>
          %dma_wait3A_239 = tpu.memref_slice %arg2[%add3A_222] : memref<320000xi32, #tpu.memory_space<hbm>> -> memref<80xi32, #tpu.memory_space<hbm>>
          tpu.wait_dma2 semaphore(%run_scoped3A_223 : memref<!tpu.dma_semaphore, #tpu.memory_space<semaphore_mem>>) src(%dma_wait3A_239 : memref<80xi32, #tpu.memory_space<hbm>>) dst(%dma_wait3A_238 : memref<80xi32, #tpu.memory_space<vmem>>)
          tpu.yield
        }) : () -> ()
      } else {
      }
      %add3A_190 = arith.constant 2 : i32
      %add3A_191 = arith.addi %scan3A_165, %add3A_190 : i32
      %lt3A_192 = arith.constant 125 : i32
      %lt3A_193 = arith.cmpi slt, %add3A_191, %lt3A_192 : i32
      %convert_element_type3A_194 = arith.extui %lt3A_193 : i1 to i32
      %cond3A_195 = arith.constant 0 : i32
      %cond3A_196 = arith.cmpi ne, %convert_element_type3A_194, %cond3A_195 : i32
      scf.if %cond3A_196 {
        %dma_start3A_218 = arith.constant 0 : i32
        %dma_start3A_219 = arith.constant 0 : i32
        %dma_start3A_220 = tpu.memref_slice %arg8[%rem3A_173, %dma_start3A_218, %dma_start3A_219] : memref<4x80x128xf32, #tpu.memory_space<vmem>> -> memref<1x80x128xf32, #tpu.memory_space<vmem>>
        %dma_start3A_221 = tpu.memref_squeeze %dma_start3A_220 : memref<1x80x128xf32, #tpu.memory_space<vmem>> -> memref<80x128xf32, #tpu.memory_space<vmem>>
        %dma_start3A_222 = arith.constant 0 : i32
        %dma_start3A_223 = tpu.memref_slice %arg6[%rem3A_177, %dma_start3A_222] : memref<6x80xi32, #tpu.memory_space<vmem>> -> memref<1x80xi32, #tpu.memory_space<vmem>>
        %dma_start3A_224 = tpu.memref_squeeze %dma_start3A_223 : memref<1x80xi32, #tpu.memory_space<vmem>> -> memref<80xi32, #tpu.memory_space<vmem>>
        %dma_start3A_225 = arith.constant 0 : i32
        %dma_start3A_226 = arith.constant 0 : i32
        %dma_start3A_227 = tpu.memref_slice %arg4[%dma_start3A_225, %dma_start3A_226] : memref<10000x128xf32, #tpu.memory_space<hbm>> -> memref<10000x128xf32, #tpu.memory_space<hbm>>
        tpu.enqueue_indirect_dma source(%dma_start3A_227 : memref<10000x128xf32, #tpu.memory_space<hbm>>) target(%dma_start3A_221 : memref<80x128xf32, #tpu.memory_space<vmem>>) offsets(%dma_start3A_224 : memref<80xi32, #tpu.memory_space<vmem>>) semaphore(%arg11 : memref<!tpu.dma_semaphore, #tpu.memory_space<semaphore_mem>>)
      } else {
      }
      %dma_wait3A_197 = arith.constant 0 : i32
      %dma_wait3A_198 = arith.constant 0 : i32
      %dma_wait3A_199 = tpu.memref_slice %arg8[%rem3A_167, %dma_wait3A_197, %dma_wait3A_198] : memref<4x80x128xf32, #tpu.memory_space<vmem>> -> memref<1x80x128xf32, #tpu.memory_space<vmem>>
      %dma_wait3A_200 = tpu.memref_squeeze %dma_wait3A_199 : memref<1x80x128xf32, #tpu.memory_space<vmem>> -> memref<80x128xf32, #tpu.memory_space<vmem>>
      %dma_wait3A_201 = arith.constant 0 : i32
      %dma_wait3A_202 = tpu.memref_slice %arg6[%rem3A_169, %dma_wait3A_201] : memref<6x80xi32, #tpu.memory_space<vmem>> -> memref<1x80xi32, #tpu.memory_space<vmem>>
      %dma_wait3A_203 = tpu.memref_squeeze %dma_wait3A_202 : memref<1x80xi32, #tpu.memory_space<vmem>> -> memref<80xi32, #tpu.memory_space<vmem>>
      %dma_wait3A_204 = arith.constant 0 : i32
      %dma_wait3A_205 = arith.constant 0 : i32
      %dma_wait3A_206 = tpu.memref_slice %arg4[%dma_wait3A_204, %dma_wait3A_205] : memref<10000x128xf32, #tpu.memory_space<hbm>> -> memref<10000x128xf32, #tpu.memory_space<hbm>>
      tpu.wait_indirect_dma semaphore(%arg11 : memref<!tpu.dma_semaphore, #tpu.memory_space<semaphore_mem>>) src(%dma_wait3A_206 : memref<10000x128xf32, #tpu.memory_space<hbm>>) dst(%dma_wait3A_200 : memref<80x128xf32, #tpu.memory_space<vmem>>)
      %dma_start3A_207 = arith.constant 0 : i32
      %dma_start3A_208 = arith.constant 0 : i32
      %dma_start3A_209 = tpu.memref_slice %arg8[%rem3A_167, %dma_start3A_207, %dma_start3A_208] : memref<4x80x128xf32, #tpu.memory_space<vmem>> -> memref<1x80x128xf32, #tpu.memory_space<vmem>>
      %dma_start3A_210 = tpu.memref_squeeze %dma_start3A_209 : memref<1x80x128xf32, #tpu.memory_space<vmem>> -> memref<80x128xf32, #tpu.memory_space<vmem>>
      %dma_start3A_211 = arith.constant 0 : i32
      %dma_start3A_212 = tpu.memref_slice %arg7[%rem3A_169, %dma_start3A_211] : memref<6x80xi32, #tpu.memory_space<vmem>> -> memref<1x80xi32, #tpu.memory_space<vmem>>
      %dma_start3A_213 = tpu.memref_squeeze %dma_start3A_212 : memref<1x80xi32, #tpu.memory_space<vmem>> -> memref<80xi32, #tpu.memory_space<vmem>>
      %dma_start3A_214 = arith.constant 0 : i32
      %dma_start3A_215 = arith.constant 0 : i32
      %dma_start3A_216 = tpu.memref_slice %arg10[%dma_start3A_214, %dma_start3A_215] : memref<10240x128xf32, #tpu.memory_space<vmem_shared>> -> memref<10240x128xf32, #tpu.memory_space<vmem_shared>>
      tpu.enqueue_indirect_dma source(%dma_start3A_210 : memref<80x128xf32, #tpu.memory_space<vmem>>) target(%dma_start3A_216 : memref<10240x128xf32, #tpu.memory_space<vmem_shared>>) offsets(%dma_start3A_213 : memref<80xi32, #tpu.memory_space<vmem>>) semaphore(%arg12 : memref<!tpu.dma_semaphore, #tpu.memory_space<semaphore_mem>>) {add = true}
      %scan3A_217 = arith.constant 0 : i32
      scf.yield %scan3A_217 : i32
    }
    %scan3A_136 = arith.constant 125 : i32
    %dma_wait3A = arith.constant 0 : i32
    %dma_wait3A_137 = arith.constant 0 : i32
    %dma_wait3A_138 = arith.constant 0 : i32
    %dma_wait3A_139 = arith.constant 0 : i32
    %dma_wait3A_140 = tpu.memref_slice %arg8[%dma_wait3A, %dma_wait3A_138, %dma_wait3A_139] : memref<4x80x128xf32, #tpu.memory_space<vmem>> -> memref<1x80x128xf32, #tpu.memory_space<vmem>>
    %dma_wait3A_141 = tpu.memref_squeeze %dma_wait3A_140 : memref<1x80x128xf32, #tpu.memory_space<vmem>> -> memref<80x128xf32, #tpu.memory_space<vmem>>
    %dma_wait3A_142 = arith.constant 0 : i32
    %dma_wait3A_143 = tpu.memref_slice %arg7[%dma_wait3A_137, %dma_wait3A_142] : memref<6x80xi32, #tpu.memory_space<vmem>> -> memref<1x80xi32, #tpu.memory_space<vmem>>
    %dma_wait3A_144 = tpu.memref_squeeze %dma_wait3A_143 : memref<1x80xi32, #tpu.memory_space<vmem>> -> memref<80xi32, #tpu.memory_space<vmem>>
    %dma_wait3A_145 = arith.constant 0 : i32
    %dma_wait3A_146 = arith.constant 0 : i32
    %dma_wait3A_147 = tpu.memref_slice %arg10[%dma_wait3A_145, %dma_wait3A_146] : memref<10240x128xf32, #tpu.memory_space<vmem_shared>> -> memref<10240x128xf32, #tpu.memory_space<vmem_shared>>
    tpu.wait_indirect_dma semaphore(%arg12 : memref<!tpu.dma_semaphore, #tpu.memory_space<semaphore_mem>>) src(%dma_wait3A_141 : memref<80x128xf32, #tpu.memory_space<vmem>>) dst(%dma_wait3A_147 : memref<10240x128xf32, #tpu.memory_space<vmem_shared>>)
    %dma_wait3A_148 = arith.constant 0 : i32
    %dma_wait3A_149 = arith.constant 0 : i32
    %dma_wait3A_150 = arith.constant 0 : i32
    %dma_wait3A_151 = arith.constant 0 : i32
    %dma_wait3A_152 = tpu.memref_slice %arg8[%dma_wait3A_148, %dma_wait3A_150, %dma_wait3A_151] : memref<4x80x128xf32, #tpu.memory_space<vmem>> -> memref<1x80x128xf32, #tpu.memory_space<vmem>>
    %dma_wait3A_153 = tpu.memref_squeeze %dma_wait3A_152 : memref<1x80x128xf32, #tpu.memory_space<vmem>> -> memref<80x128xf32, #tpu.memory_space<vmem>>
    %dma_wait3A_154 = arith.constant 0 : i32
    %dma_wait3A_155 = tpu.memref_slice %arg7[%dma_wait3A_149, %dma_wait3A_154] : memref<6x80xi32, #tpu.memory_space<vmem>> -> memref<1x80xi32, #tpu.memory_space<vmem>>
    %dma_wait3A_156 = tpu.memref_squeeze %dma_wait3A_155 : memref<1x80xi32, #tpu.memory_space<vmem>> -> memref<80xi32, #tpu.memory_space<vmem>>
    %dma_wait3A_157 = arith.constant 0 : i32
    %dma_wait3A_158 = arith.constant 0 : i32
    %dma_wait3A_159 = tpu.memref_slice %arg10[%dma_wait3A_157, %dma_wait3A_158] : memref<10240x128xf32, #tpu.memory_space<vmem_shared>> -> memref<10240x128xf32, #tpu.memory_space<vmem_shared>>
    tpu.wait_indirect_dma semaphore(%arg12 : memref<!tpu.dma_semaphore, #tpu.memory_space<semaphore_mem>>) src(%dma_wait3A_153 : memref<80x128xf32, #tpu.memory_space<vmem>>) dst(%dma_wait3A_159 : memref<10240x128xf32, #tpu.memory_space<vmem_shared>>)
    %barrier3A_160 = arith.constant 0 : index
    tpu.barrier barrier_id(%barrier3A_160)
    %mul3A_161 = arith.constant 640 : i32
    %mul3A_162 = arith.muli %arg1, %mul3A_161 : i32
    %mul3A_163 = arith.constant 640 : i32
    %mul3A_164 = arith.muli %arg1, %mul3A_163 : i32
    "tpu.region"() ({
      %run_scoped3A_165 = tpu.sem_alloc : memref<!tpu.dma_semaphore, #tpu.memory_space<semaphore_mem>>
      %dma_start3A_166 = arith.constant 0 : i32
      %dma_start3A_167 = tpu.memref_slice %arg5[%arg0, %mul3A_164, %dma_start3A_166] : memref<2x10240x128xf32, #tpu.memory_space<hbm>> -> memref<1x640x128xf32, #tpu.memory_space<hbm>>
      %dma_start3A_168 = tpu.memref_squeeze %dma_start3A_167 : memref<1x640x128xf32, #tpu.memory_space<hbm>> -> memref<640x128xf32, #tpu.memory_space<hbm>>
      %dma_start3A_169 = arith.constant 0 : i32
      %dma_start3A_170 = tpu.memref_slice %arg10[%mul3A_162, %dma_start3A_169] : memref<10240x128xf32, #tpu.memory_space<vmem_shared>> -> memref<640x128xf32, #tpu.memory_space<vmem_shared>>
      tpu.enqueue_dma source(%dma_start3A_170 : memref<640x128xf32, #tpu.memory_space<vmem_shared>>) target(%dma_start3A_168 : memref<640x128xf32, #tpu.memory_space<hbm>>) target_semaphore(%run_scoped3A_165 : memref<!tpu.dma_semaphore, #tpu.memory_space<semaphore_mem>>)
      %dma_wait3A_171 = arith.constant 0 : i32
      %dma_wait3A_172 = tpu.memref_slice %arg5[%arg0, %mul3A_164, %dma_wait3A_171] : memref<2x10240x128xf32, #tpu.memory_space<hbm>> -> memref<1x640x128xf32, #tpu.memory_space<hbm>>
      %dma_wait3A_173 = tpu.memref_squeeze %dma_wait3A_172 : memref<1x640x128xf32, #tpu.memory_space<hbm>> -> memref<640x128xf32, #tpu.memory_space<hbm>>
      %dma_wait3A_174 = arith.constant 0 : i32
      %dma_wait3A_175 = tpu.memref_slice %arg10[%mul3A_162, %dma_wait3A_174] : memref<10240x128xf32, #tpu.memory_space<vmem_shared>> -> memref<640x128xf32, #tpu.memory_space<vmem_shared>>
      tpu.wait_dma2 semaphore(%run_scoped3A_165 : memref<!tpu.dma_semaphore, #tpu.memory_space<semaphore_mem>>) src(%dma_wait3A_175 : memref<640x128xf32, #tpu.memory_space<vmem_shared>>) dst(%dma_wait3A_173 : memref<640x128xf32, #tpu.memory_space<hbm>>)
      tpu.yield
    }) : () -> ()
    return
  }
}

#map = affine_map<(d0, d1) -> (0)>
#map1 = affine_map<(d0, d1) -> (0, 0, 0)>
module attributes {stable_mosaic.version = 14 : i64} {
  func.func @body(%arg0: i32, %arg1: i32, %arg2: memref<320000xi32, #tpu.memory_space<hbm>>, %arg3: memref<2x10240x128xf32, #tpu.memory_space<hbm>>, %arg4: memref<6x80xi32, #tpu.memory_space<vmem>>, %arg5: memref<4x80x128xf32, #tpu.memory_space<vmem>>, %arg6: memref<32x128xf32, #tpu.memory_space<vmem>>, %arg7: memref<10240x128xf32, #tpu.memory_space<vmem_shared>>, %arg8: memref<!tpu.dma_semaphore, #tpu.memory_space<semaphore_mem>>, %arg9: memref<!tpu.dma_semaphore, #tpu.memory_space<semaphore_mem>>) attributes {dimension_semantics = [#tpu.dimension_semantics<core_parallel>, #tpu.dimension_semantics<subcore_parallel>], iteration_bounds = array<i64: 2, 16>, scalar_prefetch = 0 : i64, scratch_operands = 6 : i64, tpu.core_type = #tpu.core_type<sc_vector_subcore>, window_params = [{transform_indices = #map}, {transform_indices = #map1}]} {
    %mul3A = arith.constant 16 : i32
    %mul3A_0 = arith.muli %arg0, %mul3A : i32
    %add3A = arith.addi %mul3A_0, %arg1 : i32
    %mul3A_1 = arith.constant 10000 : i32
    %mul3A_2 = arith.muli %add3A, %mul3A_1 : i32
    %broadcast_in_dim3A = arith.constant 0.000000e+00 : f32
    %broadcast_in_dim3A_3 = vector.broadcast %broadcast_in_dim3A : f32 to vector<16xf32>
    %scan3A = arith.constant 0 : i32
    %scan3A_4 = arith.constant 0 : i32
    %scan3A_5 = arith.constant 32 : i32
    %scan3A_6 = arith.addi %scan3A_4, %scan3A_5 : i32
    %scan3A_7 = arith.constant 1 : i32
    %scan3A_8 = scf.for %scan3A_143 = %scan3A_4 to %scan3A_6 step %scan3A_7 iter_args(%scan3A_144 = %scan3A) -> (i32)  : i32 {
      %swap3A = arith.index_cast %scan3A_143 : i32 to index
      %swap3A_145 = arith.constant 0 : index
      %swap3A_146 = tpu.vector_load %arg6[%swap3A, %swap3A_145] {strides = array<i32>} : memref<32x128xf32, #tpu.memory_space<vmem>>, vector<1x16xf32>,
      %swap3A_147 = vector.shape_cast %swap3A_146 : vector<1x16xf32> to vector<16xf32>
      %swap3A_148 = vector.shape_cast %broadcast_in_dim3A_3 : vector<16xf32> to vector<1x16xf32>
      tpu.vector_store %arg6[%swap3A, %swap3A_145], %swap3A_148 {strides = array<i32>} : memref<32x128xf32, #tpu.memory_space<vmem>>, vector<1x16xf32>,
      %swap3A_149 = arith.index_cast %scan3A_143 : i32 to index
      %swap3A_150 = arith.constant 16 : index
      %swap3A_151 = tpu.vector_load %arg6[%swap3A_149, %swap3A_150] {strides = array<i32>} : memref<32x128xf32, #tpu.memory_space<vmem>>, vector<1x16xf32>,
      %swap3A_152 = vector.shape_cast %swap3A_151 : vector<1x16xf32> to vector<16xf32>
      %swap3A_153 = vector.shape_cast %broadcast_in_dim3A_3 : vector<16xf32> to vector<1x16xf32>
      tpu.vector_store %arg6[%swap3A_149, %swap3A_150], %swap3A_153 {strides = array<i32>} : memref<32x128xf32, #tpu.memory_space<vmem>>, vector<1x16xf32>,
      %swap3A_154 = arith.index_cast %scan3A_143 : i32 to index
      %swap3A_155 = arith.constant 32 : index
      %swap3A_156 = tpu.vector_load %arg6[%swap3A_154, %swap3A_155] {strides = array<i32>} : memref<32x128xf32, #tpu.memory_space<vmem>>, vector<1x16xf32>,
      %swap3A_157 = vector.shape_cast %swap3A_156 : vector<1x16xf32> to vector<16xf32>
      %swap3A_158 = vector.shape_cast %broadcast_in_dim3A_3 : vector<16xf32> to vector<1x16xf32>
      tpu.vector_store %arg6[%swap3A_154, %swap3A_155], %swap3A_158 {strides = array<i32>} : memref<32x128xf32, #tpu.memory_space<vmem>>, vector<1x16xf32>,
      %swap3A_159 = arith.index_cast %scan3A_143 : i32 to index
      %swap3A_160 = arith.constant 48 : index
      %swap3A_161 = tpu.vector_load %arg6[%swap3A_159, %swap3A_160] {strides = array<i32>} : memref<32x128xf32, #tpu.memory_space<vmem>>, vector<1x16xf32>,
      %swap3A_162 = vector.shape_cast %swap3A_161 : vector<1x16xf32> to vector<16xf32>
      %swap3A_163 = vector.shape_cast %broadcast_in_dim3A_3 : vector<16xf32> to vector<1x16xf32>
      tpu.vector_store %arg6[%swap3A_159, %swap3A_160], %swap3A_163 {strides = array<i32>} : memref<32x128xf32, #tpu.memory_space<vmem>>, vector<1x16xf32>,
      %swap3A_164 = arith.index_cast %scan3A_143 : i32 to index
      %swap3A_165 = arith.constant 64 : index
      %swap3A_166 = tpu.vector_load %arg6[%swap3A_164, %swap3A_165] {strides = array<i32>} : memref<32x128xf32, #tpu.memory_space<vmem>>, vector<1x16xf32>,
      %swap3A_167 = vector.shape_cast %swap3A_166 : vector<1x16xf32> to vector<16xf32>
      %swap3A_168 = vector.shape_cast %broadcast_in_dim3A_3 : vector<16xf32> to vector<1x16xf32>
      tpu.vector_store %arg6[%swap3A_164, %swap3A_165], %swap3A_168 {strides = array<i32>} : memref<32x128xf32, #tpu.memory_space<vmem>>, vector<1x16xf32>,
      %swap3A_169 = arith.index_cast %scan3A_143 : i32 to index
      %swap3A_170 = arith.constant 80 : index
      %swap3A_171 = tpu.vector_load %arg6[%swap3A_169, %swap3A_170] {strides = array<i32>} : memref<32x128xf32, #tpu.memory_space<vmem>>, vector<1x16xf32>,
      %swap3A_172 = vector.shape_cast %swap3A_171 : vector<1x16xf32> to vector<16xf32>
      %swap3A_173 = vector.shape_cast %broadcast_in_dim3A_3 : vector<16xf32> to vector<1x16xf32>
      tpu.vector_store %arg6[%swap3A_169, %swap3A_170], %swap3A_173 {strides = array<i32>} : memref<32x128xf32, #tpu.memory_space<vmem>>, vector<1x16xf32>,
      %swap3A_174 = arith.index_cast %scan3A_143 : i32 to index
      %swap3A_175 = arith.constant 96 : index
      %swap3A_176 = tpu.vector_load %arg6[%swap3A_174, %swap3A_175] {strides = array<i32>} : memref<32x128xf32, #tpu.memory_space<vmem>>, vector<1x16xf32>,
      %swap3A_177 = vector.shape_cast %swap3A_176 : vector<1x16xf32> to vector<16xf32>
      %swap3A_178 = vector.shape_cast %broadcast_in_dim3A_3 : vector<16xf32> to vector<1x16xf32>
      tpu.vector_store %arg6[%swap3A_174, %swap3A_175], %swap3A_178 {strides = array<i32>} : memref<32x128xf32, #tpu.memory_space<vmem>>, vector<1x16xf32>,
      %swap3A_179 = arith.index_cast %scan3A_143 : i32 to index
      %swap3A_180 = arith.constant 112 : index
      %swap3A_181 = tpu.vector_load %arg6[%swap3A_179, %swap3A_180] {strides = array<i32>} : memref<32x128xf32, #tpu.memory_space<vmem>>, vector<1x16xf32>,
      %swap3A_182 = vector.shape_cast %swap3A_181 : vector<1x16xf32> to vector<16xf32>
      %swap3A_183 = vector.shape_cast %broadcast_in_dim3A_3 : vector<16xf32> to vector<1x16xf32>
      tpu.vector_store %arg6[%swap3A_179, %swap3A_180], %swap3A_183 {strides = array<i32>} : memref<32x128xf32, #tpu.memory_space<vmem>>, vector<1x16xf32>,
      %scan3A_184 = arith.constant 0 : i32
      scf.yield %scan3A_184 : i32
    }
    %scan3A_9 = arith.constant 32 : i32
    %add3A_10 = arith.constant 1.000000e+00 : f32
    %add3A_11 = vector.broadcast %add3A_10 : f32 to vector<16xf32>
    %add3A_12 = arith.addf %broadcast_in_dim3A_3, %add3A_11 : vector<16xf32>
    %scan3A_13 = arith.constant 0 : i32
    %scan3A_14 = arith.constant 0 : i32
    %scan3A_15 = arith.constant 80 : i32
    %scan3A_16 = arith.addi %scan3A_14, %scan3A_15 : i32
    %scan3A_17 = arith.constant 1 : i32
    %scan3A_18 = scf.for %scan3A_143 = %scan3A_14 to %scan3A_16 step %scan3A_17 iter_args(%scan3A_144 = %scan3A_13) -> (i32)  : i32 {
      %swap3A = arith.constant 0 : i32
      %swap3A_145 = arith.index_cast %swap3A : i32 to index
      %swap3A_146 = arith.index_cast %scan3A_143 : i32 to index
      %swap3A_147 = arith.constant 0 : index
      %swap3A_148 = tpu.vector_load %arg5[%swap3A_145, %swap3A_146, %swap3A_147] {strides = array<i32>} : memref<4x80x128xf32, #tpu.memory_space<vmem>>, vector<1x1x16xf32>,
      %swap3A_149 = vector.shape_cast %swap3A_148 : vector<1x1x16xf32> to vector<16xf32>
      %swap3A_150 = vector.shape_cast %add3A_12 : vector<16xf32> to vector<1x1x16xf32>
      tpu.vector_store %arg5[%swap3A_145, %swap3A_146, %swap3A_147], %swap3A_150 {strides = array<i32>} : memref<4x80x128xf32, #tpu.memory_space<vmem>>, vector<1x1x16xf32>,
      %swap3A_151 = arith.constant 0 : i32
      %swap3A_152 = arith.index_cast %swap3A_151 : i32 to index
      %swap3A_153 = arith.index_cast %scan3A_143 : i32 to index
      %swap3A_154 = arith.constant 16 : index
      %swap3A_155 = tpu.vector_load %arg5[%swap3A_152, %swap3A_153, %swap3A_154] {strides = array<i32>} : memref<4x80x128xf32, #tpu.memory_space<vmem>>, vector<1x1x16xf32>,
      %swap3A_156 = vector.shape_cast %swap3A_155 : vector<1x1x16xf32> to vector<16xf32>
      %swap3A_157 = vector.shape_cast %add3A_12 : vector<16xf32> to vector<1x1x16xf32>
      tpu.vector_store %arg5[%swap3A_152, %swap3A_153, %swap3A_154], %swap3A_157 {strides = array<i32>} : memref<4x80x128xf32, #tpu.memory_space<vmem>>, vector<1x1x16xf32>,
      %swap3A_158 = arith.constant 0 : i32
      %swap3A_159 = arith.index_cast %swap3A_158 : i32 to index
      %swap3A_160 = arith.index_cast %scan3A_143 : i32 to index
      %swap3A_161 = arith.constant 32 : index
      %swap3A_162 = tpu.vector_load %arg5[%swap3A_159, %swap3A_160, %swap3A_161] {strides = array<i32>} : memref<4x80x128xf32, #tpu.memory_space<vmem>>, vector<1x1x16xf32>,
      %swap3A_163 = vector.shape_cast %swap3A_162 : vector<1x1x16xf32> to vector<16xf32>
      %swap3A_164 = vector.shape_cast %add3A_12 : vector<16xf32> to vector<1x1x16xf32>
      tpu.vector_store %arg5[%swap3A_159, %swap3A_160, %swap3A_161], %swap3A_164 {strides = array<i32>} : memref<4x80x128xf32, #tpu.memory_space<vmem>>, vector<1x1x16xf32>,
      %swap3A_165 = arith.constant 0 : i32
      %swap3A_166 = arith.index_cast %swap3A_165 : i32 to index
      %swap3A_167 = arith.index_cast %scan3A_143 : i32 to index
      %swap3A_168 = arith.constant 48 : index
      %swap3A_169 = tpu.vector_load %arg5[%swap3A_166, %swap3A_167, %swap3A_168] {strides = array<i32>} : memref<4x80x128xf32, #tpu.memory_space<vmem>>, vector<1x1x16xf32>,
      %swap3A_170 = vector.shape_cast %swap3A_169 : vector<1x1x16xf32> to vector<16xf32>
      %swap3A_171 = vector.shape_cast %add3A_12 : vector<16xf32> to vector<1x1x16xf32>
      tpu.vector_store %arg5[%swap3A_166, %swap3A_167, %swap3A_168], %swap3A_171 {strides = array<i32>} : memref<4x80x128xf32, #tpu.memory_space<vmem>>, vector<1x1x16xf32>,
      %swap3A_172 = arith.constant 0 : i32
      %swap3A_173 = arith.index_cast %swap3A_172 : i32 to index
      %swap3A_174 = arith.index_cast %scan3A_143 : i32 to index
      %swap3A_175 = arith.constant 64 : index
      %swap3A_176 = tpu.vector_load %arg5[%swap3A_173, %swap3A_174, %swap3A_175] {strides = array<i32>} : memref<4x80x128xf32, #tpu.memory_space<vmem>>, vector<1x1x16xf32>,
      %swap3A_177 = vector.shape_cast %swap3A_176 : vector<1x1x16xf32> to vector<16xf32>
      %swap3A_178 = vector.shape_cast %add3A_12 : vector<16xf32> to vector<1x1x16xf32>
      tpu.vector_store %arg5[%swap3A_173, %swap3A_174, %swap3A_175], %swap3A_178 {strides = array<i32>} : memref<4x80x128xf32, #tpu.memory_space<vmem>>, vector<1x1x16xf32>,
      %swap3A_179 = arith.constant 0 : i32
      %swap3A_180 = arith.index_cast %swap3A_179 : i32 to index
      %swap3A_181 = arith.index_cast %scan3A_143 : i32 to index
      %swap3A_182 = arith.constant 80 : index
      %swap3A_183 = tpu.vector_load %arg5[%swap3A_180, %swap3A_181, %swap3A_182] {strides = array<i32>} : memref<4x80x128xf32, #tpu.memory_space<vmem>>, vector<1x1x16xf32>,
      %swap3A_184 = vector.shape_cast %swap3A_183 : vector<1x1x16xf32> to vector<16xf32>
      %swap3A_185 = vector.shape_cast %add3A_12 : vector<16xf32> to vector<1x1x16xf32>
      tpu.vector_store %arg5[%swap3A_180, %swap3A_181, %swap3A_182], %swap3A_185 {strides = array<i32>} : memref<4x80x128xf32, #tpu.memory_space<vmem>>, vector<1x1x16xf32>,
      %swap3A_186 = arith.constant 0 : i32
      %swap3A_187 = arith.index_cast %swap3A_186 : i32 to index
      %swap3A_188 = arith.index_cast %scan3A_143 : i32 to index
      %swap3A_189 = arith.constant 96 : index
      %swap3A_190 = tpu.vector_load %arg5[%swap3A_187, %swap3A_188, %swap3A_189] {strides = array<i32>} : memref<4x80x128xf32, #tpu.memory_space<vmem>>, vector<1x1x16xf32>,
      %swap3A_191 = vector.shape_cast %swap3A_190 : vector<1x1x16xf32> to vector<16xf32>
      %swap3A_192 = vector.shape_cast %add3A_12 : vector<16xf32> to vector<1x1x16xf32>
      tpu.vector_store %arg5[%swap3A_187, %swap3A_188, %swap3A_189], %swap3A_192 {strides = array<i32>} : memref<4x80x128xf32, #tpu.memory_space<vmem>>, vector<1x1x16xf32>,
      %swap3A_193 = arith.constant 0 : i32
      %swap3A_194 = arith.index_cast %swap3A_193 : i32 to index
      %swap3A_195 = arith.index_cast %scan3A_143 : i32 to index
      %swap3A_196 = arith.constant 112 : index
      %swap3A_197 = tpu.vector_load %arg5[%swap3A_194, %swap3A_195, %swap3A_196] {strides = array<i32>} : memref<4x80x128xf32, #tpu.memory_space<vmem>>, vector<1x1x16xf32>,
      %swap3A_198 = vector.shape_cast %swap3A_197 : vector<1x1x16xf32> to vector<16xf32>
      %swap3A_199 = vector.shape_cast %add3A_12 : vector<16xf32> to vector<1x1x16xf32>
      tpu.vector_store %arg5[%swap3A_194, %swap3A_195, %swap3A_196], %swap3A_199 {strides = array<i32>} : memref<4x80x128xf32, #tpu.memory_space<vmem>>, vector<1x1x16xf32>,
      %scan3A_200 = arith.constant 0 : i32
      scf.yield %scan3A_200 : i32
    }
    %scan3A_19 = arith.constant 80 : i32
    %mul3A_20 = arith.constant 640 : i32
    %mul3A_21 = arith.muli %arg1, %mul3A_20 : i32
    %add3A_22 = arith.constant 0 : i32
    %add3A_23 = arith.addi %mul3A_21, %add3A_22 : i32
    "tpu.region"() ({
      %run_scoped3A_143 = tpu.sem_alloc : memref<!tpu.dma_semaphore, #tpu.memory_space<semaphore_mem>>
      %dma_start3A = arith.constant 0 : i32
      %dma_start3A_144 = tpu.memref_slice %arg7[%add3A_23, %dma_start3A] : memref<10240x128xf32, #tpu.memory_space<vmem_shared>> -> memref<32x128xf32, #tpu.memory_space<vmem_shared>>
      %dma_start3A_145 = arith.constant 0 : i32
      %dma_start3A_146 = tpu.memref_slice %arg7[%add3A_23, %dma_start3A_145] : memref<10240x128xf32, #tpu.memory_space<vmem_shared>> -> memref<32x128xf32, #tpu.memory_space<vmem_shared>>
      tpu.enqueue_dma source(%arg6 : memref<32x128xf32, #tpu.memory_space<vmem>>) target(%dma_start3A_146 : memref<32x128xf32, #tpu.memory_space<vmem_shared>>) target_semaphore(%run_scoped3A_143 : memref<!tpu.dma_semaphore, #tpu.memory_space<semaphore_mem>>)
      %dma_wait3A_147 = arith.constant 0 : i32
      %dma_wait3A_148 = tpu.memref_slice %arg7[%add3A_23, %dma_wait3A_147] : memref<10240x128xf32, #tpu.memory_space<vmem_shared>> -> memref<32x128xf32, #tpu.memory_space<vmem_shared>>
      %dma_wait3A_149 = arith.constant 0 : i32
      %dma_wait3A_150 = tpu.memref_slice %arg7[%add3A_23, %dma_wait3A_149] : memref<10240x128xf32, #tpu.memory_space<vmem_shared>> -> memref<32x128xf32, #tpu.memory_space<vmem_shared>>
      tpu.wait_dma2 semaphore(%run_scoped3A_143 : memref<!tpu.dma_semaphore, #tpu.memory_space<semaphore_mem>>) src(%arg6 : memref<32x128xf32, #tpu.memory_space<vmem>>) dst(%dma_wait3A_150 : memref<32x128xf32, #tpu.memory_space<vmem_shared>>)
      tpu.yield
    }) : () -> ()
    %mul3A_24 = arith.constant 640 : i32
    %mul3A_25 = arith.muli %arg1, %mul3A_24 : i32
    %add3A_26 = arith.constant 32 : i32
    %add3A_27 = arith.addi %mul3A_25, %add3A_26 : i32
    "tpu.region"() ({
      %run_scoped3A_143 = tpu.sem_alloc : memref<!tpu.dma_semaphore, #tpu.memory_space<semaphore_mem>>
      %dma_start3A = arith.constant 0 : i32
      %dma_start3A_144 = tpu.memref_slice %arg7[%add3A_27, %dma_start3A] : memref<10240x128xf32, #tpu.memory_space<vmem_shared>> -> memref<32x128xf32, #tpu.memory_space<vmem_shared>>
      %dma_start3A_145 = arith.constant 0 : i32
      %dma_start3A_146 = tpu.memref_slice %arg7[%add3A_27, %dma_start3A_145] : memref<10240x128xf32, #tpu.memory_space<vmem_shared>> -> memref<32x128xf32, #tpu.memory_space<vmem_shared>>
      tpu.enqueue_dma source(%arg6 : memref<32x128xf32, #tpu.memory_space<vmem>>) target(%dma_start3A_146 : memref<32x128xf32, #tpu.memory_space<vmem_shared>>) target_semaphore(%run_scoped3A_143 : memref<!tpu.dma_semaphore, #tpu.memory_space<semaphore_mem>>)
      %dma_wait3A_147 = arith.constant 0 : i32
      %dma_wait3A_148 = tpu.memref_slice %arg7[%add3A_27, %dma_wait3A_147] : memref<10240x128xf32, #tpu.memory_space<vmem_shared>> -> memref<32x128xf32, #tpu.memory_space<vmem_shared>>
      %dma_wait3A_149 = arith.constant 0 : i32
      %dma_wait3A_150 = tpu.memref_slice %arg7[%add3A_27, %dma_wait3A_149] : memref<10240x128xf32, #tpu.memory_space<vmem_shared>> -> memref<32x128xf32, #tpu.memory_space<vmem_shared>>
      tpu.wait_dma2 semaphore(%run_scoped3A_143 : memref<!tpu.dma_semaphore, #tpu.memory_space<semaphore_mem>>) src(%arg6 : memref<32x128xf32, #tpu.memory_space<vmem>>) dst(%dma_wait3A_150 : memref<32x128xf32, #tpu.memory_space<vmem_shared>>)
      tpu.yield
    }) : () -> ()
    %mul3A_28 = arith.constant 640 : i32
    %mul3A_29 = arith.muli %arg1, %mul3A_28 : i32
    %add3A_30 = arith.constant 64 : i32
    %add3A_31 = arith.addi %mul3A_29, %add3A_30 : i32
    "tpu.region"() ({
      %run_scoped3A_143 = tpu.sem_alloc : memref<!tpu.dma_semaphore, #tpu.memory_space<semaphore_mem>>
      %dma_start3A = arith.constant 0 : i32
      %dma_start3A_144 = tpu.memref_slice %arg7[%add3A_31, %dma_start3A] : memref<10240x128xf32, #tpu.memory_space<vmem_shared>> -> memref<32x128xf32, #tpu.memory_space<vmem_shared>>
      %dma_start3A_145 = arith.constant 0 : i32
      %dma_start3A_146 = tpu.memref_slice %arg7[%add3A_31, %dma_start3A_145] : memref<10240x128xf32, #tpu.memory_space<vmem_shared>> -> memref<32x128xf32, #tpu.memory_space<vmem_shared>>
      tpu.enqueue_dma source(%arg6 : memref<32x128xf32, #tpu.memory_space<vmem>>) target(%dma_start3A_146 : memref<32x128xf32, #tpu.memory_space<vmem_shared>>) target_semaphore(%run_scoped3A_143 : memref<!tpu.dma_semaphore, #tpu.memory_space<semaphore_mem>>)
      %dma_wait3A_147 = arith.constant 0 : i32
      %dma_wait3A_148 = tpu.memref_slice %arg7[%add3A_31, %dma_wait3A_147] : memref<10240x128xf32, #tpu.memory_space<vmem_shared>> -> memref<32x128xf32, #tpu.memory_space<vmem_shared>>
      %dma_wait3A_149 = arith.constant 0 : i32
      %dma_wait3A_150 = tpu.memref_slice %arg7[%add3A_31, %dma_wait3A_149] : memref<10240x128xf32, #tpu.memory_space<vmem_shared>> -> memref<32x128xf32, #tpu.memory_space<vmem_shared>>
      tpu.wait_dma2 semaphore(%run_scoped3A_143 : memref<!tpu.dma_semaphore, #tpu.memory_space<semaphore_mem>>) src(%arg6 : memref<32x128xf32, #tpu.memory_space<vmem>>) dst(%dma_wait3A_150 : memref<32x128xf32, #tpu.memory_space<vmem_shared>>)
      tpu.yield
    }) : () -> ()
    %mul3A_32 = arith.constant 640 : i32
    %mul3A_33 = arith.muli %arg1, %mul3A_32 : i32
    %add3A_34 = arith.constant 96 : i32
    %add3A_35 = arith.addi %mul3A_33, %add3A_34 : i32
    "tpu.region"() ({
      %run_scoped3A_143 = tpu.sem_alloc : memref<!tpu.dma_semaphore, #tpu.memory_space<semaphore_mem>>
      %dma_start3A = arith.constant 0 : i32
      %dma_start3A_144 = tpu.memref_slice %arg7[%add3A_35, %dma_start3A] : memref<10240x128xf32, #tpu.memory_space<vmem_shared>> -> memref<32x128xf32, #tpu.memory_space<vmem_shared>>
      %dma_start3A_145 = arith.constant 0 : i32
      %dma_start3A_146 = tpu.memref_slice %arg7[%add3A_35, %dma_start3A_145] : memref<10240x128xf32, #tpu.memory_space<vmem_shared>> -> memref<32x128xf32, #tpu.memory_space<vmem_shared>>
      tpu.enqueue_dma source(%arg6 : memref<32x128xf32, #tpu.memory_space<vmem>>) target(%dma_start3A_146 : memref<32x128xf32, #tpu.memory_space<vmem_shared>>) target_semaphore(%run_scoped3A_143 : memref<!tpu.dma_semaphore, #tpu.memory_space<semaphore_mem>>)
      %dma_wait3A_147 = arith.constant 0 : i32
      %dma_wait3A_148 = tpu.memref_slice %arg7[%add3A_35, %dma_wait3A_147] : memref<10240x128xf32, #tpu.memory_space<vmem_shared>> -> memref<32x128xf32, #tpu.memory_space<vmem_shared>>
      %dma_wait3A_149 = arith.constant 0 : i32
      %dma_wait3A_150 = tpu.memref_slice %arg7[%add3A_35, %dma_wait3A_149] : memref<10240x128xf32, #tpu.memory_space<vmem_shared>> -> memref<32x128xf32, #tpu.memory_space<vmem_shared>>
      tpu.wait_dma2 semaphore(%run_scoped3A_143 : memref<!tpu.dma_semaphore, #tpu.memory_space<semaphore_mem>>) src(%arg6 : memref<32x128xf32, #tpu.memory_space<vmem>>) dst(%dma_wait3A_150 : memref<32x128xf32, #tpu.memory_space<vmem_shared>>)
      tpu.yield
    }) : () -> ()
    %mul3A_36 = arith.constant 640 : i32
    %mul3A_37 = arith.muli %arg1, %mul3A_36 : i32
    %add3A_38 = arith.constant 128 : i32
    %add3A_39 = arith.addi %mul3A_37, %add3A_38 : i32
    "tpu.region"() ({
      %run_scoped3A_143 = tpu.sem_alloc : memref<!tpu.dma_semaphore, #tpu.memory_space<semaphore_mem>>
      %dma_start3A = arith.constant 0 : i32
      %dma_start3A_144 = tpu.memref_slice %arg7[%add3A_39, %dma_start3A] : memref<10240x128xf32, #tpu.memory_space<vmem_shared>> -> memref<32x128xf32, #tpu.memory_space<vmem_shared>>
      %dma_start3A_145 = arith.constant 0 : i32
      %dma_start3A_146 = tpu.memref_slice %arg7[%add3A_39, %dma_start3A_145] : memref<10240x128xf32, #tpu.memory_space<vmem_shared>> -> memref<32x128xf32, #tpu.memory_space<vmem_shared>>
      tpu.enqueue_dma source(%arg6 : memref<32x128xf32, #tpu.memory_space<vmem>>) target(%dma_start3A_146 : memref<32x128xf32, #tpu.memory_space<vmem_shared>>) target_semaphore(%run_scoped3A_143 : memref<!tpu.dma_semaphore, #tpu.memory_space<semaphore_mem>>)
      %dma_wait3A_147 = arith.constant 0 : i32
      %dma_wait3A_148 = tpu.memref_slice %arg7[%add3A_39, %dma_wait3A_147] : memref<10240x128xf32, #tpu.memory_space<vmem_shared>> -> memref<32x128xf32, #tpu.memory_space<vmem_shared>>
      %dma_wait3A_149 = arith.constant 0 : i32
      %dma_wait3A_150 = tpu.memref_slice %arg7[%add3A_39, %dma_wait3A_149] : memref<10240x128xf32, #tpu.memory_space<vmem_shared>> -> memref<32x128xf32, #tpu.memory_space<vmem_shared>>
      tpu.wait_dma2 semaphore(%run_scoped3A_143 : memref<!tpu.dma_semaphore, #tpu.memory_space<semaphore_mem>>) src(%arg6 : memref<32x128xf32, #tpu.memory_space<vmem>>) dst(%dma_wait3A_150 : memref<32x128xf32, #tpu.memory_space<vmem_shared>>)
      tpu.yield
    }) : () -> ()
    %mul3A_40 = arith.constant 640 : i32
    %mul3A_41 = arith.muli %arg1, %mul3A_40 : i32
    %add3A_42 = arith.constant 160 : i32
    %add3A_43 = arith.addi %mul3A_41, %add3A_42 : i32
    "tpu.region"() ({
      %run_scoped3A_143 = tpu.sem_alloc : memref<!tpu.dma_semaphore, #tpu.memory_space<semaphore_mem>>
      %dma_start3A = arith.constant 0 : i32
      %dma_start3A_144 = tpu.memref_slice %arg7[%add3A_43, %dma_start3A] : memref<10240x128xf32, #tpu.memory_space<vmem_shared>> -> memref<32x128xf32, #tpu.memory_space<vmem_shared>>
      %dma_start3A_145 = arith.constant 0 : i32
      %dma_start3A_146 = tpu.memref_slice %arg7[%add3A_43, %dma_start3A_145] : memref<10240x128xf32, #tpu.memory_space<vmem_shared>> -> memref<32x128xf32, #tpu.memory_space<vmem_shared>>
      tpu.enqueue_dma source(%arg6 : memref<32x128xf32, #tpu.memory_space<vmem>>) target(%dma_start3A_146 : memref<32x128xf32, #tpu.memory_space<vmem_shared>>) target_semaphore(%run_scoped3A_143 : memref<!tpu.dma_semaphore, #tpu.memory_space<semaphore_mem>>)
      %dma_wait3A_147 = arith.constant 0 : i32
      %dma_wait3A_148 = tpu.memref_slice %arg7[%add3A_43, %dma_wait3A_147] : memref<10240x128xf32, #tpu.memory_space<vmem_shared>> -> memref<32x128xf32, #tpu.memory_space<vmem_shared>>
      %dma_wait3A_149 = arith.constant 0 : i32
      %dma_wait3A_150 = tpu.memref_slice %arg7[%add3A_43, %dma_wait3A_149] : memref<10240x128xf32, #tpu.memory_space<vmem_shared>> -> memref<32x128xf32, #tpu.memory_space<vmem_shared>>
      tpu.wait_dma2 semaphore(%run_scoped3A_143 : memref<!tpu.dma_semaphore, #tpu.memory_space<semaphore_mem>>) src(%arg6 : memref<32x128xf32, #tpu.memory_space<vmem>>) dst(%dma_wait3A_150 : memref<32x128xf32, #tpu.memory_space<vmem_shared>>)
      tpu.yield
    }) : () -> ()
    %mul3A_44 = arith.constant 640 : i32
    %mul3A_45 = arith.muli %arg1, %mul3A_44 : i32
    %add3A_46 = arith.constant 192 : i32
    %add3A_47 = arith.addi %mul3A_45, %add3A_46 : i32
    "tpu.region"() ({
      %run_scoped3A_143 = tpu.sem_alloc : memref<!tpu.dma_semaphore, #tpu.memory_space<semaphore_mem>>
      %dma_start3A = arith.constant 0 : i32
      %dma_start3A_144 = tpu.memref_slice %arg7[%add3A_47, %dma_start3A] : memref<10240x128xf32, #tpu.memory_space<vmem_shared>> -> memref<32x128xf32, #tpu.memory_space<vmem_shared>>
      %dma_start3A_145 = arith.constant 0 : i32
      %dma_start3A_146 = tpu.memref_slice %arg7[%add3A_47, %dma_start3A_145] : memref<10240x128xf32, #tpu.memory_space<vmem_shared>> -> memref<32x128xf32, #tpu.memory_space<vmem_shared>>
      tpu.enqueue_dma source(%arg6 : memref<32x128xf32, #tpu.memory_space<vmem>>) target(%dma_start3A_146 : memref<32x128xf32, #tpu.memory_space<vmem_shared>>) target_semaphore(%run_scoped3A_143 : memref<!tpu.dma_semaphore, #tpu.memory_space<semaphore_mem>>)
      %dma_wait3A_147 = arith.constant 0 : i32
      %dma_wait3A_148 = tpu.memref_slice %arg7[%add3A_47, %dma_wait3A_147] : memref<10240x128xf32, #tpu.memory_space<vmem_shared>> -> memref<32x128xf32, #tpu.memory_space<vmem_shared>>
      %dma_wait3A_149 = arith.constant 0 : i32
      %dma_wait3A_150 = tpu.memref_slice %arg7[%add3A_47, %dma_wait3A_149] : memref<10240x128xf32, #tpu.memory_space<vmem_shared>> -> memref<32x128xf32, #tpu.memory_space<vmem_shared>>
      tpu.wait_dma2 semaphore(%run_scoped3A_143 : memref<!tpu.dma_semaphore, #tpu.memory_space<semaphore_mem>>) src(%arg6 : memref<32x128xf32, #tpu.memory_space<vmem>>) dst(%dma_wait3A_150 : memref<32x128xf32, #tpu.memory_space<vmem_shared>>)
      tpu.yield
    }) : () -> ()
    %mul3A_48 = arith.constant 640 : i32
    %mul3A_49 = arith.muli %arg1, %mul3A_48 : i32
    %add3A_50 = arith.constant 224 : i32
    %add3A_51 = arith.addi %mul3A_49, %add3A_50 : i32
    "tpu.region"() ({
      %run_scoped3A_143 = tpu.sem_alloc : memref<!tpu.dma_semaphore, #tpu.memory_space<semaphore_mem>>
      %dma_start3A = arith.constant 0 : i32
      %dma_start3A_144 = tpu.memref_slice %arg7[%add3A_51, %dma_start3A] : memref<10240x128xf32, #tpu.memory_space<vmem_shared>> -> memref<32x128xf32, #tpu.memory_space<vmem_shared>>
      %dma_start3A_145 = arith.constant 0 : i32
      %dma_start3A_146 = tpu.memref_slice %arg7[%add3A_51, %dma_start3A_145] : memref<10240x128xf32, #tpu.memory_space<vmem_shared>> -> memref<32x128xf32, #tpu.memory_space<vmem_shared>>
      tpu.enqueue_dma source(%arg6 : memref<32x128xf32, #tpu.memory_space<vmem>>) target(%dma_start3A_146 : memref<32x128xf32, #tpu.memory_space<vmem_shared>>) target_semaphore(%run_scoped3A_143 : memref<!tpu.dma_semaphore, #tpu.memory_space<semaphore_mem>>)
      %dma_wait3A_147 = arith.constant 0 : i32
      %dma_wait3A_148 = tpu.memref_slice %arg7[%add3A_51, %dma_wait3A_147] : memref<10240x128xf32, #tpu.memory_space<vmem_shared>> -> memref<32x128xf32, #tpu.memory_space<vmem_shared>>
      %dma_wait3A_149 = arith.constant 0 : i32
      %dma_wait3A_150 = tpu.memref_slice %arg7[%add3A_51, %dma_wait3A_149] : memref<10240x128xf32, #tpu.memory_space<vmem_shared>> -> memref<32x128xf32, #tpu.memory_space<vmem_shared>>
      tpu.wait_dma2 semaphore(%run_scoped3A_143 : memref<!tpu.dma_semaphore, #tpu.memory_space<semaphore_mem>>) src(%arg6 : memref<32x128xf32, #tpu.memory_space<vmem>>) dst(%dma_wait3A_150 : memref<32x128xf32, #tpu.memory_space<vmem_shared>>)
      tpu.yield
    }) : () -> ()
    %mul3A_52 = arith.constant 640 : i32
    %mul3A_53 = arith.muli %arg1, %mul3A_52 : i32
    %add3A_54 = arith.constant 256 : i32
    %add3A_55 = arith.addi %mul3A_53, %add3A_54 : i32
    "tpu.region"() ({
      %run_scoped3A_143 = tpu.sem_alloc : memref<!tpu.dma_semaphore, #tpu.memory_space<semaphore_mem>>
      %dma_start3A = arith.constant 0 : i32
      %dma_start3A_144 = tpu.memref_slice %arg7[%add3A_55, %dma_start3A] : memref<10240x128xf32, #tpu.memory_space<vmem_shared>> -> memref<32x128xf32, #tpu.memory_space<vmem_shared>>
      %dma_start3A_145 = arith.constant 0 : i32
      %dma_start3A_146 = tpu.memref_slice %arg7[%add3A_55, %dma_start3A_145] : memref<10240x128xf32, #tpu.memory_space<vmem_shared>> -> memref<32x128xf32, #tpu.memory_space<vmem_shared>>
      tpu.enqueue_dma source(%arg6 : memref<32x128xf32, #tpu.memory_space<vmem>>) target(%dma_start3A_146 : memref<32x128xf32, #tpu.memory_space<vmem_shared>>) target_semaphore(%run_scoped3A_143 : memref<!tpu.dma_semaphore, #tpu.memory_space<semaphore_mem>>)
      %dma_wait3A_147 = arith.constant 0 : i32
      %dma_wait3A_148 = tpu.memref_slice %arg7[%add3A_55, %dma_wait3A_147] : memref<10240x128xf32, #tpu.memory_space<vmem_shared>> -> memref<32x128xf32, #tpu.memory_space<vmem_shared>>
      %dma_wait3A_149 = arith.constant 0 : i32
      %dma_wait3A_150 = tpu.memref_slice %arg7[%add3A_55, %dma_wait3A_149] : memref<10240x128xf32, #tpu.memory_space<vmem_shared>> -> memref<32x128xf32, #tpu.memory_space<vmem_shared>>
      tpu.wait_dma2 semaphore(%run_scoped3A_143 : memref<!tpu.dma_semaphore, #tpu.memory_space<semaphore_mem>>) src(%arg6 : memref<32x128xf32, #tpu.memory_space<vmem>>) dst(%dma_wait3A_150 : memref<32x128xf32, #tpu.memory_space<vmem_shared>>)
      tpu.yield
    }) : () -> ()
    %mul3A_56 = arith.constant 640 : i32
    %mul3A_57 = arith.muli %arg1, %mul3A_56 : i32
    %add3A_58 = arith.constant 288 : i32
    %add3A_59 = arith.addi %mul3A_57, %add3A_58 : i32
    "tpu.region"() ({
      %run_scoped3A_143 = tpu.sem_alloc : memref<!tpu.dma_semaphore, #tpu.memory_space<semaphore_mem>>
      %dma_start3A = arith.constant 0 : i32
      %dma_start3A_144 = tpu.memref_slice %arg7[%add3A_59, %dma_start3A] : memref<10240x128xf32, #tpu.memory_space<vmem_shared>> -> memref<32x128xf32, #tpu.memory_space<vmem_shared>>
      %dma_start3A_145 = arith.constant 0 : i32
      %dma_start3A_146 = tpu.memref_slice %arg7[%add3A_59, %dma_start3A_145] : memref<10240x128xf32, #tpu.memory_space<vmem_shared>> -> memref<32x128xf32, #tpu.memory_space<vmem_shared>>
      tpu.enqueue_dma source(%arg6 : memref<32x128xf32, #tpu.memory_space<vmem>>) target(%dma_start3A_146 : memref<32x128xf32, #tpu.memory_space<vmem_shared>>) target_semaphore(%run_scoped3A_143 : memref<!tpu.dma_semaphore, #tpu.memory_space<semaphore_mem>>)
      %dma_wait3A_147 = arith.constant 0 : i32
      %dma_wait3A_148 = tpu.memref_slice %arg7[%add3A_59, %dma_wait3A_147] : memref<10240x128xf32, #tpu.memory_space<vmem_shared>> -> memref<32x128xf32, #tpu.memory_space<vmem_shared>>
      %dma_wait3A_149 = arith.constant 0 : i32
      %dma_wait3A_150 = tpu.memref_slice %arg7[%add3A_59, %dma_wait3A_149] : memref<10240x128xf32, #tpu.memory_space<vmem_shared>> -> memref<32x128xf32, #tpu.memory_space<vmem_shared>>
      tpu.wait_dma2 semaphore(%run_scoped3A_143 : memref<!tpu.dma_semaphore, #tpu.memory_space<semaphore_mem>>) src(%arg6 : memref<32x128xf32, #tpu.memory_space<vmem>>) dst(%dma_wait3A_150 : memref<32x128xf32, #tpu.memory_space<vmem_shared>>)
      tpu.yield
    }) : () -> ()
    %mul3A_60 = arith.constant 640 : i32
    %mul3A_61 = arith.muli %arg1, %mul3A_60 : i32
    %add3A_62 = arith.constant 320 : i32
    %add3A_63 = arith.addi %mul3A_61, %add3A_62 : i32
    "tpu.region"() ({
      %run_scoped3A_143 = tpu.sem_alloc : memref<!tpu.dma_semaphore, #tpu.memory_space<semaphore_mem>>
      %dma_start3A = arith.constant 0 : i32
      %dma_start3A_144 = tpu.memref_slice %arg7[%add3A_63, %dma_start3A] : memref<10240x128xf32, #tpu.memory_space<vmem_shared>> -> memref<32x128xf32, #tpu.memory_space<vmem_shared>>
      %dma_start3A_145 = arith.constant 0 : i32
      %dma_start3A_146 = tpu.memref_slice %arg7[%add3A_63, %dma_start3A_145] : memref<10240x128xf32, #tpu.memory_space<vmem_shared>> -> memref<32x128xf32, #tpu.memory_space<vmem_shared>>
      tpu.enqueue_dma source(%arg6 : memref<32x128xf32, #tpu.memory_space<vmem>>) target(%dma_start3A_146 : memref<32x128xf32, #tpu.memory_space<vmem_shared>>) target_semaphore(%run_scoped3A_143 : memref<!tpu.dma_semaphore, #tpu.memory_space<semaphore_mem>>)
      %dma_wait3A_147 = arith.constant 0 : i32
      %dma_wait3A_148 = tpu.memref_slice %arg7[%add3A_63, %dma_wait3A_147] : memref<10240x128xf32, #tpu.memory_space<vmem_shared>> -> memref<32x128xf32, #tpu.memory_space<vmem_shared>>
      %dma_wait3A_149 = arith.constant 0 : i32
      %dma_wait3A_150 = tpu.memref_slice %arg7[%add3A_63, %dma_wait3A_149] : memref<10240x128xf32, #tpu.memory_space<vmem_shared>> -> memref<32x128xf32, #tpu.memory_space<vmem_shared>>
      tpu.wait_dma2 semaphore(%run_scoped3A_143 : memref<!tpu.dma_semaphore, #tpu.memory_space<semaphore_mem>>) src(%arg6 : memref<32x128xf32, #tpu.memory_space<vmem>>) dst(%dma_wait3A_150 : memref<32x128xf32, #tpu.memory_space<vmem_shared>>)
      tpu.yield
    }) : () -> ()
    %mul3A_64 = arith.constant 640 : i32
    %mul3A_65 = arith.muli %arg1, %mul3A_64 : i32
    %add3A_66 = arith.constant 352 : i32
    %add3A_67 = arith.addi %mul3A_65, %add3A_66 : i32
    "tpu.region"() ({
      %run_scoped3A_143 = tpu.sem_alloc : memref<!tpu.dma_semaphore, #tpu.memory_space<semaphore_mem>>
      %dma_start3A = arith.constant 0 : i32
      %dma_start3A_144 = tpu.memref_slice %arg7[%add3A_67, %dma_start3A] : memref<10240x128xf32, #tpu.memory_space<vmem_shared>> -> memref<32x128xf32, #tpu.memory_space<vmem_shared>>
      %dma_start3A_145 = arith.constant 0 : i32
      %dma_start3A_146 = tpu.memref_slice %arg7[%add3A_67, %dma_start3A_145] : memref<10240x128xf32, #tpu.memory_space<vmem_shared>> -> memref<32x128xf32, #tpu.memory_space<vmem_shared>>
      tpu.enqueue_dma source(%arg6 : memref<32x128xf32, #tpu.memory_space<vmem>>) target(%dma_start3A_146 : memref<32x128xf32, #tpu.memory_space<vmem_shared>>) target_semaphore(%run_scoped3A_143 : memref<!tpu.dma_semaphore, #tpu.memory_space<semaphore_mem>>)
      %dma_wait3A_147 = arith.constant 0 : i32
      %dma_wait3A_148 = tpu.memref_slice %arg7[%add3A_67, %dma_wait3A_147] : memref<10240x128xf32, #tpu.memory_space<vmem_shared>> -> memref<32x128xf32, #tpu.memory_space<vmem_shared>>
      %dma_wait3A_149 = arith.constant 0 : i32
      %dma_wait3A_150 = tpu.memref_slice %arg7[%add3A_67, %dma_wait3A_149] : memref<10240x128xf32, #tpu.memory_space<vmem_shared>> -> memref<32x128xf32, #tpu.memory_space<vmem_shared>>
      tpu.wait_dma2 semaphore(%run_scoped3A_143 : memref<!tpu.dma_semaphore, #tpu.memory_space<semaphore_mem>>) src(%arg6 : memref<32x128xf32, #tpu.memory_space<vmem>>) dst(%dma_wait3A_150 : memref<32x128xf32, #tpu.memory_space<vmem_shared>>)
      tpu.yield
    }) : () -> ()
    %mul3A_68 = arith.constant 640 : i32
    %mul3A_69 = arith.muli %arg1, %mul3A_68 : i32
    %add3A_70 = arith.constant 384 : i32
    %add3A_71 = arith.addi %mul3A_69, %add3A_70 : i32
    "tpu.region"() ({
      %run_scoped3A_143 = tpu.sem_alloc : memref<!tpu.dma_semaphore, #tpu.memory_space<semaphore_mem>>
      %dma_start3A = arith.constant 0 : i32
      %dma_start3A_144 = tpu.memref_slice %arg7[%add3A_71, %dma_start3A] : memref<10240x128xf32, #tpu.memory_space<vmem_shared>> -> memref<32x128xf32, #tpu.memory_space<vmem_shared>>
      %dma_start3A_145 = arith.constant 0 : i32
      %dma_start3A_146 = tpu.memref_slice %arg7[%add3A_71, %dma_start3A_145] : memref<10240x128xf32, #tpu.memory_space<vmem_shared>> -> memref<32x128xf32, #tpu.memory_space<vmem_shared>>
      tpu.enqueue_dma source(%arg6 : memref<32x128xf32, #tpu.memory_space<vmem>>) target(%dma_start3A_146 : memref<32x128xf32, #tpu.memory_space<vmem_shared>>) target_semaphore(%run_scoped3A_143 : memref<!tpu.dma_semaphore, #tpu.memory_space<semaphore_mem>>)
      %dma_wait3A_147 = arith.constant 0 : i32
      %dma_wait3A_148 = tpu.memref_slice %arg7[%add3A_71, %dma_wait3A_147] : memref<10240x128xf32, #tpu.memory_space<vmem_shared>> -> memref<32x128xf32, #tpu.memory_space<vmem_shared>>
      %dma_wait3A_149 = arith.constant 0 : i32
      %dma_wait3A_150 = tpu.memref_slice %arg7[%add3A_71, %dma_wait3A_149] : memref<10240x128xf32, #tpu.memory_space<vmem_shared>> -> memref<32x128xf32, #tpu.memory_space<vmem_shared>>
      tpu.wait_dma2 semaphore(%run_scoped3A_143 : memref<!tpu.dma_semaphore, #tpu.memory_space<semaphore_mem>>) src(%arg6 : memref<32x128xf32, #tpu.memory_space<vmem>>) dst(%dma_wait3A_150 : memref<32x128xf32, #tpu.memory_space<vmem_shared>>)
      tpu.yield
    }) : () -> ()
    %mul3A_72 = arith.constant 640 : i32
    %mul3A_73 = arith.muli %arg1, %mul3A_72 : i32
    %add3A_74 = arith.constant 416 : i32
    %add3A_75 = arith.addi %mul3A_73, %add3A_74 : i32
    "tpu.region"() ({
      %run_scoped3A_143 = tpu.sem_alloc : memref<!tpu.dma_semaphore, #tpu.memory_space<semaphore_mem>>
      %dma_start3A = arith.constant 0 : i32
      %dma_start3A_144 = tpu.memref_slice %arg7[%add3A_75, %dma_start3A] : memref<10240x128xf32, #tpu.memory_space<vmem_shared>> -> memref<32x128xf32, #tpu.memory_space<vmem_shared>>
      %dma_start3A_145 = arith.constant 0 : i32
      %dma_start3A_146 = tpu.memref_slice %arg7[%add3A_75, %dma_start3A_145] : memref<10240x128xf32, #tpu.memory_space<vmem_shared>> -> memref<32x128xf32, #tpu.memory_space<vmem_shared>>
      tpu.enqueue_dma source(%arg6 : memref<32x128xf32, #tpu.memory_space<vmem>>) target(%dma_start3A_146 : memref<32x128xf32, #tpu.memory_space<vmem_shared>>) target_semaphore(%run_scoped3A_143 : memref<!tpu.dma_semaphore, #tpu.memory_space<semaphore_mem>>)
      %dma_wait3A_147 = arith.constant 0 : i32
      %dma_wait3A_148 = tpu.memref_slice %arg7[%add3A_75, %dma_wait3A_147] : memref<10240x128xf32, #tpu.memory_space<vmem_shared>> -> memref<32x128xf32, #tpu.memory_space<vmem_shared>>
      %dma_wait3A_149 = arith.constant 0 : i32
      %dma_wait3A_150 = tpu.memref_slice %arg7[%add3A_75, %dma_wait3A_149] : memref<10240x128xf32, #tpu.memory_space<vmem_shared>> -> memref<32x128xf32, #tpu.memory_space<vmem_shared>>
      tpu.wait_dma2 semaphore(%run_scoped3A_143 : memref<!tpu.dma_semaphore, #tpu.memory_space<semaphore_mem>>) src(%arg6 : memref<32x128xf32, #tpu.memory_space<vmem>>) dst(%dma_wait3A_150 : memref<32x128xf32, #tpu.memory_space<vmem_shared>>)
      tpu.yield
    }) : () -> ()
    %mul3A_76 = arith.constant 640 : i32
    %mul3A_77 = arith.muli %arg1, %mul3A_76 : i32
    %add3A_78 = arith.constant 448 : i32
    %add3A_79 = arith.addi %mul3A_77, %add3A_78 : i32
    "tpu.region"() ({
      %run_scoped3A_143 = tpu.sem_alloc : memref<!tpu.dma_semaphore, #tpu.memory_space<semaphore_mem>>
      %dma_start3A = arith.constant 0 : i32
      %dma_start3A_144 = tpu.memref_slice %arg7[%add3A_79, %dma_start3A] : memref<10240x128xf32, #tpu.memory_space<vmem_shared>> -> memref<32x128xf32, #tpu.memory_space<vmem_shared>>
      %dma_start3A_145 = arith.constant 0 : i32
      %dma_start3A_146 = tpu.memref_slice %arg7[%add3A_79, %dma_start3A_145] : memref<10240x128xf32, #tpu.memory_space<vmem_shared>> -> memref<32x128xf32, #tpu.memory_space<vmem_shared>>
      tpu.enqueue_dma source(%arg6 : memref<32x128xf32, #tpu.memory_space<vmem>>) target(%dma_start3A_146 : memref<32x128xf32, #tpu.memory_space<vmem_shared>>) target_semaphore(%run_scoped3A_143 : memref<!tpu.dma_semaphore, #tpu.memory_space<semaphore_mem>>)
      %dma_wait3A_147 = arith.constant 0 : i32
      %dma_wait3A_148 = tpu.memref_slice %arg7[%add3A_79, %dma_wait3A_147] : memref<10240x128xf32, #tpu.memory_space<vmem_shared>> -> memref<32x128xf32, #tpu.memory_space<vmem_shared>>
      %dma_wait3A_149 = arith.constant 0 : i32
      %dma_wait3A_150 = tpu.memref_slice %arg7[%add3A_79, %dma_wait3A_149] : memref<10240x128xf32, #tpu.memory_space<vmem_shared>> -> memref<32x128xf32, #tpu.memory_space<vmem_shared>>
      tpu.wait_dma2 semaphore(%run_scoped3A_143 : memref<!tpu.dma_semaphore, #tpu.memory_space<semaphore_mem>>) src(%arg6 : memref<32x128xf32, #tpu.memory_space<vmem>>) dst(%dma_wait3A_150 : memref<32x128xf32, #tpu.memory_space<vmem_shared>>)
      tpu.yield
    }) : () -> ()
    %mul3A_80 = arith.constant 640 : i32
    %mul3A_81 = arith.muli %arg1, %mul3A_80 : i32
    %add3A_82 = arith.constant 480 : i32
    %add3A_83 = arith.addi %mul3A_81, %add3A_82 : i32
    "tpu.region"() ({
      %run_scoped3A_143 = tpu.sem_alloc : memref<!tpu.dma_semaphore, #tpu.memory_space<semaphore_mem>>
      %dma_start3A = arith.constant 0 : i32
      %dma_start3A_144 = tpu.memref_slice %arg7[%add3A_83, %dma_start3A] : memref<10240x128xf32, #tpu.memory_space<vmem_shared>> -> memref<32x128xf32, #tpu.memory_space<vmem_shared>>
      %dma_start3A_145 = arith.constant 0 : i32
      %dma_start3A_146 = tpu.memref_slice %arg7[%add3A_83, %dma_start3A_145] : memref<10240x128xf32, #tpu.memory_space<vmem_shared>> -> memref<32x128xf32, #tpu.memory_space<vmem_shared>>
      tpu.enqueue_dma source(%arg6 : memref<32x128xf32, #tpu.memory_space<vmem>>) target(%dma_start3A_146 : memref<32x128xf32, #tpu.memory_space<vmem_shared>>) target_semaphore(%run_scoped3A_143 : memref<!tpu.dma_semaphore, #tpu.memory_space<semaphore_mem>>)
      %dma_wait3A_147 = arith.constant 0 : i32
      %dma_wait3A_148 = tpu.memref_slice %arg7[%add3A_83, %dma_wait3A_147] : memref<10240x128xf32, #tpu.memory_space<vmem_shared>> -> memref<32x128xf32, #tpu.memory_space<vmem_shared>>
      %dma_wait3A_149 = arith.constant 0 : i32
      %dma_wait3A_150 = tpu.memref_slice %arg7[%add3A_83, %dma_wait3A_149] : memref<10240x128xf32, #tpu.memory_space<vmem_shared>> -> memref<32x128xf32, #tpu.memory_space<vmem_shared>>
      tpu.wait_dma2 semaphore(%run_scoped3A_143 : memref<!tpu.dma_semaphore, #tpu.memory_space<semaphore_mem>>) src(%arg6 : memref<32x128xf32, #tpu.memory_space<vmem>>) dst(%dma_wait3A_150 : memref<32x128xf32, #tpu.memory_space<vmem_shared>>)
      tpu.yield
    }) : () -> ()
    %mul3A_84 = arith.constant 640 : i32
    %mul3A_85 = arith.muli %arg1, %mul3A_84 : i32
    %add3A_86 = arith.constant 512 : i32
    %add3A_87 = arith.addi %mul3A_85, %add3A_86 : i32
    "tpu.region"() ({
      %run_scoped3A_143 = tpu.sem_alloc : memref<!tpu.dma_semaphore, #tpu.memory_space<semaphore_mem>>
      %dma_start3A = arith.constant 0 : i32
      %dma_start3A_144 = tpu.memref_slice %arg7[%add3A_87, %dma_start3A] : memref<10240x128xf32, #tpu.memory_space<vmem_shared>> -> memref<32x128xf32, #tpu.memory_space<vmem_shared>>
      %dma_start3A_145 = arith.constant 0 : i32
      %dma_start3A_146 = tpu.memref_slice %arg7[%add3A_87, %dma_start3A_145] : memref<10240x128xf32, #tpu.memory_space<vmem_shared>> -> memref<32x128xf32, #tpu.memory_space<vmem_shared>>
      tpu.enqueue_dma source(%arg6 : memref<32x128xf32, #tpu.memory_space<vmem>>) target(%dma_start3A_146 : memref<32x128xf32, #tpu.memory_space<vmem_shared>>) target_semaphore(%run_scoped3A_143 : memref<!tpu.dma_semaphore, #tpu.memory_space<semaphore_mem>>)
      %dma_wait3A_147 = arith.constant 0 : i32
      %dma_wait3A_148 = tpu.memref_slice %arg7[%add3A_87, %dma_wait3A_147] : memref<10240x128xf32, #tpu.memory_space<vmem_shared>> -> memref<32x128xf32, #tpu.memory_space<vmem_shared>>
      %dma_wait3A_149 = arith.constant 0 : i32
      %dma_wait3A_150 = tpu.memref_slice %arg7[%add3A_87, %dma_wait3A_149] : memref<10240x128xf32, #tpu.memory_space<vmem_shared>> -> memref<32x128xf32, #tpu.memory_space<vmem_shared>>
      tpu.wait_dma2 semaphore(%run_scoped3A_143 : memref<!tpu.dma_semaphore, #tpu.memory_space<semaphore_mem>>) src(%arg6 : memref<32x128xf32, #tpu.memory_space<vmem>>) dst(%dma_wait3A_150 : memref<32x128xf32, #tpu.memory_space<vmem_shared>>)
      tpu.yield
    }) : () -> ()
    %mul3A_88 = arith.constant 640 : i32
    %mul3A_89 = arith.muli %arg1, %mul3A_88 : i32
    %add3A_90 = arith.constant 544 : i32
    %add3A_91 = arith.addi %mul3A_89, %add3A_90 : i32
    "tpu.region"() ({
      %run_scoped3A_143 = tpu.sem_alloc : memref<!tpu.dma_semaphore, #tpu.memory_space<semaphore_mem>>
      %dma_start3A = arith.constant 0 : i32
      %dma_start3A_144 = tpu.memref_slice %arg7[%add3A_91, %dma_start3A] : memref<10240x128xf32, #tpu.memory_space<vmem_shared>> -> memref<32x128xf32, #tpu.memory_space<vmem_shared>>
      %dma_start3A_145 = arith.constant 0 : i32
      %dma_start3A_146 = tpu.memref_slice %arg7[%add3A_91, %dma_start3A_145] : memref<10240x128xf32, #tpu.memory_space<vmem_shared>> -> memref<32x128xf32, #tpu.memory_space<vmem_shared>>
      tpu.enqueue_dma source(%arg6 : memref<32x128xf32, #tpu.memory_space<vmem>>) target(%dma_start3A_146 : memref<32x128xf32, #tpu.memory_space<vmem_shared>>) target_semaphore(%run_scoped3A_143 : memref<!tpu.dma_semaphore, #tpu.memory_space<semaphore_mem>>)
      %dma_wait3A_147 = arith.constant 0 : i32
      %dma_wait3A_148 = tpu.memref_slice %arg7[%add3A_91, %dma_wait3A_147] : memref<10240x128xf32, #tpu.memory_space<vmem_shared>> -> memref<32x128xf32, #tpu.memory_space<vmem_shared>>
      %dma_wait3A_149 = arith.constant 0 : i32
      %dma_wait3A_150 = tpu.memref_slice %arg7[%add3A_91, %dma_wait3A_149] : memref<10240x128xf32, #tpu.memory_space<vmem_shared>> -> memref<32x128xf32, #tpu.memory_space<vmem_shared>>
      tpu.wait_dma2 semaphore(%run_scoped3A_143 : memref<!tpu.dma_semaphore, #tpu.memory_space<semaphore_mem>>) src(%arg6 : memref<32x128xf32, #tpu.memory_space<vmem>>) dst(%dma_wait3A_150 : memref<32x128xf32, #tpu.memory_space<vmem_shared>>)
      tpu.yield
    }) : () -> ()
    %mul3A_92 = arith.constant 640 : i32
    %mul3A_93 = arith.muli %arg1, %mul3A_92 : i32
    %add3A_94 = arith.constant 576 : i32
    %add3A_95 = arith.addi %mul3A_93, %add3A_94 : i32
    "tpu.region"() ({
      %run_scoped3A_143 = tpu.sem_alloc : memref<!tpu.dma_semaphore, #tpu.memory_space<semaphore_mem>>
      %dma_start3A = arith.constant 0 : i32
      %dma_start3A_144 = tpu.memref_slice %arg7[%add3A_95, %dma_start3A] : memref<10240x128xf32, #tpu.memory_space<vmem_shared>> -> memref<32x128xf32, #tpu.memory_space<vmem_shared>>
      %dma_start3A_145 = arith.constant 0 : i32
      %dma_start3A_146 = tpu.memref_slice %arg7[%add3A_95, %dma_start3A_145] : memref<10240x128xf32, #tpu.memory_space<vmem_shared>> -> memref<32x128xf32, #tpu.memory_space<vmem_shared>>
      tpu.enqueue_dma source(%arg6 : memref<32x128xf32, #tpu.memory_space<vmem>>) target(%dma_start3A_146 : memref<32x128xf32, #tpu.memory_space<vmem_shared>>) target_semaphore(%run_scoped3A_143 : memref<!tpu.dma_semaphore, #tpu.memory_space<semaphore_mem>>)
      %dma_wait3A_147 = arith.constant 0 : i32
      %dma_wait3A_148 = tpu.memref_slice %arg7[%add3A_95, %dma_wait3A_147] : memref<10240x128xf32, #tpu.memory_space<vmem_shared>> -> memref<32x128xf32, #tpu.memory_space<vmem_shared>>
      %dma_wait3A_149 = arith.constant 0 : i32
      %dma_wait3A_150 = tpu.memref_slice %arg7[%add3A_95, %dma_wait3A_149] : memref<10240x128xf32, #tpu.memory_space<vmem_shared>> -> memref<32x128xf32, #tpu.memory_space<vmem_shared>>
      tpu.wait_dma2 semaphore(%run_scoped3A_143 : memref<!tpu.dma_semaphore, #tpu.memory_space<semaphore_mem>>) src(%arg6 : memref<32x128xf32, #tpu.memory_space<vmem>>) dst(%dma_wait3A_150 : memref<32x128xf32, #tpu.memory_space<vmem_shared>>)
      tpu.yield
    }) : () -> ()
    %mul3A_96 = arith.constant 640 : i32
    %mul3A_97 = arith.muli %arg1, %mul3A_96 : i32
    %add3A_98 = arith.constant 608 : i32
    %add3A_99 = arith.addi %mul3A_97, %add3A_98 : i32
    "tpu.region"() ({
      %run_scoped3A_143 = tpu.sem_alloc : memref<!tpu.dma_semaphore, #tpu.memory_space<semaphore_mem>>
      %dma_start3A = arith.constant 0 : i32
      %dma_start3A_144 = tpu.memref_slice %arg7[%add3A_99, %dma_start3A] : memref<10240x128xf32, #tpu.memory_space<vmem_shared>> -> memref<32x128xf32, #tpu.memory_space<vmem_shared>>
      %dma_start3A_145 = arith.constant 0 : i32
      %dma_start3A_146 = tpu.memref_slice %arg7[%add3A_99, %dma_start3A_145] : memref<10240x128xf32, #tpu.memory_space<vmem_shared>> -> memref<32x128xf32, #tpu.memory_space<vmem_shared>>
      tpu.enqueue_dma source(%arg6 : memref<32x128xf32, #tpu.memory_space<vmem>>) target(%dma_start3A_146 : memref<32x128xf32, #tpu.memory_space<vmem_shared>>) target_semaphore(%run_scoped3A_143 : memref<!tpu.dma_semaphore, #tpu.memory_space<semaphore_mem>>)
      %dma_wait3A_147 = arith.constant 0 : i32
      %dma_wait3A_148 = tpu.memref_slice %arg7[%add3A_99, %dma_wait3A_147] : memref<10240x128xf32, #tpu.memory_space<vmem_shared>> -> memref<32x128xf32, #tpu.memory_space<vmem_shared>>
      %dma_wait3A_149 = arith.constant 0 : i32
      %dma_wait3A_150 = tpu.memref_slice %arg7[%add3A_99, %dma_wait3A_149] : memref<10240x128xf32, #tpu.memory_space<vmem_shared>> -> memref<32x128xf32, #tpu.memory_space<vmem_shared>>
      tpu.wait_dma2 semaphore(%run_scoped3A_143 : memref<!tpu.dma_semaphore, #tpu.memory_space<semaphore_mem>>) src(%arg6 : memref<32x128xf32, #tpu.memory_space<vmem>>) dst(%dma_wait3A_150 : memref<32x128xf32, #tpu.memory_space<vmem_shared>>)
      tpu.yield
    }) : () -> ()
    %add3A_100 = arith.constant 0 : i32
    %add3A_101 = arith.addi %mul3A_2, %add3A_100 : i32
    %run_scoped3A = arith.constant 0 : i32
    "tpu.region"() ({
      %run_scoped3A_143 = tpu.sem_alloc : memref<!tpu.dma_semaphore, #tpu.memory_space<semaphore_mem>>
      %dma_start3A = arith.constant 0 : i32
      %dma_start3A_144 = tpu.memref_slice %arg4[%run_scoped3A, %dma_start3A] : memref<6x80xi32, #tpu.memory_space<vmem>> -> memref<1x80xi32, #tpu.memory_space<vmem>>
      %dma_start3A_145 = tpu.memref_squeeze %dma_start3A_144 : memref<1x80xi32, #tpu.memory_space<vmem>> -> memref<80xi32, #tpu.memory_space<vmem>>
      %dma_start3A_146 = tpu.memref_slice %arg2[%add3A_101] : memref<320000xi32, #tpu.memory_space<hbm>> -> memref<80xi32, #tpu.memory_space<hbm>>
      %dma_start3A_147 = arith.constant 0 : i32
      %dma_start3A_148 = tpu.memref_slice %arg4[%run_scoped3A, %dma_start3A_147] : memref<6x80xi32, #tpu.memory_space<vmem>> -> memref<1x80xi32, #tpu.memory_space<vmem>>
      %dma_start3A_149 = tpu.memref_squeeze %dma_start3A_148 : memref<1x80xi32, #tpu.memory_space<vmem>> -> memref<80xi32, #tpu.memory_space<vmem>>
      %dma_start3A_150 = tpu.memref_slice %arg2[%add3A_101] : memref<320000xi32, #tpu.memory_space<hbm>> -> memref<80xi32, #tpu.memory_space<hbm>>
      tpu.enqueue_dma source(%dma_start3A_150 : memref<80xi32, #tpu.memory_space<hbm>>) target(%dma_start3A_149 : memref<80xi32, #tpu.memory_space<vmem>>) target_semaphore(%run_scoped3A_143 : memref<!tpu.dma_semaphore, #tpu.memory_space<semaphore_mem>>)
      %dma_wait3A_151 = arith.constant 0 : i32
      %dma_wait3A_152 = tpu.memref_slice %arg4[%run_scoped3A, %dma_wait3A_151] : memref<6x80xi32, #tpu.memory_space<vmem>> -> memref<1x80xi32, #tpu.memory_space<vmem>>
      %dma_wait3A_153 = tpu.memref_squeeze %dma_wait3A_152 : memref<1x80xi32, #tpu.memory_space<vmem>> -> memref<80xi32, #tpu.memory_space<vmem>>
      %dma_wait3A_154 = tpu.memref_slice %arg2[%add3A_101] : memref<320000xi32, #tpu.memory_space<hbm>> -> memref<80xi32, #tpu.memory_space<hbm>>
      %dma_wait3A_155 = arith.constant 0 : i32
      %dma_wait3A_156 = tpu.memref_slice %arg4[%run_scoped3A, %dma_wait3A_155] : memref<6x80xi32, #tpu.memory_space<vmem>> -> memref<1x80xi32, #tpu.memory_space<vmem>>
      %dma_wait3A_157 = tpu.memref_squeeze %dma_wait3A_156 : memref<1x80xi32, #tpu.memory_space<vmem>> -> memref<80xi32, #tpu.memory_space<vmem>>
      %dma_wait3A_158 = tpu.memref_slice %arg2[%add3A_101] : memref<320000xi32, #tpu.memory_space<hbm>> -> memref<80xi32, #tpu.memory_space<hbm>>
      tpu.wait_dma2 semaphore(%run_scoped3A_143 : memref<!tpu.dma_semaphore, #tpu.memory_space<semaphore_mem>>) src(%dma_wait3A_158 : memref<80xi32, #tpu.memory_space<hbm>>) dst(%dma_wait3A_157 : memref<80xi32, #tpu.memory_space<vmem>>)
      tpu.yield
    }) : () -> ()
    %add3A_102 = arith.constant 80 : i32
    %add3A_103 = arith.addi %mul3A_2, %add3A_102 : i32
    %run_scoped3A_104 = arith.constant 1 : i32
    "tpu.region"() ({
      %run_scoped3A_143 = tpu.sem_alloc : memref<!tpu.dma_semaphore, #tpu.memory_space<semaphore_mem>>
      %dma_start3A = arith.constant 0 : i32
      %dma_start3A_144 = tpu.memref_slice %arg4[%run_scoped3A_104, %dma_start3A] : memref<6x80xi32, #tpu.memory_space<vmem>> -> memref<1x80xi32, #tpu.memory_space<vmem>>
      %dma_start3A_145 = tpu.memref_squeeze %dma_start3A_144 : memref<1x80xi32, #tpu.memory_space<vmem>> -> memref<80xi32, #tpu.memory_space<vmem>>
      %dma_start3A_146 = tpu.memref_slice %arg2[%add3A_103] : memref<320000xi32, #tpu.memory_space<hbm>> -> memref<80xi32, #tpu.memory_space<hbm>>
      %dma_start3A_147 = arith.constant 0 : i32
      %dma_start3A_148 = tpu.memref_slice %arg4[%run_scoped3A_104, %dma_start3A_147] : memref<6x80xi32, #tpu.memory_space<vmem>> -> memref<1x80xi32, #tpu.memory_space<vmem>>
      %dma_start3A_149 = tpu.memref_squeeze %dma_start3A_148 : memref<1x80xi32, #tpu.memory_space<vmem>> -> memref<80xi32, #tpu.memory_space<vmem>>
      %dma_start3A_150 = tpu.memref_slice %arg2[%add3A_103] : memref<320000xi32, #tpu.memory_space<hbm>> -> memref<80xi32, #tpu.memory_space<hbm>>
      tpu.enqueue_dma source(%dma_start3A_150 : memref<80xi32, #tpu.memory_space<hbm>>) target(%dma_start3A_149 : memref<80xi32, #tpu.memory_space<vmem>>) target_semaphore(%run_scoped3A_143 : memref<!tpu.dma_semaphore, #tpu.memory_space<semaphore_mem>>)
      %dma_wait3A_151 = arith.constant 0 : i32
      %dma_wait3A_152 = tpu.memref_slice %arg4[%run_scoped3A_104, %dma_wait3A_151] : memref<6x80xi32, #tpu.memory_space<vmem>> -> memref<1x80xi32, #tpu.memory_space<vmem>>
      %dma_wait3A_153 = tpu.memref_squeeze %dma_wait3A_152 : memref<1x80xi32, #tpu.memory_space<vmem>> -> memref<80xi32, #tpu.memory_space<vmem>>
      %dma_wait3A_154 = tpu.memref_slice %arg2[%add3A_103] : memref<320000xi32, #tpu.memory_space<hbm>> -> memref<80xi32, #tpu.memory_space<hbm>>
      %dma_wait3A_155 = arith.constant 0 : i32
      %dma_wait3A_156 = tpu.memref_slice %arg4[%run_scoped3A_104, %dma_wait3A_155] : memref<6x80xi32, #tpu.memory_space<vmem>> -> memref<1x80xi32, #tpu.memory_space<vmem>>
      %dma_wait3A_157 = tpu.memref_squeeze %dma_wait3A_156 : memref<1x80xi32, #tpu.memory_space<vmem>> -> memref<80xi32, #tpu.memory_space<vmem>>
      %dma_wait3A_158 = tpu.memref_slice %arg2[%add3A_103] : memref<320000xi32, #tpu.memory_space<hbm>> -> memref<80xi32, #tpu.memory_space<hbm>>
      tpu.wait_dma2 semaphore(%run_scoped3A_143 : memref<!tpu.dma_semaphore, #tpu.memory_space<semaphore_mem>>) src(%dma_wait3A_158 : memref<80xi32, #tpu.memory_space<hbm>>) dst(%dma_wait3A_157 : memref<80xi32, #tpu.memory_space<vmem>>)
      tpu.yield
    }) : () -> ()
    %add3A_105 = arith.constant 160 : i32
    %add3A_106 = arith.addi %mul3A_2, %add3A_105 : i32
    %run_scoped3A_107 = arith.constant 2 : i32
    "tpu.region"() ({
      %run_scoped3A_143 = tpu.sem_alloc : memref<!tpu.dma_semaphore, #tpu.memory_space<semaphore_mem>>
      %dma_start3A = arith.constant 0 : i32
      %dma_start3A_144 = tpu.memref_slice %arg4[%run_scoped3A_107, %dma_start3A] : memref<6x80xi32, #tpu.memory_space<vmem>> -> memref<1x80xi32, #tpu.memory_space<vmem>>
      %dma_start3A_145 = tpu.memref_squeeze %dma_start3A_144 : memref<1x80xi32, #tpu.memory_space<vmem>> -> memref<80xi32, #tpu.memory_space<vmem>>
      %dma_start3A_146 = tpu.memref_slice %arg2[%add3A_106] : memref<320000xi32, #tpu.memory_space<hbm>> -> memref<80xi32, #tpu.memory_space<hbm>>
      %dma_start3A_147 = arith.constant 0 : i32
      %dma_start3A_148 = tpu.memref_slice %arg4[%run_scoped3A_107, %dma_start3A_147] : memref<6x80xi32, #tpu.memory_space<vmem>> -> memref<1x80xi32, #tpu.memory_space<vmem>>
      %dma_start3A_149 = tpu.memref_squeeze %dma_start3A_148 : memref<1x80xi32, #tpu.memory_space<vmem>> -> memref<80xi32, #tpu.memory_space<vmem>>
      %dma_start3A_150 = tpu.memref_slice %arg2[%add3A_106] : memref<320000xi32, #tpu.memory_space<hbm>> -> memref<80xi32, #tpu.memory_space<hbm>>
      tpu.enqueue_dma source(%dma_start3A_150 : memref<80xi32, #tpu.memory_space<hbm>>) target(%dma_start3A_149 : memref<80xi32, #tpu.memory_space<vmem>>) target_semaphore(%run_scoped3A_143 : memref<!tpu.dma_semaphore, #tpu.memory_space<semaphore_mem>>)
      %dma_wait3A_151 = arith.constant 0 : i32
      %dma_wait3A_152 = tpu.memref_slice %arg4[%run_scoped3A_107, %dma_wait3A_151] : memref<6x80xi32, #tpu.memory_space<vmem>> -> memref<1x80xi32, #tpu.memory_space<vmem>>
      %dma_wait3A_153 = tpu.memref_squeeze %dma_wait3A_152 : memref<1x80xi32, #tpu.memory_space<vmem>> -> memref<80xi32, #tpu.memory_space<vmem>>
      %dma_wait3A_154 = tpu.memref_slice %arg2[%add3A_106] : memref<320000xi32, #tpu.memory_space<hbm>> -> memref<80xi32, #tpu.memory_space<hbm>>
      %dma_wait3A_155 = arith.constant 0 : i32
      %dma_wait3A_156 = tpu.memref_slice %arg4[%run_scoped3A_107, %dma_wait3A_155] : memref<6x80xi32, #tpu.memory_space<vmem>> -> memref<1x80xi32, #tpu.memory_space<vmem>>
      %dma_wait3A_157 = tpu.memref_squeeze %dma_wait3A_156 : memref<1x80xi32, #tpu.memory_space<vmem>> -> memref<80xi32, #tpu.memory_space<vmem>>
      %dma_wait3A_158 = tpu.memref_slice %arg2[%add3A_106] : memref<320000xi32, #tpu.memory_space<hbm>> -> memref<80xi32, #tpu.memory_space<hbm>>
      tpu.wait_dma2 semaphore(%run_scoped3A_143 : memref<!tpu.dma_semaphore, #tpu.memory_space<semaphore_mem>>) src(%dma_wait3A_158 : memref<80xi32, #tpu.memory_space<hbm>>) dst(%dma_wait3A_157 : memref<80xi32, #tpu.memory_space<vmem>>)
      tpu.yield
    }) : () -> ()
    %barrier3A = arith.constant 0 : index
    tpu.barrier barrier_id(%barrier3A)
    %scan3A_108 = arith.constant 0 : i32
    %scan3A_109 = arith.constant 0 : i32
    %scan3A_110 = arith.constant 125 : i32
    %scan3A_111 = arith.addi %scan3A_109, %scan3A_110 : i32
    %scan3A_112 = arith.constant 1 : i32
    %scan3A_113 = scf.for %scan3A_143 = %scan3A_109 to %scan3A_111 step %scan3A_112 iter_args(%scan3A_144 = %scan3A_108) -> (i32)  : i32 {
      %rem3A = arith.constant 4 : i32
      %rem3A_145 = arith.remsi %scan3A_143, %rem3A : i32
      %rem3A_146 = arith.constant 6 : i32
      %rem3A_147 = arith.remsi %scan3A_143, %rem3A_146 : i32
      %add3A_148 = arith.constant 2 : i32
      %add3A_149 = arith.addi %scan3A_143, %add3A_148 : i32
      %rem3A_150 = arith.constant 4 : i32
      %rem3A_151 = arith.remsi %add3A_149, %rem3A_150 : i32
      %add3A_152 = arith.constant 2 : i32
      %add3A_153 = arith.addi %scan3A_143, %add3A_152 : i32
      %rem3A_154 = arith.constant 6 : i32
      %rem3A_155 = arith.remsi %add3A_153, %rem3A_154 : i32
      %add3A_156 = arith.constant 3 : i32
      %add3A_157 = arith.addi %scan3A_143, %add3A_156 : i32
      %rem3A_158 = arith.constant 6 : i32
      %rem3A_159 = arith.remsi %add3A_157, %rem3A_158 : i32
      %ge3A = arith.constant 2 : i32
      %ge3A_160 = arith.cmpi sge, %scan3A_143, %ge3A : i32
      %convert_element_type3A = arith.extui %ge3A_160 : i1 to i32
      %cond3A = arith.constant 0 : i32
      %cond3A_161 = arith.constant 0 : i32
      %cond3A_162 = arith.cmpi ne, %convert_element_type3A, %cond3A_161 : i32
      scf.if %cond3A_162 {
        %dma_wait3A_180 = arith.constant 0 : i32
        %dma_wait3A_181 = arith.constant 0 : i32
        %dma_wait3A_182 = tpu.memref_slice %arg5[%cond3A, %dma_wait3A_180, %dma_wait3A_181] : memref<4x80x128xf32, #tpu.memory_space<vmem>> -> memref<1x80x128xf32, #tpu.memory_space<vmem>>
        %dma_wait3A_183 = tpu.memref_squeeze %dma_wait3A_182 : memref<1x80x128xf32, #tpu.memory_space<vmem>> -> memref<80x128xf32, #tpu.memory_space<vmem>>
        %dma_wait3A_184 = arith.constant 0 : i32
        %dma_wait3A_185 = tpu.memref_slice %arg4[%rem3A_147, %dma_wait3A_184] : memref<6x80xi32, #tpu.memory_space<vmem>> -> memref<1x80xi32, #tpu.memory_space<vmem>>
        %dma_wait3A_186 = tpu.memref_squeeze %dma_wait3A_185 : memref<1x80xi32, #tpu.memory_space<vmem>> -> memref<80xi32, #tpu.memory_space<vmem>>
        %dma_wait3A_187 = arith.constant 0 : i32
        %dma_wait3A_188 = arith.constant 0 : i32
        %dma_wait3A_189 = tpu.memref_slice %arg7[%dma_wait3A_187, %dma_wait3A_188] : memref<10240x128xf32, #tpu.memory_space<vmem_shared>> -> memref<10240x128xf32, #tpu.memory_space<vmem_shared>>
        tpu.wait_indirect_dma semaphore(%arg9 : memref<!tpu.dma_semaphore, #tpu.memory_space<semaphore_mem>>) src(%dma_wait3A_183 : memref<80x128xf32, #tpu.memory_space<vmem>>) dst(%dma_wait3A_189 : memref<10240x128xf32, #tpu.memory_space<vmem_shared>>)
      } else {
      }
      %add3A_163 = arith.constant 3 : i32
      %add3A_164 = arith.addi %scan3A_143, %add3A_163 : i32
      %lt3A = arith.constant 125 : i32
      %lt3A_165 = arith.cmpi slt, %add3A_164, %lt3A : i32
      %convert_element_type3A_166 = arith.extui %lt3A_165 : i1 to i32
      %cond3A_167 = arith.constant 0 : i32
      %cond3A_168 = arith.cmpi ne, %convert_element_type3A_166, %cond3A_167 : i32
      scf.if %cond3A_168 {
        %add3A_180 = arith.constant 3 : i32
        %add3A_181 = arith.addi %scan3A_143, %add3A_180 : i32
        %mul3A_182 = arith.constant 80 : i32
        %mul3A_183 = arith.muli %add3A_181, %mul3A_182 : i32
        %add3A_184 = arith.addi %mul3A_2, %mul3A_183 : i32
        "tpu.region"() ({
          %run_scoped3A_185 = tpu.sem_alloc : memref<!tpu.dma_semaphore, #tpu.memory_space<semaphore_mem>>
          %dma_start3A_186 = arith.constant 0 : i32
          %dma_start3A_187 = tpu.memref_slice %arg4[%rem3A_159, %dma_start3A_186] : memref<6x80xi32, #tpu.memory_space<vmem>> -> memref<1x80xi32, #tpu.memory_space<vmem>>
          %dma_start3A_188 = tpu.memref_squeeze %dma_start3A_187 : memref<1x80xi32, #tpu.memory_space<vmem>> -> memref<80xi32, #tpu.memory_space<vmem>>
          %dma_start3A_189 = tpu.memref_slice %arg2[%add3A_184] : memref<320000xi32, #tpu.memory_space<hbm>> -> memref<80xi32, #tpu.memory_space<hbm>>
          %dma_start3A_190 = arith.constant 0 : i32
          %dma_start3A_191 = tpu.memref_slice %arg4[%rem3A_159, %dma_start3A_190] : memref<6x80xi32, #tpu.memory_space<vmem>> -> memref<1x80xi32, #tpu.memory_space<vmem>>
          %dma_start3A_192 = tpu.memref_squeeze %dma_start3A_191 : memref<1x80xi32, #tpu.memory_space<vmem>> -> memref<80xi32, #tpu.memory_space<vmem>>
          %dma_start3A_193 = tpu.memref_slice %arg2[%add3A_184] : memref<320000xi32, #tpu.memory_space<hbm>> -> memref<80xi32, #tpu.memory_space<hbm>>
          tpu.enqueue_dma source(%dma_start3A_193 : memref<80xi32, #tpu.memory_space<hbm>>) target(%dma_start3A_192 : memref<80xi32, #tpu.memory_space<vmem>>) target_semaphore(%run_scoped3A_185 : memref<!tpu.dma_semaphore, #tpu.memory_space<semaphore_mem>>)
          %dma_wait3A_194 = arith.constant 0 : i32
          %dma_wait3A_195 = tpu.memref_slice %arg4[%rem3A_159, %dma_wait3A_194] : memref<6x80xi32, #tpu.memory_space<vmem>> -> memref<1x80xi32, #tpu.memory_space<vmem>>
          %dma_wait3A_196 = tpu.memref_squeeze %dma_wait3A_195 : memref<1x80xi32, #tpu.memory_space<vmem>> -> memref<80xi32, #tpu.memory_space<vmem>>
          %dma_wait3A_197 = tpu.memref_slice %arg2[%add3A_184] : memref<320000xi32, #tpu.memory_space<hbm>> -> memref<80xi32, #tpu.memory_space<hbm>>
          %dma_wait3A_198 = arith.constant 0 : i32
          %dma_wait3A_199 = tpu.memref_slice %arg4[%rem3A_159, %dma_wait3A_198] : memref<6x80xi32, #tpu.memory_space<vmem>> -> memref<1x80xi32, #tpu.memory_space<vmem>>
          %dma_wait3A_200 = tpu.memref_squeeze %dma_wait3A_199 : memref<1x80xi32, #tpu.memory_space<vmem>> -> memref<80xi32, #tpu.memory_space<vmem>>
          %dma_wait3A_201 = tpu.memref_slice %arg2[%add3A_184] : memref<320000xi32, #tpu.memory_space<hbm>> -> memref<80xi32, #tpu.memory_space<hbm>>
          tpu.wait_dma2 semaphore(%run_scoped3A_185 : memref<!tpu.dma_semaphore, #tpu.memory_space<semaphore_mem>>) src(%dma_wait3A_201 : memref<80xi32, #tpu.memory_space<hbm>>) dst(%dma_wait3A_200 : memref<80xi32, #tpu.memory_space<vmem>>)
          tpu.yield
        }) : () -> ()
      } else {
      }
      %dma_start3A = arith.constant 0 : i32
      %dma_start3A_169 = arith.constant 0 : i32
      %dma_start3A_170 = arith.constant 0 : i32
      %dma_start3A_171 = tpu.memref_slice %arg5[%dma_start3A, %dma_start3A_169, %dma_start3A_170] : memref<4x80x128xf32, #tpu.memory_space<vmem>> -> memref<1x80x128xf32, #tpu.memory_space<vmem>>
      %dma_start3A_172 = tpu.memref_squeeze %dma_start3A_171 : memref<1x80x128xf32, #tpu.memory_space<vmem>> -> memref<80x128xf32, #tpu.memory_space<vmem>>
      %dma_start3A_173 = arith.constant 0 : i32
      %dma_start3A_174 = tpu.memref_slice %arg4[%rem3A_147, %dma_start3A_173] : memref<6x80xi32, #tpu.memory_space<vmem>> -> memref<1x80xi32, #tpu.memory_space<vmem>>
      %dma_start3A_175 = tpu.memref_squeeze %dma_start3A_174 : memref<1x80xi32, #tpu.memory_space<vmem>> -> memref<80xi32, #tpu.memory_space<vmem>>
      %dma_start3A_176 = arith.constant 0 : i32
      %dma_start3A_177 = arith.constant 0 : i32
      %dma_start3A_178 = tpu.memref_slice %arg7[%dma_start3A_176, %dma_start3A_177] : memref<10240x128xf32, #tpu.memory_space<vmem_shared>> -> memref<10240x128xf32, #tpu.memory_space<vmem_shared>>
      tpu.enqueue_indirect_dma source(%dma_start3A_172 : memref<80x128xf32, #tpu.memory_space<vmem>>) target(%dma_start3A_178 : memref<10240x128xf32, #tpu.memory_space<vmem_shared>>) offsets(%dma_start3A_175 : memref<80xi32, #tpu.memory_space<vmem>>) semaphore(%arg9 : memref<!tpu.dma_semaphore, #tpu.memory_space<semaphore_mem>>) {add = true}
      %scan3A_179 = arith.constant 0 : i32
      scf.yield %scan3A_179 : i32
    }
    %scan3A_114 = arith.constant 125 : i32
    %dma_wait3A = arith.constant 0 : i32
    %dma_wait3A_115 = arith.constant 0 : i32
    %dma_wait3A_116 = arith.constant 0 : i32
    %dma_wait3A_117 = arith.constant 0 : i32
    %dma_wait3A_118 = tpu.memref_slice %arg5[%dma_wait3A, %dma_wait3A_116, %dma_wait3A_117] : memref<4x80x128xf32, #tpu.memory_space<vmem>> -> memref<1x80x128xf32, #tpu.memory_space<vmem>>
    %dma_wait3A_119 = tpu.memref_squeeze %dma_wait3A_118 : memref<1x80x128xf32, #tpu.memory_space<vmem>> -> memref<80x128xf32, #tpu.memory_space<vmem>>
    %dma_wait3A_120 = arith.constant 0 : i32
    %dma_wait3A_121 = tpu.memref_slice %arg4[%dma_wait3A_115, %dma_wait3A_120] : memref<6x80xi32, #tpu.memory_space<vmem>> -> memref<1x80xi32, #tpu.memory_space<vmem>>
    %dma_wait3A_122 = tpu.memref_squeeze %dma_wait3A_121 : memref<1x80xi32, #tpu.memory_space<vmem>> -> memref<80xi32, #tpu.memory_space<vmem>>
    %dma_wait3A_123 = arith.constant 0 : i32
    %dma_wait3A_124 = arith.constant 0 : i32
    %dma_wait3A_125 = tpu.memref_slice %arg7[%dma_wait3A_123, %dma_wait3A_124] : memref<10240x128xf32, #tpu.memory_space<vmem_shared>> -> memref<10240x128xf32, #tpu.memory_space<vmem_shared>>
    tpu.wait_indirect_dma semaphore(%arg9 : memref<!tpu.dma_semaphore, #tpu.memory_space<semaphore_mem>>) src(%dma_wait3A_119 : memref<80x128xf32, #tpu.memory_space<vmem>>) dst(%dma_wait3A_125 : memref<10240x128xf32, #tpu.memory_space<vmem_shared>>)
    %dma_wait3A_126 = arith.constant 0 : i32
    %dma_wait3A_127 = arith.constant 0 : i32
    %dma_wait3A_128 = arith.constant 0 : i32
    %dma_wait3A_129 = arith.constant 0 : i32
    %dma_wait3A_130 = tpu.memref_slice %arg5[%dma_wait3A_126, %dma_wait3A_128, %dma_wait3A_129] : memref<4x80x128xf32, #tpu.memory_space<vmem>> -> memref<1x80x128xf32, #tpu.memory_space<vmem>>
    %dma_wait3A_131 = tpu.memref_squeeze %dma_wait3A_130 : memref<1x80x128xf32, #tpu.memory_space<vmem>> -> memref<80x128xf32, #tpu.memory_space<vmem>>
    %dma_wait3A_132 = arith.constant 0 : i32
    %dma_wait3A_133 = tpu.memref_slice %arg4[%dma_wait3A_127, %dma_wait3A_132] : memref<6x80xi32, #tpu.memory_space<vmem>> -> memref<1x80xi32, #tpu.memory_space<vmem>>
    %dma_wait3A_134 = tpu.memref_squeeze %dma_wait3A_133 : memref<1x80xi32, #tpu.memory_space<vmem>> -> memref<80xi32, #tpu.memory_space<vmem>>
    %dma_wait3A_135 = arith.constant 0 : i32
    %dma_wait3A_136 = arith.constant 0 : i32
    %dma_wait3A_137 = tpu.memref_slice %arg7[%dma_wait3A_135, %dma_wait3A_136] : memref<10240x128xf32, #tpu.memory_space<vmem_shared>> -> memref<10240x128xf32, #tpu.memory_space<vmem_shared>>
    tpu.wait_indirect_dma semaphore(%arg9 : memref<!tpu.dma_semaphore, #tpu.memory_space<semaphore_mem>>) src(%dma_wait3A_131 : memref<80x128xf32, #tpu.memory_space<vmem>>) dst(%dma_wait3A_137 : memref<10240x128xf32, #tpu.memory_space<vmem_shared>>)
    %barrier3A_138 = arith.constant 0 : index
    tpu.barrier barrier_id(%barrier3A_138)
    %mul3A_139 = arith.constant 640 : i32
    %mul3A_140 = arith.muli %arg1, %mul3A_139 : i32
    %mul3A_141 = arith.constant 640 : i32
    %mul3A_142 = arith.muli %arg1, %mul3A_141 : i32
    "tpu.region"() ({
      %run_scoped3A_143 = tpu.sem_alloc : memref<!tpu.dma_semaphore, #tpu.memory_space<semaphore_mem>>
      %dma_start3A = arith.constant 0 : i32
      %dma_start3A_144 = tpu.memref_slice %arg3[%arg0, %mul3A_142, %dma_start3A] : memref<2x10240x128xf32, #tpu.memory_space<hbm>> -> memref<1x640x128xf32, #tpu.memory_space<hbm>>
      %dma_start3A_145 = tpu.memref_squeeze %dma_start3A_144 : memref<1x640x128xf32, #tpu.memory_space<hbm>> -> memref<640x128xf32, #tpu.memory_space<hbm>>
      %dma_start3A_146 = arith.constant 0 : i32
      %dma_start3A_147 = tpu.memref_slice %arg7[%mul3A_140, %dma_start3A_146] : memref<10240x128xf32, #tpu.memory_space<vmem_shared>> -> memref<640x128xf32, #tpu.memory_space<vmem_shared>>
      tpu.enqueue_dma source(%dma_start3A_147 : memref<640x128xf32, #tpu.memory_space<vmem_shared>>) target(%dma_start3A_145 : memref<640x128xf32, #tpu.memory_space<hbm>>) target_semaphore(%run_scoped3A_143 : memref<!tpu.dma_semaphore, #tpu.memory_space<semaphore_mem>>)
      %dma_wait3A_148 = arith.constant 0 : i32
      %dma_wait3A_149 = tpu.memref_slice %arg3[%arg0, %mul3A_142, %dma_wait3A_148] : memref<2x10240x128xf32, #tpu.memory_space<hbm>> -> memref<1x640x128xf32, #tpu.memory_space<hbm>>
      %dma_wait3A_150 = tpu.memref_squeeze %dma_wait3A_149 : memref<1x640x128xf32, #tpu.memory_space<hbm>> -> memref<640x128xf32, #tpu.memory_space<hbm>>
      %dma_wait3A_151 = arith.constant 0 : i32
      %dma_wait3A_152 = tpu.memref_slice %arg7[%mul3A_140, %dma_wait3A_151] : memref<10240x128xf32, #tpu.memory_space<vmem_shared>> -> memref<640x128xf32, #tpu.memory_space<vmem_shared>>
      tpu.wait_dma2 semaphore(%run_scoped3A_143 : memref<!tpu.dma_semaphore, #tpu.memory_space<semaphore_mem>>) src(%dma_wait3A_152 : memref<640x128xf32, #tpu.memory_space<vmem_shared>>) dst(%dma_wait3A_150 : memref<640x128xf32, #tpu.memory_space<hbm>>)
      tpu.yield
    }) : () -> ()
    return
  }
}

#map = affine_map<(d0, d1) -> (0)>
#map1 = affine_map<(d0, d1) -> (0, 0)>
#map2 = affine_map<(d0, d1) -> (0, 0, 0)>
module attributes {stable_mosaic.version = 14 : i64} {
  func.func @body(%arg0: i32, %arg1: i32, %arg2: memref<320000xi32, #tpu.memory_space<hbm>>, %arg3: memref<320000xi32, #tpu.memory_space<hbm>>, %arg4: memref<10000x128xf32, #tpu.memory_space<hbm>>, %arg5: memref<2x10240x128xf32, #tpu.memory_space<hbm>>, %arg6: memref<6x80xi32, #tpu.memory_space<vmem>>, %arg7: memref<6x80xi32, #tpu.memory_space<vmem>>, %arg8: memref<4x80x128xf32, #tpu.memory_space<vmem>>, %arg9: memref<32x128xf32, #tpu.memory_space<vmem>>, %arg10: memref<10240x128xf32, #tpu.memory_space<vmem_shared>>, %arg11: memref<!tpu.dma_semaphore, #tpu.memory_space<semaphore_mem>>, %arg12: memref<!tpu.dma_semaphore, #tpu.memory_space<semaphore_mem>>) attributes {dimension_semantics = [#tpu.dimension_semantics<core_parallel>, #tpu.dimension_semantics<subcore_parallel>], iteration_bounds = array<i64: 2, 16>, scalar_prefetch = 0 : i64, scratch_operands = 7 : i64, tpu.core_type = #tpu.core_type<sc_vector_subcore>, window_params = [{transform_indices = #map}, {transform_indices = #map}, {transform_indices = #map1}, {transform_indices = #map2}]} {
    %mul3A = arith.constant 16 : i32
    %mul3A_0 = arith.muli %arg0, %mul3A : i32
    %add3A = arith.addi %mul3A_0, %arg1 : i32
    %mul3A_1 = arith.constant 10000 : i32
    %mul3A_2 = arith.muli %add3A, %mul3A_1 : i32
    %broadcast_in_dim3A = arith.constant 0.000000e+00 : f32
    %broadcast_in_dim3A_3 = vector.broadcast %broadcast_in_dim3A : f32 to vector<16xf32>
    %scan3A = arith.constant 0 : i32
    %scan3A_4 = arith.constant 0 : i32
    %scan3A_5 = arith.constant 32 : i32
    %scan3A_6 = arith.addi %scan3A_4, %scan3A_5 : i32
    %scan3A_7 = arith.constant 1 : i32
    %scan3A_8 = scf.for %scan3A_165 = %scan3A_4 to %scan3A_6 step %scan3A_7 iter_args(%scan3A_166 = %scan3A) -> (i32)  : i32 {
      %swap3A = arith.index_cast %scan3A_165 : i32 to index
      %swap3A_167 = arith.constant 0 : index
      %swap3A_168 = tpu.vector_load %arg9[%swap3A, %swap3A_167] {strides = array<i32>} : memref<32x128xf32, #tpu.memory_space<vmem>>, vector<1x16xf32>,
      %swap3A_169 = vector.shape_cast %swap3A_168 : vector<1x16xf32> to vector<16xf32>
      %swap3A_170 = vector.shape_cast %broadcast_in_dim3A_3 : vector<16xf32> to vector<1x16xf32>
      tpu.vector_store %arg9[%swap3A, %swap3A_167], %swap3A_170 {strides = array<i32>} : memref<32x128xf32, #tpu.memory_space<vmem>>, vector<1x16xf32>,
      %swap3A_171 = arith.index_cast %scan3A_165 : i32 to index
      %swap3A_172 = arith.constant 16 : index
      %swap3A_173 = tpu.vector_load %arg9[%swap3A_171, %swap3A_172] {strides = array<i32>} : memref<32x128xf32, #tpu.memory_space<vmem>>, vector<1x16xf32>,
      %swap3A_174 = vector.shape_cast %swap3A_173 : vector<1x16xf32> to vector<16xf32>
      %swap3A_175 = vector.shape_cast %broadcast_in_dim3A_3 : vector<16xf32> to vector<1x16xf32>
      tpu.vector_store %arg9[%swap3A_171, %swap3A_172], %swap3A_175 {strides = array<i32>} : memref<32x128xf32, #tpu.memory_space<vmem>>, vector<1x16xf32>,
      %swap3A_176 = arith.index_cast %scan3A_165 : i32 to index
      %swap3A_177 = arith.constant 32 : index
      %swap3A_178 = tpu.vector_load %arg9[%swap3A_176, %swap3A_177] {strides = array<i32>} : memref<32x128xf32, #tpu.memory_space<vmem>>, vector<1x16xf32>,
      %swap3A_179 = vector.shape_cast %swap3A_178 : vector<1x16xf32> to vector<16xf32>
      %swap3A_180 = vector.shape_cast %broadcast_in_dim3A_3 : vector<16xf32> to vector<1x16xf32>
      tpu.vector_store %arg9[%swap3A_176, %swap3A_177], %swap3A_180 {strides = array<i32>} : memref<32x128xf32, #tpu.memory_space<vmem>>, vector<1x16xf32>,
      %swap3A_181 = arith.index_cast %scan3A_165 : i32 to index
      %swap3A_182 = arith.constant 48 : index
      %swap3A_183 = tpu.vector_load %arg9[%swap3A_181, %swap3A_182] {strides = array<i32>} : memref<32x128xf32, #tpu.memory_space<vmem>>, vector<1x16xf32>,
      %swap3A_184 = vector.shape_cast %swap3A_183 : vector<1x16xf32> to vector<16xf32>
      %swap3A_185 = vector.shape_cast %broadcast_in_dim3A_3 : vector<16xf32> to vector<1x16xf32>
      tpu.vector_store %arg9[%swap3A_181, %swap3A_182], %swap3A_185 {strides = array<i32>} : memref<32x128xf32, #tpu.memory_space<vmem>>, vector<1x16xf32>,
      %swap3A_186 = arith.index_cast %scan3A_165 : i32 to index
      %swap3A_187 = arith.constant 64 : index
      %swap3A_188 = tpu.vector_load %arg9[%swap3A_186, %swap3A_187] {strides = array<i32>} : memref<32x128xf32, #tpu.memory_space<vmem>>, vector<1x16xf32>,
      %swap3A_189 = vector.shape_cast %swap3A_188 : vector<1x16xf32> to vector<16xf32>
      %swap3A_190 = vector.shape_cast %broadcast_in_dim3A_3 : vector<16xf32> to vector<1x16xf32>
      tpu.vector_store %arg9[%swap3A_186, %swap3A_187], %swap3A_190 {strides = array<i32>} : memref<32x128xf32, #tpu.memory_space<vmem>>, vector<1x16xf32>,
      %swap3A_191 = arith.index_cast %scan3A_165 : i32 to index
      %swap3A_192 = arith.constant 80 : index
      %swap3A_193 = tpu.vector_load %arg9[%swap3A_191, %swap3A_192] {strides = array<i32>} : memref<32x128xf32, #tpu.memory_space<vmem>>, vector<1x16xf32>,
      %swap3A_194 = vector.shape_cast %swap3A_193 : vector<1x16xf32> to vector<16xf32>
      %swap3A_195 = vector.shape_cast %broadcast_in_dim3A_3 : vector<16xf32> to vector<1x16xf32>
      tpu.vector_store %arg9[%swap3A_191, %swap3A_192], %swap3A_195 {strides = array<i32>} : memref<32x128xf32, #tpu.memory_space<vmem>>, vector<1x16xf32>,
      %swap3A_196 = arith.index_cast %scan3A_165 : i32 to index
      %swap3A_197 = arith.constant 96 : index
      %swap3A_198 = tpu.vector_load %arg9[%swap3A_196, %swap3A_197] {strides = array<i32>} : memref<32x128xf32, #tpu.memory_space<vmem>>, vector<1x16xf32>,
      %swap3A_199 = vector.shape_cast %swap3A_198 : vector<1x16xf32> to vector<16xf32>
      %swap3A_200 = vector.shape_cast %broadcast_in_dim3A_3 : vector<16xf32> to vector<1x16xf32>
      tpu.vector_store %arg9[%swap3A_196, %swap3A_197], %swap3A_200 {strides = array<i32>} : memref<32x128xf32, #tpu.memory_space<vmem>>, vector<1x16xf32>,
      %swap3A_201 = arith.index_cast %scan3A_165 : i32 to index
      %swap3A_202 = arith.constant 112 : index
      %swap3A_203 = tpu.vector_load %arg9[%swap3A_201, %swap3A_202] {strides = array<i32>} : memref<32x128xf32, #tpu.memory_space<vmem>>, vector<1x16xf32>,
      %swap3A_204 = vector.shape_cast %swap3A_203 : vector<1x16xf32> to vector<16xf32>
      %swap3A_205 = vector.shape_cast %broadcast_in_dim3A_3 : vector<16xf32> to vector<1x16xf32>
      tpu.vector_store %arg9[%swap3A_201, %swap3A_202], %swap3A_205 {strides = array<i32>} : memref<32x128xf32, #tpu.memory_space<vmem>>, vector<1x16xf32>,
      %scan3A_206 = arith.constant 0 : i32
      scf.yield %scan3A_206 : i32
    }
    %scan3A_9 = arith.constant 32 : i32
    %mul3A_10 = arith.constant 640 : i32
    %mul3A_11 = arith.muli %arg1, %mul3A_10 : i32
    %add3A_12 = arith.constant 0 : i32
    %add3A_13 = arith.addi %mul3A_11, %add3A_12 : i32
    "tpu.region"() ({
      %run_scoped3A_165 = tpu.sem_alloc : memref<!tpu.dma_semaphore, #tpu.memory_space<semaphore_mem>>
      %dma_start3A_166 = arith.constant 0 : i32
      %dma_start3A_167 = tpu.memref_slice %arg10[%add3A_13, %dma_start3A_166] : memref<10240x128xf32, #tpu.memory_space<vmem_shared>> -> memref<32x128xf32, #tpu.memory_space<vmem_shared>>
      %dma_start3A_168 = arith.constant 0 : i32
      %dma_start3A_169 = tpu.memref_slice %arg10[%add3A_13, %dma_start3A_168] : memref<10240x128xf32, #tpu.memory_space<vmem_shared>> -> memref<32x128xf32, #tpu.memory_space<vmem_shared>>
      tpu.enqueue_dma source(%arg9 : memref<32x128xf32, #tpu.memory_space<vmem>>) target(%dma_start3A_169 : memref<32x128xf32, #tpu.memory_space<vmem_shared>>) target_semaphore(%run_scoped3A_165 : memref<!tpu.dma_semaphore, #tpu.memory_space<semaphore_mem>>)
      %dma_wait3A_170 = arith.constant 0 : i32
      %dma_wait3A_171 = tpu.memref_slice %arg10[%add3A_13, %dma_wait3A_170] : memref<10240x128xf32, #tpu.memory_space<vmem_shared>> -> memref<32x128xf32, #tpu.memory_space<vmem_shared>>
      %dma_wait3A_172 = arith.constant 0 : i32
      %dma_wait3A_173 = tpu.memref_slice %arg10[%add3A_13, %dma_wait3A_172] : memref<10240x128xf32, #tpu.memory_space<vmem_shared>> -> memref<32x128xf32, #tpu.memory_space<vmem_shared>>
      tpu.wait_dma2 semaphore(%run_scoped3A_165 : memref<!tpu.dma_semaphore, #tpu.memory_space<semaphore_mem>>) src(%arg9 : memref<32x128xf32, #tpu.memory_space<vmem>>) dst(%dma_wait3A_173 : memref<32x128xf32, #tpu.memory_space<vmem_shared>>)
      tpu.yield
    }) : () -> ()
    %mul3A_14 = arith.constant 640 : i32
    %mul3A_15 = arith.muli %arg1, %mul3A_14 : i32
    %add3A_16 = arith.constant 32 : i32
    %add3A_17 = arith.addi %mul3A_15, %add3A_16 : i32
    "tpu.region"() ({
      %run_scoped3A_165 = tpu.sem_alloc : memref<!tpu.dma_semaphore, #tpu.memory_space<semaphore_mem>>
      %dma_start3A_166 = arith.constant 0 : i32
      %dma_start3A_167 = tpu.memref_slice %arg10[%add3A_17, %dma_start3A_166] : memref<10240x128xf32, #tpu.memory_space<vmem_shared>> -> memref<32x128xf32, #tpu.memory_space<vmem_shared>>
      %dma_start3A_168 = arith.constant 0 : i32
      %dma_start3A_169 = tpu.memref_slice %arg10[%add3A_17, %dma_start3A_168] : memref<10240x128xf32, #tpu.memory_space<vmem_shared>> -> memref<32x128xf32, #tpu.memory_space<vmem_shared>>
      tpu.enqueue_dma source(%arg9 : memref<32x128xf32, #tpu.memory_space<vmem>>) target(%dma_start3A_169 : memref<32x128xf32, #tpu.memory_space<vmem_shared>>) target_semaphore(%run_scoped3A_165 : memref<!tpu.dma_semaphore, #tpu.memory_space<semaphore_mem>>)
      %dma_wait3A_170 = arith.constant 0 : i32
      %dma_wait3A_171 = tpu.memref_slice %arg10[%add3A_17, %dma_wait3A_170] : memref<10240x128xf32, #tpu.memory_space<vmem_shared>> -> memref<32x128xf32, #tpu.memory_space<vmem_shared>>
      %dma_wait3A_172 = arith.constant 0 : i32
      %dma_wait3A_173 = tpu.memref_slice %arg10[%add3A_17, %dma_wait3A_172] : memref<10240x128xf32, #tpu.memory_space<vmem_shared>> -> memref<32x128xf32, #tpu.memory_space<vmem_shared>>
      tpu.wait_dma2 semaphore(%run_scoped3A_165 : memref<!tpu.dma_semaphore, #tpu.memory_space<semaphore_mem>>) src(%arg9 : memref<32x128xf32, #tpu.memory_space<vmem>>) dst(%dma_wait3A_173 : memref<32x128xf32, #tpu.memory_space<vmem_shared>>)
      tpu.yield
    }) : () -> ()
    %mul3A_18 = arith.constant 640 : i32
    %mul3A_19 = arith.muli %arg1, %mul3A_18 : i32
    %add3A_20 = arith.constant 64 : i32
    %add3A_21 = arith.addi %mul3A_19, %add3A_20 : i32
    "tpu.region"() ({
      %run_scoped3A_165 = tpu.sem_alloc : memref<!tpu.dma_semaphore, #tpu.memory_space<semaphore_mem>>
      %dma_start3A_166 = arith.constant 0 : i32
      %dma_start3A_167 = tpu.memref_slice %arg10[%add3A_21, %dma_start3A_166] : memref<10240x128xf32, #tpu.memory_space<vmem_shared>> -> memref<32x128xf32, #tpu.memory_space<vmem_shared>>
      %dma_start3A_168 = arith.constant 0 : i32
      %dma_start3A_169 = tpu.memref_slice %arg10[%add3A_21, %dma_start3A_168] : memref<10240x128xf32, #tpu.memory_space<vmem_shared>> -> memref<32x128xf32, #tpu.memory_space<vmem_shared>>
      tpu.enqueue_dma source(%arg9 : memref<32x128xf32, #tpu.memory_space<vmem>>) target(%dma_start3A_169 : memref<32x128xf32, #tpu.memory_space<vmem_shared>>) target_semaphore(%run_scoped3A_165 : memref<!tpu.dma_semaphore, #tpu.memory_space<semaphore_mem>>)
      %dma_wait3A_170 = arith.constant 0 : i32
      %dma_wait3A_171 = tpu.memref_slice %arg10[%add3A_21, %dma_wait3A_170] : memref<10240x128xf32, #tpu.memory_space<vmem_shared>> -> memref<32x128xf32, #tpu.memory_space<vmem_shared>>
      %dma_wait3A_172 = arith.constant 0 : i32
      %dma_wait3A_173 = tpu.memref_slice %arg10[%add3A_21, %dma_wait3A_172] : memref<10240x128xf32, #tpu.memory_space<vmem_shared>> -> memref<32x128xf32, #tpu.memory_space<vmem_shared>>
      tpu.wait_dma2 semaphore(%run_scoped3A_165 : memref<!tpu.dma_semaphore, #tpu.memory_space<semaphore_mem>>) src(%arg9 : memref<32x128xf32, #tpu.memory_space<vmem>>) dst(%dma_wait3A_173 : memref<32x128xf32, #tpu.memory_space<vmem_shared>>)
      tpu.yield
    }) : () -> ()
    %mul3A_22 = arith.constant 640 : i32
    %mul3A_23 = arith.muli %arg1, %mul3A_22 : i32
    %add3A_24 = arith.constant 96 : i32
    %add3A_25 = arith.addi %mul3A_23, %add3A_24 : i32
    "tpu.region"() ({
      %run_scoped3A_165 = tpu.sem_alloc : memref<!tpu.dma_semaphore, #tpu.memory_space<semaphore_mem>>
      %dma_start3A_166 = arith.constant 0 : i32
      %dma_start3A_167 = tpu.memref_slice %arg10[%add3A_25, %dma_start3A_166] : memref<10240x128xf32, #tpu.memory_space<vmem_shared>> -> memref<32x128xf32, #tpu.memory_space<vmem_shared>>
      %dma_start3A_168 = arith.constant 0 : i32
      %dma_start3A_169 = tpu.memref_slice %arg10[%add3A_25, %dma_start3A_168] : memref<10240x128xf32, #tpu.memory_space<vmem_shared>> -> memref<32x128xf32, #tpu.memory_space<vmem_shared>>
      tpu.enqueue_dma source(%arg9 : memref<32x128xf32, #tpu.memory_space<vmem>>) target(%dma_start3A_169 : memref<32x128xf32, #tpu.memory_space<vmem_shared>>) target_semaphore(%run_scoped3A_165 : memref<!tpu.dma_semaphore, #tpu.memory_space<semaphore_mem>>)
      %dma_wait3A_170 = arith.constant 0 : i32
      %dma_wait3A_171 = tpu.memref_slice %arg10[%add3A_25, %dma_wait3A_170] : memref<10240x128xf32, #tpu.memory_space<vmem_shared>> -> memref<32x128xf32, #tpu.memory_space<vmem_shared>>
      %dma_wait3A_172 = arith.constant 0 : i32
      %dma_wait3A_173 = tpu.memref_slice %arg10[%add3A_25, %dma_wait3A_172] : memref<10240x128xf32, #tpu.memory_space<vmem_shared>> -> memref<32x128xf32, #tpu.memory_space<vmem_shared>>
      tpu.wait_dma2 semaphore(%run_scoped3A_165 : memref<!tpu.dma_semaphore, #tpu.memory_space<semaphore_mem>>) src(%arg9 : memref<32x128xf32, #tpu.memory_space<vmem>>) dst(%dma_wait3A_173 : memref<32x128xf32, #tpu.memory_space<vmem_shared>>)
      tpu.yield
    }) : () -> ()
    %mul3A_26 = arith.constant 640 : i32
    %mul3A_27 = arith.muli %arg1, %mul3A_26 : i32
    %add3A_28 = arith.constant 128 : i32
    %add3A_29 = arith.addi %mul3A_27, %add3A_28 : i32
    "tpu.region"() ({
      %run_scoped3A_165 = tpu.sem_alloc : memref<!tpu.dma_semaphore, #tpu.memory_space<semaphore_mem>>
      %dma_start3A_166 = arith.constant 0 : i32
      %dma_start3A_167 = tpu.memref_slice %arg10[%add3A_29, %dma_start3A_166] : memref<10240x128xf32, #tpu.memory_space<vmem_shared>> -> memref<32x128xf32, #tpu.memory_space<vmem_shared>>
      %dma_start3A_168 = arith.constant 0 : i32
      %dma_start3A_169 = tpu.memref_slice %arg10[%add3A_29, %dma_start3A_168] : memref<10240x128xf32, #tpu.memory_space<vmem_shared>> -> memref<32x128xf32, #tpu.memory_space<vmem_shared>>
      tpu.enqueue_dma source(%arg9 : memref<32x128xf32, #tpu.memory_space<vmem>>) target(%dma_start3A_169 : memref<32x128xf32, #tpu.memory_space<vmem_shared>>) target_semaphore(%run_scoped3A_165 : memref<!tpu.dma_semaphore, #tpu.memory_space<semaphore_mem>>)
      %dma_wait3A_170 = arith.constant 0 : i32
      %dma_wait3A_171 = tpu.memref_slice %arg10[%add3A_29, %dma_wait3A_170] : memref<10240x128xf32, #tpu.memory_space<vmem_shared>> -> memref<32x128xf32, #tpu.memory_space<vmem_shared>>
      %dma_wait3A_172 = arith.constant 0 : i32
      %dma_wait3A_173 = tpu.memref_slice %arg10[%add3A_29, %dma_wait3A_172] : memref<10240x128xf32, #tpu.memory_space<vmem_shared>> -> memref<32x128xf32, #tpu.memory_space<vmem_shared>>
      tpu.wait_dma2 semaphore(%run_scoped3A_165 : memref<!tpu.dma_semaphore, #tpu.memory_space<semaphore_mem>>) src(%arg9 : memref<32x128xf32, #tpu.memory_space<vmem>>) dst(%dma_wait3A_173 : memref<32x128xf32, #tpu.memory_space<vmem_shared>>)
      tpu.yield
    }) : () -> ()
    %mul3A_30 = arith.constant 640 : i32
    %mul3A_31 = arith.muli %arg1, %mul3A_30 : i32
    %add3A_32 = arith.constant 160 : i32
    %add3A_33 = arith.addi %mul3A_31, %add3A_32 : i32
    "tpu.region"() ({
      %run_scoped3A_165 = tpu.sem_alloc : memref<!tpu.dma_semaphore, #tpu.memory_space<semaphore_mem>>
      %dma_start3A_166 = arith.constant 0 : i32
      %dma_start3A_167 = tpu.memref_slice %arg10[%add3A_33, %dma_start3A_166] : memref<10240x128xf32, #tpu.memory_space<vmem_shared>> -> memref<32x128xf32, #tpu.memory_space<vmem_shared>>
      %dma_start3A_168 = arith.constant 0 : i32
      %dma_start3A_169 = tpu.memref_slice %arg10[%add3A_33, %dma_start3A_168] : memref<10240x128xf32, #tpu.memory_space<vmem_shared>> -> memref<32x128xf32, #tpu.memory_space<vmem_shared>>
      tpu.enqueue_dma source(%arg9 : memref<32x128xf32, #tpu.memory_space<vmem>>) target(%dma_start3A_169 : memref<32x128xf32, #tpu.memory_space<vmem_shared>>) target_semaphore(%run_scoped3A_165 : memref<!tpu.dma_semaphore, #tpu.memory_space<semaphore_mem>>)
      %dma_wait3A_170 = arith.constant 0 : i32
      %dma_wait3A_171 = tpu.memref_slice %arg10[%add3A_33, %dma_wait3A_170] : memref<10240x128xf32, #tpu.memory_space<vmem_shared>> -> memref<32x128xf32, #tpu.memory_space<vmem_shared>>
      %dma_wait3A_172 = arith.constant 0 : i32
      %dma_wait3A_173 = tpu.memref_slice %arg10[%add3A_33, %dma_wait3A_172] : memref<10240x128xf32, #tpu.memory_space<vmem_shared>> -> memref<32x128xf32, #tpu.memory_space<vmem_shared>>
      tpu.wait_dma2 semaphore(%run_scoped3A_165 : memref<!tpu.dma_semaphore, #tpu.memory_space<semaphore_mem>>) src(%arg9 : memref<32x128xf32, #tpu.memory_space<vmem>>) dst(%dma_wait3A_173 : memref<32x128xf32, #tpu.memory_space<vmem_shared>>)
      tpu.yield
    }) : () -> ()
    %mul3A_34 = arith.constant 640 : i32
    %mul3A_35 = arith.muli %arg1, %mul3A_34 : i32
    %add3A_36 = arith.constant 192 : i32
    %add3A_37 = arith.addi %mul3A_35, %add3A_36 : i32
    "tpu.region"() ({
      %run_scoped3A_165 = tpu.sem_alloc : memref<!tpu.dma_semaphore, #tpu.memory_space<semaphore_mem>>
      %dma_start3A_166 = arith.constant 0 : i32
      %dma_start3A_167 = tpu.memref_slice %arg10[%add3A_37, %dma_start3A_166] : memref<10240x128xf32, #tpu.memory_space<vmem_shared>> -> memref<32x128xf32, #tpu.memory_space<vmem_shared>>
      %dma_start3A_168 = arith.constant 0 : i32
      %dma_start3A_169 = tpu.memref_slice %arg10[%add3A_37, %dma_start3A_168] : memref<10240x128xf32, #tpu.memory_space<vmem_shared>> -> memref<32x128xf32, #tpu.memory_space<vmem_shared>>
      tpu.enqueue_dma source(%arg9 : memref<32x128xf32, #tpu.memory_space<vmem>>) target(%dma_start3A_169 : memref<32x128xf32, #tpu.memory_space<vmem_shared>>) target_semaphore(%run_scoped3A_165 : memref<!tpu.dma_semaphore, #tpu.memory_space<semaphore_mem>>)
      %dma_wait3A_170 = arith.constant 0 : i32
      %dma_wait3A_171 = tpu.memref_slice %arg10[%add3A_37, %dma_wait3A_170] : memref<10240x128xf32, #tpu.memory_space<vmem_shared>> -> memref<32x128xf32, #tpu.memory_space<vmem_shared>>
      %dma_wait3A_172 = arith.constant 0 : i32
      %dma_wait3A_173 = tpu.memref_slice %arg10[%add3A_37, %dma_wait3A_172] : memref<10240x128xf32, #tpu.memory_space<vmem_shared>> -> memref<32x128xf32, #tpu.memory_space<vmem_shared>>
      tpu.wait_dma2 semaphore(%run_scoped3A_165 : memref<!tpu.dma_semaphore, #tpu.memory_space<semaphore_mem>>) src(%arg9 : memref<32x128xf32, #tpu.memory_space<vmem>>) dst(%dma_wait3A_173 : memref<32x128xf32, #tpu.memory_space<vmem_shared>>)
      tpu.yield
    }) : () -> ()
    %mul3A_38 = arith.constant 640 : i32
    %mul3A_39 = arith.muli %arg1, %mul3A_38 : i32
    %add3A_40 = arith.constant 224 : i32
    %add3A_41 = arith.addi %mul3A_39, %add3A_40 : i32
    "tpu.region"() ({
      %run_scoped3A_165 = tpu.sem_alloc : memref<!tpu.dma_semaphore, #tpu.memory_space<semaphore_mem>>
      %dma_start3A_166 = arith.constant 0 : i32
      %dma_start3A_167 = tpu.memref_slice %arg10[%add3A_41, %dma_start3A_166] : memref<10240x128xf32, #tpu.memory_space<vmem_shared>> -> memref<32x128xf32, #tpu.memory_space<vmem_shared>>
      %dma_start3A_168 = arith.constant 0 : i32
      %dma_start3A_169 = tpu.memref_slice %arg10[%add3A_41, %dma_start3A_168] : memref<10240x128xf32, #tpu.memory_space<vmem_shared>> -> memref<32x128xf32, #tpu.memory_space<vmem_shared>>
      tpu.enqueue_dma source(%arg9 : memref<32x128xf32, #tpu.memory_space<vmem>>) target(%dma_start3A_169 : memref<32x128xf32, #tpu.memory_space<vmem_shared>>) target_semaphore(%run_scoped3A_165 : memref<!tpu.dma_semaphore, #tpu.memory_space<semaphore_mem>>)
      %dma_wait3A_170 = arith.constant 0 : i32
      %dma_wait3A_171 = tpu.memref_slice %arg10[%add3A_41, %dma_wait3A_170] : memref<10240x128xf32, #tpu.memory_space<vmem_shared>> -> memref<32x128xf32, #tpu.memory_space<vmem_shared>>
      %dma_wait3A_172 = arith.constant 0 : i32
      %dma_wait3A_173 = tpu.memref_slice %arg10[%add3A_41, %dma_wait3A_172] : memref<10240x128xf32, #tpu.memory_space<vmem_shared>> -> memref<32x128xf32, #tpu.memory_space<vmem_shared>>
      tpu.wait_dma2 semaphore(%run_scoped3A_165 : memref<!tpu.dma_semaphore, #tpu.memory_space<semaphore_mem>>) src(%arg9 : memref<32x128xf32, #tpu.memory_space<vmem>>) dst(%dma_wait3A_173 : memref<32x128xf32, #tpu.memory_space<vmem_shared>>)
      tpu.yield
    }) : () -> ()
    %mul3A_42 = arith.constant 640 : i32
    %mul3A_43 = arith.muli %arg1, %mul3A_42 : i32
    %add3A_44 = arith.constant 256 : i32
    %add3A_45 = arith.addi %mul3A_43, %add3A_44 : i32
    "tpu.region"() ({
      %run_scoped3A_165 = tpu.sem_alloc : memref<!tpu.dma_semaphore, #tpu.memory_space<semaphore_mem>>
      %dma_start3A_166 = arith.constant 0 : i32
      %dma_start3A_167 = tpu.memref_slice %arg10[%add3A_45, %dma_start3A_166] : memref<10240x128xf32, #tpu.memory_space<vmem_shared>> -> memref<32x128xf32, #tpu.memory_space<vmem_shared>>
      %dma_start3A_168 = arith.constant 0 : i32
      %dma_start3A_169 = tpu.memref_slice %arg10[%add3A_45, %dma_start3A_168] : memref<10240x128xf32, #tpu.memory_space<vmem_shared>> -> memref<32x128xf32, #tpu.memory_space<vmem_shared>>
      tpu.enqueue_dma source(%arg9 : memref<32x128xf32, #tpu.memory_space<vmem>>) target(%dma_start3A_169 : memref<32x128xf32, #tpu.memory_space<vmem_shared>>) target_semaphore(%run_scoped3A_165 : memref<!tpu.dma_semaphore, #tpu.memory_space<semaphore_mem>>)
      %dma_wait3A_170 = arith.constant 0 : i32
      %dma_wait3A_171 = tpu.memref_slice %arg10[%add3A_45, %dma_wait3A_170] : memref<10240x128xf32, #tpu.memory_space<vmem_shared>> -> memref<32x128xf32, #tpu.memory_space<vmem_shared>>
      %dma_wait3A_172 = arith.constant 0 : i32
      %dma_wait3A_173 = tpu.memref_slice %arg10[%add3A_45, %dma_wait3A_172] : memref<10240x128xf32, #tpu.memory_space<vmem_shared>> -> memref<32x128xf32, #tpu.memory_space<vmem_shared>>
      tpu.wait_dma2 semaphore(%run_scoped3A_165 : memref<!tpu.dma_semaphore, #tpu.memory_space<semaphore_mem>>) src(%arg9 : memref<32x128xf32, #tpu.memory_space<vmem>>) dst(%dma_wait3A_173 : memref<32x128xf32, #tpu.memory_space<vmem_shared>>)
      tpu.yield
    }) : () -> ()
    %mul3A_46 = arith.constant 640 : i32
    %mul3A_47 = arith.muli %arg1, %mul3A_46 : i32
    %add3A_48 = arith.constant 288 : i32
    %add3A_49 = arith.addi %mul3A_47, %add3A_48 : i32
    "tpu.region"() ({
      %run_scoped3A_165 = tpu.sem_alloc : memref<!tpu.dma_semaphore, #tpu.memory_space<semaphore_mem>>
      %dma_start3A_166 = arith.constant 0 : i32
      %dma_start3A_167 = tpu.memref_slice %arg10[%add3A_49, %dma_start3A_166] : memref<10240x128xf32, #tpu.memory_space<vmem_shared>> -> memref<32x128xf32, #tpu.memory_space<vmem_shared>>
      %dma_start3A_168 = arith.constant 0 : i32
      %dma_start3A_169 = tpu.memref_slice %arg10[%add3A_49, %dma_start3A_168] : memref<10240x128xf32, #tpu.memory_space<vmem_shared>> -> memref<32x128xf32, #tpu.memory_space<vmem_shared>>
      tpu.enqueue_dma source(%arg9 : memref<32x128xf32, #tpu.memory_space<vmem>>) target(%dma_start3A_169 : memref<32x128xf32, #tpu.memory_space<vmem_shared>>) target_semaphore(%run_scoped3A_165 : memref<!tpu.dma_semaphore, #tpu.memory_space<semaphore_mem>>)
      %dma_wait3A_170 = arith.constant 0 : i32
      %dma_wait3A_171 = tpu.memref_slice %arg10[%add3A_49, %dma_wait3A_170] : memref<10240x128xf32, #tpu.memory_space<vmem_shared>> -> memref<32x128xf32, #tpu.memory_space<vmem_shared>>
      %dma_wait3A_172 = arith.constant 0 : i32
      %dma_wait3A_173 = tpu.memref_slice %arg10[%add3A_49, %dma_wait3A_172] : memref<10240x128xf32, #tpu.memory_space<vmem_shared>> -> memref<32x128xf32, #tpu.memory_space<vmem_shared>>
      tpu.wait_dma2 semaphore(%run_scoped3A_165 : memref<!tpu.dma_semaphore, #tpu.memory_space<semaphore_mem>>) src(%arg9 : memref<32x128xf32, #tpu.memory_space<vmem>>) dst(%dma_wait3A_173 : memref<32x128xf32, #tpu.memory_space<vmem_shared>>)
      tpu.yield
    }) : () -> ()
    %mul3A_50 = arith.constant 640 : i32
    %mul3A_51 = arith.muli %arg1, %mul3A_50 : i32
    %add3A_52 = arith.constant 320 : i32
    %add3A_53 = arith.addi %mul3A_51, %add3A_52 : i32
    "tpu.region"() ({
      %run_scoped3A_165 = tpu.sem_alloc : memref<!tpu.dma_semaphore, #tpu.memory_space<semaphore_mem>>
      %dma_start3A_166 = arith.constant 0 : i32
      %dma_start3A_167 = tpu.memref_slice %arg10[%add3A_53, %dma_start3A_166] : memref<10240x128xf32, #tpu.memory_space<vmem_shared>> -> memref<32x128xf32, #tpu.memory_space<vmem_shared>>
      %dma_start3A_168 = arith.constant 0 : i32
      %dma_start3A_169 = tpu.memref_slice %arg10[%add3A_53, %dma_start3A_168] : memref<10240x128xf32, #tpu.memory_space<vmem_shared>> -> memref<32x128xf32, #tpu.memory_space<vmem_shared>>
      tpu.enqueue_dma source(%arg9 : memref<32x128xf32, #tpu.memory_space<vmem>>) target(%dma_start3A_169 : memref<32x128xf32, #tpu.memory_space<vmem_shared>>) target_semaphore(%run_scoped3A_165 : memref<!tpu.dma_semaphore, #tpu.memory_space<semaphore_mem>>)
      %dma_wait3A_170 = arith.constant 0 : i32
      %dma_wait3A_171 = tpu.memref_slice %arg10[%add3A_53, %dma_wait3A_170] : memref<10240x128xf32, #tpu.memory_space<vmem_shared>> -> memref<32x128xf32, #tpu.memory_space<vmem_shared>>
      %dma_wait3A_172 = arith.constant 0 : i32
      %dma_wait3A_173 = tpu.memref_slice %arg10[%add3A_53, %dma_wait3A_172] : memref<10240x128xf32, #tpu.memory_space<vmem_shared>> -> memref<32x128xf32, #tpu.memory_space<vmem_shared>>
      tpu.wait_dma2 semaphore(%run_scoped3A_165 : memref<!tpu.dma_semaphore, #tpu.memory_space<semaphore_mem>>) src(%arg9 : memref<32x128xf32, #tpu.memory_space<vmem>>) dst(%dma_wait3A_173 : memref<32x128xf32, #tpu.memory_space<vmem_shared>>)
      tpu.yield
    }) : () -> ()
    %mul3A_54 = arith.constant 640 : i32
    %mul3A_55 = arith.muli %arg1, %mul3A_54 : i32
    %add3A_56 = arith.constant 352 : i32
    %add3A_57 = arith.addi %mul3A_55, %add3A_56 : i32
    "tpu.region"() ({
      %run_scoped3A_165 = tpu.sem_alloc : memref<!tpu.dma_semaphore, #tpu.memory_space<semaphore_mem>>
      %dma_start3A_166 = arith.constant 0 : i32
      %dma_start3A_167 = tpu.memref_slice %arg10[%add3A_57, %dma_start3A_166] : memref<10240x128xf32, #tpu.memory_space<vmem_shared>> -> memref<32x128xf32, #tpu.memory_space<vmem_shared>>
      %dma_start3A_168 = arith.constant 0 : i32
      %dma_start3A_169 = tpu.memref_slice %arg10[%add3A_57, %dma_start3A_168] : memref<10240x128xf32, #tpu.memory_space<vmem_shared>> -> memref<32x128xf32, #tpu.memory_space<vmem_shared>>
      tpu.enqueue_dma source(%arg9 : memref<32x128xf32, #tpu.memory_space<vmem>>) target(%dma_start3A_169 : memref<32x128xf32, #tpu.memory_space<vmem_shared>>) target_semaphore(%run_scoped3A_165 : memref<!tpu.dma_semaphore, #tpu.memory_space<semaphore_mem>>)
      %dma_wait3A_170 = arith.constant 0 : i32
      %dma_wait3A_171 = tpu.memref_slice %arg10[%add3A_57, %dma_wait3A_170] : memref<10240x128xf32, #tpu.memory_space<vmem_shared>> -> memref<32x128xf32, #tpu.memory_space<vmem_shared>>
      %dma_wait3A_172 = arith.constant 0 : i32
      %dma_wait3A_173 = tpu.memref_slice %arg10[%add3A_57, %dma_wait3A_172] : memref<10240x128xf32, #tpu.memory_space<vmem_shared>> -> memref<32x128xf32, #tpu.memory_space<vmem_shared>>
      tpu.wait_dma2 semaphore(%run_scoped3A_165 : memref<!tpu.dma_semaphore, #tpu.memory_space<semaphore_mem>>) src(%arg9 : memref<32x128xf32, #tpu.memory_space<vmem>>) dst(%dma_wait3A_173 : memref<32x128xf32, #tpu.memory_space<vmem_shared>>)
      tpu.yield
    }) : () -> ()
    %mul3A_58 = arith.constant 640 : i32
    %mul3A_59 = arith.muli %arg1, %mul3A_58 : i32
    %add3A_60 = arith.constant 384 : i32
    %add3A_61 = arith.addi %mul3A_59, %add3A_60 : i32
    "tpu.region"() ({
      %run_scoped3A_165 = tpu.sem_alloc : memref<!tpu.dma_semaphore, #tpu.memory_space<semaphore_mem>>
      %dma_start3A_166 = arith.constant 0 : i32
      %dma_start3A_167 = tpu.memref_slice %arg10[%add3A_61, %dma_start3A_166] : memref<10240x128xf32, #tpu.memory_space<vmem_shared>> -> memref<32x128xf32, #tpu.memory_space<vmem_shared>>
      %dma_start3A_168 = arith.constant 0 : i32
      %dma_start3A_169 = tpu.memref_slice %arg10[%add3A_61, %dma_start3A_168] : memref<10240x128xf32, #tpu.memory_space<vmem_shared>> -> memref<32x128xf32, #tpu.memory_space<vmem_shared>>
      tpu.enqueue_dma source(%arg9 : memref<32x128xf32, #tpu.memory_space<vmem>>) target(%dma_start3A_169 : memref<32x128xf32, #tpu.memory_space<vmem_shared>>) target_semaphore(%run_scoped3A_165 : memref<!tpu.dma_semaphore, #tpu.memory_space<semaphore_mem>>)
      %dma_wait3A_170 = arith.constant 0 : i32
      %dma_wait3A_171 = tpu.memref_slice %arg10[%add3A_61, %dma_wait3A_170] : memref<10240x128xf32, #tpu.memory_space<vmem_shared>> -> memref<32x128xf32, #tpu.memory_space<vmem_shared>>
      %dma_wait3A_172 = arith.constant 0 : i32
      %dma_wait3A_173 = tpu.memref_slice %arg10[%add3A_61, %dma_wait3A_172] : memref<10240x128xf32, #tpu.memory_space<vmem_shared>> -> memref<32x128xf32, #tpu.memory_space<vmem_shared>>
      tpu.wait_dma2 semaphore(%run_scoped3A_165 : memref<!tpu.dma_semaphore, #tpu.memory_space<semaphore_mem>>) src(%arg9 : memref<32x128xf32, #tpu.memory_space<vmem>>) dst(%dma_wait3A_173 : memref<32x128xf32, #tpu.memory_space<vmem_shared>>)
      tpu.yield
    }) : () -> ()
    %mul3A_62 = arith.constant 640 : i32
    %mul3A_63 = arith.muli %arg1, %mul3A_62 : i32
    %add3A_64 = arith.constant 416 : i32
    %add3A_65 = arith.addi %mul3A_63, %add3A_64 : i32
    "tpu.region"() ({
      %run_scoped3A_165 = tpu.sem_alloc : memref<!tpu.dma_semaphore, #tpu.memory_space<semaphore_mem>>
      %dma_start3A_166 = arith.constant 0 : i32
      %dma_start3A_167 = tpu.memref_slice %arg10[%add3A_65, %dma_start3A_166] : memref<10240x128xf32, #tpu.memory_space<vmem_shared>> -> memref<32x128xf32, #tpu.memory_space<vmem_shared>>
      %dma_start3A_168 = arith.constant 0 : i32
      %dma_start3A_169 = tpu.memref_slice %arg10[%add3A_65, %dma_start3A_168] : memref<10240x128xf32, #tpu.memory_space<vmem_shared>> -> memref<32x128xf32, #tpu.memory_space<vmem_shared>>
      tpu.enqueue_dma source(%arg9 : memref<32x128xf32, #tpu.memory_space<vmem>>) target(%dma_start3A_169 : memref<32x128xf32, #tpu.memory_space<vmem_shared>>) target_semaphore(%run_scoped3A_165 : memref<!tpu.dma_semaphore, #tpu.memory_space<semaphore_mem>>)
      %dma_wait3A_170 = arith.constant 0 : i32
      %dma_wait3A_171 = tpu.memref_slice %arg10[%add3A_65, %dma_wait3A_170] : memref<10240x128xf32, #tpu.memory_space<vmem_shared>> -> memref<32x128xf32, #tpu.memory_space<vmem_shared>>
      %dma_wait3A_172 = arith.constant 0 : i32
      %dma_wait3A_173 = tpu.memref_slice %arg10[%add3A_65, %dma_wait3A_172] : memref<10240x128xf32, #tpu.memory_space<vmem_shared>> -> memref<32x128xf32, #tpu.memory_space<vmem_shared>>
      tpu.wait_dma2 semaphore(%run_scoped3A_165 : memref<!tpu.dma_semaphore, #tpu.memory_space<semaphore_mem>>) src(%arg9 : memref<32x128xf32, #tpu.memory_space<vmem>>) dst(%dma_wait3A_173 : memref<32x128xf32, #tpu.memory_space<vmem_shared>>)
      tpu.yield
    }) : () -> ()
    %mul3A_66 = arith.constant 640 : i32
    %mul3A_67 = arith.muli %arg1, %mul3A_66 : i32
    %add3A_68 = arith.constant 448 : i32
    %add3A_69 = arith.addi %mul3A_67, %add3A_68 : i32
    "tpu.region"() ({
      %run_scoped3A_165 = tpu.sem_alloc : memref<!tpu.dma_semaphore, #tpu.memory_space<semaphore_mem>>
      %dma_start3A_166 = arith.constant 0 : i32
      %dma_start3A_167 = tpu.memref_slice %arg10[%add3A_69, %dma_start3A_166] : memref<10240x128xf32, #tpu.memory_space<vmem_shared>> -> memref<32x128xf32, #tpu.memory_space<vmem_shared>>
      %dma_start3A_168 = arith.constant 0 : i32
      %dma_start3A_169 = tpu.memref_slice %arg10[%add3A_69, %dma_start3A_168] : memref<10240x128xf32, #tpu.memory_space<vmem_shared>> -> memref<32x128xf32, #tpu.memory_space<vmem_shared>>
      tpu.enqueue_dma source(%arg9 : memref<32x128xf32, #tpu.memory_space<vmem>>) target(%dma_start3A_169 : memref<32x128xf32, #tpu.memory_space<vmem_shared>>) target_semaphore(%run_scoped3A_165 : memref<!tpu.dma_semaphore, #tpu.memory_space<semaphore_mem>>)
      %dma_wait3A_170 = arith.constant 0 : i32
      %dma_wait3A_171 = tpu.memref_slice %arg10[%add3A_69, %dma_wait3A_170] : memref<10240x128xf32, #tpu.memory_space<vmem_shared>> -> memref<32x128xf32, #tpu.memory_space<vmem_shared>>
      %dma_wait3A_172 = arith.constant 0 : i32
      %dma_wait3A_173 = tpu.memref_slice %arg10[%add3A_69, %dma_wait3A_172] : memref<10240x128xf32, #tpu.memory_space<vmem_shared>> -> memref<32x128xf32, #tpu.memory_space<vmem_shared>>
      tpu.wait_dma2 semaphore(%run_scoped3A_165 : memref<!tpu.dma_semaphore, #tpu.memory_space<semaphore_mem>>) src(%arg9 : memref<32x128xf32, #tpu.memory_space<vmem>>) dst(%dma_wait3A_173 : memref<32x128xf32, #tpu.memory_space<vmem_shared>>)
      tpu.yield
    }) : () -> ()
    %mul3A_70 = arith.constant 640 : i32
    %mul3A_71 = arith.muli %arg1, %mul3A_70 : i32
    %add3A_72 = arith.constant 480 : i32
    %add3A_73 = arith.addi %mul3A_71, %add3A_72 : i32
    "tpu.region"() ({
      %run_scoped3A_165 = tpu.sem_alloc : memref<!tpu.dma_semaphore, #tpu.memory_space<semaphore_mem>>
      %dma_start3A_166 = arith.constant 0 : i32
      %dma_start3A_167 = tpu.memref_slice %arg10[%add3A_73, %dma_start3A_166] : memref<10240x128xf32, #tpu.memory_space<vmem_shared>> -> memref<32x128xf32, #tpu.memory_space<vmem_shared>>
      %dma_start3A_168 = arith.constant 0 : i32
      %dma_start3A_169 = tpu.memref_slice %arg10[%add3A_73, %dma_start3A_168] : memref<10240x128xf32, #tpu.memory_space<vmem_shared>> -> memref<32x128xf32, #tpu.memory_space<vmem_shared>>
      tpu.enqueue_dma source(%arg9 : memref<32x128xf32, #tpu.memory_space<vmem>>) target(%dma_start3A_169 : memref<32x128xf32, #tpu.memory_space<vmem_shared>>) target_semaphore(%run_scoped3A_165 : memref<!tpu.dma_semaphore, #tpu.memory_space<semaphore_mem>>)
      %dma_wait3A_170 = arith.constant 0 : i32
      %dma_wait3A_171 = tpu.memref_slice %arg10[%add3A_73, %dma_wait3A_170] : memref<10240x128xf32, #tpu.memory_space<vmem_shared>> -> memref<32x128xf32, #tpu.memory_space<vmem_shared>>
      %dma_wait3A_172 = arith.constant 0 : i32
      %dma_wait3A_173 = tpu.memref_slice %arg10[%add3A_73, %dma_wait3A_172] : memref<10240x128xf32, #tpu.memory_space<vmem_shared>> -> memref<32x128xf32, #tpu.memory_space<vmem_shared>>
      tpu.wait_dma2 semaphore(%run_scoped3A_165 : memref<!tpu.dma_semaphore, #tpu.memory_space<semaphore_mem>>) src(%arg9 : memref<32x128xf32, #tpu.memory_space<vmem>>) dst(%dma_wait3A_173 : memref<32x128xf32, #tpu.memory_space<vmem_shared>>)
      tpu.yield
    }) : () -> ()
    %mul3A_74 = arith.constant 640 : i32
    %mul3A_75 = arith.muli %arg1, %mul3A_74 : i32
    %add3A_76 = arith.constant 512 : i32
    %add3A_77 = arith.addi %mul3A_75, %add3A_76 : i32
    "tpu.region"() ({
      %run_scoped3A_165 = tpu.sem_alloc : memref<!tpu.dma_semaphore, #tpu.memory_space<semaphore_mem>>
      %dma_start3A_166 = arith.constant 0 : i32
      %dma_start3A_167 = tpu.memref_slice %arg10[%add3A_77, %dma_start3A_166] : memref<10240x128xf32, #tpu.memory_space<vmem_shared>> -> memref<32x128xf32, #tpu.memory_space<vmem_shared>>
      %dma_start3A_168 = arith.constant 0 : i32
      %dma_start3A_169 = tpu.memref_slice %arg10[%add3A_77, %dma_start3A_168] : memref<10240x128xf32, #tpu.memory_space<vmem_shared>> -> memref<32x128xf32, #tpu.memory_space<vmem_shared>>
      tpu.enqueue_dma source(%arg9 : memref<32x128xf32, #tpu.memory_space<vmem>>) target(%dma_start3A_169 : memref<32x128xf32, #tpu.memory_space<vmem_shared>>) target_semaphore(%run_scoped3A_165 : memref<!tpu.dma_semaphore, #tpu.memory_space<semaphore_mem>>)
      %dma_wait3A_170 = arith.constant 0 : i32
      %dma_wait3A_171 = tpu.memref_slice %arg10[%add3A_77, %dma_wait3A_170] : memref<10240x128xf32, #tpu.memory_space<vmem_shared>> -> memref<32x128xf32, #tpu.memory_space<vmem_shared>>
      %dma_wait3A_172 = arith.constant 0 : i32
      %dma_wait3A_173 = tpu.memref_slice %arg10[%add3A_77, %dma_wait3A_172] : memref<10240x128xf32, #tpu.memory_space<vmem_shared>> -> memref<32x128xf32, #tpu.memory_space<vmem_shared>>
      tpu.wait_dma2 semaphore(%run_scoped3A_165 : memref<!tpu.dma_semaphore, #tpu.memory_space<semaphore_mem>>) src(%arg9 : memref<32x128xf32, #tpu.memory_space<vmem>>) dst(%dma_wait3A_173 : memref<32x128xf32, #tpu.memory_space<vmem_shared>>)
      tpu.yield
    }) : () -> ()
    %mul3A_78 = arith.constant 640 : i32
    %mul3A_79 = arith.muli %arg1, %mul3A_78 : i32
    %add3A_80 = arith.constant 544 : i32
    %add3A_81 = arith.addi %mul3A_79, %add3A_80 : i32
    "tpu.region"() ({
      %run_scoped3A_165 = tpu.sem_alloc : memref<!tpu.dma_semaphore, #tpu.memory_space<semaphore_mem>>
      %dma_start3A_166 = arith.constant 0 : i32
      %dma_start3A_167 = tpu.memref_slice %arg10[%add3A_81, %dma_start3A_166] : memref<10240x128xf32, #tpu.memory_space<vmem_shared>> -> memref<32x128xf32, #tpu.memory_space<vmem_shared>>
      %dma_start3A_168 = arith.constant 0 : i32
      %dma_start3A_169 = tpu.memref_slice %arg10[%add3A_81, %dma_start3A_168] : memref<10240x128xf32, #tpu.memory_space<vmem_shared>> -> memref<32x128xf32, #tpu.memory_space<vmem_shared>>
      tpu.enqueue_dma source(%arg9 : memref<32x128xf32, #tpu.memory_space<vmem>>) target(%dma_start3A_169 : memref<32x128xf32, #tpu.memory_space<vmem_shared>>) target_semaphore(%run_scoped3A_165 : memref<!tpu.dma_semaphore, #tpu.memory_space<semaphore_mem>>)
      %dma_wait3A_170 = arith.constant 0 : i32
      %dma_wait3A_171 = tpu.memref_slice %arg10[%add3A_81, %dma_wait3A_170] : memref<10240x128xf32, #tpu.memory_space<vmem_shared>> -> memref<32x128xf32, #tpu.memory_space<vmem_shared>>
      %dma_wait3A_172 = arith.constant 0 : i32
      %dma_wait3A_173 = tpu.memref_slice %arg10[%add3A_81, %dma_wait3A_172] : memref<10240x128xf32, #tpu.memory_space<vmem_shared>> -> memref<32x128xf32, #tpu.memory_space<vmem_shared>>
      tpu.wait_dma2 semaphore(%run_scoped3A_165 : memref<!tpu.dma_semaphore, #tpu.memory_space<semaphore_mem>>) src(%arg9 : memref<32x128xf32, #tpu.memory_space<vmem>>) dst(%dma_wait3A_173 : memref<32x128xf32, #tpu.memory_space<vmem_shared>>)
      tpu.yield
    }) : () -> ()
    %mul3A_82 = arith.constant 640 : i32
    %mul3A_83 = arith.muli %arg1, %mul3A_82 : i32
    %add3A_84 = arith.constant 576 : i32
    %add3A_85 = arith.addi %mul3A_83, %add3A_84 : i32
    "tpu.region"() ({
      %run_scoped3A_165 = tpu.sem_alloc : memref<!tpu.dma_semaphore, #tpu.memory_space<semaphore_mem>>
      %dma_start3A_166 = arith.constant 0 : i32
      %dma_start3A_167 = tpu.memref_slice %arg10[%add3A_85, %dma_start3A_166] : memref<10240x128xf32, #tpu.memory_space<vmem_shared>> -> memref<32x128xf32, #tpu.memory_space<vmem_shared>>
      %dma_start3A_168 = arith.constant 0 : i32
      %dma_start3A_169 = tpu.memref_slice %arg10[%add3A_85, %dma_start3A_168] : memref<10240x128xf32, #tpu.memory_space<vmem_shared>> -> memref<32x128xf32, #tpu.memory_space<vmem_shared>>
      tpu.enqueue_dma source(%arg9 : memref<32x128xf32, #tpu.memory_space<vmem>>) target(%dma_start3A_169 : memref<32x128xf32, #tpu.memory_space<vmem_shared>>) target_semaphore(%run_scoped3A_165 : memref<!tpu.dma_semaphore, #tpu.memory_space<semaphore_mem>>)
      %dma_wait3A_170 = arith.constant 0 : i32
      %dma_wait3A_171 = tpu.memref_slice %arg10[%add3A_85, %dma_wait3A_170] : memref<10240x128xf32, #tpu.memory_space<vmem_shared>> -> memref<32x128xf32, #tpu.memory_space<vmem_shared>>
      %dma_wait3A_172 = arith.constant 0 : i32
      %dma_wait3A_173 = tpu.memref_slice %arg10[%add3A_85, %dma_wait3A_172] : memref<10240x128xf32, #tpu.memory_space<vmem_shared>> -> memref<32x128xf32, #tpu.memory_space<vmem_shared>>
      tpu.wait_dma2 semaphore(%run_scoped3A_165 : memref<!tpu.dma_semaphore, #tpu.memory_space<semaphore_mem>>) src(%arg9 : memref<32x128xf32, #tpu.memory_space<vmem>>) dst(%dma_wait3A_173 : memref<32x128xf32, #tpu.memory_space<vmem_shared>>)
      tpu.yield
    }) : () -> ()
    %mul3A_86 = arith.constant 640 : i32
    %mul3A_87 = arith.muli %arg1, %mul3A_86 : i32
    %add3A_88 = arith.constant 608 : i32
    %add3A_89 = arith.addi %mul3A_87, %add3A_88 : i32
    "tpu.region"() ({
      %run_scoped3A_165 = tpu.sem_alloc : memref<!tpu.dma_semaphore, #tpu.memory_space<semaphore_mem>>
      %dma_start3A_166 = arith.constant 0 : i32
      %dma_start3A_167 = tpu.memref_slice %arg10[%add3A_89, %dma_start3A_166] : memref<10240x128xf32, #tpu.memory_space<vmem_shared>> -> memref<32x128xf32, #tpu.memory_space<vmem_shared>>
      %dma_start3A_168 = arith.constant 0 : i32
      %dma_start3A_169 = tpu.memref_slice %arg10[%add3A_89, %dma_start3A_168] : memref<10240x128xf32, #tpu.memory_space<vmem_shared>> -> memref<32x128xf32, #tpu.memory_space<vmem_shared>>
      tpu.enqueue_dma source(%arg9 : memref<32x128xf32, #tpu.memory_space<vmem>>) target(%dma_start3A_169 : memref<32x128xf32, #tpu.memory_space<vmem_shared>>) target_semaphore(%run_scoped3A_165 : memref<!tpu.dma_semaphore, #tpu.memory_space<semaphore_mem>>)
      %dma_wait3A_170 = arith.constant 0 : i32
      %dma_wait3A_171 = tpu.memref_slice %arg10[%add3A_89, %dma_wait3A_170] : memref<10240x128xf32, #tpu.memory_space<vmem_shared>> -> memref<32x128xf32, #tpu.memory_space<vmem_shared>>
      %dma_wait3A_172 = arith.constant 0 : i32
      %dma_wait3A_173 = tpu.memref_slice %arg10[%add3A_89, %dma_wait3A_172] : memref<10240x128xf32, #tpu.memory_space<vmem_shared>> -> memref<32x128xf32, #tpu.memory_space<vmem_shared>>
      tpu.wait_dma2 semaphore(%run_scoped3A_165 : memref<!tpu.dma_semaphore, #tpu.memory_space<semaphore_mem>>) src(%arg9 : memref<32x128xf32, #tpu.memory_space<vmem>>) dst(%dma_wait3A_173 : memref<32x128xf32, #tpu.memory_space<vmem_shared>>)
      tpu.yield
    }) : () -> ()
    %add3A_90 = arith.constant 0 : i32
    %add3A_91 = arith.addi %mul3A_2, %add3A_90 : i32
    %run_scoped3A = arith.constant 0 : i32
    "tpu.region"() ({
      %run_scoped3A_165 = tpu.sem_alloc : memref<!tpu.dma_semaphore, #tpu.memory_space<semaphore_mem>>
      %dma_start3A_166 = arith.constant 0 : i32
      %dma_start3A_167 = tpu.memref_slice %arg7[%run_scoped3A, %dma_start3A_166] : memref<6x80xi32, #tpu.memory_space<vmem>> -> memref<1x80xi32, #tpu.memory_space<vmem>>
      %dma_start3A_168 = tpu.memref_squeeze %dma_start3A_167 : memref<1x80xi32, #tpu.memory_space<vmem>> -> memref<80xi32, #tpu.memory_space<vmem>>
      %dma_start3A_169 = tpu.memref_slice %arg3[%add3A_91] : memref<320000xi32, #tpu.memory_space<hbm>> -> memref<80xi32, #tpu.memory_space<hbm>>
      %dma_start3A_170 = arith.constant 0 : i32
      %dma_start3A_171 = tpu.memref_slice %arg7[%run_scoped3A, %dma_start3A_170] : memref<6x80xi32, #tpu.memory_space<vmem>> -> memref<1x80xi32, #tpu.memory_space<vmem>>
      %dma_start3A_172 = tpu.memref_squeeze %dma_start3A_171 : memref<1x80xi32, #tpu.memory_space<vmem>> -> memref<80xi32, #tpu.memory_space<vmem>>
      %dma_start3A_173 = tpu.memref_slice %arg3[%add3A_91] : memref<320000xi32, #tpu.memory_space<hbm>> -> memref<80xi32, #tpu.memory_space<hbm>>
      tpu.enqueue_dma source(%dma_start3A_173 : memref<80xi32, #tpu.memory_space<hbm>>) target(%dma_start3A_172 : memref<80xi32, #tpu.memory_space<vmem>>) target_semaphore(%run_scoped3A_165 : memref<!tpu.dma_semaphore, #tpu.memory_space<semaphore_mem>>)
      %dma_wait3A_174 = arith.constant 0 : i32
      %dma_wait3A_175 = tpu.memref_slice %arg7[%run_scoped3A, %dma_wait3A_174] : memref<6x80xi32, #tpu.memory_space<vmem>> -> memref<1x80xi32, #tpu.memory_space<vmem>>
      %dma_wait3A_176 = tpu.memref_squeeze %dma_wait3A_175 : memref<1x80xi32, #tpu.memory_space<vmem>> -> memref<80xi32, #tpu.memory_space<vmem>>
      %dma_wait3A_177 = tpu.memref_slice %arg3[%add3A_91] : memref<320000xi32, #tpu.memory_space<hbm>> -> memref<80xi32, #tpu.memory_space<hbm>>
      %dma_wait3A_178 = arith.constant 0 : i32
      %dma_wait3A_179 = tpu.memref_slice %arg7[%run_scoped3A, %dma_wait3A_178] : memref<6x80xi32, #tpu.memory_space<vmem>> -> memref<1x80xi32, #tpu.memory_space<vmem>>
      %dma_wait3A_180 = tpu.memref_squeeze %dma_wait3A_179 : memref<1x80xi32, #tpu.memory_space<vmem>> -> memref<80xi32, #tpu.memory_space<vmem>>
      %dma_wait3A_181 = tpu.memref_slice %arg3[%add3A_91] : memref<320000xi32, #tpu.memory_space<hbm>> -> memref<80xi32, #tpu.memory_space<hbm>>
      tpu.wait_dma2 semaphore(%run_scoped3A_165 : memref<!tpu.dma_semaphore, #tpu.memory_space<semaphore_mem>>) src(%dma_wait3A_181 : memref<80xi32, #tpu.memory_space<hbm>>) dst(%dma_wait3A_180 : memref<80xi32, #tpu.memory_space<vmem>>)
      tpu.yield
    }) : () -> ()
    %add3A_92 = arith.constant 0 : i32
    %add3A_93 = arith.addi %mul3A_2, %add3A_92 : i32
    %run_scoped3A_94 = arith.constant 0 : i32
    "tpu.region"() ({
      %run_scoped3A_165 = tpu.sem_alloc : memref<!tpu.dma_semaphore, #tpu.memory_space<semaphore_mem>>
      %dma_start3A_166 = arith.constant 0 : i32
      %dma_start3A_167 = tpu.memref_slice %arg6[%run_scoped3A_94, %dma_start3A_166] : memref<6x80xi32, #tpu.memory_space<vmem>> -> memref<1x80xi32, #tpu.memory_space<vmem>>
      %dma_start3A_168 = tpu.memref_squeeze %dma_start3A_167 : memref<1x80xi32, #tpu.memory_space<vmem>> -> memref<80xi32, #tpu.memory_space<vmem>>
      %dma_start3A_169 = tpu.memref_slice %arg2[%add3A_93] : memref<320000xi32, #tpu.memory_space<hbm>> -> memref<80xi32, #tpu.memory_space<hbm>>
      %dma_start3A_170 = arith.constant 0 : i32
      %dma_start3A_171 = tpu.memref_slice %arg6[%run_scoped3A_94, %dma_start3A_170] : memref<6x80xi32, #tpu.memory_space<vmem>> -> memref<1x80xi32, #tpu.memory_space<vmem>>
      %dma_start3A_172 = tpu.memref_squeeze %dma_start3A_171 : memref<1x80xi32, #tpu.memory_space<vmem>> -> memref<80xi32, #tpu.memory_space<vmem>>
      %dma_start3A_173 = tpu.memref_slice %arg2[%add3A_93] : memref<320000xi32, #tpu.memory_space<hbm>> -> memref<80xi32, #tpu.memory_space<hbm>>
      tpu.enqueue_dma source(%dma_start3A_173 : memref<80xi32, #tpu.memory_space<hbm>>) target(%dma_start3A_172 : memref<80xi32, #tpu.memory_space<vmem>>) target_semaphore(%run_scoped3A_165 : memref<!tpu.dma_semaphore, #tpu.memory_space<semaphore_mem>>)
      %dma_wait3A_174 = arith.constant 0 : i32
      %dma_wait3A_175 = tpu.memref_slice %arg6[%run_scoped3A_94, %dma_wait3A_174] : memref<6x80xi32, #tpu.memory_space<vmem>> -> memref<1x80xi32, #tpu.memory_space<vmem>>
      %dma_wait3A_176 = tpu.memref_squeeze %dma_wait3A_175 : memref<1x80xi32, #tpu.memory_space<vmem>> -> memref<80xi32, #tpu.memory_space<vmem>>
      %dma_wait3A_177 = tpu.memref_slice %arg2[%add3A_93] : memref<320000xi32, #tpu.memory_space<hbm>> -> memref<80xi32, #tpu.memory_space<hbm>>
      %dma_wait3A_178 = arith.constant 0 : i32
      %dma_wait3A_179 = tpu.memref_slice %arg6[%run_scoped3A_94, %dma_wait3A_178] : memref<6x80xi32, #tpu.memory_space<vmem>> -> memref<1x80xi32, #tpu.memory_space<vmem>>
      %dma_wait3A_180 = tpu.memref_squeeze %dma_wait3A_179 : memref<1x80xi32, #tpu.memory_space<vmem>> -> memref<80xi32, #tpu.memory_space<vmem>>
      %dma_wait3A_181 = tpu.memref_slice %arg2[%add3A_93] : memref<320000xi32, #tpu.memory_space<hbm>> -> memref<80xi32, #tpu.memory_space<hbm>>
      tpu.wait_dma2 semaphore(%run_scoped3A_165 : memref<!tpu.dma_semaphore, #tpu.memory_space<semaphore_mem>>) src(%dma_wait3A_181 : memref<80xi32, #tpu.memory_space<hbm>>) dst(%dma_wait3A_180 : memref<80xi32, #tpu.memory_space<vmem>>)
      tpu.yield
    }) : () -> ()
    %add3A_95 = arith.constant 80 : i32
    %add3A_96 = arith.addi %mul3A_2, %add3A_95 : i32
    %run_scoped3A_97 = arith.constant 1 : i32
    "tpu.region"() ({
      %run_scoped3A_165 = tpu.sem_alloc : memref<!tpu.dma_semaphore, #tpu.memory_space<semaphore_mem>>
      %dma_start3A_166 = arith.constant 0 : i32
      %dma_start3A_167 = tpu.memref_slice %arg7[%run_scoped3A_97, %dma_start3A_166] : memref<6x80xi32, #tpu.memory_space<vmem>> -> memref<1x80xi32, #tpu.memory_space<vmem>>
      %dma_start3A_168 = tpu.memref_squeeze %dma_start3A_167 : memref<1x80xi32, #tpu.memory_space<vmem>> -> memref<80xi32, #tpu.memory_space<vmem>>
      %dma_start3A_169 = tpu.memref_slice %arg3[%add3A_96] : memref<320000xi32, #tpu.memory_space<hbm>> -> memref<80xi32, #tpu.memory_space<hbm>>
      %dma_start3A_170 = arith.constant 0 : i32
      %dma_start3A_171 = tpu.memref_slice %arg7[%run_scoped3A_97, %dma_start3A_170] : memref<6x80xi32, #tpu.memory_space<vmem>> -> memref<1x80xi32, #tpu.memory_space<vmem>>
      %dma_start3A_172 = tpu.memref_squeeze %dma_start3A_171 : memref<1x80xi32, #tpu.memory_space<vmem>> -> memref<80xi32, #tpu.memory_space<vmem>>
      %dma_start3A_173 = tpu.memref_slice %arg3[%add3A_96] : memref<320000xi32, #tpu.memory_space<hbm>> -> memref<80xi32, #tpu.memory_space<hbm>>
      tpu.enqueue_dma source(%dma_start3A_173 : memref<80xi32, #tpu.memory_space<hbm>>) target(%dma_start3A_172 : memref<80xi32, #tpu.memory_space<vmem>>) target_semaphore(%run_scoped3A_165 : memref<!tpu.dma_semaphore, #tpu.memory_space<semaphore_mem>>)
      %dma_wait3A_174 = arith.constant 0 : i32
      %dma_wait3A_175 = tpu.memref_slice %arg7[%run_scoped3A_97, %dma_wait3A_174] : memref<6x80xi32, #tpu.memory_space<vmem>> -> memref<1x80xi32, #tpu.memory_space<vmem>>
      %dma_wait3A_176 = tpu.memref_squeeze %dma_wait3A_175 : memref<1x80xi32, #tpu.memory_space<vmem>> -> memref<80xi32, #tpu.memory_space<vmem>>
      %dma_wait3A_177 = tpu.memref_slice %arg3[%add3A_96] : memref<320000xi32, #tpu.memory_space<hbm>> -> memref<80xi32, #tpu.memory_space<hbm>>
      %dma_wait3A_178 = arith.constant 0 : i32
      %dma_wait3A_179 = tpu.memref_slice %arg7[%run_scoped3A_97, %dma_wait3A_178] : memref<6x80xi32, #tpu.memory_space<vmem>> -> memref<1x80xi32, #tpu.memory_space<vmem>>
      %dma_wait3A_180 = tpu.memref_squeeze %dma_wait3A_179 : memref<1x80xi32, #tpu.memory_space<vmem>> -> memref<80xi32, #tpu.memory_space<vmem>>
      %dma_wait3A_181 = tpu.memref_slice %arg3[%add3A_96] : memref<320000xi32, #tpu.memory_space<hbm>> -> memref<80xi32, #tpu.memory_space<hbm>>
      tpu.wait_dma2 semaphore(%run_scoped3A_165 : memref<!tpu.dma_semaphore, #tpu.memory_space<semaphore_mem>>) src(%dma_wait3A_181 : memref<80xi32, #tpu.memory_space<hbm>>) dst(%dma_wait3A_180 : memref<80xi32, #tpu.memory_space<vmem>>)
      tpu.yield
    }) : () -> ()
    %add3A_98 = arith.constant 80 : i32
    %add3A_99 = arith.addi %mul3A_2, %add3A_98 : i32
    %run_scoped3A_100 = arith.constant 1 : i32
    "tpu.region"() ({
      %run_scoped3A_165 = tpu.sem_alloc : memref<!tpu.dma_semaphore, #tpu.memory_space<semaphore_mem>>
      %dma_start3A_166 = arith.constant 0 : i32
      %dma_start3A_167 = tpu.memref_slice %arg6[%run_scoped3A_100, %dma_start3A_166] : memref<6x80xi32, #tpu.memory_space<vmem>> -> memref<1x80xi32, #tpu.memory_space<vmem>>
      %dma_start3A_168 = tpu.memref_squeeze %dma_start3A_167 : memref<1x80xi32, #tpu.memory_space<vmem>> -> memref<80xi32, #tpu.memory_space<vmem>>
      %dma_start3A_169 = tpu.memref_slice %arg2[%add3A_99] : memref<320000xi32, #tpu.memory_space<hbm>> -> memref<80xi32, #tpu.memory_space<hbm>>
      %dma_start3A_170 = arith.constant 0 : i32
      %dma_start3A_171 = tpu.memref_slice %arg6[%run_scoped3A_100, %dma_start3A_170] : memref<6x80xi32, #tpu.memory_space<vmem>> -> memref<1x80xi32, #tpu.memory_space<vmem>>
      %dma_start3A_172 = tpu.memref_squeeze %dma_start3A_171 : memref<1x80xi32, #tpu.memory_space<vmem>> -> memref<80xi32, #tpu.memory_space<vmem>>
      %dma_start3A_173 = tpu.memref_slice %arg2[%add3A_99] : memref<320000xi32, #tpu.memory_space<hbm>> -> memref<80xi32, #tpu.memory_space<hbm>>
      tpu.enqueue_dma source(%dma_start3A_173 : memref<80xi32, #tpu.memory_space<hbm>>) target(%dma_start3A_172 : memref<80xi32, #tpu.memory_space<vmem>>) target_semaphore(%run_scoped3A_165 : memref<!tpu.dma_semaphore, #tpu.memory_space<semaphore_mem>>)
      %dma_wait3A_174 = arith.constant 0 : i32
      %dma_wait3A_175 = tpu.memref_slice %arg6[%run_scoped3A_100, %dma_wait3A_174] : memref<6x80xi32, #tpu.memory_space<vmem>> -> memref<1x80xi32, #tpu.memory_space<vmem>>
      %dma_wait3A_176 = tpu.memref_squeeze %dma_wait3A_175 : memref<1x80xi32, #tpu.memory_space<vmem>> -> memref<80xi32, #tpu.memory_space<vmem>>
      %dma_wait3A_177 = tpu.memref_slice %arg2[%add3A_99] : memref<320000xi32, #tpu.memory_space<hbm>> -> memref<80xi32, #tpu.memory_space<hbm>>
      %dma_wait3A_178 = arith.constant 0 : i32
      %dma_wait3A_179 = tpu.memref_slice %arg6[%run_scoped3A_100, %dma_wait3A_178] : memref<6x80xi32, #tpu.memory_space<vmem>> -> memref<1x80xi32, #tpu.memory_space<vmem>>
      %dma_wait3A_180 = tpu.memref_squeeze %dma_wait3A_179 : memref<1x80xi32, #tpu.memory_space<vmem>> -> memref<80xi32, #tpu.memory_space<vmem>>
      %dma_wait3A_181 = tpu.memref_slice %arg2[%add3A_99] : memref<320000xi32, #tpu.memory_space<hbm>> -> memref<80xi32, #tpu.memory_space<hbm>>
      tpu.wait_dma2 semaphore(%run_scoped3A_165 : memref<!tpu.dma_semaphore, #tpu.memory_space<semaphore_mem>>) src(%dma_wait3A_181 : memref<80xi32, #tpu.memory_space<hbm>>) dst(%dma_wait3A_180 : memref<80xi32, #tpu.memory_space<vmem>>)
      tpu.yield
    }) : () -> ()
    %add3A_101 = arith.constant 160 : i32
    %add3A_102 = arith.addi %mul3A_2, %add3A_101 : i32
    %run_scoped3A_103 = arith.constant 2 : i32
    "tpu.region"() ({
      %run_scoped3A_165 = tpu.sem_alloc : memref<!tpu.dma_semaphore, #tpu.memory_space<semaphore_mem>>
      %dma_start3A_166 = arith.constant 0 : i32
      %dma_start3A_167 = tpu.memref_slice %arg7[%run_scoped3A_103, %dma_start3A_166] : memref<6x80xi32, #tpu.memory_space<vmem>> -> memref<1x80xi32, #tpu.memory_space<vmem>>
      %dma_start3A_168 = tpu.memref_squeeze %dma_start3A_167 : memref<1x80xi32, #tpu.memory_space<vmem>> -> memref<80xi32, #tpu.memory_space<vmem>>
      %dma_start3A_169 = tpu.memref_slice %arg3[%add3A_102] : memref<320000xi32, #tpu.memory_space<hbm>> -> memref<80xi32, #tpu.memory_space<hbm>>
      %dma_start3A_170 = arith.constant 0 : i32
      %dma_start3A_171 = tpu.memref_slice %arg7[%run_scoped3A_103, %dma_start3A_170] : memref<6x80xi32, #tpu.memory_space<vmem>> -> memref<1x80xi32, #tpu.memory_space<vmem>>
      %dma_start3A_172 = tpu.memref_squeeze %dma_start3A_171 : memref<1x80xi32, #tpu.memory_space<vmem>> -> memref<80xi32, #tpu.memory_space<vmem>>
      %dma_start3A_173 = tpu.memref_slice %arg3[%add3A_102] : memref<320000xi32, #tpu.memory_space<hbm>> -> memref<80xi32, #tpu.memory_space<hbm>>
      tpu.enqueue_dma source(%dma_start3A_173 : memref<80xi32, #tpu.memory_space<hbm>>) target(%dma_start3A_172 : memref<80xi32, #tpu.memory_space<vmem>>) target_semaphore(%run_scoped3A_165 : memref<!tpu.dma_semaphore, #tpu.memory_space<semaphore_mem>>)
      %dma_wait3A_174 = arith.constant 0 : i32
      %dma_wait3A_175 = tpu.memref_slice %arg7[%run_scoped3A_103, %dma_wait3A_174] : memref<6x80xi32, #tpu.memory_space<vmem>> -> memref<1x80xi32, #tpu.memory_space<vmem>>
      %dma_wait3A_176 = tpu.memref_squeeze %dma_wait3A_175 : memref<1x80xi32, #tpu.memory_space<vmem>> -> memref<80xi32, #tpu.memory_space<vmem>>
      %dma_wait3A_177 = tpu.memref_slice %arg3[%add3A_102] : memref<320000xi32, #tpu.memory_space<hbm>> -> memref<80xi32, #tpu.memory_space<hbm>>
      %dma_wait3A_178 = arith.constant 0 : i32
      %dma_wait3A_179 = tpu.memref_slice %arg7[%run_scoped3A_103, %dma_wait3A_178] : memref<6x80xi32, #tpu.memory_space<vmem>> -> memref<1x80xi32, #tpu.memory_space<vmem>>
      %dma_wait3A_180 = tpu.memref_squeeze %dma_wait3A_179 : memref<1x80xi32, #tpu.memory_space<vmem>> -> memref<80xi32, #tpu.memory_space<vmem>>
      %dma_wait3A_181 = tpu.memref_slice %arg3[%add3A_102] : memref<320000xi32, #tpu.memory_space<hbm>> -> memref<80xi32, #tpu.memory_space<hbm>>
      tpu.wait_dma2 semaphore(%run_scoped3A_165 : memref<!tpu.dma_semaphore, #tpu.memory_space<semaphore_mem>>) src(%dma_wait3A_181 : memref<80xi32, #tpu.memory_space<hbm>>) dst(%dma_wait3A_180 : memref<80xi32, #tpu.memory_space<vmem>>)
      tpu.yield
    }) : () -> ()
    %add3A_104 = arith.constant 160 : i32
    %add3A_105 = arith.addi %mul3A_2, %add3A_104 : i32
    %run_scoped3A_106 = arith.constant 2 : i32
    "tpu.region"() ({
      %run_scoped3A_165 = tpu.sem_alloc : memref<!tpu.dma_semaphore, #tpu.memory_space<semaphore_mem>>
      %dma_start3A_166 = arith.constant 0 : i32
      %dma_start3A_167 = tpu.memref_slice %arg6[%run_scoped3A_106, %dma_start3A_166] : memref<6x80xi32, #tpu.memory_space<vmem>> -> memref<1x80xi32, #tpu.memory_space<vmem>>
      %dma_start3A_168 = tpu.memref_squeeze %dma_start3A_167 : memref<1x80xi32, #tpu.memory_space<vmem>> -> memref<80xi32, #tpu.memory_space<vmem>>
      %dma_start3A_169 = tpu.memref_slice %arg2[%add3A_105] : memref<320000xi32, #tpu.memory_space<hbm>> -> memref<80xi32, #tpu.memory_space<hbm>>
      %dma_start3A_170 = arith.constant 0 : i32
      %dma_start3A_171 = tpu.memref_slice %arg6[%run_scoped3A_106, %dma_start3A_170] : memref<6x80xi32, #tpu.memory_space<vmem>> -> memref<1x80xi32, #tpu.memory_space<vmem>>
      %dma_start3A_172 = tpu.memref_squeeze %dma_start3A_171 : memref<1x80xi32, #tpu.memory_space<vmem>> -> memref<80xi32, #tpu.memory_space<vmem>>
      %dma_start3A_173 = tpu.memref_slice %arg2[%add3A_105] : memref<320000xi32, #tpu.memory_space<hbm>> -> memref<80xi32, #tpu.memory_space<hbm>>
      tpu.enqueue_dma source(%dma_start3A_173 : memref<80xi32, #tpu.memory_space<hbm>>) target(%dma_start3A_172 : memref<80xi32, #tpu.memory_space<vmem>>) target_semaphore(%run_scoped3A_165 : memref<!tpu.dma_semaphore, #tpu.memory_space<semaphore_mem>>)
      %dma_wait3A_174 = arith.constant 0 : i32
      %dma_wait3A_175 = tpu.memref_slice %arg6[%run_scoped3A_106, %dma_wait3A_174] : memref<6x80xi32, #tpu.memory_space<vmem>> -> memref<1x80xi32, #tpu.memory_space<vmem>>
      %dma_wait3A_176 = tpu.memref_squeeze %dma_wait3A_175 : memref<1x80xi32, #tpu.memory_space<vmem>> -> memref<80xi32, #tpu.memory_space<vmem>>
      %dma_wait3A_177 = tpu.memref_slice %arg2[%add3A_105] : memref<320000xi32, #tpu.memory_space<hbm>> -> memref<80xi32, #tpu.memory_space<hbm>>
      %dma_wait3A_178 = arith.constant 0 : i32
      %dma_wait3A_179 = tpu.memref_slice %arg6[%run_scoped3A_106, %dma_wait3A_178] : memref<6x80xi32, #tpu.memory_space<vmem>> -> memref<1x80xi32, #tpu.memory_space<vmem>>
      %dma_wait3A_180 = tpu.memref_squeeze %dma_wait3A_179 : memref<1x80xi32, #tpu.memory_space<vmem>> -> memref<80xi32, #tpu.memory_space<vmem>>
      %dma_wait3A_181 = tpu.memref_slice %arg2[%add3A_105] : memref<320000xi32, #tpu.memory_space<hbm>> -> memref<80xi32, #tpu.memory_space<hbm>>
      tpu.wait_dma2 semaphore(%run_scoped3A_165 : memref<!tpu.dma_semaphore, #tpu.memory_space<semaphore_mem>>) src(%dma_wait3A_181 : memref<80xi32, #tpu.memory_space<hbm>>) dst(%dma_wait3A_180 : memref<80xi32, #tpu.memory_space<vmem>>)
      tpu.yield
    }) : () -> ()
    %barrier3A = arith.constant 0 : index
    tpu.barrier barrier_id(%barrier3A)
    %dma_start3A = arith.constant 0 : i32
    %dma_start3A_107 = arith.constant 0 : i32
    %dma_start3A_108 = arith.constant 0 : i32
    %dma_start3A_109 = arith.constant 0 : i32
    %dma_start3A_110 = tpu.memref_slice %arg8[%dma_start3A_107, %dma_start3A_108, %dma_start3A_109] : memref<4x80x128xf32, #tpu.memory_space<vmem>> -> memref<1x80x128xf32, #tpu.memory_space<vmem>>
    %dma_start3A_111 = tpu.memref_squeeze %dma_start3A_110 : memref<1x80x128xf32, #tpu.memory_space<vmem>> -> memref<80x128xf32, #tpu.memory_space<vmem>>
    %dma_start3A_112 = arith.constant 0 : i32
    %dma_start3A_113 = tpu.memref_slice %arg6[%dma_start3A, %dma_start3A_112] : memref<6x80xi32, #tpu.memory_space<vmem>> -> memref<1x80xi32, #tpu.memory_space<vmem>>
    %dma_start3A_114 = tpu.memref_squeeze %dma_start3A_113 : memref<1x80xi32, #tpu.memory_space<vmem>> -> memref<80xi32, #tpu.memory_space<vmem>>
    %dma_start3A_115 = arith.constant 0 : i32
    %dma_start3A_116 = arith.constant 0 : i32
    %dma_start3A_117 = tpu.memref_slice %arg4[%dma_start3A_115, %dma_start3A_116] : memref<10000x128xf32, #tpu.memory_space<hbm>> -> memref<10000x128xf32, #tpu.memory_space<hbm>>
    tpu.enqueue_indirect_dma source(%dma_start3A_117 : memref<10000x128xf32, #tpu.memory_space<hbm>>) target(%dma_start3A_111 : memref<80x128xf32, #tpu.memory_space<vmem>>) offsets(%dma_start3A_114 : memref<80xi32, #tpu.memory_space<vmem>>) semaphore(%arg11 : memref<!tpu.dma_semaphore, #tpu.memory_space<semaphore_mem>>)
    %dma_start3A_118 = arith.constant 1 : i32
    %dma_start3A_119 = arith.constant 1 : i32
    %dma_start3A_120 = arith.constant 0 : i32
    %dma_start3A_121 = arith.constant 0 : i32
    %dma_start3A_122 = tpu.memref_slice %arg8[%dma_start3A_119, %dma_start3A_120, %dma_start3A_121] : memref<4x80x128xf32, #tpu.memory_space<vmem>> -> memref<1x80x128xf32, #tpu.memory_space<vmem>>
    %dma_start3A_123 = tpu.memref_squeeze %dma_start3A_122 : memref<1x80x128xf32, #tpu.memory_space<vmem>> -> memref<80x128xf32, #tpu.memory_space<vmem>>
    %dma_start3A_124 = arith.constant 0 : i32
    %dma_start3A_125 = tpu.memref_slice %arg6[%dma_start3A_118, %dma_start3A_124] : memref<6x80xi32, #tpu.memory_space<vmem>> -> memref<1x80xi32, #tpu.memory_space<vmem>>
    %dma_start3A_126 = tpu.memref_squeeze %dma_start3A_125 : memref<1x80xi32, #tpu.memory_space<vmem>> -> memref<80xi32, #tpu.memory_space<vmem>>
    %dma_start3A_127 = arith.constant 0 : i32
    %dma_start3A_128 = arith.constant 0 : i32
    %dma_start3A_129 = tpu.memref_slice %arg4[%dma_start3A_127, %dma_start3A_128] : memref<10000x128xf32, #tpu.memory_space<hbm>> -> memref<10000x128xf32, #tpu.memory_space<hbm>>
    tpu.enqueue_indirect_dma source(%dma_start3A_129 : memref<10000x128xf32, #tpu.memory_space<hbm>>) target(%dma_start3A_123 : memref<80x128xf32, #tpu.memory_space<vmem>>) offsets(%dma_start3A_126 : memref<80xi32, #tpu.memory_space<vmem>>) semaphore(%arg11 : memref<!tpu.dma_semaphore, #tpu.memory_space<semaphore_mem>>)
    %scan3A_130 = arith.constant 0 : i32
    %scan3A_131 = arith.constant 0 : i32
    %scan3A_132 = arith.constant 125 : i32
    %scan3A_133 = arith.addi %scan3A_131, %scan3A_132 : i32
    %scan3A_134 = arith.constant 1 : i32
    %scan3A_135 = scf.for %scan3A_165 = %scan3A_131 to %scan3A_133 step %scan3A_134 iter_args(%scan3A_166 = %scan3A_130) -> (i32)  : i32 {
      %rem3A = arith.constant 4 : i32
      %rem3A_167 = arith.remsi %scan3A_165, %rem3A : i32
      %rem3A_168 = arith.constant 6 : i32
      %rem3A_169 = arith.remsi %scan3A_165, %rem3A_168 : i32
      %add3A_170 = arith.constant 2 : i32
      %add3A_171 = arith.addi %scan3A_165, %add3A_170 : i32
      %rem3A_172 = arith.constant 4 : i32
      %rem3A_173 = arith.remsi %add3A_171, %rem3A_172 : i32
      %add3A_174 = arith.constant 2 : i32
      %add3A_175 = arith.addi %scan3A_165, %add3A_174 : i32
      %rem3A_176 = arith.constant 6 : i32
      %rem3A_177 = arith.remsi %add3A_175, %rem3A_176 : i32
      %add3A_178 = arith.constant 3 : i32
      %add3A_179 = arith.addi %scan3A_165, %add3A_178 : i32
      %rem3A_180 = arith.constant 6 : i32
      %rem3A_181 = arith.remsi %add3A_179, %rem3A_180 : i32
      %ge3A = arith.constant 2 : i32
      %ge3A_182 = arith.cmpi sge, %scan3A_165, %ge3A : i32
      %convert_element_type3A = arith.extui %ge3A_182 : i1 to i32
      %cond3A = arith.constant 0 : i32
      %cond3A_183 = arith.cmpi ne, %convert_element_type3A, %cond3A : i32
      scf.if %cond3A_183 {
        %dma_wait3A_218 = arith.constant 0 : i32
        %dma_wait3A_219 = arith.constant 0 : i32
        %dma_wait3A_220 = tpu.memref_slice %arg8[%rem3A_167, %dma_wait3A_218, %dma_wait3A_219] : memref<4x80x128xf32, #tpu.memory_space<vmem>> -> memref<1x80x128xf32, #tpu.memory_space<vmem>>
        %dma_wait3A_221 = tpu.memref_squeeze %dma_wait3A_220 : memref<1x80x128xf32, #tpu.memory_space<vmem>> -> memref<80x128xf32, #tpu.memory_space<vmem>>
        %dma_wait3A_222 = arith.constant 0 : i32
        %dma_wait3A_223 = tpu.memref_slice %arg7[%rem3A_169, %dma_wait3A_222] : memref<6x80xi32, #tpu.memory_space<vmem>> -> memref<1x80xi32, #tpu.memory_space<vmem>>
        %dma_wait3A_224 = tpu.memref_squeeze %dma_wait3A_223 : memref<1x80xi32, #tpu.memory_space<vmem>> -> memref<80xi32, #tpu.memory_space<vmem>>
        %dma_wait3A_225 = arith.constant 0 : i32
        %dma_wait3A_226 = arith.constant 0 : i32
        %dma_wait3A_227 = tpu.memref_slice %arg10[%dma_wait3A_225, %dma_wait3A_226] : memref<10240x128xf32, #tpu.memory_space<vmem_shared>> -> memref<10240x128xf32, #tpu.memory_space<vmem_shared>>
        tpu.wait_indirect_dma semaphore(%arg12 : memref<!tpu.dma_semaphore, #tpu.memory_space<semaphore_mem>>) src(%dma_wait3A_221 : memref<80x128xf32, #tpu.memory_space<vmem>>) dst(%dma_wait3A_227 : memref<10240x128xf32, #tpu.memory_space<vmem_shared>>)
      } else {
      }
      %add3A_184 = arith.constant 3 : i32
      %add3A_185 = arith.addi %scan3A_165, %add3A_184 : i32
      %lt3A = arith.constant 125 : i32
      %lt3A_186 = arith.cmpi slt, %add3A_185, %lt3A : i32
      %convert_element_type3A_187 = arith.extui %lt3A_186 : i1 to i32
      %cond3A_188 = arith.constant 0 : i32
      %cond3A_189 = arith.cmpi ne, %convert_element_type3A_187, %cond3A_188 : i32
      scf.if %cond3A_189 {
        %add3A_218 = arith.constant 3 : i32
        %add3A_219 = arith.addi %scan3A_165, %add3A_218 : i32
        %mul3A_220 = arith.constant 80 : i32
        %mul3A_221 = arith.muli %add3A_219, %mul3A_220 : i32
        %add3A_222 = arith.addi %mul3A_2, %mul3A_221 : i32
        "tpu.region"() ({
          %run_scoped3A_223 = tpu.sem_alloc : memref<!tpu.dma_semaphore, #tpu.memory_space<semaphore_mem>>
          %dma_start3A_224 = arith.constant 0 : i32
          %dma_start3A_225 = tpu.memref_slice %arg7[%rem3A_181, %dma_start3A_224] : memref<6x80xi32, #tpu.memory_space<vmem>> -> memref<1x80xi32, #tpu.memory_space<vmem>>
          %dma_start3A_226 = tpu.memref_squeeze %dma_start3A_225 : memref<1x80xi32, #tpu.memory_space<vmem>> -> memref<80xi32, #tpu.memory_space<vmem>>
          %dma_start3A_227 = tpu.memref_slice %arg3[%add3A_222] : memref<320000xi32, #tpu.memory_space<hbm>> -> memref<80xi32, #tpu.memory_space<hbm>>
          %dma_start3A_228 = arith.constant 0 : i32
          %dma_start3A_229 = tpu.memref_slice %arg7[%rem3A_181, %dma_start3A_228] : memref<6x80xi32, #tpu.memory_space<vmem>> -> memref<1x80xi32, #tpu.memory_space<vmem>>
          %dma_start3A_230 = tpu.memref_squeeze %dma_start3A_229 : memref<1x80xi32, #tpu.memory_space<vmem>> -> memref<80xi32, #tpu.memory_space<vmem>>
          %dma_start3A_231 = tpu.memref_slice %arg3[%add3A_222] : memref<320000xi32, #tpu.memory_space<hbm>> -> memref<80xi32, #tpu.memory_space<hbm>>
          tpu.enqueue_dma source(%dma_start3A_231 : memref<80xi32, #tpu.memory_space<hbm>>) target(%dma_start3A_230 : memref<80xi32, #tpu.memory_space<vmem>>) target_semaphore(%run_scoped3A_223 : memref<!tpu.dma_semaphore, #tpu.memory_space<semaphore_mem>>)
          %dma_wait3A_232 = arith.constant 0 : i32
          %dma_wait3A_233 = tpu.memref_slice %arg7[%rem3A_181, %dma_wait3A_232] : memref<6x80xi32, #tpu.memory_space<vmem>> -> memref<1x80xi32, #tpu.memory_space<vmem>>
          %dma_wait3A_234 = tpu.memref_squeeze %dma_wait3A_233 : memref<1x80xi32, #tpu.memory_space<vmem>> -> memref<80xi32, #tpu.memory_space<vmem>>
          %dma_wait3A_235 = tpu.memref_slice %arg3[%add3A_222] : memref<320000xi32, #tpu.memory_space<hbm>> -> memref<80xi32, #tpu.memory_space<hbm>>
          %dma_wait3A_236 = arith.constant 0 : i32
          %dma_wait3A_237 = tpu.memref_slice %arg7[%rem3A_181, %dma_wait3A_236] : memref<6x80xi32, #tpu.memory_space<vmem>> -> memref<1x80xi32, #tpu.memory_space<vmem>>
          %dma_wait3A_238 = tpu.memref_squeeze %dma_wait3A_237 : memref<1x80xi32, #tpu.memory_space<vmem>> -> memref<80xi32, #tpu.memory_space<vmem>>
          %dma_wait3A_239 = tpu.memref_slice %arg3[%add3A_222] : memref<320000xi32, #tpu.memory_space<hbm>> -> memref<80xi32, #tpu.memory_space<hbm>>
          tpu.wait_dma2 semaphore(%run_scoped3A_223 : memref<!tpu.dma_semaphore, #tpu.memory_space<semaphore_mem>>) src(%dma_wait3A_239 : memref<80xi32, #tpu.memory_space<hbm>>) dst(%dma_wait3A_238 : memref<80xi32, #tpu.memory_space<vmem>>)
          tpu.yield
        }) : () -> ()
        "tpu.region"() ({
          %run_scoped3A_223 = tpu.sem_alloc : memref<!tpu.dma_semaphore, #tpu.memory_space<semaphore_mem>>
          %dma_start3A_224 = arith.constant 0 : i32
          %dma_start3A_225 = tpu.memref_slice %arg6[%rem3A_181, %dma_start3A_224] : memref<6x80xi32, #tpu.memory_space<vmem>> -> memref<1x80xi32, #tpu.memory_space<vmem>>
          %dma_start3A_226 = tpu.memref_squeeze %dma_start3A_225 : memref<1x80xi32, #tpu.memory_space<vmem>> -> memref<80xi32, #tpu.memory_space<vmem>>
          %dma_start3A_227 = tpu.memref_slice %arg2[%add3A_222] : memref<320000xi32, #tpu.memory_space<hbm>> -> memref<80xi32, #tpu.memory_space<hbm>>
          %dma_start3A_228 = arith.constant 0 : i32
          %dma_start3A_229 = tpu.memref_slice %arg6[%rem3A_181, %dma_start3A_228] : memref<6x80xi32, #tpu.memory_space<vmem>> -> memref<1x80xi32, #tpu.memory_space<vmem>>
          %dma_start3A_230 = tpu.memref_squeeze %dma_start3A_229 : memref<1x80xi32, #tpu.memory_space<vmem>> -> memref<80xi32, #tpu.memory_space<vmem>>
          %dma_start3A_231 = tpu.memref_slice %arg2[%add3A_222] : memref<320000xi32, #tpu.memory_space<hbm>> -> memref<80xi32, #tpu.memory_space<hbm>>
          tpu.enqueue_dma source(%dma_start3A_231 : memref<80xi32, #tpu.memory_space<hbm>>) target(%dma_start3A_230 : memref<80xi32, #tpu.memory_space<vmem>>) target_semaphore(%run_scoped3A_223 : memref<!tpu.dma_semaphore, #tpu.memory_space<semaphore_mem>>)
          %dma_wait3A_232 = arith.constant 0 : i32
          %dma_wait3A_233 = tpu.memref_slice %arg6[%rem3A_181, %dma_wait3A_232] : memref<6x80xi32, #tpu.memory_space<vmem>> -> memref<1x80xi32, #tpu.memory_space<vmem>>
          %dma_wait3A_234 = tpu.memref_squeeze %dma_wait3A_233 : memref<1x80xi32, #tpu.memory_space<vmem>> -> memref<80xi32, #tpu.memory_space<vmem>>
          %dma_wait3A_235 = tpu.memref_slice %arg2[%add3A_222] : memref<320000xi32, #tpu.memory_space<hbm>> -> memref<80xi32, #tpu.memory_space<hbm>>
          %dma_wait3A_236 = arith.constant 0 : i32
          %dma_wait3A_237 = tpu.memref_slice %arg6[%rem3A_181, %dma_wait3A_236] : memref<6x80xi32, #tpu.memory_space<vmem>> -> memref<1x80xi32, #tpu.memory_space<vmem>>
          %dma_wait3A_238 = tpu.memref_squeeze %dma_wait3A_237 : memref<1x80xi32, #tpu.memory_space<vmem>> -> memref<80xi32, #tpu.memory_space<vmem>>
          %dma_wait3A_239 = tpu.memref_slice %arg2[%add3A_222] : memref<320000xi32, #tpu.memory_space<hbm>> -> memref<80xi32, #tpu.memory_space<hbm>>
          tpu.wait_dma2 semaphore(%run_scoped3A_223 : memref<!tpu.dma_semaphore, #tpu.memory_space<semaphore_mem>>) src(%dma_wait3A_239 : memref<80xi32, #tpu.memory_space<hbm>>) dst(%dma_wait3A_238 : memref<80xi32, #tpu.memory_space<vmem>>)
          tpu.yield
        }) : () -> ()
      } else {
      }
      %add3A_190 = arith.constant 2 : i32
      %add3A_191 = arith.addi %scan3A_165, %add3A_190 : i32
      %lt3A_192 = arith.constant 125 : i32
      %lt3A_193 = arith.cmpi slt, %add3A_191, %lt3A_192 : i32
      %convert_element_type3A_194 = arith.extui %lt3A_193 : i1 to i32
      %cond3A_195 = arith.constant 0 : i32
      %cond3A_196 = arith.cmpi ne, %convert_element_type3A_194, %cond3A_195 : i32
      scf.if %cond3A_196 {
        %dma_start3A_218 = arith.constant 0 : i32
        %dma_start3A_219 = arith.constant 0 : i32
        %dma_start3A_220 = tpu.memref_slice %arg8[%rem3A_173, %dma_start3A_218, %dma_start3A_219] : memref<4x80x128xf32, #tpu.memory_space<vmem>> -> memref<1x80x128xf32, #tpu.memory_space<vmem>>
        %dma_start3A_221 = tpu.memref_squeeze %dma_start3A_220 : memref<1x80x128xf32, #tpu.memory_space<vmem>> -> memref<80x128xf32, #tpu.memory_space<vmem>>
        %dma_start3A_222 = arith.constant 0 : i32
        %dma_start3A_223 = tpu.memref_slice %arg6[%rem3A_177, %dma_start3A_222] : memref<6x80xi32, #tpu.memory_space<vmem>> -> memref<1x80xi32, #tpu.memory_space<vmem>>
        %dma_start3A_224 = tpu.memref_squeeze %dma_start3A_223 : memref<1x80xi32, #tpu.memory_space<vmem>> -> memref<80xi32, #tpu.memory_space<vmem>>
        %dma_start3A_225 = arith.constant 0 : i32
        %dma_start3A_226 = arith.constant 0 : i32
        %dma_start3A_227 = tpu.memref_slice %arg4[%dma_start3A_225, %dma_start3A_226] : memref<10000x128xf32, #tpu.memory_space<hbm>> -> memref<10000x128xf32, #tpu.memory_space<hbm>>
        tpu.enqueue_indirect_dma source(%dma_start3A_227 : memref<10000x128xf32, #tpu.memory_space<hbm>>) target(%dma_start3A_221 : memref<80x128xf32, #tpu.memory_space<vmem>>) offsets(%dma_start3A_224 : memref<80xi32, #tpu.memory_space<vmem>>) semaphore(%arg11 : memref<!tpu.dma_semaphore, #tpu.memory_space<semaphore_mem>>)
      } else {
      }
      %dma_wait3A_197 = arith.constant 0 : i32
      %dma_wait3A_198 = arith.constant 0 : i32
      %dma_wait3A_199 = tpu.memref_slice %arg8[%rem3A_167, %dma_wait3A_197, %dma_wait3A_198] : memref<4x80x128xf32, #tpu.memory_space<vmem>> -> memref<1x80x128xf32, #tpu.memory_space<vmem>>
      %dma_wait3A_200 = tpu.memref_squeeze %dma_wait3A_199 : memref<1x80x128xf32, #tpu.memory_space<vmem>> -> memref<80x128xf32, #tpu.memory_space<vmem>>
      %dma_wait3A_201 = arith.constant 0 : i32
      %dma_wait3A_202 = tpu.memref_slice %arg6[%rem3A_169, %dma_wait3A_201] : memref<6x80xi32, #tpu.memory_space<vmem>> -> memref<1x80xi32, #tpu.memory_space<vmem>>
      %dma_wait3A_203 = tpu.memref_squeeze %dma_wait3A_202 : memref<1x80xi32, #tpu.memory_space<vmem>> -> memref<80xi32, #tpu.memory_space<vmem>>
      %dma_wait3A_204 = arith.constant 0 : i32
      %dma_wait3A_205 = arith.constant 0 : i32
      %dma_wait3A_206 = tpu.memref_slice %arg4[%dma_wait3A_204, %dma_wait3A_205] : memref<10000x128xf32, #tpu.memory_space<hbm>> -> memref<10000x128xf32, #tpu.memory_space<hbm>>
      tpu.wait_indirect_dma semaphore(%arg11 : memref<!tpu.dma_semaphore, #tpu.memory_space<semaphore_mem>>) src(%dma_wait3A_206 : memref<10000x128xf32, #tpu.memory_space<hbm>>) dst(%dma_wait3A_200 : memref<80x128xf32, #tpu.memory_space<vmem>>)
      %dma_start3A_207 = arith.constant 0 : i32
      %dma_start3A_208 = arith.constant 0 : i32
      %dma_start3A_209 = tpu.memref_slice %arg8[%rem3A_167, %dma_start3A_207, %dma_start3A_208] : memref<4x80x128xf32, #tpu.memory_space<vmem>> -> memref<1x80x128xf32, #tpu.memory_space<vmem>>
      %dma_start3A_210 = tpu.memref_squeeze %dma_start3A_209 : memref<1x80x128xf32, #tpu.memory_space<vmem>> -> memref<80x128xf32, #tpu.memory_space<vmem>>
      %dma_start3A_211 = arith.constant 0 : i32
      %dma_start3A_212 = tpu.memref_slice %arg7[%rem3A_169, %dma_start3A_211] : memref<6x80xi32, #tpu.memory_space<vmem>> -> memref<1x80xi32, #tpu.memory_space<vmem>>
      %dma_start3A_213 = tpu.memref_squeeze %dma_start3A_212 : memref<1x80xi32, #tpu.memory_space<vmem>> -> memref<80xi32, #tpu.memory_space<vmem>>
      %dma_start3A_214 = arith.constant 0 : i32
      %dma_start3A_215 = arith.constant 0 : i32
      %dma_start3A_216 = tpu.memref_slice %arg10[%dma_start3A_214, %dma_start3A_215] : memref<10240x128xf32, #tpu.memory_space<vmem_shared>> -> memref<10240x128xf32, #tpu.memory_space<vmem_shared>>
      tpu.enqueue_indirect_dma source(%dma_start3A_210 : memref<80x128xf32, #tpu.memory_space<vmem>>) target(%dma_start3A_216 : memref<10240x128xf32, #tpu.memory_space<vmem_shared>>) offsets(%dma_start3A_213 : memref<80xi32, #tpu.memory_space<vmem>>) semaphore(%arg12 : memref<!tpu.dma_semaphore, #tpu.memory_space<semaphore_mem>>) {add = true}
      %scan3A_217 = arith.constant 0 : i32
      scf.yield %scan3A_217 : i32
    }
    %scan3A_136 = arith.constant 125 : i32
    %dma_wait3A = arith.constant 0 : i32
    %dma_wait3A_137 = arith.constant 0 : i32
    %dma_wait3A_138 = arith.constant 0 : i32
    %dma_wait3A_139 = arith.constant 0 : i32
    %dma_wait3A_140 = tpu.memref_slice %arg8[%dma_wait3A, %dma_wait3A_138, %dma_wait3A_139] : memref<4x80x128xf32, #tpu.memory_space<vmem>> -> memref<1x80x128xf32, #tpu.memory_space<vmem>>
    %dma_wait3A_141 = tpu.memref_squeeze %dma_wait3A_140 : memref<1x80x128xf32, #tpu.memory_space<vmem>> -> memref<80x128xf32, #tpu.memory_space<vmem>>
    %dma_wait3A_142 = arith.constant 0 : i32
    %dma_wait3A_143 = tpu.memref_slice %arg7[%dma_wait3A_137, %dma_wait3A_142] : memref<6x80xi32, #tpu.memory_space<vmem>> -> memref<1x80xi32, #tpu.memory_space<vmem>>
    %dma_wait3A_144 = tpu.memref_squeeze %dma_wait3A_143 : memref<1x80xi32, #tpu.memory_space<vmem>> -> memref<80xi32, #tpu.memory_space<vmem>>
    %dma_wait3A_145 = arith.constant 0 : i32
    %dma_wait3A_146 = arith.constant 0 : i32
    %dma_wait3A_147 = tpu.memref_slice %arg10[%dma_wait3A_145, %dma_wait3A_146] : memref<10240x128xf32, #tpu.memory_space<vmem_shared>> -> memref<10240x128xf32, #tpu.memory_space<vmem_shared>>
    tpu.wait_indirect_dma semaphore(%arg12 : memref<!tpu.dma_semaphore, #tpu.memory_space<semaphore_mem>>) src(%dma_wait3A_141 : memref<80x128xf32, #tpu.memory_space<vmem>>) dst(%dma_wait3A_147 : memref<10240x128xf32, #tpu.memory_space<vmem_shared>>)
    %dma_wait3A_148 = arith.constant 0 : i32
    %dma_wait3A_149 = arith.constant 0 : i32
    %dma_wait3A_150 = arith.constant 0 : i32
    %dma_wait3A_151 = arith.constant 0 : i32
    %dma_wait3A_152 = tpu.memref_slice %arg8[%dma_wait3A_148, %dma_wait3A_150, %dma_wait3A_151] : memref<4x80x128xf32, #tpu.memory_space<vmem>> -> memref<1x80x128xf32, #tpu.memory_space<vmem>>
    %dma_wait3A_153 = tpu.memref_squeeze %dma_wait3A_152 : memref<1x80x128xf32, #tpu.memory_space<vmem>> -> memref<80x128xf32, #tpu.memory_space<vmem>>
    %dma_wait3A_154 = arith.constant 0 : i32
    %dma_wait3A_155 = tpu.memref_slice %arg7[%dma_wait3A_149, %dma_wait3A_154] : memref<6x80xi32, #tpu.memory_space<vmem>> -> memref<1x80xi32, #tpu.memory_space<vmem>>
    %dma_wait3A_156 = tpu.memref_squeeze %dma_wait3A_155 : memref<1x80xi32, #tpu.memory_space<vmem>> -> memref<80xi32, #tpu.memory_space<vmem>>
    %dma_wait3A_157 = arith.constant 0 : i32
    %dma_wait3A_158 = arith.constant 0 : i32
    %dma_wait3A_159 = tpu.memref_slice %arg10[%dma_wait3A_157, %dma_wait3A_158] : memref<10240x128xf32, #tpu.memory_space<vmem_shared>> -> memref<10240x128xf32, #tpu.memory_space<vmem_shared>>
    tpu.wait_indirect_dma semaphore(%arg12 : memref<!tpu.dma_semaphore, #tpu.memory_space<semaphore_mem>>) src(%dma_wait3A_153 : memref<80x128xf32, #tpu.memory_space<vmem>>) dst(%dma_wait3A_159 : memref<10240x128xf32, #tpu.memory_space<vmem_shared>>)
    %barrier3A_160 = arith.constant 0 : index
    tpu.barrier barrier_id(%barrier3A_160)
    %mul3A_161 = arith.constant 640 : i32
    %mul3A_162 = arith.muli %arg1, %mul3A_161 : i32
    %mul3A_163 = arith.constant 640 : i32
    %mul3A_164 = arith.muli %arg1, %mul3A_163 : i32
    "tpu.region"() ({
      %run_scoped3A_165 = tpu.sem_alloc : memref<!tpu.dma_semaphore, #tpu.memory_space<semaphore_mem>>
      %dma_start3A_166 = arith.constant 0 : i32
      %dma_start3A_167 = tpu.memref_slice %arg5[%arg0, %mul3A_164, %dma_start3A_166] : memref<2x10240x128xf32, #tpu.memory_space<hbm>> -> memref<1x640x128xf32, #tpu.memory_space<hbm>>
      %dma_start3A_168 = tpu.memref_squeeze %dma_start3A_167 : memref<1x640x128xf32, #tpu.memory_space<hbm>> -> memref<640x128xf32, #tpu.memory_space<hbm>>
      %dma_start3A_169 = arith.constant 0 : i32
      %dma_start3A_170 = tpu.memref_slice %arg10[%mul3A_162, %dma_start3A_169] : memref<10240x128xf32, #tpu.memory_space<vmem_shared>> -> memref<640x128xf32, #tpu.memory_space<vmem_shared>>
      tpu.enqueue_dma source(%dma_start3A_170 : memref<640x128xf32, #tpu.memory_space<vmem_shared>>) target(%dma_start3A_168 : memref<640x128xf32, #tpu.memory_space<hbm>>) target_semaphore(%run_scoped3A_165 : memref<!tpu.dma_semaphore, #tpu.memory_space<semaphore_mem>>)
      %dma_wait3A_171 = arith.constant 0 : i32
      %dma_wait3A_172 = tpu.memref_slice %arg5[%arg0, %mul3A_164, %dma_wait3A_171] : memref<2x10240x128xf32, #tpu.memory_space<hbm>> -> memref<1x640x128xf32, #tpu.memory_space<hbm>>
      %dma_wait3A_173 = tpu.memref_squeeze %dma_wait3A_172 : memref<1x640x128xf32, #tpu.memory_space<hbm>> -> memref<640x128xf32, #tpu.memory_space<hbm>>
      %dma_wait3A_174 = arith.constant 0 : i32
      %dma_wait3A_175 = tpu.memref_slice %arg10[%mul3A_162, %dma_wait3A_174] : memref<10240x128xf32, #tpu.memory_space<vmem_shared>> -> memref<640x128xf32, #tpu.memory_space<vmem_shared>>
      tpu.wait_dma2 semaphore(%run_scoped3A_165 : memref<!tpu.dma_semaphore, #tpu.memory_space<semaphore_mem>>) src(%dma_wait3A_175 : memref<640x128xf32, #tpu.memory_space<vmem_shared>>) dst(%dma_wait3A_173 : memref<640x128xf32, #tpu.memory_space<hbm>>)
      tpu.yield
    }) : () -> ()
    return
  }
}

module attributes {stable_mosaic.version = 14 : i64} {
  func.func @body(%arg0: i32, %arg1: memref<1000x128xf32, #tpu.memory_space<vmem>>, %arg2: memref<128x128xf32, #tpu.memory_space<vmem>>, %arg3: memref<2x1000x128xf32, #tpu.memory_space<vmem>>, %arg4: memref<1000x128xf32, #tpu.memory_space<vmem>>, %arg5: memref<1000x16xf32, #tpu.memory_space<vmem>>) attributes {dimension_semantics = [#tpu.dimension_semantics<arbitrary>], iteration_bounds = array<i64: 10>, scalar_prefetch = 0 : i64, scratch_operands = 0 : i64, tpu.core_type = #tpu.core_type<tc>, window_params = [{transform_indices = @transform_0, window_bounds = array<i64: 1000, 128>}, {pipeline_mode = #tpu.pipeline_mode<synchronous>, transform_indices = @transform_1, window_bounds = array<i64: 128, 128>}, {transform_indices = @transform_2, window_bounds = array<i64: 2, 1000, 128>}, {transform_indices = @transform_3, window_bounds = array<i64: 1000, 128>}, {transform_indices = @transform_4, window_bounds = array<i64: 1000, 16>}]} {
    %get3A = arith.constant 0 : index
    %get3A_0 = arith.constant 0 : index
    %get3A_1 = arith.constant 0 : index
    %get3A_2 = vector.load %arg3[%get3A, %get3A_0, %get3A_1] : memref<2x1000x128xf32, #tpu.memory_space<vmem>>, vector<2x1000x128xf32>
    %slice3A = vector.extract_strided_slice %get3A_2 {offsets = [0, 0, 0], sizes = [1, 1000, 1], strides = [1, 1, 1]} : vector<2x1000x128xf32> to vector<1x1000x1xf32>
    %squeeze3A = vector.shape_cast %slice3A : vector<1x1000x1xf32> to vector<1000x1xf32>
    %add3A = arith.constant 1.000000e+00 : f32
    %add3A_3 = vector.broadcast %add3A : f32 to vector<1000x1xf32>
    %add3A_4 = arith.addf %add3A_3, %squeeze3A : vector<1000x1xf32>
    %slice3A_5 = vector.extract_strided_slice %get3A_2 {offsets = [1, 0, 0], sizes = [1, 1000, 1], strides = [1, 1, 1]} : vector<2x1000x128xf32> to vector<1x1000x1xf32>
    %squeeze3A_6 = vector.shape_cast %slice3A_5 : vector<1x1000x1xf32> to vector<1000x1xf32>
    %add3A_7 = arith.addf %add3A_4, %squeeze3A_6 : vector<1000x1xf32>
    %rsqrt3A = math.rsqrt %add3A_7 : vector<1000x1xf32>
    %get3A_8 = arith.constant 0 : index
    %get3A_9 = arith.constant 0 : index
    %get3A_10 = vector.load %arg1[%get3A_8, %get3A_9] : memref<1000x128xf32, #tpu.memory_space<vmem>>, vector<1000x128xf32>
    %get3A_11 = arith.constant 0 : index
    %get3A_12 = arith.constant 0 : index
    %get3A_13 = vector.load %arg2[%get3A_11, %get3A_12] : memref<128x128xf32, #tpu.memory_space<vmem>>, vector<128x128xf32>
    %dot_general3A = arith.constant dense<0.000000e+00> : vector<1000x128xf32>
    %dot_general3A_14 = tpu.matmul %get3A_10, %get3A_13, %dot_general3A {dimension_numbers = #tpu.dot_dimension_numbers<[1], [0], [0], [1], [0, 0, 1, 1], [], []>, transpose_lhs_hint = false} : vector<1000x128xf32>, vector<128x128xf32>, vector<1000x128xf32> -> vector<1000x128xf32>
    %mul3A = vector.broadcast %rsqrt3A : vector<1000x1xf32> to vector<1000x128xf32>
    %mul3A_15 = arith.mulf %dot_general3A_14, %mul3A : vector<1000x128xf32>
    %swap3A = arith.constant 0 : index
    %swap3A_16 = arith.constant 0 : index
    %swap3A_17 = vector.load %arg4[%swap3A, %swap3A_16] : memref<1000x128xf32, #tpu.memory_space<vmem>>, vector<1000x128xf32>
    tpu.vector_store %arg4[%swap3A, %swap3A_16], %mul3A_15 {strides = array<i32>} : memref<1000x128xf32, #tpu.memory_space<vmem>>, vector<1000x128xf32>,
    %broadcast_in_dim3A = vector.shape_cast %rsqrt3A : vector<1000x1xf32> to vector<1000x1xf32>
    %broadcast_in_dim3A_18 = vector.broadcast %broadcast_in_dim3A : vector<1000x1xf32> to vector<1000x16xf32>
    %swap3A_19 = arith.constant 0 : index
    %swap3A_20 = arith.constant 0 : index
    %swap3A_21 = vector.load %arg5[%swap3A_19, %swap3A_20] : memref<1000x16xf32, #tpu.memory_space<vmem>>, vector<1000x16xf32>
    tpu.vector_store %arg5[%swap3A_19, %swap3A_20], %broadcast_in_dim3A_18 {strides = array<i32>} : memref<1000x16xf32, #tpu.memory_space<vmem>>, vector<1000x16xf32>,
    return
  }
  func.func @transform_0(%arg0: i32) -> (i32, i32) {
    %c0_i32 = arith.constant 0 : i32
    %c0_i32_0 = arith.constant 0 : i32
    return %arg0, %c0_i32 : i32, i32
  }
  func.func @transform_1(%arg0: i32) -> (i32, i32) {
    %c0_i32 = arith.constant 0 : i32
    %c0_i32_0 = arith.constant 0 : i32
    %c0_i32_1 = arith.constant 0 : i32
    return %c0_i32, %c0_i32_0 : i32, i32
  }
  func.func @transform_2(%arg0: i32) -> (i32, i32, i32) {
    %c0_i32 = arith.constant 0 : i32
    %c0_i32_0 = arith.constant 0 : i32
    %c0_i32_1 = arith.constant 0 : i32
    return %c0_i32, %arg0, %c0_i32_0 : i32, i32, i32
  }
  func.func @transform_3(%arg0: i32) -> (i32, i32) {
    %c0_i32 = arith.constant 0 : i32
    %c0_i32_0 = arith.constant 0 : i32
    return %arg0, %c0_i32 : i32, i32
  }
  func.func @transform_4(%arg0: i32) -> (i32, i32) {
    %c0_i32 = arith.constant 0 : i32
    %c0_i32_0 = arith.constant 0 : i32
    return %arg0, %c0_i32 : i32, i32
  }
}

module attributes {stable_mosaic.version = 14 : i64} {
  func.func @body(%arg0: i32, %arg1: memref<2x1000x128xf32, #tpu.memory_space<vmem>>, %arg2: memref<1000x128xf32, #tpu.memory_space<vmem>>, %arg3: memref<1000x16xf32, #tpu.memory_space<vmem>>, %arg4: memref<1x128xf32, #tpu.memory_space<vmem>>, %arg5: memref<128x128xf32, #tpu.memory_space<vmem>>, %arg6: memref<1000x128xf32, #tpu.memory_space<vmem>>) attributes {dimension_semantics = [#tpu.dimension_semantics<arbitrary>], iteration_bounds = array<i64: 10>, scalar_prefetch = 0 : i64, scratch_operands = 0 : i64, tpu.core_type = #tpu.core_type<tc>, window_params = [{transform_indices = @transform_0, window_bounds = array<i64: 2, 1000, 128>}, {transform_indices = @transform_1, window_bounds = array<i64: 1000, 128>}, {transform_indices = @transform_2, window_bounds = array<i64: 1000, 16>}, {pipeline_mode = #tpu.pipeline_mode<synchronous>, transform_indices = @transform_3, window_bounds = array<i64: 1, 128>}, {pipeline_mode = #tpu.pipeline_mode<synchronous>, transform_indices = @transform_4, window_bounds = array<i64: 128, 128>}, {transform_indices = @transform_5, window_bounds = array<i64: 1000, 128>}]} {
    %get3A = arith.constant 0 : index
    %get3A_0 = arith.constant 0 : index
    %get3A_1 = arith.constant 0 : index
    %get3A_2 = vector.load %arg1[%get3A, %get3A_0, %get3A_1] : memref<2x1000x128xf32, #tpu.memory_space<vmem>>, vector<2x1000x128xf32>
    %get3A_3 = arith.constant 0 : index
    %get3A_4 = arith.constant 0 : index
    %get3A_5 = vector.load %arg3[%get3A_3, %get3A_4] : memref<1000x16xf32, #tpu.memory_space<vmem>>, vector<1000x16xf32>
    %slice3A = vector.extract_strided_slice %get3A_5 {offsets = [0, 0], sizes = [1000, 1], strides = [1, 1]} : vector<1000x16xf32> to vector<1000x1xf32>
    %slice3A_6 = vector.extract_strided_slice %get3A_2 {offsets = [0, 0, 0], sizes = [1, 1000, 128], strides = [1, 1, 1]} : vector<2x1000x128xf32> to vector<1x1000x128xf32>
    %squeeze3A = vector.shape_cast %slice3A_6 : vector<1x1000x128xf32> to vector<1000x128xf32>
    %slice3A_7 = vector.extract_strided_slice %get3A_2 {offsets = [1, 0, 0], sizes = [1, 1000, 128], strides = [1, 1, 1]} : vector<2x1000x128xf32> to vector<1x1000x128xf32>
    %squeeze3A_8 = vector.shape_cast %slice3A_7 : vector<1x1000x128xf32> to vector<1000x128xf32>
    %add3A = arith.addf %squeeze3A, %squeeze3A_8 : vector<1000x128xf32>
    %get3A_9 = arith.constant 0 : index
    %get3A_10 = arith.constant 0 : index
    %get3A_11 = vector.load %arg2[%get3A_9, %get3A_10] : memref<1000x128xf32, #tpu.memory_space<vmem>>, vector<1000x128xf32>
    %add3A_12 = arith.addf %add3A, %get3A_11 : vector<1000x128xf32>
    %mul3A = vector.broadcast %slice3A : vector<1000x1xf32> to vector<1000x128xf32>
    %mul3A_13 = arith.mulf %add3A_12, %mul3A : vector<1000x128xf32>
    %get3A_14 = arith.constant 0 : index
    %get3A_15 = arith.constant 0 : index
    %get3A_16 = vector.load %arg4[%get3A_14, %get3A_15] : memref<1x128xf32, #tpu.memory_space<vmem>>, vector<1x128xf32>
    %add3A_17 = vector.broadcast %get3A_16 : vector<1x128xf32> to vector<1000x128xf32>
    %add3A_18 = arith.addf %mul3A_13, %add3A_17 : vector<1000x128xf32>
    %max3A = arith.constant 0.000000e+00 : f32
    %max3A_19 = vector.broadcast %max3A : f32 to vector<1000x128xf32>
    %max3A_20 = arith.maximumf %add3A_18, %max3A_19 : vector<1000x128xf32>
    %get3A_21 = arith.constant 0 : index
    %get3A_22 = arith.constant 0 : index
    %get3A_23 = vector.load %arg5[%get3A_21, %get3A_22] : memref<128x128xf32, #tpu.memory_space<vmem>>, vector<128x128xf32>
    %dot_general3A = arith.constant dense<0.000000e+00> : vector<1000x128xf32>
    %dot_general3A_24 = tpu.matmul %max3A_20, %get3A_23, %dot_general3A {dimension_numbers = #tpu.dot_dimension_numbers<[1], [0], [0], [1], [0, 0, 1, 1], [], []>, transpose_lhs_hint = false} : vector<1000x128xf32>, vector<128x128xf32>, vector<1000x128xf32> -> vector<1000x128xf32>
    %mul3A_25 = vector.broadcast %slice3A : vector<1000x1xf32> to vector<1000x128xf32>
    %mul3A_26 = arith.mulf %dot_general3A_24, %mul3A_25 : vector<1000x128xf32>
    %swap3A = arith.constant 0 : index
    %swap3A_27 = arith.constant 0 : index
    %swap3A_28 = vector.load %arg6[%swap3A, %swap3A_27] : memref<1000x128xf32, #tpu.memory_space<vmem>>, vector<1000x128xf32>
    tpu.vector_store %arg6[%swap3A, %swap3A_27], %mul3A_26 {strides = array<i32>} : memref<1000x128xf32, #tpu.memory_space<vmem>>, vector<1000x128xf32>,
    return
  }
  func.func @transform_0(%arg0: i32) -> (i32, i32, i32) {
    %c0_i32 = arith.constant 0 : i32
    %c0_i32_0 = arith.constant 0 : i32
    %c0_i32_1 = arith.constant 0 : i32
    return %c0_i32, %arg0, %c0_i32_0 : i32, i32, i32
  }
  func.func @transform_1(%arg0: i32) -> (i32, i32) {
    %c0_i32 = arith.constant 0 : i32
    %c0_i32_0 = arith.constant 0 : i32
    return %arg0, %c0_i32 : i32, i32
  }
  func.func @transform_2(%arg0: i32) -> (i32, i32) {
    %c0_i32 = arith.constant 0 : i32
    %c0_i32_0 = arith.constant 0 : i32
    return %arg0, %c0_i32 : i32, i32
  }
  func.func @transform_3(%arg0: i32) -> (i32, i32) {
    %c0_i32 = arith.constant 0 : i32
    %c0_i32_0 = arith.constant 0 : i32
    %c0_i32_1 = arith.constant 0 : i32
    return %c0_i32, %c0_i32_0 : i32, i32
  }
  func.func @transform_4(%arg0: i32) -> (i32, i32) {
    %c0_i32 = arith.constant 0 : i32
    %c0_i32_0 = arith.constant 0 : i32
    %c0_i32_1 = arith.constant 0 : i32
    return %c0_i32, %c0_i32_0 : i32, i32
  }
  func.func @transform_5(%arg0: i32) -> (i32, i32) {
    %c0_i32 = arith.constant 0 : i32
    %c0_i32_0 = arith.constant 0 : i32
    return %arg0, %c0_i32 : i32, i32
  }
}

module attributes {stable_mosaic.version = 14 : i64} {
  func.func @body(%arg0: i32, %arg1: memref<2x1000x128xf32, #tpu.memory_space<vmem>>, %arg2: memref<1000x128xf32, #tpu.memory_space<vmem>>, %arg3: memref<1000x16xf32, #tpu.memory_space<vmem>>, %arg4: memref<1x128xf32, #tpu.memory_space<vmem>>, %arg5: memref<1000x1xi32, #tpu.memory_space<vmem>>, %arg6: memref<128x64xf32, #tpu.memory_space<vmem>>, %arg7: memref<1x64xf32, #tpu.memory_space<vmem>>, %arg8: memref<64x1xf32, #tpu.memory_space<vmem>>, %arg9: memref<1x1xf32, #tpu.memory_space<vmem>>, %arg10: memref<64x1xf32, #tpu.memory_space<vmem>>, %arg11: memref<64x128xf32, #tpu.memory_space<vmem>>, %arg12: memref<64x128xf32, #tpu.memory_space<vmem>>) attributes {dimension_semantics = [#tpu.dimension_semantics<arbitrary>], iteration_bounds = array<i64: 10>, scalar_prefetch = 0 : i64, scratch_operands = 2 : i64, tpu.core_type = #tpu.core_type<tc>, window_params = [{transform_indices = @transform_0, window_bounds = array<i64: 2, 1000, 128>}, {transform_indices = @transform_1, window_bounds = array<i64: 1000, 128>}, {transform_indices = @transform_2, window_bounds = array<i64: 1000, 16>}, {pipeline_mode = #tpu.pipeline_mode<synchronous>, transform_indices = @transform_3, window_bounds = array<i64: 1, 128>}, {transform_indices = @transform_4, window_bounds = array<i64: 1000, 1>}, {pipeline_mode = #tpu.pipeline_mode<synchronous>, transform_indices = @transform_5, window_bounds = array<i64: 128, 64>}, {pipeline_mode = #tpu.pipeline_mode<synchronous>, transform_indices = @transform_6, window_bounds = array<i64: 1, 64>}, {pipeline_mode = #tpu.pipeline_mode<synchronous>, transform_indices = @transform_7, window_bounds = array<i64: 64, 1>}, {pipeline_mode = #tpu.pipeline_mode<synchronous>, transform_indices = @transform_8, window_bounds = array<i64: 1, 1>}, {pipeline_mode = #tpu.pipeline_mode<synchronous>, transform_indices = @transform_9, window_bounds = array<i64: 64, 1>}]} {
    %eq3A = arith.constant 0 : i32
    %eq3A_0 = arith.cmpi eq, %arg0, %eq3A : i32
    %convert_element_type3A = arith.extui %eq3A_0 : i1 to i32
    %cond3A = arith.constant 0 : i32
    %cond3A_1 = arith.cmpi ne, %convert_element_type3A, %cond3A : i32
    scf.if %cond3A_1 {
      %broadcast_in_dim3A_52 = arith.constant 0.000000e+00 : f32
      %broadcast_in_dim3A_53 = vector.broadcast %broadcast_in_dim3A_52 : f32 to vector<64x128xf32>
      %swap3A_54 = arith.constant 0 : index
      %swap3A_55 = arith.constant 0 : index
      %swap3A_56 = vector.load %arg11[%swap3A_54, %swap3A_55] : memref<64x128xf32, #tpu.memory_space<vmem>>, vector<64x128xf32>
      tpu.vector_store %arg11[%swap3A_54, %swap3A_55], %broadcast_in_dim3A_53 {strides = array<i32>} : memref<64x128xf32, #tpu.memory_space<vmem>>, vector<64x128xf32>,
      %broadcast_in_dim3A_57 = arith.constant 0.000000e+00 : f32
      %broadcast_in_dim3A_58 = vector.broadcast %broadcast_in_dim3A_57 : f32 to vector<64x128xf32>
      %swap3A_59 = arith.constant 0 : index
      %swap3A_60 = arith.constant 0 : index
      %swap3A_61 = vector.load %arg12[%swap3A_59, %swap3A_60] : memref<64x128xf32, #tpu.memory_space<vmem>>, vector<64x128xf32>
      tpu.vector_store %arg12[%swap3A_59, %swap3A_60], %broadcast_in_dim3A_58 {strides = array<i32>} : memref<64x128xf32, #tpu.memory_space<vmem>>, vector<64x128xf32>,
    } else {
    }
    %get3A = arith.constant 0 : index
    %get3A_2 = arith.constant 0 : index
    %get3A_3 = arith.constant 0 : index
    %get3A_4 = vector.load %arg1[%get3A, %get3A_2, %get3A_3] : memref<2x1000x128xf32, #tpu.memory_space<vmem>>, vector<2x1000x128xf32>
    %get3A_5 = arith.constant 0 : index
    %get3A_6 = arith.constant 0 : index
    %get3A_7 = vector.load %arg3[%get3A_5, %get3A_6] : memref<1000x16xf32, #tpu.memory_space<vmem>>, vector<1000x16xf32>
    %slice3A = vector.extract_strided_slice %get3A_7 {offsets = [0, 0], sizes = [1000, 1], strides = [1, 1]} : vector<1000x16xf32> to vector<1000x1xf32>
    %slice3A_8 = vector.extract_strided_slice %get3A_4 {offsets = [0, 0, 0], sizes = [1, 1000, 128], strides = [1, 1, 1]} : vector<2x1000x128xf32> to vector<1x1000x128xf32>
    %squeeze3A = vector.shape_cast %slice3A_8 : vector<1x1000x128xf32> to vector<1000x128xf32>
    %slice3A_9 = vector.extract_strided_slice %get3A_4 {offsets = [1, 0, 0], sizes = [1, 1000, 128], strides = [1, 1, 1]} : vector<2x1000x128xf32> to vector<1x1000x128xf32>
    %squeeze3A_10 = vector.shape_cast %slice3A_9 : vector<1x1000x128xf32> to vector<1000x128xf32>
    %add3A = arith.addf %squeeze3A, %squeeze3A_10 : vector<1000x128xf32>
    %get3A_11 = arith.constant 0 : index
    %get3A_12 = arith.constant 0 : index
    %get3A_13 = vector.load %arg2[%get3A_11, %get3A_12] : memref<1000x128xf32, #tpu.memory_space<vmem>>, vector<1000x128xf32>
    %add3A_14 = arith.addf %add3A, %get3A_13 : vector<1000x128xf32>
    %mul3A = vector.broadcast %slice3A : vector<1000x1xf32> to vector<1000x128xf32>
    %mul3A_15 = arith.mulf %add3A_14, %mul3A : vector<1000x128xf32>
    %get3A_16 = arith.constant 0 : index
    %get3A_17 = arith.constant 0 : index
    %get3A_18 = vector.load %arg4[%get3A_16, %get3A_17] : memref<1x128xf32, #tpu.memory_space<vmem>>, vector<1x128xf32>
    %add3A_19 = vector.broadcast %get3A_18 : vector<1x128xf32> to vector<1000x128xf32>
    %add3A_20 = arith.addf %mul3A_15, %add3A_19 : vector<1000x128xf32>
    %max3A = arith.constant 0.000000e+00 : f32
    %max3A_21 = vector.broadcast %max3A : f32 to vector<1000x128xf32>
    %max3A_22 = arith.maximumf %add3A_20, %max3A_21 : vector<1000x128xf32>
    %iota3A = tpu.iota {dimensions = array<i32: 1>} : vector<1000x64xi32>
    %get3A_23 = arith.constant 0 : index
    %get3A_24 = arith.constant 0 : index
    %get3A_25 = vector.load %arg5[%get3A_23, %get3A_24] : memref<1000x1xi32, #tpu.memory_space<vmem>>, vector<1000x1xi32>
    %eq3A_26 = vector.broadcast %get3A_25 : vector<1000x1xi32> to vector<1000x64xi32>
    %eq3A_27 = arith.cmpi eq, %eq3A_26, %iota3A : vector<1000x64xi32>
    %convert_element_type3A_28 = arith.extui %eq3A_27 : vector<1000x64xi1> to vector<1000x64xi32>
    %convert_element_type3A_29 = arith.sitofp %convert_element_type3A_28 : vector<1000x64xi32> to vector<1000x64xf32>
    %get3A_30 = arith.constant 0 : index
    %get3A_31 = arith.constant 0 : index
    %get3A_32 = vector.load %arg11[%get3A_30, %get3A_31] : memref<64x128xf32, #tpu.memory_space<vmem>>, vector<64x128xf32>
    %dot_general3A = arith.constant dense<0.000000e+00> : vector<64x128xf32>
    %dot_general3A_33 = tpu.matmul %convert_element_type3A_29, %max3A_22, %dot_general3A {dimension_numbers = #tpu.dot_dimension_numbers<[0], [0], [1], [1], [0, 1, 1, 1], [], []>, transpose_lhs_hint = false} : vector<1000x64xf32>, vector<1000x128xf32>, vector<64x128xf32> -> vector<64x128xf32>
    %add3A_34 = arith.addf %get3A_32, %dot_general3A_33 : vector<64x128xf32>
    %swap3A = arith.constant 0 : index
    %swap3A_35 = arith.constant 0 : index
    %swap3A_36 = vector.load %arg11[%swap3A, %swap3A_35] : memref<64x128xf32, #tpu.memory_space<vmem>>, vector<64x128xf32>
    tpu.vector_store %arg11[%swap3A, %swap3A_35], %add3A_34 {strides = array<i32>} : memref<64x128xf32, #tpu.memory_space<vmem>>, vector<64x128xf32>,
    %get3A_37 = arith.constant 0 : index
    %get3A_38 = arith.constant 0 : index
    %get3A_39 = vector.load %arg12[%get3A_37, %get3A_38] : memref<64x128xf32, #tpu.memory_space<vmem>>, vector<64x128xf32>
    %broadcast_in_dim3A = arith.constant 1.000000e+00 : f32
    %broadcast_in_dim3A_40 = vector.broadcast %broadcast_in_dim3A : f32 to vector<1000x128xf32>
    %dot_general3A_41 = arith.constant dense<0.000000e+00> : vector<64x128xf32>
    %dot_general3A_42 = tpu.matmul %convert_element_type3A_29, %broadcast_in_dim3A_40, %dot_general3A_41 {dimension_numbers = #tpu.dot_dimension_numbers<[0], [0], [1], [1], [0, 1, 1, 1], [], []>, transpose_lhs_hint = false} : vector<1000x64xf32>, vector<1000x128xf32>, vector<64x128xf32> -> vector<64x128xf32>
    %add3A_43 = arith.addf %get3A_39, %dot_general3A_42 : vector<64x128xf32>
    %swap3A_44 = arith.constant 0 : index
    %swap3A_45 = arith.constant 0 : index
    %swap3A_46 = vector.load %arg12[%swap3A_44, %swap3A_45] : memref<64x128xf32, #tpu.memory_space<vmem>>, vector<64x128xf32>
    tpu.vector_store %arg12[%swap3A_44, %swap3A_45], %add3A_43 {strides = array<i32>} : memref<64x128xf32, #tpu.memory_space<vmem>>, vector<64x128xf32>,
    %eq3A_47 = arith.constant 9 : i32
    %eq3A_48 = arith.cmpi eq, %arg0, %eq3A_47 : i32
    %convert_element_type3A_49 = arith.extui %eq3A_48 : i1 to i32
    %cond3A_50 = arith.constant 0 : i32
    %cond3A_51 = arith.cmpi ne, %convert_element_type3A_49, %cond3A_50 : i32
    scf.if %cond3A_51 {
      %get3A_52 = arith.constant 0 : index
      %get3A_53 = arith.constant 0 : index
      %get3A_54 = vector.load %arg11[%get3A_52, %get3A_53] : memref<64x128xf32, #tpu.memory_space<vmem>>, vector<64x128xf32>
      %get3A_55 = arith.constant 0 : index
      %get3A_56 = arith.constant 0 : index
      %get3A_57 = vector.load %arg12[%get3A_55, %get3A_56] : memref<64x128xf32, #tpu.memory_space<vmem>>, vector<64x128xf32>
      %max3A_58 = arith.constant 1.000000e+00 : f32
      %max3A_59 = vector.broadcast %max3A_58 : f32 to vector<64x128xf32>
      %max3A_60 = arith.maximumf %get3A_57, %max3A_59 : vector<64x128xf32>
      %div3A = arith.divf %get3A_54, %max3A_60 : vector<64x128xf32>
      %get3A_61 = arith.constant 0 : index
      %get3A_62 = arith.constant 0 : index
      %get3A_63 = vector.load %arg6[%get3A_61, %get3A_62] : memref<128x64xf32, #tpu.memory_space<vmem>>, vector<128x64xf32>
      %dot_general3A_64 = arith.constant dense<0.000000e+00> : vector<64x64xf32>
      %dot_general3A_65 = tpu.matmul %div3A, %get3A_63, %dot_general3A_64 {dimension_numbers = #tpu.dot_dimension_numbers<[1], [0], [0], [1], [0, 0, 1, 1], [], []>, transpose_lhs_hint = false} : vector<64x128xf32>, vector<128x64xf32>, vector<64x64xf32> -> vector<64x64xf32>
      %get3A_66 = arith.constant 0 : index
      %get3A_67 = arith.constant 0 : index
      %get3A_68 = vector.load %arg7[%get3A_66, %get3A_67] : memref<1x64xf32, #tpu.memory_space<vmem>>, vector<1x64xf32>
      %add3A_69 = vector.broadcast %get3A_68 : vector<1x64xf32> to vector<64x64xf32>
      %add3A_70 = arith.addf %dot_general3A_65, %add3A_69 : vector<64x64xf32>
      %max3A_71 = arith.constant 0.000000e+00 : f32
      %max3A_72 = vector.broadcast %max3A_71 : f32 to vector<64x64xf32>
      %max3A_73 = arith.maximumf %add3A_70, %max3A_72 : vector<64x64xf32>
      %get3A_74 = arith.constant 0 : index
      %get3A_75 = arith.constant 0 : index
      %get3A_76 = vector.load %arg8[%get3A_74, %get3A_75] : memref<64x1xf32, #tpu.memory_space<vmem>>, vector<64x1xf32>
      %dot_general3A_77 = arith.constant dense<0.000000e+00> : vector<64x1xf32>
      %dot_general3A_78 = tpu.matmul %max3A_73, %get3A_76, %dot_general3A_77 {dimension_numbers = #tpu.dot_dimension_numbers<[1], [0], [0], [1], [0, 0, 1, 1], [], []>, transpose_lhs_hint = false} : vector<64x64xf32>, vector<64x1xf32>, vector<64x1xf32> -> vector<64x1xf32>
      %get3A_79 = arith.constant 0 : index
      %get3A_80 = arith.constant 0 : index
      %get3A_81 = vector.load %arg9[%get3A_79, %get3A_80] : memref<1x1xf32, #tpu.memory_space<vmem>>, vector<1x1xf32>
      %add3A_82 = vector.broadcast %get3A_81 : vector<1x1xf32> to vector<64x1xf32>
      %add3A_83 = arith.addf %dot_general3A_78, %add3A_82 : vector<64x1xf32>
      %swap3A_84 = arith.constant 0 : index
      %swap3A_85 = arith.constant 0 : index
      %swap3A_86 = vector.load %arg10[%swap3A_84, %swap3A_85] : memref<64x1xf32, #tpu.memory_space<vmem>>, vector<64x1xf32>
      tpu.vector_store %arg10[%swap3A_84, %swap3A_85], %add3A_83 {strides = array<i32>} : memref<64x1xf32, #tpu.memory_space<vmem>>, vector<64x1xf32>,
    } else {
    }
    return
  }
  func.func @transform_0(%arg0: i32) -> (i32, i32, i32) {
    %c0_i32 = arith.constant 0 : i32
    %c0_i32_0 = arith.constant 0 : i32
    %c0_i32_1 = arith.constant 0 : i32
    return %c0_i32, %arg0, %c0_i32_0 : i32, i32, i32
  }
  func.func @transform_1(%arg0: i32) -> (i32, i32) {
    %c0_i32 = arith.constant 0 : i32
    %c0_i32_0 = arith.constant 0 : i32
    return %arg0, %c0_i32 : i32, i32
  }
  func.func @transform_2(%arg0: i32) -> (i32, i32) {
    %c0_i32 = arith.constant 0 : i32
    %c0_i32_0 = arith.constant 0 : i32
    return %arg0, %c0_i32 : i32, i32
  }
  func.func @transform_3(%arg0: i32) -> (i32, i32) {
    %c0_i32 = arith.constant 0 : i32
    %c0_i32_0 = arith.constant 0 : i32
    %c0_i32_1 = arith.constant 0 : i32
    return %c0_i32, %c0_i32_0 : i32, i32
  }
  func.func @transform_4(%arg0: i32) -> (i32, i32) {
    %c0_i32 = arith.constant 0 : i32
    %c0_i32_0 = arith.constant 0 : i32
    return %arg0, %c0_i32 : i32, i32
  }
  func.func @transform_5(%arg0: i32) -> (i32, i32) {
    %c0_i32 = arith.constant 0 : i32
    %c0_i32_0 = arith.constant 0 : i32
    %c0_i32_1 = arith.constant 0 : i32
    return %c0_i32, %c0_i32_0 : i32, i32
  }
  func.func @transform_6(%arg0: i32) -> (i32, i32) {
    %c0_i32 = arith.constant 0 : i32
    %c0_i32_0 = arith.constant 0 : i32
    %c0_i32_1 = arith.constant 0 : i32
    return %c0_i32, %c0_i32_0 : i32, i32
  }
  func.func @transform_7(%arg0: i32) -> (i32, i32) {
    %c0_i32 = arith.constant 0 : i32
    %c0_i32_0 = arith.constant 0 : i32
    %c0_i32_1 = arith.constant 0 : i32
    return %c0_i32, %c0_i32_0 : i32, i32
  }
  func.func @transform_8(%arg0: i32) -> (i32, i32) {
    %c0_i32 = arith.constant 0 : i32
    %c0_i32_0 = arith.constant 0 : i32
    %c0_i32_1 = arith.constant 0 : i32
    return %c0_i32, %c0_i32_0 : i32, i32
  }
  func.func @transform_9(%arg0: i32) -> (i32, i32) {
    %c0_i32 = arith.constant 0 : i32
    %c0_i32_0 = arith.constant 0 : i32
    %c0_i32_1 = arith.constant 0 : i32
    return %c0_i32, %c0_i32_0 : i32, i32
  }
}

</mosaic_0001>

<sc_bundles>
// kernel: kernel.10.cloned.1.call-start
scs
__scs_entry_jumppad:
0x0: {  	(pc) =	sbr.rel $0x88, $3  }
0x1: {  	(tag) =	ssettag $0x0;
	lr =	simm.s32 $0x1  }
0x2: {  	[smem:$0x3F94] =	sst lr;
	_ =	strace $0xD0000000  }
0x3: {  	_ = 	snop  }
0x4: {  	_ = 	snop  }
0x5: {  	_ = 	snop  }
0x6: {  	_ = 	snop  }
0x7: {  	_ = 	snop  }
__scs_overlays_trampoline_lowered:
0x8: {  	[smem:$0x3FA3] =	sst s0  }
0x9: {  	[smem:$0x3FA4] =	sst s1  }
0xa: {  	[smem:$0x3FA5] =	sst s2  }
0xb: {  	[smem:$0x3FA6] =	sst s3  }
0xc: {  	[smem:$0x3FA7] =	sst s4  }
0xd: {  	[smem:$0x3FA8] =	sst s5  }
0xe: {  	[smem:$0x3FA9] =	sst s6  }
0xf: {  	[smem:$0x3FAA] =	sst s7  }
0x10: {  	[smem:$0x3FAB] =	sst s8  }
0x11: {  	[smem:$0x3FAC] =	sst s9;
	s0 =	simm.s32 @!p0 $0x0  }
0x12: {  	s1 =	sld [smem:$0x3F92];
	s0 =	simm.s32 @p0 $0x1  }
0x13: {  	[smem:$0x3FAD] =	sst s0;
	s0 =	simm.s32 @!p1 $0x0  }
0x14: {  	s2 =	sld [smem:$0x3F91];
	s0 =	simm.s32 @p1 $0x1  }
0x15: {  	[smem:$0x3FAE] =	sst s0;
	s0 =	simm.s32 @!p2 $0x0  }
0x16: {  	s3 =	sld [smem:$0x3FDB];
	s0 =	simm.s32 @p2 $0x1  }
0x17: {  	s4 =	simm.s32 $0x1BF5;
	[smem:$0x3FB0] =	sst s0  }
0x18: {  	s0 =	sld [smem:$0x3F93];
	_ =	swait.ge [sflag:s4], $0x0  }
0x19: {  	s7 =	sld [smem:$0x3F94]  }
0x1a: {  	s8 =	sadd.s32 $0xFFFFE003, lr  }
0x1b: {  	s9 =	sadd.s32 $0xFFFFFEF7, lr;
	s5 =	simm.s32 $0xFFFFFFFF;
	p2 =	slt.u32 s8, $0xFFFFF086  }
0x1c: {  	p1 =	slt.u32 s9, $0xF7A;
	s5 =	simm.s32 @!p2 $0x0  }
0x1d: {  	s5 =	simm.s32 @p1 $0x1;
	p0 =	seq.s32 s7, s2  }
0x1e: {  	s7 =	smul.u32 @!p0 $0xF7A, s2;
	p2 =	seq.s32 @!p0 s5, $0x0  }
0x1f: {  	s9 =	smul.u32 $0xF7A, s1;
	s8 =	simm.s32 @!p0 $0x1BF5;
	p2 =	por !p2, p0  }
0x20: {  	[sflag:s8] =	ssyncset.s32 @!p0 $0xFFFFF086;
	s6 =	sadd.s32 @!p0 s3, s7;
	s7 =	simm.s32 @!p0 $0x108  }
0x21: {  	s3 =	sadd.s32 s3, s9;
	s6 =	sadd.s32 @!p0 $0x88, s6;
	s7 =	simm.s32 @p2 $0x1082  }
0x22: {  	[simem:s7], [sflag:s8] =	dma.local @!p0 [hbm:s6], $0xF7A  }
0x23: {  	s9 =	sor.u32 $0xD0000000, s2;
	s6 =	simm.s32 $0x108;
	_ =	swait.ge @!p0 [sflag:s8], $0x0  }
0x24: {  	s3 =	sadd.s32 $0x88, s3;
	s6 =	simm.s32 @!p1 $0x1082;
	[sflag:s4] =	ssyncset.s32 $0xFFFFF086  }
0x25: {  	[simem:s6], [sflag:s4] =	dma.local [hbm:s3], $0xF7A  }
0x26: {  	[smem:$0x3F94] =	sst s1;
	(tag) =	ssettag s2;
	_ =	strace s9  }
0x27: {  	s1 =	sld [smem:$0x3FA4]  }
0x28: {  	s2 =	sld [smem:$0x3FA5]  }
0x29: {  	s4 =	sld [smem:$0x3FA7]  }
0x2a: {  	p0 =	seq.s32 s5, $0x0;
	s5 =	sld [smem:$0x3FA8]  }
0x2b: {  	s6 =	sld [smem:$0x3FA9]  }
0x2c: {  	s7 =	sld [smem:$0x3FAA]  }
0x2d: {  	s3 =	simm.s32 $0x108;
	s8 =	sld [smem:$0x3FAB]  }
0x2e: {  	s3 =	simm.s32 @!p0 $0x1082;
	s9 =	sld [smem:$0x3FAC]  }
0x2f: {  	lr =	sadd.s32 s0, s3;
	s0 =	sld [smem:$0x3FA3]  }
0x30: {  	s3 =	sld [smem:$0x3FA6]  }
0x31: {  	[smem:$0x3FAF] =	sst s10  }
0x32: {  	s10 =	sld [smem:$0x3FAD];
	_ =	sdelay $0x3  }
0x33: {  	p0 =	seq.s32 s10, $0x1;
	s10 =	sld [smem:$0x3FAF];
	_ =	sdelay $0x3  }
0x34: {  	[smem:$0x3FAF] =	sst s10  }
0x35: {  	s10 =	sld [smem:$0x3FAE];
	_ =	sdelay $0x3  }
0x36: {  	p1 =	seq.s32 s10, $0x1;
	s10 =	sld [smem:$0x3FAF];
	_ =	sdelay $0x3  }
0x37: {  	[smem:$0x3FAF] =	sst s10  }
0x38: {  	s10 =	sld [smem:$0x3FB0]  }
0x39: {  	_ = 	snop;
	(pc) =	sbr.ind lr, $3  }
0x3a: {  	_ = 	snop  }
0x3b: {  	_ = 	snop  }
0x3c: {  	p2 =	seq.s32 s10, $0x1;
	s10 =	sld [smem:$0x3FAF]  }
0x3d: {  	_ =	shalt  }
0x3e: {  	_ =	shalt  }
0x3f: {  	_ =	shalt  }
0x40: {  	_ =	shalt  }
0x41: {  	_ =	shalt  }
0x42: {  	_ =	shalt  }
0x43: {  	_ =	shalt  }
0x44: {  	_ =	shalt  }
0x45: {  	_ =	shalt  }
0x46: {  	_ =	shalt  }
0x47: {  	_ =	shalt  }
0x48: {  	_ =	shalt  }
0x49: {  	_ =	shalt  }
0x4a: {  	_ =	shalt  }
0x4b: {  	_ =	shalt  }
0x4c: {  	_ =	shalt  }
0x4d: {  	_ =	shalt  }
0x4e: {  	_ =	shalt  }
0x4f: {  	_ =	shalt  }
0x50: {  	_ =	shalt  }
0x51: {  	_ =	shalt  }
0x52: {  	_ =	shalt  }
0x53: {  	_ =	shalt  }
0x54: {  	_ =	shalt  }
0x55: {  	_ =	shalt  }
0x56: {  	_ =	shalt  }
0x57: {  	_ =	shalt  }
0x58: {  	_ =	shalt  }
0x59: {  	_ =	shalt  }
0x5a: {  	_ =	shalt  }
0x5b: {  	_ =	shalt  }
0x5c: {  	_ =	shalt  }
0x5d: {  	_ =	shalt  }
0x5e: {  	_ =	shalt  }
0x5f: {  	_ =	shalt  }
0x60: {  	_ =	shalt  }
0x61: {  	_ =	shalt  }
0x62: {  	_ =	shalt  }
0x63: {  	_ =	shalt  }
0x64: {  	_ =	shalt  }
0x65: {  	_ =	shalt  }
0x66: {  	_ =	shalt  }
0x67: {  	_ =	shalt  }
0x68: {  	_ =	shalt  }
0x69: {  	_ =	shalt  }
0x6a: {  	_ =	shalt  }
0x6b: {  	_ =	shalt  }
0x6c: {  	_ =	shalt  }
0x6d: {  	_ =	shalt  }
0x6e: {  	_ =	shalt  }
0x6f: {  	_ =	shalt  }
0x70: {  	_ =	shalt  }
0x71: {  	_ =	shalt  }
0x72: {  	_ =	shalt  }
0x73: {  	_ =	shalt  }
0x74: {  	_ =	shalt  }
0x75: {  	_ =	shalt  }
0x76: {  	_ =	shalt  }
0x77: {  	_ =	shalt  }
0x78: {  	_ =	shalt  }
0x79: {  	_ =	shalt  }
0x7a: {  	_ =	shalt  }
0x7b: {  	_ =	shalt  }
0x7c: {  	_ =	shalt  }
0x7d: {  	_ =	shalt  }
0x7e: {  	_ =	shalt  }
0x7f: {  	_ =	shalt  }
0x80: {  	_ =	shalt  }
0x81: {  	_ =	shalt  }
0x82: {  	_ =	shalt  }
0x83: {  	_ =	shalt  }
0x84: {  	_ =	shalt  }
0x85: {  	_ =	shalt  }
0x86: {  	_ =	shalt  }
0x87: {  	_ =	shalt  }
.Lfunc_end0:
.L_simem_size_0:
called_computation_lowered:
.L_overlay_start_0:
0x88: {  	s2 =	sld [smem:$0x3FD9]  }
0x89: {  	s3 =	sld [smem:$0x3FFE];
	_ =	sdelay $0x1  }
0x8a: {  	s1 =	srdreg.scid  }
0x8b: {  	s0 =	sand.u32 $0x1, s1  }
0x8c: {  	s16 =	sshll.u32 s0, $0xA;
	s2 =	sadd.s32 s3, s2  }
0x8d: {  	s2 =	sadd.s32 s2, s16  }
0x8e: {  	[smem:$0x3FBB] =	sst s2  }
0x8f: {  	_ = 	snop  }
0x90: {  	(tm) =	ssettm $0x1  }
0x91: {  	s17 =	sld [smem:$0x3FFB];
	_ =	sdelay $0x3  }
0x92: {  	_ =	strace s17  }
0x93: {  	s2 =	sld [smem:$0x3FFC];
	_ =	sdelay $0x3  }
0x94: {  	_ =	strace s2  }
0x95: {  	s2 =	sld [smem:$0x3FFD];
	_ =	sdelay $0x3  }
0x96: {  	_ =	strace s2  }
0x97: {  	_ =	strace $0x8FFFFFFF  }
0x98: {  	s18 =	sld [smem:$0x3FDB];
	_ =	sdelay $0x1  }
0x99: {  	s19 =	simm.s32 $_scs_section_size  }
0x9a: {  	s4 =	simm.s32 $_size__tile_overlayer_lowered;
	s5 =	simm.s32 $_tile_overlayer_lowered  }
0x9b: {  	s22 =	simm.s32 $0x1BFF;
	s21 =	sshll.u32 s5, $0x1;
	s2 =	sadd.s32 s19, s18  }
0x9c: {  	s6 =	simm.s32 $0x0;
	s20 =	sshll.u32 s4, $0x1;
	s4 =	sadd.s32 s21, s2  }
0x9d: {  	[timem:s6], [sflag:s22] =	dma.local [hbm:s4], s20  }
0x9e: {  	_ =	swait.ge [sflag:s22], s20  }
0x9f: {  	s3 =	ssub.s32 $0x0, s20;
	[sflag:s22] =	ssyncset.done $0x0  }
0xa0: {  	[sflag:s22] =	ssyncadd.s32 s3;
	_ =	sdelay $0x1  }
0xa1: {  	s23 =	simm.s32 $0x1B8B  }
0xa2: {  	_ =	swait.ge [sflag:s23], $0x1  }
0xa3: {  	[sflag:s23] =	ssyncset.done $0x0  }
0xa4: {  	s25 =	simm.s32 $0x1B8E;
	s24 =	sld [smem:$0x3FFE];
	[sflag:s23] =	ssyncadd.s32 $0xFFFFFFFF  }
0xa5: {  	s26 =	simm.s32 $execute0_lowered;
	[smem:$0x3FD2] =	sst s25  }
0xa6: {  	s4 =	sshll.u32 s26, $0x1;
	_ =	strace $0x80000046;
	[dreg:$0x1] =	wrdreg $0xFFFFFFFF  }
0xa7: {  	s28 =	simm.s32 $_size_execute0_lowered;
	s2 =	sadd.s32 s2, s4;
	[dreg:$0x0] =	wrdreg $0x0  }
0xa8: {  	s4 =	sshll.u32 s28, $0x1;
	[dreg:$0x2] =	wrdreg s2  }
0xa9: {  	[dreg:$0x3] =	wrdreg s4  }
0xaa: {  	[dreg:$0x4] =	wrdreg $0xC0  }
0xab: {  	_ =	task [dreg:s6], $0x5FFFF  }
0xac: {  	[dreg:$0x1] =	wrdreg $0xFFFFFFFF  }
0xad: {  	[dreg:$0x0] =	wrdreg $0x60  }
0xae: {  	[dreg:$0x2] =	wrdreg s24  }
0xaf: {  	[dreg:$0x3] =	wrdreg $0xB4000  }
0xb0: {  	[dreg:$0x4] =	wrdreg $0x9  }
0xb1: {  	_ =	task.clear_ibuf [dreg:s6], $0x5FFFF;
	_ =	strace $0x90000046  }
0xb2: {  	s29 =	simm.s32 $0x9;
	_ =	strace $0x80000048  }
0xb3: {  	_ =	swait.ge [sflag:s29], $0x1  }
0xb4: {  	[sflag:s29] =	ssyncadd.s32 $0xFFFFFFFF  }
0xb5: {  	_ =	strace $0x90000048  }
0xb6: {  	_ =	sfence  }
0xb7: {  	s30 =	sld [smem:$0x0];
	_ =	sdelay $0x2  }
0xb8: {  	s31 =	sshll.u32 s1, $0xD;
	s1 =	sshrl.u32 s1, $0x2  }
0xb9: {  	s3 =	sand.u32 $0x4000, s31;
	s1 =	sadd.s32 s1, s30  }
0xba: {  	s0 =	sor.u32 s3, s0;
	s1 =	sshll.u32 s1, $0x11  }
0xbb: {  	s0 =	sor.u32 s1, s0  }
0xbc: {  	s0 =	sadd.s32 $0x8F2B, s0  }
0xbd: {  	[sflag:s0] =	ssyncadd.remote.s32 $0x1  }
0xbe: {  	_ =	sfence.sel $0xFFFF  }
0xbf: {  	[dreg:$0x0] =	wrdreg $0xFFFFFFFF;
	(pc) =	sbr.abs _section_cstart, $3  }
0xc0: {  	[dreg:$0x1] =	wrdreg $0xFFFFFFFF  }
0xc1: {  	_ =	task.clear_ibuf [dreg:s6], $0x2FFFF;
	_ =	strace $0x9FFFFFFF  }
0xc2: {  	(tm) =	ssettm $0x7FFFFFFF  }
0xc3: {  	_ =	shalt  }
tec
execute0_lowered:
.L_overlay_start_1:
0x0: {  	(tag) =	ssettag $0x1  }
0x1: {  	s0 =	rddreg [dreg:$0x0];
	s9 =	stileid.u32  }
0x2: {  	s1 =	srdreg.scid;
	s5 =	smul.u32 $0x14000, s9  }
0x3: {  	s2 =	rddreg [dreg:$0x1];
	s3 =	simm.s32 $0x0;
	s6 =	smul.u32 $0x50000, s9  }
0x4: {  	s31 =	simm.s32 $0xA400;
	s1 =	sand.u32 $0x1, s1;
	s25 =	smul.u32 $0x2710, s9  }
0x5: {  	[smem:$0x7FF] =	sst s3;
	s11 =	sadd.s32 $0x2C00, s0;
	s4 =	smul.u32 $0x140000, s1  }
0x6: {  	_ =	strace $0x80000047;
	s18 =	ssub.s32 $0x2, s1;
	s7 =	sshll.u32 s1, $0x4  }
0x7: {  	s1 =	smul.u32 $0x27100, s1;
	s8 =	sshrl.u32 s18, $0x1;
	s7 =	sor.u32 s9, s7  }
0x8: {  	s6 =	sshrl.u32 s6, $0x2;
	s4 =	sadd.s32 s5, s4;
	s8 =	ssub.s32 s18, s8  }
0x9: {  	s7 =	smul.u32 $0x2710, s7;
	s1 =	sadd.s32 s25, s1;
	s5 =	simm.s32 $0x400  }
0xa: {  	s4 =	sshrl.u32 s4, $0x3;
	s1 =	sadd.s32 $0xF0, s1;
	s25 =	smax.u32 s8, $0x1  }
0xb: {  	s0 =	sadd.s32 s4, s0;
	s4 =	sadd.s32 s6, s2;
	s26 =	sshrl.u32 s7, $0x3  }
0xc: {  	s1 =	sshrl.u32 s1, $0x3;
	s7 =	simm.s32 $0x0;
	s6 =	sadd.s32 $0x1000, s4  }
0xd: {  	s19 =	sadd.s32 $0x2000, s4;
	s20 =	sadd.s32 $0x3000, s4;
	s21 =	sadd.s32 $0x4000, s4  }
0xe: {  	s22 =	sadd.s32 $0x5000, s4;
	s23 =	sadd.s32 $0x6000, s4;
	[dreg:$0x3] =	wrdreg s6  }
0xf: {  	s24 =	sadd.s32 $0x7000, s4;
	s12 =	sadd.s32 $0x8000, s4;
	[dreg:$0x4] =	wrdreg s19  }
0x10: {  	s13 =	sadd.s32 $0x9000, s4;
	s14 =	sadd.s32 $0xA000, s4;
	[dreg:$0x5] =	wrdreg s20  }
0x11: {  	s15 =	sadd.s32 $0xB000, s4;
	s16 =	sadd.s32 $0xC000, s4;
	[dreg:$0x6] =	wrdreg s21  }
0x12: {  	s17 =	sadd.s32 $0xD000, s4;
	s18 =	sadd.s32 $0xE000, s4;
	[dreg:$0x7] =	wrdreg s22  }
0x13: {  	s9 =	sadd.s32 s1, s11;
	s28 =	sadd.s32 $0x13000, s4;
	[dreg:$0x8] =	wrdreg s23  }
0x14: {  	s1 =	simm.s32 $0x50;
	[dreg:$0x9] =	wrdreg s24;
	s19 =	sadd.s32 $0xF000, s4  }
0x15: {  	s20 =	sadd.s32 $0x10000, s4;
	s21 =	sadd.s32 s11, s26;
	s23 =	sadd.s32 $0x11000, s4  }
0x16: {  	s24 =	sadd.s32 $0x16800, s0;
	s26 =	sadd.s32 $0x12000, s4;
	s0 =	simm.s32 $0x2  }
0x17: {  	v0 =	vimm.f32 $0.0e+00;
	v1 =	vimm.f32 $1.000000000e+00;
	s6 =	simm.s32 $0x1;
	s29 =	sadd.s32 $0xA, s21;
	s30 =	sadd.s32 $0x14, s21  }
.LBB2_1:
0x18: {  	s8 =	simm.s32 $0x0;
	s22 =	simm.s32 $0x200  }
.LBB2_2:
0x19: {  	p0 =	sne.s32 s22, $0x3E00;
	[tilespmem:s8+$0xA470] =	vst v0  }
0x1a: {  	[tilespmem:s8+$0xA400] =	vst v0  }
0x1b: {  	[tilespmem:s8+$0xA410] =	vst v0  }
.Ltmp0:
0x1c: {  	[tilespmem:s8+$0xA420] =	vst v0;
	(pc) =	sbr.rel @p0 .LBB2_2-.Ltmp0, $4  }
0x1d: {  	[tilespmem:s8+$0xA430] =	vst v0  }
0x1e: {  	[tilespmem:s8+$0xA440] =	vst v0  }
0x1f: {  	[tilespmem:s8+$0xA450] =	vst v0  }
0x20: {  	[tilespmem:s8+$0xA460] =	vst v0;
	s8 =	sshra.s32 s22, $0x2;
	s22 =	sadd.s32 $0x200, s22  }
0x21: {  	[tilespmem:s8+$0xA470] =	vst v0  }
0x22: {  	[tilespmem:s8+$0xA400] =	vst v0  }
0x23: {  	[tilespmem:s8+$0xA410] =	vst v0  }
0x24: {  	[tilespmem:s8+$0xA420] =	vst v0  }
0x25: {  	[tilespmem:s8+$0xA430] =	vst v0  }
0x26: {  	[tilespmem:s8+$0xA440] =	vst v0  }
0x27: {  	[tilespmem:s8+$0xA450] =	vst v0  }
0x28: {  	[tilespmem:s8+$0xA460] =	vst v0;
	s8 =	simm.s32 $0x0;
	s22 =	simm.s32 $0x200  }
.LBB2_4:
0x29: {  	p0 =	sne.s32 s22, $0x9E00;
	[tilespmem:s8+$0x470] =	vst v1  }
0x2a: {  	[tilespmem:s8+$0x400] =	vst v1  }
0x2b: {  	[tilespmem:s8+$0x410] =	vst v1  }
.Ltmp1:
0x2c: {  	[tilespmem:s8+$0x420] =	vst v1;
	(pc) =	sbr.rel @p0 .LBB2_4-.Ltmp1, $4  }
0x2d: {  	[tilespmem:s8+$0x430] =	vst v1  }
0x2e: {  	[tilespmem:s8+$0x440] =	vst v1  }
0x2f: {  	[tilespmem:s8+$0x450] =	vst v1  }
0x30: {  	[tilespmem:s8+$0x460] =	vst v1;
	s8 =	sshra.s32 s22, $0x2;
	s22 =	sadd.s32 $0x200, s22  }
0x31: {  	[tilespmem:s8+$0x470] =	vst v1  }
0x32: {  	[tilespmem:s8+$0x400] =	vst v1  }
0x33: {  	[tilespmem:s8+$0x410] =	vst v1  }
0x34: {  	[tilespmem:s8+$0x420] =	vst v1  }
0x35: {  	[tilespmem:s8+$0x430] =	vst v1  }
0x36: {  	[tilespmem:s8+$0x440] =	vst v1  }
0x37: {  	[tilespmem:s8+$0x450] =	vst v1  }
0x38: {  	[tilespmem:s8+$0x460] =	vst v1  }
0x39: {  	[spmem:s4] =	stream.linear.scatter [tilespmem:s31], [sflag:$0x2], $0x1000, $0x38;
	[tilespmem:$0x1F400] =	vst v63  }
0x3a: {  	_ =	swait.ge [sflag:s0], $0x1000  }
0x3b: {  	[sflag:s0] =	ssyncset.done $0x0  }
0x3c: {  	s11 =	rddreg [dreg:$0x3];
	[sflag:s0] =	ssyncadd.s32 $0xFFFFF000  }
0x3d: {  	[spmem:s11] =	stream.linear.scatter [tilespmem:s31], [sflag:$0x2], $0x1000, $0x38;
	[tilespmem:$0x1F400] =	vst v63  }
0x3e: {  	_ =	swait.ge [sflag:s0], $0x1000  }
0x3f: {  	[sflag:s0] =	ssyncset.done $0x0  }
0x40: {  	s22 =	rddreg [dreg:$0x4];
	[sflag:s0] =	ssyncadd.s32 $0xFFFFF000  }
0x41: {  	[spmem:s22] =	stream.linear.scatter [tilespmem:s31], [sflag:$0x2], $0x1000, $0x38;
	[tilespmem:$0x1F400] =	vst v63  }
0x42: {  	_ =	swait.ge [sflag:s0], $0x1000  }
0x43: {  	[sflag:s0] =	ssyncset.done $0x0  }
0x44: {  	s10 =	rddreg [dreg:$0x5];
	[sflag:s0] =	ssyncadd.s32 $0xFFFFF000  }
0x45: {  	[spmem:s10] =	stream.linear.scatter [tilespmem:s31], [sflag:$0x2], $0x1000, $0x38;
	[tilespmem:$0x1F400] =	vst v63  }
0x46: {  	_ =	swait.ge [sflag:s0], $0x1000  }
0x47: {  	[sflag:s0] =	ssyncset.done $0x0  }
0x48: {  	s11 =	rddreg [dreg:$0x6];
	[sflag:s0] =	ssyncadd.s32 $0xFFFFF000  }
0x49: {  	[spmem:s11] =	stream.linear.scatter [tilespmem:s31], [sflag:$0x2], $0x1000, $0x38;
	[tilespmem:$0x1F400] =	vst v63  }
0x4a: {  	_ =	swait.ge [sflag:s0], $0x1000  }
0x4b: {  	[sflag:s0] =	ssyncset.done $0x0  }
0x4c: {  	s22 =	rddreg [dreg:$0x7];
	[sflag:s0] =	ssyncadd.s32 $0xFFFFF000  }
0x4d: {  	[spmem:s22] =	stream.linear.scatter [tilespmem:s31], [sflag:$0x2], $0x1000, $0x38;
	[tilespmem:$0x1F400] =	vst v63  }
0x4e: {  	_ =	swait.ge [sflag:s0], $0x1000  }
0x4f: {  	[sflag:s0] =	ssyncset.done $0x0  }
0x50: {  	s10 =	rddreg [dreg:$0x8];
	[sflag:s0] =	ssyncadd.s32 $0xFFFFF000  }
0x51: {  	[spmem:s10] =	stream.linear.scatter [tilespmem:s31], [sflag:$0x2], $0x1000, $0x38;
	[tilespmem:$0x1F400] =	vst v63  }
0x52: {  	_ =	swait.ge [sflag:s0], $0x1000  }
0x53: {  	[sflag:s0] =	ssyncset.done $0x0  }
0x54: {  	s11 =	rddreg [dreg:$0x9];
	[sflag:s0] =	ssyncadd.s32 $0xFFFFF000  }
0x55: {  	[spmem:s11] =	stream.linear.scatter [tilespmem:s31], [sflag:$0x2], $0x1000, $0x38;
	[tilespmem:$0x1F400] =	vst v63  }
0x56: {  	_ =	swait.ge [sflag:s0], $0x1000  }
0x57: {  	[sflag:s0] =	ssyncset.done $0x0  }
0x58: {  	[sflag:s0] =	ssyncadd.s32 $0xFFFFF000  }
0x59: {  	[spmem:s12] =	stream.linear.scatter [tilespmem:s31], [sflag:$0x2], $0x1000, $0x38;
	[tilespmem:$0x1F400] =	vst v63  }
0x5a: {  	_ =	swait.ge [sflag:s0], $0x1000  }
0x5b: {  	[sflag:s0] =	ssyncset.done $0x0  }
0x5c: {  	[sflag:s0] =	ssyncadd.s32 $0xFFFFF000  }
0x5d: {  	[spmem:s13] =	stream.linear.scatter [tilespmem:s31], [sflag:$0x2], $0x1000, $0x38;
	[tilespmem:$0x1F400] =	vst v63  }
0x5e: {  	_ =	swait.ge [sflag:s0], $0x1000  }
0x5f: {  	[sflag:s0] =	ssyncset.done $0x0  }
0x60: {  	[sflag:s0] =	ssyncadd.s32 $0xFFFFF000  }
0x61: {  	[spmem:s14] =	stream.linear.scatter [tilespmem:s31], [sflag:$0x2], $0x1000, $0x38;
	[tilespmem:$0x1F400] =	vst v63  }
0x62: {  	_ =	swait.ge [sflag:s0], $0x1000  }
0x63: {  	[sflag:s0] =	ssyncset.done $0x0  }
0x64: {  	[sflag:s0] =	ssyncadd.s32 $0xFFFFF000  }
0x65: {  	[spmem:s15] =	stream.linear.scatter [tilespmem:s31], [sflag:$0x2], $0x1000, $0x38;
	[tilespmem:$0x1F400] =	vst v63  }
0x66: {  	_ =	swait.ge [sflag:s0], $0x1000  }
0x67: {  	[sflag:s0] =	ssyncset.done $0x0  }
0x68: {  	[sflag:s0] =	ssyncadd.s32 $0xFFFFF000  }
0x69: {  	[spmem:s16] =	stream.linear.scatter [tilespmem:s31], [sflag:$0x2], $0x1000, $0x38;
	[tilespmem:$0x1F400] =	vst v63  }
0x6a: {  	_ =	swait.ge [sflag:s0], $0x1000  }
0x6b: {  	[sflag:s0] =	ssyncset.done $0x0  }
0x6c: {  	[sflag:s0] =	ssyncadd.s32 $0xFFFFF000  }
0x6d: {  	[spmem:s17] =	stream.linear.scatter [tilespmem:s31], [sflag:$0x2], $0x1000, $0x38;
	[tilespmem:$0x1F400] =	vst v63  }
0x6e: {  	_ =	swait.ge [sflag:s0], $0x1000  }
0x6f: {  	[sflag:s0] =	ssyncset.done $0x0  }
0x70: {  	[sflag:s0] =	ssyncadd.s32 $0xFFFFF000  }
0x71: {  	[spmem:s18] =	stream.linear.scatter [tilespmem:s31], [sflag:$0x2], $0x1000, $0x38;
	[tilespmem:$0x1F400] =	vst v63  }
0x72: {  	_ =	swait.ge [sflag:s0], $0x1000  }
0x73: {  	[sflag:s0] =	ssyncset.done $0x0  }
0x74: {  	[sflag:s0] =	ssyncadd.s32 $0xFFFFF000  }
0x75: {  	[spmem:s19] =	stream.linear.scatter [tilespmem:s31], [sflag:$0x2], $0x1000, $0x38;
	[tilespmem:$0x1F400] =	vst v63  }
0x76: {  	_ =	swait.ge [sflag:s0], $0x1000  }
0x77: {  	[sflag:s0] =	ssyncset.done $0x0  }
0x78: {  	[sflag:s0] =	ssyncadd.s32 $0xFFFFF000  }
0x79: {  	[spmem:s20] =	stream.linear.scatter [tilespmem:s31], [sflag:$0x2], $0x1000, $0x38;
	[tilespmem:$0x1F400] =	vst v63  }
0x7a: {  	_ =	swait.ge [sflag:s0], $0x1000  }
0x7b: {  	[sflag:s0] =	ssyncset.done $0x0  }
0x7c: {  	[sflag:s0] =	ssyncadd.s32 $0xFFFFF000  }
0x7d: {  	[spmem:s23] =	stream.linear.scatter [tilespmem:s31], [sflag:$0x2], $0x1000, $0x38;
	[tilespmem:$0x1F400] =	vst v63  }
0x7e: {  	_ =	swait.ge [sflag:s0], $0x1000  }
0x7f: {  	[sflag:s0] =	ssyncset.done $0x0  }
0x80: {  	[sflag:s0] =	ssyncadd.s32 $0xFFFFF000  }
0x81: {  	[spmem:s26] =	stream.linear.scatter [tilespmem:s31], [sflag:$0x2], $0x1000, $0x38;
	[tilespmem:$0x1F400] =	vst v63  }
0x82: {  	_ =	swait.ge [sflag:s0], $0x1000  }
0x83: {  	[sflag:s0] =	ssyncset.done $0x0  }
0x84: {  	[sflag:s0] =	ssyncadd.s32 $0xFFFFF000  }
0x85: {  	[spmem:s28] =	stream.linear.scatter [tilespmem:s31], [sflag:$0x2], $0x1000, $0x38;
	[tilespmem:$0x1F400] =	vst v63  }
0x86: {  	_ =	swait.ge [sflag:s0], $0x1000  }
0x87: {  	[sflag:s0] =	ssyncset.done $0x0  }
0x88: {  	s8 =	simm.s32 $0x0;
	[sflag:s0] =	ssyncadd.s32 $0xFFFFF000  }
0x89: {  	[tilespmem:s8], [sflag:$0x2] =	stream.linear.gather [hbm4b:s21+s8], $0x50, $0x38;
	[tilespmem:$0x1F400] =	vst v63  }
0x8a: {  	_ =	swait.ge [sflag:s0], $0x50  }
0x8b: {  	[sflag:s0] =	ssyncset.done $0x0  }
0x8c: {  	s10 =	simm.s32 $0x80;
	[sflag:s0] =	ssyncadd.s32 $0xFFFFFFB0  }
0x8d: {  	[tilespmem:s10], [sflag:$0x2] =	stream.linear.gather [hbm4b:s29+s8], $0x50, $0x38;
	[tilespmem:$0x1F400] =	vst v63  }
0x8e: {  	_ =	swait.ge [sflag:s0], $0x50  }
0x8f: {  	[sflag:s0] =	ssyncset.done $0x0  }
0x90: {  	s22 =	simm.s32 $0x100;
	[sflag:s0] =	ssyncadd.s32 $0xFFFFFFB0  }
0x91: {  	[tilespmem:s22], [sflag:$0x2] =	stream.linear.gather [hbm4b:s30+s8], $0x50, $0x38;
	[tilespmem:$0x1F400] =	vst v63  }
0x92: {  	_ =	swait.ge [sflag:s0], $0x50  }
0x93: {  	[sflag:s0] =	ssyncset.done $0x0  }
0x94: {  	[sflag:s0] =	ssyncadd.s32 $0xFFFFFFB0  }
0x95: {  	s22 =	smov.u32 s9;
	[bflag:$0x0] =	sbarrier.arrive $0xFFFF  }
.LBB2_6:
0x96: {  	p0 =	slt.u32 s8, $0x2  }
0x97: {  	s11 =	simm.s32 @!p0 $0x1  }
0x98: {  	s10 =	smul.u32 $0xAB, s8;
	p1 =	sgt.u32 @!p0 s8, $0x79;
	_ =	swait.ge @!p0 [sflag:s11], $0x2800  }
0x99: {  	p1 =	por p0, !p1;
	[sflag:s11] =	ssyncset.done @!p0 $0x0  }
0x9a: {  	[sflag:s11] =	ssyncadd.s32 @!p0 $0xFFFFD800;
	s11 =	sadd.s32 @p1 $0x201, s10  }
0x9b: {  	s11 =	sshrl.u32 @p1 s11, $0xA  }
0x9c: {  	s11 =	sand.u32 @p1 $0x3F, s11  }
0x9d: {  	s10 =	sshrl.u32 s10, $0xA;
	s11 =	smul.u32 @p1 $0x6, s11  }
0x9e: {  	s10 =	sand.u32 $0x3F, s10  }
0x9f: {  	s10 =	smul.u32 $0x6, s10;
	s11 =	ssub.s32 @p1 s8, s11  }
0xa0: {  	s11 =	sadd.s32 @p1 $0x3, s11  }
0xa1: {  	s10 =	ssub.s32 s8, s10;
	s8 =	sadd.s32 $0x1, s8;
	s11 =	sand.u32 @p1 $0xFF, s11  }
0xa2: {  	p0 =	sne.s32 s8, $0x7D;
	s11 =	sshll.u32 @p1 s11, $0x7  }
0xa3: {  	[tilespmem:s11], [sflag:$0x2] =	stream.linear.gather @p1 [hbm4b:s22+s3], $0x50, $0x38;
	[tilespmem:$0x1F400] =	vst v63  }
.Ltmp2:
0xa4: {  	_ = 	snop;
	(pc) =	sbr.rel @p0 .LBB2_6-.Ltmp2, $4  }
0xa5: {  	_ =	swait.ge @p1 [sflag:s0], $0x50  }
0xa6: {  	s10 =	sand.u32 $0xFF, s10;
	[sflag:s0] =	ssyncset.done @p1 $0x0  }
0xa7: {  	s10 =	sshll.u32 s10, $0x7;
	s22 =	sadd.s32 $0xA, s22;
	[sflag:s0] =	ssyncadd.s32 @p1 $0xFFFFFFB0  }
0xa8: {  	[spmem:s2] =	stream.indirect.scatter.add.f32 [tilespmem:s5], [sflag:$0x1], $0x80, s10, s1, $0xb8;
	[tilespmem:$0x1F400] =	vst v63  }
0xa9: {  	_ =	swait.ge [sflag:s6], $0x2800  }
0xaa: {  	[sflag:s6] =	ssyncset.done $0x0  }
0xab: {  	[sflag:s6] =	ssyncadd.s32 $0xFFFFD800  }
0xac: {  	s8 =	stileid.u32;
	_ =	swait.ge [sflag:s6], $0x2800  }
0xad: {  	s10 =	sshrl.u32 s4, $0x3;
	s7 =	sadd.s32 $0x1, s7;
	[sflag:s6] =	ssyncset.done $0x0  }
0xae: {  	s8 =	sshll.u32 s8, $0x6;
	p0 =	sne.s32 s7, s25;
	[sflag:s6] =	ssyncadd.s32 $0xFFFFD800  }
.Ltmp3:
0xaf: {  	s8 =	sor.u32 $0x1C02, s8;
	[bflag:$0x0] =	sbarrier.arrive $0xFFFF;
	(pc) =	sbr.rel @p0 .LBB2_1-.Ltmp3, $4  }
0xb0: {  	[hbm:s24], [sflag:s8] =	dma.local [spmem:s10], $0x2800  }
0xb1: {  	_ =	swait.ge [sflag:s0], $0x2800  }
0xb2: {  	[sflag:s0] =	ssyncset.done $0x0  }
0xb3: {  	[sflag:s0] =	ssyncadd.s32 $0xFFFFD800  }
0xb4: {  	_ =	sfence.sel $0x180000  }
0xb5: {  	[bflag:$0x0] =	sbarrier.arrive $0xFFFF  }
0xb6: {  	_ =	strace $0x90000047  }
0xb7: {  	s0 =	stileid.u32;
	[bflag:$0x2] =	sbarrier.arrive $0xFFFF  }
0xb8: {  	p0 =	sne.s32 s0, $0x0;
	s0 =	rddreg [dreg:$0x2]  }
0xb9: {  	s0 =	sadd.s32 @!p0 $0x100000, s0  }
0xba: {  	[sflag:s0] =	ssyncadd.tile.s32 @!p0 $0x1;
	_ =	shalt  }
.Lfunc_end2:
_tile_overlayer_lowered:
.L_overlay_start_2:
0xbb: {  	(tag) =	ssettag $0x2  }
0xbc: {  	s0 =	rddreg [dreg:$0x0];
	s2 =	stileid.u32  }
0xbd: {  	s1 =	rddreg [dreg:$0x1];
	p0 =	sne.s32 s2, $0x0  }
0xbe: {  	s3 =	rddreg [dreg:$0x2];
	[bflag:$0x3] =	sbarrier.arrive $0xFFFF;
	s2 =	simm.s32 @!p0 $0x1C02  }
0xbf: {  	[timem:s3], [sflag:s2] =	dma.local @!p0 [hbm:s0], s1  }
0xc0: {  	s0 =	simm.s32 @!p0 $0x2  }
0xc1: {  	_ =	swait.ge @!p0 [sflag:s0], s1  }
0xc2: {  	s1 =	ssub.s32 @!p0 $0x0, s1;
	[sflag:s0] =	ssyncset.done @!p0 $0x0  }
0xc3: {  	[sflag:s0] =	ssyncadd.s32 @!p0 s1  }
0xc4: {  	[bflag:$0x3] =	sbarrier.arrive $0xFFFF  }
0xc5: {  	_ =	shalt  }

// kernel: kernel.13.cloned.1.call-start
scs
__scs_entry_jumppad:
0x0: {  	(pc) =	sbr.rel $0x88, $3  }
0x1: {  	(tag) =	ssettag $0x0;
	lr =	simm.s32 $0x1  }
0x2: {  	[smem:$0x3F94] =	sst lr;
	_ =	strace $0xD0000000  }
0x3: {  	_ = 	snop  }
0x4: {  	_ = 	snop  }
0x5: {  	_ = 	snop  }
0x6: {  	_ = 	snop  }
0x7: {  	_ = 	snop  }
__scs_overlays_trampoline_lowered:
0x8: {  	[smem:$0x3FA3] =	sst s0  }
0x9: {  	[smem:$0x3FA4] =	sst s1  }
0xa: {  	[smem:$0x3FA5] =	sst s2  }
0xb: {  	[smem:$0x3FA6] =	sst s3  }
0xc: {  	[smem:$0x3FA7] =	sst s4  }
0xd: {  	[smem:$0x3FA8] =	sst s5  }
0xe: {  	[smem:$0x3FA9] =	sst s6  }
0xf: {  	[smem:$0x3FAA] =	sst s7  }
0x10: {  	[smem:$0x3FAB] =	sst s8  }
0x11: {  	[smem:$0x3FAC] =	sst s9;
	s0 =	simm.s32 @!p0 $0x0  }
0x12: {  	s1 =	sld [smem:$0x3F92];
	s0 =	simm.s32 @p0 $0x1  }
0x13: {  	[smem:$0x3FAD] =	sst s0;
	s0 =	simm.s32 @!p1 $0x0  }
0x14: {  	s2 =	sld [smem:$0x3F91];
	s0 =	simm.s32 @p1 $0x1  }
0x15: {  	[smem:$0x3FAE] =	sst s0;
	s0 =	simm.s32 @!p2 $0x0  }
0x16: {  	s3 =	sld [smem:$0x3FDB];
	s0 =	simm.s32 @p2 $0x1  }
0x17: {  	s4 =	simm.s32 $0x1BF5;
	[smem:$0x3FB0] =	sst s0  }
0x18: {  	s0 =	sld [smem:$0x3F93];
	_ =	swait.ge [sflag:s4], $0x0  }
0x19: {  	s7 =	sld [smem:$0x3F94]  }
0x1a: {  	s8 =	sadd.s32 $0xFFFFE003, lr  }
0x1b: {  	s9 =	sadd.s32 $0xFFFFFEF7, lr;
	s5 =	simm.s32 $0xFFFFFFFF;
	p2 =	slt.u32 s8, $0xFFFFF086  }
0x1c: {  	p1 =	slt.u32 s9, $0xF7A;
	s5 =	simm.s32 @!p2 $0x0  }
0x1d: {  	s5 =	simm.s32 @p1 $0x1;
	p0 =	seq.s32 s7, s2  }
0x1e: {  	s7 =	smul.u32 @!p0 $0xF7A, s2;
	p2 =	seq.s32 @!p0 s5, $0x0  }
0x1f: {  	s9 =	smul.u32 $0xF7A, s1;
	s8 =	simm.s32 @!p0 $0x1BF5;
	p2 =	por !p2, p0  }
0x20: {  	[sflag:s8] =	ssyncset.s32 @!p0 $0xFFFFF086;
	s6 =	sadd.s32 @!p0 s3, s7;
	s7 =	simm.s32 @!p0 $0x108  }
0x21: {  	s3 =	sadd.s32 s3, s9;
	s6 =	sadd.s32 @!p0 $0x88, s6;
	s7 =	simm.s32 @p2 $0x1082  }
0x22: {  	[simem:s7], [sflag:s8] =	dma.local @!p0 [hbm:s6], $0xF7A  }
0x23: {  	s9 =	sor.u32 $0xD0000000, s2;
	s6 =	simm.s32 $0x108;
	_ =	swait.ge @!p0 [sflag:s8], $0x0  }
0x24: {  	s3 =	sadd.s32 $0x88, s3;
	s6 =	simm.s32 @!p1 $0x1082;
	[sflag:s4] =	ssyncset.s32 $0xFFFFF086  }
0x25: {  	[simem:s6], [sflag:s4] =	dma.local [hbm:s3], $0xF7A  }
0x26: {  	[smem:$0x3F94] =	sst s1;
	(tag) =	ssettag s2;
	_ =	strace s9  }
0x27: {  	s1 =	sld [smem:$0x3FA4]  }
0x28: {  	s2 =	sld [smem:$0x3FA5]  }
0x29: {  	s4 =	sld [smem:$0x3FA7]  }
0x2a: {  	p0 =	seq.s32 s5, $0x0;
	s5 =	sld [smem:$0x3FA8]  }
0x2b: {  	s6 =	sld [smem:$0x3FA9]  }
0x2c: {  	s7 =	sld [smem:$0x3FAA]  }
0x2d: {  	s3 =	simm.s32 $0x108;
	s8 =	sld [smem:$0x3FAB]  }
0x2e: {  	s3 =	simm.s32 @!p0 $0x1082;
	s9 =	sld [smem:$0x3FAC]  }
0x2f: {  	lr =	sadd.s32 s0, s3;
	s0 =	sld [smem:$0x3FA3]  }
0x30: {  	s3 =	sld [smem:$0x3FA6]  }
0x31: {  	[smem:$0x3FAF] =	sst s10  }
0x32: {  	s10 =	sld [smem:$0x3FAD];
	_ =	sdelay $0x3  }
0x33: {  	p0 =	seq.s32 s10, $0x1;
	s10 =	sld [smem:$0x3FAF];
	_ =	sdelay $0x3  }
0x34: {  	[smem:$0x3FAF] =	sst s10  }
0x35: {  	s10 =	sld [smem:$0x3FAE];
	_ =	sdelay $0x3  }
0x36: {  	p1 =	seq.s32 s10, $0x1;
	s10 =	sld [smem:$0x3FAF];
	_ =	sdelay $0x3  }
0x37: {  	[smem:$0x3FAF] =	sst s10  }
0x38: {  	s10 =	sld [smem:$0x3FB0]  }
0x39: {  	_ = 	snop;
	(pc) =	sbr.ind lr, $3  }
0x3a: {  	_ = 	snop  }
0x3b: {  	_ = 	snop  }
0x3c: {  	p2 =	seq.s32 s10, $0x1;
	s10 =	sld [smem:$0x3FAF]  }
0x3d: {  	_ =	shalt  }
0x3e: {  	_ =	shalt  }
0x3f: {  	_ =	shalt  }
0x40: {  	_ =	shalt  }
0x41: {  	_ =	shalt  }
0x42: {  	_ =	shalt  }
0x43: {  	_ =	shalt  }
0x44: {  	_ =	shalt  }
0x45: {  	_ =	shalt  }
0x46: {  	_ =	shalt  }
0x47: {  	_ =	shalt  }
0x48: {  	_ =	shalt  }
0x49: {  	_ =	shalt  }
0x4a: {  	_ =	shalt  }
0x4b: {  	_ =	shalt  }
0x4c: {  	_ =	shalt  }
0x4d: {  	_ =	shalt  }
0x4e: {  	_ =	shalt  }
0x4f: {  	_ =	shalt  }
0x50: {  	_ =	shalt  }
0x51: {  	_ =	shalt  }
0x52: {  	_ =	shalt  }
0x53: {  	_ =	shalt  }
0x54: {  	_ =	shalt  }
0x55: {  	_ =	shalt  }
0x56: {  	_ =	shalt  }
0x57: {  	_ =	shalt  }
0x58: {  	_ =	shalt  }
0x59: {  	_ =	shalt  }
0x5a: {  	_ =	shalt  }
0x5b: {  	_ =	shalt  }
0x5c: {  	_ =	shalt  }
0x5d: {  	_ =	shalt  }
0x5e: {  	_ =	shalt  }
0x5f: {  	_ =	shalt  }
0x60: {  	_ =	shalt  }
0x61: {  	_ =	shalt  }
0x62: {  	_ =	shalt  }
0x63: {  	_ =	shalt  }
0x64: {  	_ =	shalt  }
0x65: {  	_ =	shalt  }
0x66: {  	_ =	shalt  }
0x67: {  	_ =	shalt  }
0x68: {  	_ =	shalt  }
0x69: {  	_ =	shalt  }
0x6a: {  	_ =	shalt  }
0x6b: {  	_ =	shalt  }
0x6c: {  	_ =	shalt  }
0x6d: {  	_ =	shalt  }
0x6e: {  	_ =	shalt  }
0x6f: {  	_ =	shalt  }
0x70: {  	_ =	shalt  }
0x71: {  	_ =	shalt  }
0x72: {  	_ =	shalt  }
0x73: {  	_ =	shalt  }
0x74: {  	_ =	shalt  }
0x75: {  	_ =	shalt  }
0x76: {  	_ =	shalt  }
0x77: {  	_ =	shalt  }
0x78: {  	_ =	shalt  }
0x79: {  	_ =	shalt  }
0x7a: {  	_ =	shalt  }
0x7b: {  	_ =	shalt  }
0x7c: {  	_ =	shalt  }
0x7d: {  	_ =	shalt  }
0x7e: {  	_ =	shalt  }
0x7f: {  	_ =	shalt  }
0x80: {  	_ =	shalt  }
0x81: {  	_ =	shalt  }
0x82: {  	_ =	shalt  }
0x83: {  	_ =	shalt  }
0x84: {  	_ =	shalt  }
0x85: {  	_ =	shalt  }
0x86: {  	_ =	shalt  }
0x87: {  	_ =	shalt  }
.Lfunc_end0:
.L_simem_size_0:
called_computation.1_lowered:
.L_overlay_start_0:
0x88: {  	s2 =	sld [smem:$0x3FD9]  }
0x89: {  	s3 =	sld [smem:$0x3FFE];
	_ =	sdelay $0x1  }
0x8a: {  	s1 =	srdreg.scid  }
0x8b: {  	s0 =	sand.u32 $0x1, s1  }
0x8c: {  	s16 =	sshll.u32 s0, $0xA;
	s2 =	sadd.s32 s3, s2  }
0x8d: {  	s2 =	sadd.s32 s2, s16  }
0x8e: {  	[smem:$0x3FBB] =	sst s2  }
0x8f: {  	_ = 	snop  }
0x90: {  	(tm) =	ssettm $0x1  }
0x91: {  	s17 =	sld [smem:$0x3FFB];
	_ =	sdelay $0x3  }
0x92: {  	_ =	strace s17  }
0x93: {  	s2 =	sld [smem:$0x3FFC];
	_ =	sdelay $0x3  }
0x94: {  	_ =	strace s2  }
0x95: {  	s2 =	sld [smem:$0x3FFD];
	_ =	sdelay $0x3  }
0x96: {  	_ =	strace s2  }
0x97: {  	_ =	strace $0x8FFFFFFF  }
0x98: {  	s18 =	sld [smem:$0x3FDB];
	_ =	sdelay $0x1  }
0x99: {  	s19 =	simm.s32 $_scs_section_size  }
0x9a: {  	s4 =	simm.s32 $_size__tile_overlayer_lowered;
	s5 =	simm.s32 $_tile_overlayer_lowered  }
0x9b: {  	s22 =	simm.s32 $0x1BFF;
	s21 =	sshll.u32 s5, $0x1;
	s2 =	sadd.s32 s19, s18  }
0x9c: {  	s6 =	simm.s32 $0x0;
	s20 =	sshll.u32 s4, $0x1;
	s4 =	sadd.s32 s21, s2  }
0x9d: {  	[timem:s6], [sflag:s22] =	dma.local [hbm:s4], s20  }
0x9e: {  	_ =	swait.ge [sflag:s22], s20  }
0x9f: {  	s3 =	ssub.s32 $0x0, s20;
	[sflag:s22] =	ssyncset.done $0x0  }
0xa0: {  	[sflag:s22] =	ssyncadd.s32 s3;
	_ =	sdelay $0x1  }
0xa1: {  	s23 =	simm.s32 $0x1B8B  }
0xa2: {  	_ =	swait.ge [sflag:s23], $0x1  }
0xa3: {  	[sflag:s23] =	ssyncset.done $0x0  }
0xa4: {  	s25 =	simm.s32 $0x1B8E;
	s24 =	sld [smem:$0x3FFE];
	[sflag:s23] =	ssyncadd.s32 $0xFFFFFFFF  }
0xa5: {  	s26 =	simm.s32 $execute0_lowered;
	[smem:$0x3FD2] =	sst s25  }
0xa6: {  	s4 =	sshll.u32 s26, $0x1;
	_ =	strace $0x80000049;
	[dreg:$0x1] =	wrdreg $0xFFFFFFFF  }
0xa7: {  	s28 =	simm.s32 $_size_execute0_lowered;
	s2 =	sadd.s32 s2, s4;
	[dreg:$0x0] =	wrdreg $0x0  }
0xa8: {  	s4 =	sshll.u32 s28, $0x1;
	[dreg:$0x2] =	wrdreg s2  }
0xa9: {  	[dreg:$0x3] =	wrdreg s4  }
0xaa: {  	[dreg:$0x4] =	wrdreg $0xC0  }
0xab: {  	_ =	task [dreg:s6], $0x5FFFF  }
0xac: {  	[dreg:$0x1] =	wrdreg $0xFFFFFFFF  }
0xad: {  	[dreg:$0x0] =	wrdreg $0x60  }
0xae: {  	[dreg:$0x2] =	wrdreg s24  }
0xaf: {  	[dreg:$0x3] =	wrdreg $0xB8000  }
0xb0: {  	[dreg:$0x4] =	wrdreg $0x9  }
0xb1: {  	_ =	task.clear_ibuf [dreg:s6], $0x5FFFF;
	_ =	strace $0x90000049  }
0xb2: {  	s29 =	simm.s32 $0x9;
	_ =	strace $0x8000004B  }
0xb3: {  	_ =	swait.ge [sflag:s29], $0x1  }
0xb4: {  	[sflag:s29] =	ssyncadd.s32 $0xFFFFFFFF  }
0xb5: {  	_ =	strace $0x9000004B  }
0xb6: {  	_ =	sfence  }
0xb7: {  	s30 =	sld [smem:$0x0];
	_ =	sdelay $0x2  }
0xb8: {  	s31 =	sshll.u32 s1, $0xD;
	s1 =	sshrl.u32 s1, $0x2  }
0xb9: {  	s3 =	sand.u32 $0x4000, s31;
	s1 =	sadd.s32 s1, s30  }
0xba: {  	s0 =	sor.u32 s3, s0;
	s1 =	sshll.u32 s1, $0x11  }
0xbb: {  	s0 =	sor.u32 s1, s0  }
0xbc: {  	s0 =	sadd.s32 $0x8F2B, s0  }
0xbd: {  	[sflag:s0] =	ssyncadd.remote.s32 $0x1  }
0xbe: {  	_ =	sfence.sel $0xFFFF  }
0xbf: {  	[dreg:$0x0] =	wrdreg $0xFFFFFFFF;
	(pc) =	sbr.abs _section_cstart, $3  }
0xc0: {  	[dreg:$0x1] =	wrdreg $0xFFFFFFFF  }
0xc1: {  	_ =	task.clear_ibuf [dreg:s6], $0x2FFFF;
	_ =	strace $0x9FFFFFFF  }
0xc2: {  	(tm) =	ssettm $0x7FFFFFFF  }
0xc3: {  	_ =	shalt  }
tec
execute0_lowered:
.L_overlay_start_1:
0x0: {  	(tag) =	ssettag $0x1  }
0x1: {  	s0 =	rddreg [dreg:$0x0]  }
0x2: {  	s1 =	srdreg.scid;
	s11 =	stileid.u32  }
0x3: {  	s2 =	rddreg [dreg:$0x1];
	s5 =	smul.u32 $0x14000, s11  }
0x4: {  	s3 =	simm.s32 $0x0;
	s1 =	sand.u32 $0x1, s1;
	s8 =	smul.u32 $0x50000, s11  }
0x5: {  	[smem:$0x7FF] =	sst s3;
	s6 =	sadd.s32 $0xCA00, s0;
	s19 =	smul.u32 $0x2710, s11  }
0x6: {  	s7 =	sadd.s32 $0x2C00, s0;
	s4 =	smul.u32 $0x140000, s1;
	_ =	strace $0x8000004A  }
0x7: {  	s24 =	ssub.s32 $0x2, s1;
	s10 =	sshll.u32 s1, $0x4;
	s1 =	smul.u32 $0x27100, s1  }
0x8: {  	s9 =	sshrl.u32 s24, $0x1;
	s8 =	sshrl.u32 s8, $0x2;
	s4 =	sadd.s32 s5, s4  }
0x9: {  	s10 =	sor.u32 s11, s10;
	s11 =	simm.s32 $0x50;
	s5 =	sshrl.u32 s4, $0x3  }
0xa: {  	s4 =	sadd.s32 $0x16800, s0;
	s0 =	sadd.s32 s5, s0;
	s5 =	sadd.s32 s8, s2  }
0xb: {  	s9 =	ssub.s32 s24, s9;
	s25 =	smul.u32 $0x2710, s10;
	s26 =	sadd.s32 $0x1000, s5  }
0xc: {  	s1 =	sadd.s32 s19, s1;
	s12 =	sadd.s32 $0x2000, s5;
	[dreg:$0x3] =	wrdreg s26  }
0xd: {  	s10 =	simm.s32 $0x80;
	s13 =	sadd.s32 $0x3000, s5;
	[dreg:$0x4] =	wrdreg s12  }
0xe: {  	s1 =	sadd.s32 $0xF0, s1;
	s14 =	sadd.s32 $0x4000, s5;
	[dreg:$0x5] =	wrdreg s13  }
0xf: {  	s8 =	sshrl.u32 s25, $0x3;
	s15 =	sadd.s32 $0x5000, s5;
	[dreg:$0x6] =	wrdreg s14  }
0x10: {  	s1 =	sshrl.u32 s1, $0x3;
	s16 =	sadd.s32 $0x6000, s5;
	[dreg:$0x7] =	wrdreg s15  }
0x11: {  	s17 =	sadd.s32 $0x7000, s5;
	s18 =	sadd.s32 $0x8000, s5;
	[dreg:$0x8] =	wrdreg s16  }
0x12: {  	s20 =	sadd.s32 $0x9000, s5;
	s21 =	sadd.s32 s7, s8;
	[dreg:$0x9] =	wrdreg s17  }
0x13: {  	s22 =	sadd.s32 $0xA, s8;
	s28 =	sadd.s32 $0xC000, s5;
	[dreg:$0xa] =	wrdreg s18  }
0x14: {  	s29 =	sadd.s32 $0xD000, s5;
	s30 =	sadd.s32 $0xE000, s5;
	[dreg:$0xb] =	wrdreg s20  }
0x15: {  	s31 =	sadd.s32 $0xF000, s5;
	[dreg:$0xc] =	wrdreg s21;
	s12 =	sadd.s32 s6, s8  }
0x16: {  	s23 =	sadd.s32 s7, s22;
	s24 =	sadd.s32 s6, s22;
	s8 =	sadd.s32 $0x14, s8  }
0x17: {  	s17 =	sadd.s32 s1, s6;
	s16 =	sadd.s32 s1, s7;
	[dreg:$0xd] =	wrdreg s12  }
0x18: {  	s26 =	sadd.s32 $0xA000, s5;
	s1 =	sadd.s32 $0x11000, s5;
	[dreg:$0xe] =	wrdreg s23  }
0x19: {  	s13 =	simm.s32 $0x2;
	s14 =	simm.s32 $0x0;
	[dreg:$0xf] =	wrdreg s24  }
.Ltmp0:
0x1a: {  	s25 =	sadd.s32 s7, s8;
	s8 =	sadd.s32 s6, s8;
	(pc) =	sbr.rel .LBB2_1-.Ltmp0, $4  }
0x1b: {  	[dreg:$0x12] =	wrdreg s26;
	s24 =	sadd.s32 $0x3DA00, s0;
	s26 =	sadd.s32 $0xB000, s5  }
0x1c: {  	s0 =	sadd.s32 $0x10000, s5;
	s6 =	sadd.s32 $0x12000, s5;
	[dreg:$0x10] =	wrdreg s25  }
0x1d: {  	s7 =	sadd.s32 $0x13000, s5;
	s12 =	simm.s32 $0x1;
	[dreg:$0x11] =	wrdreg s8  }
0x1e: {  	v0 =	vimm.f32 $0.0e+00;
	s25 =	smax.u32 s9, $0x1;
	s8 =	simm.s32 $0xA800;
	s9 =	simm.s32 $0x3  }
.LBB2_9:
0x1f: {  	_ =	swait.ge [sflag:s13], $0x2800  }
0x20: {  	[sflag:s13] =	ssyncset.done $0x0  }
0x21: {  	[sflag:s13] =	ssyncadd.s32 $0xFFFFD800  }
0x22: {  	s15 =	stileid.u32;
	_ =	swait.ge [sflag:s13], $0x2800  }
0x23: {  	s18 =	sshrl.u32 s5, $0x3;
	s14 =	sadd.s32 $0x1, s14;
	[sflag:s13] =	ssyncset.done $0x0  }
0x24: {  	s15 =	sshll.u32 s15, $0x6;
	p0 =	sne.s32 s14, s25;
	[sflag:s13] =	ssyncadd.s32 $0xFFFFD800  }
.Ltmp1:
0x25: {  	s15 =	sor.u32 $0x1C03, s15;
	[bflag:$0x0] =	sbarrier.arrive $0xFFFF;
	(pc) =	sbr.rel @!p0 .LBB2_10-.Ltmp1, $4  }
0x26: {  	[hbm:s24], [sflag:s15] =	dma.local [spmem:s18], $0x2800  }
0x27: {  	_ =	swait.ge [sflag:s9], $0x2800  }
0x28: {  	[sflag:s9] =	ssyncset.done $0x0  }
0x29: {  	[sflag:s9] =	ssyncadd.s32 $0xFFFFD800  }
.LBB2_1:
0x2a: {  	s15 =	simm.s32 $0x0;
	s18 =	simm.s32 $0x200  }
.LBB2_2:
0x2b: {  	p0 =	sne.s32 s18, $0x3E00;
	[tilespmem:s15+$0xA870] =	vst v0  }
0x2c: {  	[tilespmem:s15+$0xA800] =	vst v0  }
0x2d: {  	[tilespmem:s15+$0xA810] =	vst v0  }
.Ltmp2:
0x2e: {  	[tilespmem:s15+$0xA820] =	vst v0;
	(pc) =	sbr.rel @p0 .LBB2_2-.Ltmp2, $4  }
0x2f: {  	[tilespmem:s15+$0xA830] =	vst v0  }
0x30: {  	[tilespmem:s15+$0xA840] =	vst v0  }
0x31: {  	[tilespmem:s15+$0xA850] =	vst v0  }
0x32: {  	[tilespmem:s15+$0xA860] =	vst v0;
	s15 =	sshra.s32 s18, $0x2;
	s18 =	sadd.s32 $0x200, s18  }
0x33: {  	[tilespmem:s15+$0xA870] =	vst v0  }
0x34: {  	[tilespmem:s15+$0xA800] =	vst v0  }
0x35: {  	[tilespmem:s15+$0xA810] =	vst v0  }
0x36: {  	[tilespmem:s15+$0xA820] =	vst v0  }
0x37: {  	[tilespmem:s15+$0xA830] =	vst v0  }
0x38: {  	[tilespmem:s15+$0xA840] =	vst v0  }
0x39: {  	[tilespmem:s15+$0xA850] =	vst v0  }
0x3a: {  	[tilespmem:s15+$0xA860] =	vst v0  }
0x3b: {  	[spmem:s5] =	stream.linear.scatter [tilespmem:s8], [sflag:$0x3], $0x1000, $0x38;
	[tilespmem:$0x1F800] =	vst v63  }
0x3c: {  	_ =	swait.ge [sflag:s9], $0x1000  }
0x3d: {  	[sflag:s9] =	ssyncset.done $0x0  }
0x3e: {  	s19 =	rddreg [dreg:$0x3];
	[sflag:s9] =	ssyncadd.s32 $0xFFFFF000  }
0x3f: {  	[spmem:s19] =	stream.linear.scatter [tilespmem:s8], [sflag:$0x3], $0x1000, $0x38;
	[tilespmem:$0x1F800] =	vst v63  }
0x40: {  	_ =	swait.ge [sflag:s9], $0x1000  }
0x41: {  	[sflag:s9] =	ssyncset.done $0x0  }
0x42: {  	s20 =	rddreg [dreg:$0x4];
	[sflag:s9] =	ssyncadd.s32 $0xFFFFF000  }
0x43: {  	[spmem:s20] =	stream.linear.scatter [tilespmem:s8], [sflag:$0x3], $0x1000, $0x38;
	[tilespmem:$0x1F800] =	vst v63  }
0x44: {  	_ =	swait.ge [sflag:s9], $0x1000  }
0x45: {  	[sflag:s9] =	ssyncset.done $0x0  }
0x46: {  	s21 =	rddreg [dreg:$0x5];
	[sflag:s9] =	ssyncadd.s32 $0xFFFFF000  }
0x47: {  	[spmem:s21] =	stream.linear.scatter [tilespmem:s8], [sflag:$0x3], $0x1000, $0x38;
	[tilespmem:$0x1F800] =	vst v63  }
0x48: {  	_ =	swait.ge [sflag:s9], $0x1000  }
0x49: {  	[sflag:s9] =	ssyncset.done $0x0  }
0x4a: {  	s22 =	rddreg [dreg:$0x6];
	[sflag:s9] =	ssyncadd.s32 $0xFFFFF000  }
0x4b: {  	[spmem:s22] =	stream.linear.scatter [tilespmem:s8], [sflag:$0x3], $0x1000, $0x38;
	[tilespmem:$0x1F800] =	vst v63  }
0x4c: {  	_ =	swait.ge [sflag:s9], $0x1000  }
0x4d: {  	[sflag:s9] =	ssyncset.done $0x0  }
0x4e: {  	s23 =	rddreg [dreg:$0x7];
	[sflag:s9] =	ssyncadd.s32 $0xFFFFF000  }
0x4f: {  	[spmem:s23] =	stream.linear.scatter [tilespmem:s8], [sflag:$0x3], $0x1000, $0x38;
	[tilespmem:$0x1F800] =	vst v63  }
0x50: {  	_ =	swait.ge [sflag:s9], $0x1000  }
0x51: {  	[sflag:s9] =	ssyncset.done $0x0  }
0x52: {  	s18 =	rddreg [dreg:$0x8];
	[sflag:s9] =	ssyncadd.s32 $0xFFFFF000  }
0x53: {  	[spmem:s18] =	stream.linear.scatter [tilespmem:s8], [sflag:$0x3], $0x1000, $0x38;
	[tilespmem:$0x1F800] =	vst v63  }
0x54: {  	_ =	swait.ge [sflag:s9], $0x1000  }
0x55: {  	[sflag:s9] =	ssyncset.done $0x0  }
0x56: {  	s19 =	rddreg [dreg:$0x9];
	[sflag:s9] =	ssyncadd.s32 $0xFFFFF000  }
0x57: {  	[spmem:s19] =	stream.linear.scatter [tilespmem:s8], [sflag:$0x3], $0x1000, $0x38;
	[tilespmem:$0x1F800] =	vst v63  }
0x58: {  	_ =	swait.ge [sflag:s9], $0x1000  }
0x59: {  	[sflag:s9] =	ssyncset.done $0x0  }
0x5a: {  	s20 =	rddreg [dreg:$0xa];
	[sflag:s9] =	ssyncadd.s32 $0xFFFFF000  }
0x5b: {  	[spmem:s20] =	stream.linear.scatter [tilespmem:s8], [sflag:$0x3], $0x1000, $0x38;
	[tilespmem:$0x1F800] =	vst v63  }
0x5c: {  	_ =	swait.ge [sflag:s9], $0x1000  }
0x5d: {  	[sflag:s9] =	ssyncset.done $0x0  }
0x5e: {  	s21 =	rddreg [dreg:$0xb];
	[sflag:s9] =	ssyncadd.s32 $0xFFFFF000  }
0x5f: {  	[spmem:s21] =	stream.linear.scatter [tilespmem:s8], [sflag:$0x3], $0x1000, $0x38;
	[tilespmem:$0x1F800] =	vst v63  }
0x60: {  	_ =	swait.ge [sflag:s9], $0x1000  }
0x61: {  	[sflag:s9] =	ssyncset.done $0x0  }
0x62: {  	s22 =	rddreg [dreg:$0x12];
	[sflag:s9] =	ssyncadd.s32 $0xFFFFF000  }
0x63: {  	[spmem:s22] =	stream.linear.scatter [tilespmem:s8], [sflag:$0x3], $0x1000, $0x38;
	[tilespmem:$0x1F800] =	vst v63  }
0x64: {  	_ =	swait.ge [sflag:s9], $0x1000  }
0x65: {  	[sflag:s9] =	ssyncset.done $0x0  }
0x66: {  	[sflag:s9] =	ssyncadd.s32 $0xFFFFF000  }
0x67: {  	[spmem:s26] =	stream.linear.scatter [tilespmem:s8], [sflag:$0x3], $0x1000, $0x38;
	[tilespmem:$0x1F800] =	vst v63  }
0x68: {  	_ =	swait.ge [sflag:s9], $0x1000  }
0x69: {  	[sflag:s9] =	ssyncset.done $0x0  }
0x6a: {  	[sflag:s9] =	ssyncadd.s32 $0xFFFFF000  }
0x6b: {  	[spmem:s28] =	stream.linear.scatter [tilespmem:s8], [sflag:$0x3], $0x1000, $0x38;
	[tilespmem:$0x1F800] =	vst v63  }
0x6c: {  	_ =	swait.ge [sflag:s9], $0x1000  }
0x6d: {  	[sflag:s9] =	ssyncset.done $0x0  }
0x6e: {  	[sflag:s9] =	ssyncadd.s32 $0xFFFFF000  }
0x6f: {  	[spmem:s29] =	stream.linear.scatter [tilespmem:s8], [sflag:$0x3], $0x1000, $0x38;
	[tilespmem:$0x1F800] =	vst v63  }
0x70: {  	_ =	swait.ge [sflag:s9], $0x1000  }
0x71: {  	[sflag:s9] =	ssyncset.done $0x0  }
0x72: {  	[sflag:s9] =	ssyncadd.s32 $0xFFFFF000  }
0x73: {  	[spmem:s30] =	stream.linear.scatter [tilespmem:s8], [sflag:$0x3], $0x1000, $0x38;
	[tilespmem:$0x1F800] =	vst v63  }
0x74: {  	_ =	swait.ge [sflag:s9], $0x1000  }
0x75: {  	[sflag:s9] =	ssyncset.done $0x0  }
0x76: {  	[sflag:s9] =	ssyncadd.s32 $0xFFFFF000  }
0x77: {  	[spmem:s31] =	stream.linear.scatter [tilespmem:s8], [sflag:$0x3], $0x1000, $0x38;
	[tilespmem:$0x1F800] =	vst v63  }
0x78: {  	_ =	swait.ge [sflag:s9], $0x1000  }
0x79: {  	[sflag:s9] =	ssyncset.done $0x0  }
0x7a: {  	[sflag:s9] =	ssyncadd.s32 $0xFFFFF000  }
0x7b: {  	[spmem:s0] =	stream.linear.scatter [tilespmem:s8], [sflag:$0x3], $0x1000, $0x38;
	[tilespmem:$0x1F800] =	vst v63  }
0x7c: {  	_ =	swait.ge [sflag:s9], $0x1000  }
0x7d: {  	[sflag:s9] =	ssyncset.done $0x0  }
0x7e: {  	[sflag:s9] =	ssyncadd.s32 $0xFFFFF000  }
0x7f: {  	[spmem:s1] =	stream.linear.scatter [tilespmem:s8], [sflag:$0x3], $0x1000, $0x38;
	[tilespmem:$0x1F800] =	vst v63  }
0x80: {  	_ =	swait.ge [sflag:s9], $0x1000  }
0x81: {  	[sflag:s9] =	ssyncset.done $0x0  }
0x82: {  	[sflag:s9] =	ssyncadd.s32 $0xFFFFF000  }
0x83: {  	[spmem:s6] =	stream.linear.scatter [tilespmem:s8], [sflag:$0x3], $0x1000, $0x38;
	[tilespmem:$0x1F800] =	vst v63  }
0x84: {  	_ =	swait.ge [sflag:s9], $0x1000  }
0x85: {  	[sflag:s9] =	ssyncset.done $0x0  }
0x86: {  	[sflag:s9] =	ssyncadd.s32 $0xFFFFF000  }
0x87: {  	[spmem:s7] =	stream.linear.scatter [tilespmem:s8], [sflag:$0x3], $0x1000, $0x38;
	[tilespmem:$0x1F800] =	vst v63  }
0x88: {  	_ =	swait.ge [sflag:s9], $0x1000  }
0x89: {  	s15 =	simm.s32 $0x0;
	[sflag:s9] =	ssyncset.done $0x0  }
0x8a: {  	s19 =	simm.s32 $0x400;
	s18 =	rddreg [dreg:$0xc];
	[sflag:s9] =	ssyncadd.s32 $0xFFFFF000  }
0x8b: {  	[tilespmem:s19], [sflag:$0x3] =	stream.linear.gather [hbm4b:s18+s15], $0x50, $0x38;
	[tilespmem:$0x1F800] =	vst v63  }
0x8c: {  	_ =	swait.ge [sflag:s9], $0x50  }
0x8d: {  	[sflag:s9] =	ssyncset.done $0x0  }
0x8e: {  	s23 =	rddreg [dreg:$0xd];
	[sflag:s9] =	ssyncadd.s32 $0xFFFFFFB0  }
0x8f: {  	[tilespmem:s15], [sflag:$0x3] =	stream.linear.gather [hbm4b:s23+s15], $0x50, $0x38;
	[tilespmem:$0x1F800] =	vst v63  }
0x90: {  	_ =	swait.ge [sflag:s9], $0x50  }
0x91: {  	[sflag:s9] =	ssyncset.done $0x0  }
0x92: {  	s20 =	simm.s32 $0x480;
	s19 =	rddreg [dreg:$0xe];
	[sflag:s9] =	ssyncadd.s32 $0xFFFFFFB0  }
0x93: {  	[tilespmem:s20], [sflag:$0x3] =	stream.linear.gather [hbm4b:s19+s15], $0x50, $0x38;
	[tilespmem:$0x1F800] =	vst v63  }
0x94: {  	_ =	swait.ge [sflag:s9], $0x50  }
0x95: {  	[sflag:s9] =	ssyncset.done $0x0  }
0x96: {  	s21 =	rddreg [dreg:$0xf];
	[sflag:s9] =	ssyncadd.s32 $0xFFFFFFB0  }
0x97: {  	[tilespmem:s10], [sflag:$0x3] =	stream.linear.gather [hbm4b:s21+s15], $0x50, $0x38;
	[tilespmem:$0x1F800] =	vst v63  }
0x98: {  	_ =	swait.ge [sflag:s9], $0x50  }
0x99: {  	[sflag:s9] =	ssyncset.done $0x0  }
0x9a: {  	s23 =	simm.s32 $0x500;
	s22 =	rddreg [dreg:$0x10];
	[sflag:s9] =	ssyncadd.s32 $0xFFFFFFB0  }
0x9b: {  	[tilespmem:s23], [sflag:$0x3] =	stream.linear.gather [hbm4b:s22+s15], $0x50, $0x38;
	[tilespmem:$0x1F800] =	vst v63  }
0x9c: {  	_ =	swait.ge [sflag:s9], $0x50  }
0x9d: {  	[sflag:s9] =	ssyncset.done $0x0  }
0x9e: {  	s21 =	simm.s32 $0x100;
	s20 =	rddreg [dreg:$0x11];
	[sflag:s9] =	ssyncadd.s32 $0xFFFFFFB0  }
0x9f: {  	[tilespmem:s21], [sflag:$0x3] =	stream.linear.gather [hbm4b:s20+s15], $0x50, $0x38;
	[tilespmem:$0x1F800] =	vst v63  }
0xa0: {  	_ =	swait.ge [sflag:s9], $0x50  }
0xa1: {  	[sflag:s9] =	ssyncset.done $0x0  }
.Ltmp3:
0xa2: {  	[sflag:s9] =	ssyncadd.s32 $0xFFFFFFB0;
	(pc) =	sbr.rel .LBB2_4-.Ltmp3, $4  }
0xa3: {  	s22 =	simm.s32 $0x800;
	[bflag:$0x0] =	sbarrier.arrive $0xFFFF  }
0xa4: {  	[tilespmem:s22], [sflag:$0x1] =	stream.indirect.gather [hbm4b:s4+s11], $0x80, s15, s11, $0xb8;
	[tilespmem:$0x1F800] =	vst v63  }
0xa5: {  	s23 =	simm.s32 $0x3000;
	s21 =	smov.u32 s17;
	s22 =	smov.u32 s16  }
0xa6: {  	[tilespmem:s23], [sflag:$0x1] =	stream.indirect.gather [hbm4b:s4+s11], $0x80, s10, s11, $0xb8;
	[tilespmem:$0x1F800] =	vst v63  }
.LBB2_5:
0xa7: {  	s19 =	sadd.s32 $0x201, s18  }
0xa8: {  	s19 =	sshrl.u32 s19, $0xA  }
0xa9: {  	s19 =	sand.u32 $0x3F, s19  }
0xaa: {  	s19 =	smul.u32 $0x6, s19;
	_ =	sdelay $0x1  }
0xab: {  	s19 =	ssub.s32 s15, s19  }
0xac: {  	s19 =	sadd.s32 $0x3, s19  }
0xad: {  	s19 =	sand.u32 $0xFF, s19  }
0xae: {  	s19 =	sshll.u32 s19, $0x7  }
0xaf: {  	s20 =	sadd.s32 $0x400, s19  }
0xb0: {  	[tilespmem:s20], [sflag:$0x3] =	stream.linear.gather [hbm4b:s22+s3], $0x50, $0x38;
	[tilespmem:$0x1F800] =	vst v63  }
0xb1: {  	_ =	swait.ge [sflag:s9], $0x50  }
0xb2: {  	[sflag:s9] =	ssyncset.done $0x0  }
0xb3: {  	[sflag:s9] =	ssyncadd.s32 $0xFFFFFFB0  }
0xb4: {  	[tilespmem:s19], [sflag:$0x3] =	stream.linear.gather [hbm4b:s21+s3], $0x50, $0x38;
	[tilespmem:$0x1F800] =	vst v63  }
0xb5: {  	_ =	swait.ge [sflag:s9], $0x50  }
0xb6: {  	[sflag:s9] =	ssyncset.done $0x0  }
0xb7: {  	[sflag:s9] =	ssyncadd.s32 $0xFFFFFFB0  }
.LBB2_7:
0xb8: {  	s19 =	sadd.s32 $0x156, s18  }
0xb9: {  	s19 =	sshrl.u32 s19, $0xA  }
0xba: {  	s20 =	sadd.s32 $0x2, s15;
	s19 =	sand.u32 $0x3F, s19  }
0xbb: {  	s23 =	sand.u32 $0x3, s20;
	s19 =	smul.u32 $0x6, s19  }
0xbc: {  	s23 =	smul.u32 $0xA000, s23  }
0xbd: {  	s19 =	ssub.s32 s20, s19  }
0xbe: {  	s23 =	sshrl.u32 s23, $0x2;
	s19 =	sand.u32 $0xFF, s19  }
0xbf: {  	s20 =	sadd.s32 $0x800, s23;
	s19 =	sshll.u32 s19, $0x7  }
0xc0: {  	[tilespmem:s20], [sflag:$0x1] =	stream.indirect.gather [hbm4b:s4+s11], $0x80, s19, s11, $0xb8;
	[tilespmem:$0x1F800] =	vst v63  }
.LBB2_8:
0xc1: {  	s18 =	sshrl.u32 s18, $0xA  }
0xc2: {  	s18 =	sand.u32 $0x3F, s18  }
0xc3: {  	s18 =	smul.u32 $0x6, s18;
	_ =	sdelay $0x1  }
0xc4: {  	s19 =	sand.u32 $0x3, s15;
	s18 =	ssub.s32 s15, s18;
	s15 =	sadd.s32 $0x1, s15  }
0xc5: {  	s19 =	smul.u32 $0xA000, s19;
	p0 =	sne.s32 s15, $0x7D  }
.Ltmp4:
0xc6: {  	_ =	swait.ge [sflag:s12], $0x2800;
	(pc) =	sbr.rel @!p0 .LBB2_9-.Ltmp4, $4  }
0xc7: {  	s21 =	sadd.s32 $0xA, s21;
	s22 =	sadd.s32 $0xA, s22;
	s18 =	sand.u32 $0xFF, s18  }
0xc8: {  	[sflag:s12] =	ssyncset.done $0x0;
	s19 =	sshrl.u32 s19, $0x2;
	s18 =	sshll.u32 s18, $0x7  }
0xc9: {  	[sflag:s12] =	ssyncadd.s32 $0xFFFFD800;
	s19 =	sadd.s32 $0x800, s19;
	s18 =	sadd.s32 $0x400, s18  }
0xca: {  	[spmem:s2] =	stream.indirect.scatter.add.f32 [tilespmem:s19], [sflag:$0x2], $0x80, s18, s11, $0xb8;
	[tilespmem:$0x1F800] =	vst v63  }
.LBB2_4:
0xcb: {  	p0 =	slt.u32 s15, $0x2  }
0xcc: {  	p1 =	sgt.u32 @!p0 s15, $0x79  }
0xcd: {  	p1 =	por p0, !p1  }
.Ltmp5:
0xce: {  	_ = 	snop;
	(pc) =	sbr.rel @p1 .LBB2_5-.Ltmp5, $4  }
0xcf: {  	s19 =	simm.s32 @!p0 $0x2  }
0xd0: {  	_ =	swait.ge @!p0 [sflag:s19], $0x2800  }
0xd1: {  	s18 =	smul.u32 $0xAB, s15;
	[sflag:s19] =	ssyncset.done @!p0 $0x0  }
0xd2: {  	[sflag:s19] =	ssyncadd.s32 @!p0 $0xFFFFD800  }
0xd3: {  	p0 =	sne.s32 s15, $0x7A  }
.Ltmp6:
0xd4: {  	_ = 	snop;
	(pc) =	sbr.rel @p0 .LBB2_8-.Ltmp6, $4  }
.Ltmp7:
0xd5: {  	_ = 	snop;
	(pc) =	sbr.rel @!p0 .LBB2_7-.Ltmp7, $4  }
0xd6: {  	_ = 	snop  }
0xd7: {  	_ = 	snop  }
0xd8: {  	_ = 	snop  }
0xd9: {  	_ = 	snop  }
.LBB2_10:
0xda: {  	_ =	sfence.sel $0x180000  }
0xdb: {  	[bflag:$0x0] =	sbarrier.arrive $0xFFFF  }
0xdc: {  	_ =	strace $0x9000004A  }
0xdd: {  	s0 =	stileid.u32;
	[bflag:$0x2] =	sbarrier.arrive $0xFFFF  }
0xde: {  	p0 =	sne.s32 s0, $0x0;
	s0 =	rddreg [dreg:$0x2]  }
0xdf: {  	s0 =	sadd.s32 @!p0 $0x100000, s0  }
0xe0: {  	[sflag:s0] =	ssyncadd.tile.s32 @!p0 $0x1;
	_ =	shalt  }
.Lfunc_end2:
_tile_overlayer_lowered:
.L_overlay_start_2:
0xe1: {  	(tag) =	ssettag $0x2  }
0xe2: {  	s0 =	rddreg [dreg:$0x0];
	s2 =	stileid.u32  }
0xe3: {  	s1 =	rddreg [dreg:$0x1];
	p0 =	sne.s32 s2, $0x0  }
0xe4: {  	s3 =	rddreg [dreg:$0x2];
	[bflag:$0x3] =	sbarrier.arrive $0xFFFF;
	s2 =	simm.s32 @!p0 $0x1C03  }
0xe5: {  	[timem:s3], [sflag:s2] =	dma.local @!p0 [hbm:s0], s1  }
0xe6: {  	s0 =	simm.s32 @!p0 $0x3  }
0xe7: {  	_ =	swait.ge @!p0 [sflag:s0], s1  }
0xe8: {  	s1 =	ssub.s32 @!p0 $0x0, s1;
	[sflag:s0] =	ssyncset.done @!p0 $0x0  }
0xe9: {  	[sflag:s0] =	ssyncadd.s32 @!p0 s1  }
0xea: {  	[bflag:$0x3] =	sbarrier.arrive $0xFFFF  }
0xeb: {  	_ =	shalt  }

// kernel: kernel.16.cloned.1.call-start
scs
__scs_entry_jumppad:
0x0: {  	(pc) =	sbr.rel $0x88, $3  }
0x1: {  	(tag) =	ssettag $0x0;
	lr =	simm.s32 $0x1  }
0x2: {  	[smem:$0x3F94] =	sst lr;
	_ =	strace $0xD0000000  }
0x3: {  	_ = 	snop  }
0x4: {  	_ = 	snop  }
0x5: {  	_ = 	snop  }
0x6: {  	_ = 	snop  }
0x7: {  	_ = 	snop  }
__scs_overlays_trampoline_lowered:
0x8: {  	[smem:$0x3FA3] =	sst s0  }
0x9: {  	[smem:$0x3FA4] =	sst s1  }
0xa: {  	[smem:$0x3FA5] =	sst s2  }
0xb: {  	[smem:$0x3FA6] =	sst s3  }
0xc: {  	[smem:$0x3FA7] =	sst s4  }
0xd: {  	[smem:$0x3FA8] =	sst s5  }
0xe: {  	[smem:$0x3FA9] =	sst s6  }
0xf: {  	[smem:$0x3FAA] =	sst s7  }
0x10: {  	[smem:$0x3FAB] =	sst s8  }
0x11: {  	[smem:$0x3FAC] =	sst s9;
	s0 =	simm.s32 @!p0 $0x0  }
0x12: {  	s1 =	sld [smem:$0x3F92];
	s0 =	simm.s32 @p0 $0x1  }
0x13: {  	[smem:$0x3FAD] =	sst s0;
	s0 =	simm.s32 @!p1 $0x0  }
0x14: {  	s2 =	sld [smem:$0x3F91];
	s0 =	simm.s32 @p1 $0x1  }
0x15: {  	[smem:$0x3FAE] =	sst s0;
	s0 =	simm.s32 @!p2 $0x0  }
0x16: {  	s3 =	sld [smem:$0x3FDB];
	s0 =	simm.s32 @p2 $0x1  }
0x17: {  	s4 =	simm.s32 $0x1BF5;
	[smem:$0x3FB0] =	sst s0  }
0x18: {  	s0 =	sld [smem:$0x3F93];
	_ =	swait.ge [sflag:s4], $0x0  }
0x19: {  	s7 =	sld [smem:$0x3F94]  }
0x1a: {  	s8 =	sadd.s32 $0xFFFFE003, lr  }
0x1b: {  	s9 =	sadd.s32 $0xFFFFFEF7, lr;
	s5 =	simm.s32 $0xFFFFFFFF;
	p2 =	slt.u32 s8, $0xFFFFF086  }
0x1c: {  	p1 =	slt.u32 s9, $0xF7A;
	s5 =	simm.s32 @!p2 $0x0  }
0x1d: {  	s5 =	simm.s32 @p1 $0x1;
	p0 =	seq.s32 s7, s2  }
0x1e: {  	s7 =	smul.u32 @!p0 $0xF7A, s2;
	p2 =	seq.s32 @!p0 s5, $0x0  }
0x1f: {  	s9 =	smul.u32 $0xF7A, s1;
	s8 =	simm.s32 @!p0 $0x1BF5;
	p2 =	por !p2, p0  }
0x20: {  	[sflag:s8] =	ssyncset.s32 @!p0 $0xFFFFF086;
	s6 =	sadd.s32 @!p0 s3, s7;
	s7 =	simm.s32 @!p0 $0x108  }
0x21: {  	s3 =	sadd.s32 s3, s9;
	s6 =	sadd.s32 @!p0 $0x88, s6;
	s7 =	simm.s32 @p2 $0x1082  }
0x22: {  	[simem:s7], [sflag:s8] =	dma.local @!p0 [hbm:s6], $0xF7A  }
0x23: {  	s9 =	sor.u32 $0xD0000000, s2;
	s6 =	simm.s32 $0x108;
	_ =	swait.ge @!p0 [sflag:s8], $0x0  }
0x24: {  	s3 =	sadd.s32 $0x88, s3;
	s6 =	simm.s32 @!p1 $0x1082;
	[sflag:s4] =	ssyncset.s32 $0xFFFFF086  }
0x25: {  	[simem:s6], [sflag:s4] =	dma.local [hbm:s3], $0xF7A  }
0x26: {  	[smem:$0x3F94] =	sst s1;
	(tag) =	ssettag s2;
	_ =	strace s9  }
0x27: {  	s1 =	sld [smem:$0x3FA4]  }
0x28: {  	s2 =	sld [smem:$0x3FA5]  }
0x29: {  	s4 =	sld [smem:$0x3FA7]  }
0x2a: {  	p0 =	seq.s32 s5, $0x0;
	s5 =	sld [smem:$0x3FA8]  }
0x2b: {  	s6 =	sld [smem:$0x3FA9]  }
0x2c: {  	s7 =	sld [smem:$0x3FAA]  }
0x2d: {  	s3 =	simm.s32 $0x108;
	s8 =	sld [smem:$0x3FAB]  }
0x2e: {  	s3 =	simm.s32 @!p0 $0x1082;
	s9 =	sld [smem:$0x3FAC]  }
0x2f: {  	lr =	sadd.s32 s0, s3;
	s0 =	sld [smem:$0x3FA3]  }
0x30: {  	s3 =	sld [smem:$0x3FA6]  }
0x31: {  	[smem:$0x3FAF] =	sst s10  }
0x32: {  	s10 =	sld [smem:$0x3FAD];
	_ =	sdelay $0x3  }
0x33: {  	p0 =	seq.s32 s10, $0x1;
	s10 =	sld [smem:$0x3FAF];
	_ =	sdelay $0x3  }
0x34: {  	[smem:$0x3FAF] =	sst s10  }
0x35: {  	s10 =	sld [smem:$0x3FAE];
	_ =	sdelay $0x3  }
0x36: {  	p1 =	seq.s32 s10, $0x1;
	s10 =	sld [smem:$0x3FAF];
	_ =	sdelay $0x3  }
0x37: {  	[smem:$0x3FAF] =	sst s10  }
0x38: {  	s10 =	sld [smem:$0x3FB0]  }
0x39: {  	_ = 	snop;
	(pc) =	sbr.ind lr, $3  }
0x3a: {  	_ = 	snop  }
0x3b: {  	_ = 	snop  }
0x3c: {  	p2 =	seq.s32 s10, $0x1;
	s10 =	sld [smem:$0x3FAF]  }
0x3d: {  	_ =	shalt  }
0x3e: {  	_ =	shalt  }
0x3f: {  	_ =	shalt  }
0x40: {  	_ =	shalt  }
0x41: {  	_ =	shalt  }
0x42: {  	_ =	shalt  }
0x43: {  	_ =	shalt  }
0x44: {  	_ =	shalt  }
0x45: {  	_ =	shalt  }
0x46: {  	_ =	shalt  }
0x47: {  	_ =	shalt  }
0x48: {  	_ =	shalt  }
0x49: {  	_ =	shalt  }
0x4a: {  	_ =	shalt  }
0x4b: {  	_ =	shalt  }
0x4c: {  	_ =	shalt  }
0x4d: {  	_ =	shalt  }
0x4e: {  	_ =	shalt  }
0x4f: {  	_ =	shalt  }
0x50: {  	_ =	shalt  }
0x51: {  	_ =	shalt  }
0x52: {  	_ =	shalt  }
0x53: {  	_ =	shalt  }
0x54: {  	_ =	shalt  }
0x55: {  	_ =	shalt  }
0x56: {  	_ =	shalt  }
0x57: {  	_ =	shalt  }
0x58: {  	_ =	shalt  }
0x59: {  	_ =	shalt  }
0x5a: {  	_ =	shalt  }
0x5b: {  	_ =	shalt  }
0x5c: {  	_ =	shalt  }
0x5d: {  	_ =	shalt  }
0x5e: {  	_ =	shalt  }
0x5f: {  	_ =	shalt  }
0x60: {  	_ =	shalt  }
0x61: {  	_ =	shalt  }
0x62: {  	_ =	shalt  }
0x63: {  	_ =	shalt  }
0x64: {  	_ =	shalt  }
0x65: {  	_ =	shalt  }
0x66: {  	_ =	shalt  }
0x67: {  	_ =	shalt  }
0x68: {  	_ =	shalt  }
0x69: {  	_ =	shalt  }
0x6a: {  	_ =	shalt  }
0x6b: {  	_ =	shalt  }
0x6c: {  	_ =	shalt  }
0x6d: {  	_ =	shalt  }
0x6e: {  	_ =	shalt  }
0x6f: {  	_ =	shalt  }
0x70: {  	_ =	shalt  }
0x71: {  	_ =	shalt  }
0x72: {  	_ =	shalt  }
0x73: {  	_ =	shalt  }
0x74: {  	_ =	shalt  }
0x75: {  	_ =	shalt  }
0x76: {  	_ =	shalt  }
0x77: {  	_ =	shalt  }
0x78: {  	_ =	shalt  }
0x79: {  	_ =	shalt  }
0x7a: {  	_ =	shalt  }
0x7b: {  	_ =	shalt  }
0x7c: {  	_ =	shalt  }
0x7d: {  	_ =	shalt  }
0x7e: {  	_ =	shalt  }
0x7f: {  	_ =	shalt  }
0x80: {  	_ =	shalt  }
0x81: {  	_ =	shalt  }
0x82: {  	_ =	shalt  }
0x83: {  	_ =	shalt  }
0x84: {  	_ =	shalt  }
0x85: {  	_ =	shalt  }
0x86: {  	_ =	shalt  }
0x87: {  	_ =	shalt  }
.Lfunc_end0:
.L_simem_size_0:
called_computation.2_lowered:
.L_overlay_start_0:
0x88: {  	s2 =	sld [smem:$0x3FD9]  }
0x89: {  	s3 =	sld [smem:$0x3FFE];
	_ =	sdelay $0x1  }
0x8a: {  	s1 =	srdreg.scid  }
0x8b: {  	s0 =	sand.u32 $0x1, s1  }
0x8c: {  	s16 =	sshll.u32 s0, $0xA;
	s2 =	sadd.s32 s3, s2  }
0x8d: {  	s2 =	sadd.s32 s2, s16  }
0x8e: {  	[smem:$0x3FBB] =	sst s2  }
0x8f: {  	_ = 	snop  }
0x90: {  	(tm) =	ssettm $0x1  }
0x91: {  	s17 =	sld [smem:$0x3FFB];
	_ =	sdelay $0x3  }
0x92: {  	_ =	strace s17  }
0x93: {  	s2 =	sld [smem:$0x3FFC];
	_ =	sdelay $0x3  }
0x94: {  	_ =	strace s2  }
0x95: {  	s2 =	sld [smem:$0x3FFD];
	_ =	sdelay $0x3  }
0x96: {  	_ =	strace s2  }
0x97: {  	_ =	strace $0x8FFFFFFF  }
0x98: {  	s18 =	sld [smem:$0x3FDB];
	_ =	sdelay $0x1  }
0x99: {  	s19 =	simm.s32 $_scs_section_size  }
0x9a: {  	s4 =	simm.s32 $_size__tile_overlayer_lowered;
	s5 =	simm.s32 $_tile_overlayer_lowered  }
0x9b: {  	s22 =	simm.s32 $0x1BFF;
	s21 =	sshll.u32 s5, $0x1;
	s2 =	sadd.s32 s19, s18  }
0x9c: {  	s6 =	simm.s32 $0x0;
	s20 =	sshll.u32 s4, $0x1;
	s4 =	sadd.s32 s21, s2  }
0x9d: {  	[timem:s6], [sflag:s22] =	dma.local [hbm:s4], s20  }
0x9e: {  	_ =	swait.ge [sflag:s22], s20  }
0x9f: {  	s3 =	ssub.s32 $0x0, s20;
	[sflag:s22] =	ssyncset.done $0x0  }
0xa0: {  	[sflag:s22] =	ssyncadd.s32 s3;
	_ =	sdelay $0x1  }
0xa1: {  	s23 =	simm.s32 $0x1B8B  }
0xa2: {  	_ =	swait.ge [sflag:s23], $0x1  }
0xa3: {  	[sflag:s23] =	ssyncset.done $0x0  }
0xa4: {  	s25 =	simm.s32 $0x1B8E;
	s24 =	sld [smem:$0x3FFE];
	[sflag:s23] =	ssyncadd.s32 $0xFFFFFFFF  }
0xa5: {  	s26 =	simm.s32 $execute0_lowered;
	[smem:$0x3FD2] =	sst s25  }
0xa6: {  	s4 =	sshll.u32 s26, $0x1;
	_ =	strace $0x8000004C;
	[dreg:$0x1] =	wrdreg $0xFFFFFFFF  }
0xa7: {  	s28 =	simm.s32 $_size_execute0_lowered;
	s2 =	sadd.s32 s2, s4;
	[dreg:$0x0] =	wrdreg $0x0  }
0xa8: {  	s4 =	sshll.u32 s28, $0x1;
	[dreg:$0x2] =	wrdreg s2  }
0xa9: {  	[dreg:$0x3] =	wrdreg s4  }
0xaa: {  	[dreg:$0x4] =	wrdreg $0xC0  }
0xab: {  	_ =	task [dreg:s6], $0x5FFFF  }
0xac: {  	[dreg:$0x1] =	wrdreg $0xFFFFFFFF  }
0xad: {  	[dreg:$0x0] =	wrdreg $0x60  }
0xae: {  	[dreg:$0x2] =	wrdreg s24  }
0xaf: {  	[dreg:$0x3] =	wrdreg $0xB8000  }
0xb0: {  	[dreg:$0x4] =	wrdreg $0x9  }
0xb1: {  	_ =	task.clear_ibuf [dreg:s6], $0x5FFFF;
	_ =	strace $0x9000004C  }
0xb2: {  	s29 =	simm.s32 $0x9;
	_ =	strace $0x8000004E  }
0xb3: {  	_ =	swait.ge [sflag:s29], $0x1  }
0xb4: {  	[sflag:s29] =	ssyncadd.s32 $0xFFFFFFFF  }
0xb5: {  	_ =	strace $0x9000004E  }
0xb6: {  	_ =	sfence  }
0xb7: {  	s30 =	sld [smem:$0x0];
	_ =	sdelay $0x2  }
0xb8: {  	s31 =	sshll.u32 s1, $0xD;
	s1 =	sshrl.u32 s1, $0x2  }
0xb9: {  	s3 =	sand.u32 $0x4000, s31;
	s1 =	sadd.s32 s1, s30  }
0xba: {  	s0 =	sor.u32 s3, s0;
	s1 =	sshll.u32 s1, $0x11  }
0xbb: {  	s0 =	sor.u32 s1, s0  }
0xbc: {  	s0 =	sadd.s32 $0x8F2B, s0  }
0xbd: {  	[sflag:s0] =	ssyncadd.remote.s32 $0x1  }
0xbe: {  	_ =	sfence.sel $0xFFFF  }
0xbf: {  	[dreg:$0x0] =	wrdreg $0xFFFFFFFF;
	(pc) =	sbr.abs _section_cstart, $3  }
0xc0: {  	[dreg:$0x1] =	wrdreg $0xFFFFFFFF  }
0xc1: {  	_ =	task.clear_ibuf [dreg:s6], $0x2FFFF;
	_ =	strace $0x9FFFFFFF  }
0xc2: {  	(tm) =	ssettm $0x7FFFFFFF  }
0xc3: {  	_ =	shalt  }
tec
execute0_lowered:
.L_overlay_start_1:
0x0: {  	(tag) =	ssettag $0x1  }
0x1: {  	s0 =	rddreg [dreg:$0x0]  }
0x2: {  	s1 =	srdreg.scid;
	s11 =	stileid.u32  }
0x3: {  	s2 =	rddreg [dreg:$0x1];
	s5 =	smul.u32 $0x14000, s11  }
0x4: {  	s3 =	simm.s32 $0x0;
	s1 =	sand.u32 $0x1, s1;
	s8 =	smul.u32 $0x50000, s11  }
0x5: {  	[smem:$0x7FF] =	sst s3;
	s6 =	sadd.s32 $0xCA00, s0;
	s19 =	smul.u32 $0x2710, s11  }
0x6: {  	s7 =	sadd.s32 $0x2C00, s0;
	s4 =	smul.u32 $0x140000, s1;
	_ =	strace $0x8000004D  }
0x7: {  	s24 =	ssub.s32 $0x2, s1;
	s10 =	sshll.u32 s1, $0x4;
	s1 =	smul.u32 $0x27100, s1  }
0x8: {  	s9 =	sshrl.u32 s24, $0x1;
	s8 =	sshrl.u32 s8, $0x2;
	s4 =	sadd.s32 s5, s4  }
0x9: {  	s10 =	sor.u32 s11, s10;
	s11 =	simm.s32 $0x50;
	s5 =	sshrl.u32 s4, $0x3  }
0xa: {  	s4 =	sadd.s32 $0x16800, s0;
	s0 =	sadd.s32 s5, s0;
	s5 =	sadd.s32 s8, s2  }
0xb: {  	s9 =	ssub.s32 s24, s9;
	s25 =	smul.u32 $0x2710, s10;
	s26 =	sadd.s32 $0x1000, s5  }
0xc: {  	s1 =	sadd.s32 s19, s1;
	s12 =	sadd.s32 $0x2000, s5;
	[dreg:$0x3] =	wrdreg s26  }
0xd: {  	s10 =	simm.s32 $0x80;
	s13 =	sadd.s32 $0x3000, s5;
	[dreg:$0x4] =	wrdreg s12  }
0xe: {  	s1 =	sadd.s32 $0xF0, s1;
	s14 =	sadd.s32 $0x4000, s5;
	[dreg:$0x5] =	wrdreg s13  }
0xf: {  	s8 =	sshrl.u32 s25, $0x3;
	s15 =	sadd.s32 $0x5000, s5;
	[dreg:$0x6] =	wrdreg s14  }
0x10: {  	s1 =	sshrl.u32 s1, $0x3;
	s16 =	sadd.s32 $0x6000, s5;
	[dreg:$0x7] =	wrdreg s15  }
0x11: {  	s17 =	sadd.s32 $0x7000, s5;
	s18 =	sadd.s32 $0x8000, s5;
	[dreg:$0x8] =	wrdreg s16  }
0x12: {  	s20 =	sadd.s32 $0x9000, s5;
	s21 =	sadd.s32 s7, s8;
	[dreg:$0x9] =	wrdreg s17  }
0x13: {  	s22 =	sadd.s32 $0xA, s8;
	s28 =	sadd.s32 $0xC000, s5;
	[dreg:$0xa] =	wrdreg s18  }
0x14: {  	s29 =	sadd.s32 $0xD000, s5;
	s30 =	sadd.s32 $0xE000, s5;
	[dreg:$0xb] =	wrdreg s20  }
0x15: {  	s31 =	sadd.s32 $0xF000, s5;
	[dreg:$0xc] =	wrdreg s21;
	s12 =	sadd.s32 s6, s8  }
0x16: {  	s23 =	sadd.s32 s7, s22;
	s24 =	sadd.s32 s6, s22;
	s8 =	sadd.s32 $0x14, s8  }
0x17: {  	s17 =	sadd.s32 s1, s6;
	s16 =	sadd.s32 s1, s7;
	[dreg:$0xd] =	wrdreg s12  }
0x18: {  	s26 =	sadd.s32 $0xA000, s5;
	s1 =	sadd.s32 $0x11000, s5;
	[dreg:$0xe] =	wrdreg s23  }
0x19: {  	s13 =	simm.s32 $0x2;
	s14 =	simm.s32 $0x0;
	[dreg:$0xf] =	wrdreg s24  }
.Ltmp0:
0x1a: {  	s25 =	sadd.s32 s7, s8;
	s8 =	sadd.s32 s6, s8;
	(pc) =	sbr.rel .LBB2_1-.Ltmp0, $4  }
0x1b: {  	[dreg:$0x12] =	wrdreg s26;
	s24 =	sadd.s32 $0x3DA00, s0;
	s26 =	sadd.s32 $0xB000, s5  }
0x1c: {  	s0 =	sadd.s32 $0x10000, s5;
	s6 =	sadd.s32 $0x12000, s5;
	[dreg:$0x10] =	wrdreg s25  }
0x1d: {  	s7 =	sadd.s32 $0x13000, s5;
	s12 =	simm.s32 $0x1;
	[dreg:$0x11] =	wrdreg s8  }
0x1e: {  	v0 =	vimm.f32 $0.0e+00;
	s25 =	smax.u32 s9, $0x1;
	s8 =	simm.s32 $0xA800;
	s9 =	simm.s32 $0x3  }
.LBB2_9:
0x1f: {  	_ =	swait.ge [sflag:s13], $0x2800  }
0x20: {  	[sflag:s13] =	ssyncset.done $0x0  }
0x21: {  	[sflag:s13] =	ssyncadd.s32 $0xFFFFD800  }
0x22: {  	s15 =	stileid.u32;
	_ =	swait.ge [sflag:s13], $0x2800  }
0x23: {  	s18 =	sshrl.u32 s5, $0x3;
	s14 =	sadd.s32 $0x1, s14;
	[sflag:s13] =	ssyncset.done $0x0  }
0x24: {  	s15 =	sshll.u32 s15, $0x6;
	p0 =	sne.s32 s14, s25;
	[sflag:s13] =	ssyncadd.s32 $0xFFFFD800  }
.Ltmp1:
0x25: {  	s15 =	sor.u32 $0x1C03, s15;
	[bflag:$0x0] =	sbarrier.arrive $0xFFFF;
	(pc) =	sbr.rel @!p0 .LBB2_10-.Ltmp1, $4  }
0x26: {  	[hbm:s24], [sflag:s15] =	dma.local [spmem:s18], $0x2800  }
0x27: {  	_ =	swait.ge [sflag:s9], $0x2800  }
0x28: {  	[sflag:s9] =	ssyncset.done $0x0  }
0x29: {  	[sflag:s9] =	ssyncadd.s32 $0xFFFFD800  }
.LBB2_1:
0x2a: {  	s15 =	simm.s32 $0x0;
	s18 =	simm.s32 $0x200  }
.LBB2_2:
0x2b: {  	p0 =	sne.s32 s18, $0x3E00;
	[tilespmem:s15+$0xA870] =	vst v0  }
0x2c: {  	[tilespmem:s15+$0xA800] =	vst v0  }
0x2d: {  	[tilespmem:s15+$0xA810] =	vst v0  }
.Ltmp2:
0x2e: {  	[tilespmem:s15+$0xA820] =	vst v0;
	(pc) =	sbr.rel @p0 .LBB2_2-.Ltmp2, $4  }
0x2f: {  	[tilespmem:s15+$0xA830] =	vst v0  }
0x30: {  	[tilespmem:s15+$0xA840] =	vst v0  }
0x31: {  	[tilespmem:s15+$0xA850] =	vst v0  }
0x32: {  	[tilespmem:s15+$0xA860] =	vst v0;
	s15 =	sshra.s32 s18, $0x2;
	s18 =	sadd.s32 $0x200, s18  }
0x33: {  	[tilespmem:s15+$0xA870] =	vst v0  }
0x34: {  	[tilespmem:s15+$0xA800] =	vst v0  }
0x35: {  	[tilespmem:s15+$0xA810] =	vst v0  }
0x36: {  	[tilespmem:s15+$0xA820] =	vst v0  }
0x37: {  	[tilespmem:s15+$0xA830] =	vst v0  }
0x38: {  	[tilespmem:s15+$0xA840] =	vst v0  }
0x39: {  	[tilespmem:s15+$0xA850] =	vst v0  }
0x3a: {  	[tilespmem:s15+$0xA860] =	vst v0  }
0x3b: {  	[spmem:s5] =	stream.linear.scatter [tilespmem:s8], [sflag:$0x3], $0x1000, $0x38;
	[tilespmem:$0x1F800] =	vst v63  }
0x3c: {  	_ =	swait.ge [sflag:s9], $0x1000  }
0x3d: {  	[sflag:s9] =	ssyncset.done $0x0  }
0x3e: {  	s19 =	rddreg [dreg:$0x3];
	[sflag:s9] =	ssyncadd.s32 $0xFFFFF000  }
0x3f: {  	[spmem:s19] =	stream.linear.scatter [tilespmem:s8], [sflag:$0x3], $0x1000, $0x38;
	[tilespmem:$0x1F800] =	vst v63  }
0x40: {  	_ =	swait.ge [sflag:s9], $0x1000  }
0x41: {  	[sflag:s9] =	ssyncset.done $0x0  }
0x42: {  	s20 =	rddreg [dreg:$0x4];
	[sflag:s9] =	ssyncadd.s32 $0xFFFFF000  }
0x43: {  	[spmem:s20] =	stream.linear.scatter [tilespmem:s8], [sflag:$0x3], $0x1000, $0x38;
	[tilespmem:$0x1F800] =	vst v63  }
0x44: {  	_ =	swait.ge [sflag:s9], $0x1000  }
0x45: {  	[sflag:s9] =	ssyncset.done $0x0  }
0x46: {  	s21 =	rddreg [dreg:$0x5];
	[sflag:s9] =	ssyncadd.s32 $0xFFFFF000  }
0x47: {  	[spmem:s21] =	stream.linear.scatter [tilespmem:s8], [sflag:$0x3], $0x1000, $0x38;
	[tilespmem:$0x1F800] =	vst v63  }
0x48: {  	_ =	swait.ge [sflag:s9], $0x1000  }
0x49: {  	[sflag:s9] =	ssyncset.done $0x0  }
0x4a: {  	s22 =	rddreg [dreg:$0x6];
	[sflag:s9] =	ssyncadd.s32 $0xFFFFF000  }
0x4b: {  	[spmem:s22] =	stream.linear.scatter [tilespmem:s8], [sflag:$0x3], $0x1000, $0x38;
	[tilespmem:$0x1F800] =	vst v63  }
0x4c: {  	_ =	swait.ge [sflag:s9], $0x1000  }
0x4d: {  	[sflag:s9] =	ssyncset.done $0x0  }
0x4e: {  	s23 =	rddreg [dreg:$0x7];
	[sflag:s9] =	ssyncadd.s32 $0xFFFFF000  }
0x4f: {  	[spmem:s23] =	stream.linear.scatter [tilespmem:s8], [sflag:$0x3], $0x1000, $0x38;
	[tilespmem:$0x1F800] =	vst v63  }
0x50: {  	_ =	swait.ge [sflag:s9], $0x1000  }
0x51: {  	[sflag:s9] =	ssyncset.done $0x0  }
0x52: {  	s18 =	rddreg [dreg:$0x8];
	[sflag:s9] =	ssyncadd.s32 $0xFFFFF000  }
0x53: {  	[spmem:s18] =	stream.linear.scatter [tilespmem:s8], [sflag:$0x3], $0x1000, $0x38;
	[tilespmem:$0x1F800] =	vst v63  }
0x54: {  	_ =	swait.ge [sflag:s9], $0x1000  }
0x55: {  	[sflag:s9] =	ssyncset.done $0x0  }
0x56: {  	s19 =	rddreg [dreg:$0x9];
	[sflag:s9] =	ssyncadd.s32 $0xFFFFF000  }
0x57: {  	[spmem:s19] =	stream.linear.scatter [tilespmem:s8], [sflag:$0x3], $0x1000, $0x38;
	[tilespmem:$0x1F800] =	vst v63  }
0x58: {  	_ =	swait.ge [sflag:s9], $0x1000  }
0x59: {  	[sflag:s9] =	ssyncset.done $0x0  }
0x5a: {  	s20 =	rddreg [dreg:$0xa];
	[sflag:s9] =	ssyncadd.s32 $0xFFFFF000  }
0x5b: {  	[spmem:s20] =	stream.linear.scatter [tilespmem:s8], [sflag:$0x3], $0x1000, $0x38;
	[tilespmem:$0x1F800] =	vst v63  }
0x5c: {  	_ =	swait.ge [sflag:s9], $0x1000  }
0x5d: {  	[sflag:s9] =	ssyncset.done $0x0  }
0x5e: {  	s21 =	rddreg [dreg:$0xb];
	[sflag:s9] =	ssyncadd.s32 $0xFFFFF000  }
0x5f: {  	[spmem:s21] =	stream.linear.scatter [tilespmem:s8], [sflag:$0x3], $0x1000, $0x38;
	[tilespmem:$0x1F800] =	vst v63  }
0x60: {  	_ =	swait.ge [sflag:s9], $0x1000  }
0x61: {  	[sflag:s9] =	ssyncset.done $0x0  }
0x62: {  	s22 =	rddreg [dreg:$0x12];
	[sflag:s9] =	ssyncadd.s32 $0xFFFFF000  }
0x63: {  	[spmem:s22] =	stream.linear.scatter [tilespmem:s8], [sflag:$0x3], $0x1000, $0x38;
	[tilespmem:$0x1F800] =	vst v63  }
0x64: {  	_ =	swait.ge [sflag:s9], $0x1000  }
0x65: {  	[sflag:s9] =	ssyncset.done $0x0  }
0x66: {  	[sflag:s9] =	ssyncadd.s32 $0xFFFFF000  }
0x67: {  	[spmem:s26] =	stream.linear.scatter [tilespmem:s8], [sflag:$0x3], $0x1000, $0x38;
	[tilespmem:$0x1F800] =	vst v63  }
0x68: {  	_ =	swait.ge [sflag:s9], $0x1000  }
0x69: {  	[sflag:s9] =	ssyncset.done $0x0  }
0x6a: {  	[sflag:s9] =	ssyncadd.s32 $0xFFFFF000  }
0x6b: {  	[spmem:s28] =	stream.linear.scatter [tilespmem:s8], [sflag:$0x3], $0x1000, $0x38;
	[tilespmem:$0x1F800] =	vst v63  }
0x6c: {  	_ =	swait.ge [sflag:s9], $0x1000  }
0x6d: {  	[sflag:s9] =	ssyncset.done $0x0  }
0x6e: {  	[sflag:s9] =	ssyncadd.s32 $0xFFFFF000  }
0x6f: {  	[spmem:s29] =	stream.linear.scatter [tilespmem:s8], [sflag:$0x3], $0x1000, $0x38;
	[tilespmem:$0x1F800] =	vst v63  }
0x70: {  	_ =	swait.ge [sflag:s9], $0x1000  }
0x71: {  	[sflag:s9] =	ssyncset.done $0x0  }
0x72: {  	[sflag:s9] =	ssyncadd.s32 $0xFFFFF000  }
0x73: {  	[spmem:s30] =	stream.linear.scatter [tilespmem:s8], [sflag:$0x3], $0x1000, $0x38;
	[tilespmem:$0x1F800] =	vst v63  }
0x74: {  	_ =	swait.ge [sflag:s9], $0x1000  }
0x75: {  	[sflag:s9] =	ssyncset.done $0x0  }
0x76: {  	[sflag:s9] =	ssyncadd.s32 $0xFFFFF000  }
0x77: {  	[spmem:s31] =	stream.linear.scatter [tilespmem:s8], [sflag:$0x3], $0x1000, $0x38;
	[tilespmem:$0x1F800] =	vst v63  }
0x78: {  	_ =	swait.ge [sflag:s9], $0x1000  }
0x79: {  	[sflag:s9] =	ssyncset.done $0x0  }
0x7a: {  	[sflag:s9] =	ssyncadd.s32 $0xFFFFF000  }
0x7b: {  	[spmem:s0] =	stream.linear.scatter [tilespmem:s8], [sflag:$0x3], $0x1000, $0x38;
	[tilespmem:$0x1F800] =	vst v63  }
0x7c: {  	_ =	swait.ge [sflag:s9], $0x1000  }
0x7d: {  	[sflag:s9] =	ssyncset.done $0x0  }
0x7e: {  	[sflag:s9] =	ssyncadd.s32 $0xFFFFF000  }
0x7f: {  	[spmem:s1] =	stream.linear.scatter [tilespmem:s8], [sflag:$0x3], $0x1000, $0x38;
	[tilespmem:$0x1F800] =	vst v63  }
0x80: {  	_ =	swait.ge [sflag:s9], $0x1000  }
0x81: {  	[sflag:s9] =	ssyncset.done $0x0  }
0x82: {  	[sflag:s9] =	ssyncadd.s32 $0xFFFFF000  }
0x83: {  	[spmem:s6] =	stream.linear.scatter [tilespmem:s8], [sflag:$0x3], $0x1000, $0x38;
	[tilespmem:$0x1F800] =	vst v63  }
0x84: {  	_ =	swait.ge [sflag:s9], $0x1000  }
0x85: {  	[sflag:s9] =	ssyncset.done $0x0  }
0x86: {  	[sflag:s9] =	ssyncadd.s32 $0xFFFFF000  }
0x87: {  	[spmem:s7] =	stream.linear.scatter [tilespmem:s8], [sflag:$0x3], $0x1000, $0x38;
	[tilespmem:$0x1F800] =	vst v63  }
0x88: {  	_ =	swait.ge [sflag:s9], $0x1000  }
0x89: {  	s15 =	simm.s32 $0x0;
	[sflag:s9] =	ssyncset.done $0x0  }
0x8a: {  	s19 =	simm.s32 $0x400;
	s18 =	rddreg [dreg:$0xc];
	[sflag:s9] =	ssyncadd.s32 $0xFFFFF000  }
0x8b: {  	[tilespmem:s19], [sflag:$0x3] =	stream.linear.gather [hbm4b:s18+s15], $0x50, $0x38;
	[tilespmem:$0x1F800] =	vst v63  }
0x8c: {  	_ =	swait.ge [sflag:s9], $0x50  }
0x8d: {  	[sflag:s9] =	ssyncset.done $0x0  }
0x8e: {  	s23 =	rddreg [dreg:$0xd];
	[sflag:s9] =	ssyncadd.s32 $0xFFFFFFB0  }
0x8f: {  	[tilespmem:s15], [sflag:$0x3] =	stream.linear.gather [hbm4b:s23+s15], $0x50, $0x38;
	[tilespmem:$0x1F800] =	vst v63  }
0x90: {  	_ =	swait.ge [sflag:s9], $0x50  }
0x91: {  	[sflag:s9] =	ssyncset.done $0x0  }
0x92: {  	s20 =	simm.s32 $0x480;
	s19 =	rddreg [dreg:$0xe];
	[sflag:s9] =	ssyncadd.s32 $0xFFFFFFB0  }
0x93: {  	[tilespmem:s20], [sflag:$0x3] =	stream.linear.gather [hbm4b:s19+s15], $0x50, $0x38;
	[tilespmem:$0x1F800] =	vst v63  }
0x94: {  	_ =	swait.ge [sflag:s9], $0x50  }
0x95: {  	[sflag:s9] =	ssyncset.done $0x0  }
0x96: {  	s21 =	rddreg [dreg:$0xf];
	[sflag:s9] =	ssyncadd.s32 $0xFFFFFFB0  }
0x97: {  	[tilespmem:s10], [sflag:$0x3] =	stream.linear.gather [hbm4b:s21+s15], $0x50, $0x38;
	[tilespmem:$0x1F800] =	vst v63  }
0x98: {  	_ =	swait.ge [sflag:s9], $0x50  }
0x99: {  	[sflag:s9] =	ssyncset.done $0x0  }
0x9a: {  	s23 =	simm.s32 $0x500;
	s22 =	rddreg [dreg:$0x10];
	[sflag:s9] =	ssyncadd.s32 $0xFFFFFFB0  }
0x9b: {  	[tilespmem:s23], [sflag:$0x3] =	stream.linear.gather [hbm4b:s22+s15], $0x50, $0x38;
	[tilespmem:$0x1F800] =	vst v63  }
0x9c: {  	_ =	swait.ge [sflag:s9], $0x50  }
0x9d: {  	[sflag:s9] =	ssyncset.done $0x0  }
0x9e: {  	s21 =	simm.s32 $0x100;
	s20 =	rddreg [dreg:$0x11];
	[sflag:s9] =	ssyncadd.s32 $0xFFFFFFB0  }
0x9f: {  	[tilespmem:s21], [sflag:$0x3] =	stream.linear.gather [hbm4b:s20+s15], $0x50, $0x38;
	[tilespmem:$0x1F800] =	vst v63  }
0xa0: {  	_ =	swait.ge [sflag:s9], $0x50  }
0xa1: {  	[sflag:s9] =	ssyncset.done $0x0  }
.Ltmp3:
0xa2: {  	[sflag:s9] =	ssyncadd.s32 $0xFFFFFFB0;
	(pc) =	sbr.rel .LBB2_4-.Ltmp3, $4  }
0xa3: {  	s22 =	simm.s32 $0x800;
	[bflag:$0x0] =	sbarrier.arrive $0xFFFF  }
0xa4: {  	[tilespmem:s22], [sflag:$0x1] =	stream.indirect.gather [hbm4b:s4+s11], $0x80, s15, s11, $0xb8;
	[tilespmem:$0x1F800] =	vst v63  }
0xa5: {  	s23 =	simm.s32 $0x3000;
	s21 =	smov.u32 s17;
	s22 =	smov.u32 s16  }
0xa6: {  	[tilespmem:s23], [sflag:$0x1] =	stream.indirect.gather [hbm4b:s4+s11], $0x80, s10, s11, $0xb8;
	[tilespmem:$0x1F800] =	vst v63  }
.LBB2_5:
0xa7: {  	s19 =	sadd.s32 $0x201, s18  }
0xa8: {  	s19 =	sshrl.u32 s19, $0xA  }
0xa9: {  	s19 =	sand.u32 $0x3F, s19  }
0xaa: {  	s19 =	smul.u32 $0x6, s19;
	_ =	sdelay $0x1  }
0xab: {  	s19 =	ssub.s32 s15, s19  }
0xac: {  	s19 =	sadd.s32 $0x3, s19  }
0xad: {  	s19 =	sand.u32 $0xFF, s19  }
0xae: {  	s19 =	sshll.u32 s19, $0x7  }
0xaf: {  	s20 =	sadd.s32 $0x400, s19  }
0xb0: {  	[tilespmem:s20], [sflag:$0x3] =	stream.linear.gather [hbm4b:s22+s3], $0x50, $0x38;
	[tilespmem:$0x1F800] =	vst v63  }
0xb1: {  	_ =	swait.ge [sflag:s9], $0x50  }
0xb2: {  	[sflag:s9] =	ssyncset.done $0x0  }
0xb3: {  	[sflag:s9] =	ssyncadd.s32 $0xFFFFFFB0  }
0xb4: {  	[tilespmem:s19], [sflag:$0x3] =	stream.linear.gather [hbm4b:s21+s3], $0x50, $0x38;
	[tilespmem:$0x1F800] =	vst v63  }
0xb5: {  	_ =	swait.ge [sflag:s9], $0x50  }
0xb6: {  	[sflag:s9] =	ssyncset.done $0x0  }
0xb7: {  	[sflag:s9] =	ssyncadd.s32 $0xFFFFFFB0  }
.LBB2_7:
0xb8: {  	s19 =	sadd.s32 $0x156, s18  }
0xb9: {  	s19 =	sshrl.u32 s19, $0xA  }
0xba: {  	s20 =	sadd.s32 $0x2, s15;
	s19 =	sand.u32 $0x3F, s19  }
0xbb: {  	s23 =	sand.u32 $0x3, s20;
	s19 =	smul.u32 $0x6, s19  }
0xbc: {  	s23 =	smul.u32 $0xA000, s23  }
0xbd: {  	s19 =	ssub.s32 s20, s19  }
0xbe: {  	s23 =	sshrl.u32 s23, $0x2;
	s19 =	sand.u32 $0xFF, s19  }
0xbf: {  	s20 =	sadd.s32 $0x800, s23;
	s19 =	sshll.u32 s19, $0x7  }
0xc0: {  	[tilespmem:s20], [sflag:$0x1] =	stream.indirect.gather [hbm4b:s4+s11], $0x80, s19, s11, $0xb8;
	[tilespmem:$0x1F800] =	vst v63  }
.LBB2_8:
0xc1: {  	s18 =	sshrl.u32 s18, $0xA  }
0xc2: {  	s18 =	sand.u32 $0x3F, s18  }
0xc3: {  	s18 =	smul.u32 $0x6, s18;
	_ =	sdelay $0x1  }
0xc4: {  	s19 =	sand.u32 $0x3, s15;
	s18 =	ssub.s32 s15, s18;
	s15 =	sadd.s32 $0x1, s15  }
0xc5: {  	s19 =	smul.u32 $0xA000, s19;
	p0 =	sne.s32 s15, $0x7D  }
.Ltmp4:
0xc6: {  	_ =	swait.ge [sflag:s12], $0x2800;
	(pc) =	sbr.rel @!p0 .LBB2_9-.Ltmp4, $4  }
0xc7: {  	s21 =	sadd.s32 $0xA, s21;
	s22 =	sadd.s32 $0xA, s22;
	s18 =	sand.u32 $0xFF, s18  }
0xc8: {  	[sflag:s12] =	ssyncset.done $0x0;
	s19 =	sshrl.u32 s19, $0x2;
	s18 =	sshll.u32 s18, $0x7  }
0xc9: {  	[sflag:s12] =	ssyncadd.s32 $0xFFFFD800;
	s19 =	sadd.s32 $0x800, s19;
	s18 =	sadd.s32 $0x400, s18  }
0xca: {  	[spmem:s2] =	stream.indirect.scatter.add.f32 [tilespmem:s19], [sflag:$0x2], $0x80, s18, s11, $0xb8;
	[tilespmem:$0x1F800] =	vst v63  }
.LBB2_4:
0xcb: {  	p0 =	slt.u32 s15, $0x2  }
0xcc: {  	p1 =	sgt.u32 @!p0 s15, $0x79  }
0xcd: {  	p1 =	por p0, !p1  }
.Ltmp5:
0xce: {  	_ = 	snop;
	(pc) =	sbr.rel @p1 .LBB2_5-.Ltmp5, $4  }
0xcf: {  	s19 =	simm.s32 @!p0 $0x2  }
0xd0: {  	_ =	swait.ge @!p0 [sflag:s19], $0x2800  }
0xd1: {  	s18 =	smul.u32 $0xAB, s15;
	[sflag:s19] =	ssyncset.done @!p0 $0x0  }
0xd2: {  	[sflag:s19] =	ssyncadd.s32 @!p0 $0xFFFFD800  }
0xd3: {  	p0 =	sne.s32 s15, $0x7A  }
.Ltmp6:
0xd4: {  	_ = 	snop;
	(pc) =	sbr.rel @p0 .LBB2_8-.Ltmp6, $4  }
.Ltmp7:
0xd5: {  	_ = 	snop;
	(pc) =	sbr.rel @!p0 .LBB2_7-.Ltmp7, $4  }
0xd6: {  	_ = 	snop  }
0xd7: {  	_ = 	snop  }
0xd8: {  	_ = 	snop  }
0xd9: {  	_ = 	snop  }
.LBB2_10:
0xda: {  	_ =	sfence.sel $0x180000  }
0xdb: {  	[bflag:$0x0] =	sbarrier.arrive $0xFFFF  }
0xdc: {  	_ =	strace $0x9000004D  }
0xdd: {  	s0 =	stileid.u32;
	[bflag:$0x2] =	sbarrier.arrive $0xFFFF  }
0xde: {  	p0 =	sne.s32 s0, $0x0;
	s0 =	rddreg [dreg:$0x2]  }
0xdf: {  	s0 =	sadd.s32 @!p0 $0x100000, s0  }
0xe0: {  	[sflag:s0] =	ssyncadd.tile.s32 @!p0 $0x1;
	_ =	shalt  }
.Lfunc_end2:
_tile_overlayer_lowered:
.L_overlay_start_2:
0xe1: {  	(tag) =	ssettag $0x2  }
0xe2: {  	s0 =	rddreg [dreg:$0x0];
	s2 =	stileid.u32  }
0xe3: {  	s1 =	rddreg [dreg:$0x1];
	p0 =	sne.s32 s2, $0x0  }
0xe4: {  	s3 =	rddreg [dreg:$0x2];
	[bflag:$0x3] =	sbarrier.arrive $0xFFFF;
	s2 =	simm.s32 @!p0 $0x1C03  }
0xe5: {  	[timem:s3], [sflag:s2] =	dma.local @!p0 [hbm:s0], s1  }
0xe6: {  	s0 =	simm.s32 @!p0 $0x3  }
0xe7: {  	_ =	swait.ge @!p0 [sflag:s0], s1  }
0xe8: {  	s1 =	ssub.s32 @!p0 $0x0, s1;
	[sflag:s0] =	ssyncset.done @!p0 $0x0  }
0xe9: {  	[sflag:s0] =	ssyncadd.s32 @!p0 s1  }
0xea: {  	[bflag:$0x3] =	sbarrier.arrive $0xFFFF  }
0xeb: {  	_ =	shalt  }

// kernel: kernel.19.cloned.1.call-start
scs
__scs_entry_jumppad:
0x0: {  	(pc) =	sbr.rel $0x88, $3  }
0x1: {  	(tag) =	ssettag $0x0;
	lr =	simm.s32 $0x1  }
0x2: {  	[smem:$0x3F94] =	sst lr;
	_ =	strace $0xD0000000  }
0x3: {  	_ = 	snop  }
0x4: {  	_ = 	snop  }
0x5: {  	_ = 	snop  }
0x6: {  	_ = 	snop  }
0x7: {  	_ = 	snop  }
__scs_overlays_trampoline_lowered:
0x8: {  	[smem:$0x3FA3] =	sst s0  }
0x9: {  	[smem:$0x3FA4] =	sst s1  }
0xa: {  	[smem:$0x3FA5] =	sst s2  }
0xb: {  	[smem:$0x3FA6] =	sst s3  }
0xc: {  	[smem:$0x3FA7] =	sst s4  }
0xd: {  	[smem:$0x3FA8] =	sst s5  }
0xe: {  	[smem:$0x3FA9] =	sst s6  }
0xf: {  	[smem:$0x3FAA] =	sst s7  }
0x10: {  	[smem:$0x3FAB] =	sst s8  }
0x11: {  	[smem:$0x3FAC] =	sst s9;
	s0 =	simm.s32 @!p0 $0x0  }
0x12: {  	s1 =	sld [smem:$0x3F92];
	s0 =	simm.s32 @p0 $0x1  }
0x13: {  	[smem:$0x3FAD] =	sst s0;
	s0 =	simm.s32 @!p1 $0x0  }
0x14: {  	s2 =	sld [smem:$0x3F91];
	s0 =	simm.s32 @p1 $0x1  }
0x15: {  	[smem:$0x3FAE] =	sst s0;
	s0 =	simm.s32 @!p2 $0x0  }
0x16: {  	s3 =	sld [smem:$0x3FDB];
	s0 =	simm.s32 @p2 $0x1  }
0x17: {  	s4 =	simm.s32 $0x1BF5;
	[smem:$0x3FB0] =	sst s0  }
0x18: {  	s0 =	sld [smem:$0x3F93];
	_ =	swait.ge [sflag:s4], $0x0  }
0x19: {  	s7 =	sld [smem:$0x3F94]  }
0x1a: {  	s8 =	sadd.s32 $0xFFFFE003, lr  }
0x1b: {  	s9 =	sadd.s32 $0xFFFFFEF7, lr;
	s5 =	simm.s32 $0xFFFFFFFF;
	p2 =	slt.u32 s8, $0xFFFFF086  }
0x1c: {  	p1 =	slt.u32 s9, $0xF7A;
	s5 =	simm.s32 @!p2 $0x0  }
0x1d: {  	s5 =	simm.s32 @p1 $0x1;
	p0 =	seq.s32 s7, s2  }
0x1e: {  	s7 =	smul.u32 @!p0 $0xF7A, s2;
	p2 =	seq.s32 @!p0 s5, $0x0  }
0x1f: {  	s9 =	smul.u32 $0xF7A, s1;
	s8 =	simm.s32 @!p0 $0x1BF5;
	p2 =	por !p2, p0  }
0x20: {  	[sflag:s8] =	ssyncset.s32 @!p0 $0xFFFFF086;
	s6 =	sadd.s32 @!p0 s3, s7;
	s7 =	simm.s32 @!p0 $0x108  }
0x21: {  	s3 =	sadd.s32 s3, s9;
	s6 =	sadd.s32 @!p0 $0x88, s6;
	s7 =	simm.s32 @p2 $0x1082  }
0x22: {  	[simem:s7], [sflag:s8] =	dma.local @!p0 [hbm:s6], $0xF7A  }
0x23: {  	s9 =	sor.u32 $0xD0000000, s2;
	s6 =	simm.s32 $0x108;
	_ =	swait.ge @!p0 [sflag:s8], $0x0  }
0x24: {  	s3 =	sadd.s32 $0x88, s3;
	s6 =	simm.s32 @!p1 $0x1082;
	[sflag:s4] =	ssyncset.s32 $0xFFFFF086  }
0x25: {  	[simem:s6], [sflag:s4] =	dma.local [hbm:s3], $0xF7A  }
0x26: {  	[smem:$0x3F94] =	sst s1;
	(tag) =	ssettag s2;
	_ =	strace s9  }
0x27: {  	s1 =	sld [smem:$0x3FA4]  }
0x28: {  	s2 =	sld [smem:$0x3FA5]  }
0x29: {  	s4 =	sld [smem:$0x3FA7]  }
0x2a: {  	p0 =	seq.s32 s5, $0x0;
	s5 =	sld [smem:$0x3FA8]  }
0x2b: {  	s6 =	sld [smem:$0x3FA9]  }
0x2c: {  	s7 =	sld [smem:$0x3FAA]  }
0x2d: {  	s3 =	simm.s32 $0x108;
	s8 =	sld [smem:$0x3FAB]  }
0x2e: {  	s3 =	simm.s32 @!p0 $0x1082;
	s9 =	sld [smem:$0x3FAC]  }
0x2f: {  	lr =	sadd.s32 s0, s3;
	s0 =	sld [smem:$0x3FA3]  }
0x30: {  	s3 =	sld [smem:$0x3FA6]  }
0x31: {  	[smem:$0x3FAF] =	sst s10  }
0x32: {  	s10 =	sld [smem:$0x3FAD];
	_ =	sdelay $0x3  }
0x33: {  	p0 =	seq.s32 s10, $0x1;
	s10 =	sld [smem:$0x3FAF];
	_ =	sdelay $0x3  }
0x34: {  	[smem:$0x3FAF] =	sst s10  }
0x35: {  	s10 =	sld [smem:$0x3FAE];
	_ =	sdelay $0x3  }
0x36: {  	p1 =	seq.s32 s10, $0x1;
	s10 =	sld [smem:$0x3FAF];
	_ =	sdelay $0x3  }
0x37: {  	[smem:$0x3FAF] =	sst s10  }
0x38: {  	s10 =	sld [smem:$0x3FB0]  }
0x39: {  	_ = 	snop;
	(pc) =	sbr.ind lr, $3  }
0x3a: {  	_ = 	snop  }
0x3b: {  	_ = 	snop  }
0x3c: {  	p2 =	seq.s32 s10, $0x1;
	s10 =	sld [smem:$0x3FAF]  }
0x3d: {  	_ =	shalt  }
0x3e: {  	_ =	shalt  }
0x3f: {  	_ =	shalt  }
0x40: {  	_ =	shalt  }
0x41: {  	_ =	shalt  }
0x42: {  	_ =	shalt  }
0x43: {  	_ =	shalt  }
0x44: {  	_ =	shalt  }
0x45: {  	_ =	shalt  }
0x46: {  	_ =	shalt  }
0x47: {  	_ =	shalt  }
0x48: {  	_ =	shalt  }
0x49: {  	_ =	shalt  }
0x4a: {  	_ =	shalt  }
0x4b: {  	_ =	shalt  }
0x4c: {  	_ =	shalt  }
0x4d: {  	_ =	shalt  }
0x4e: {  	_ =	shalt  }
0x4f: {  	_ =	shalt  }
0x50: {  	_ =	shalt  }
0x51: {  	_ =	shalt  }
0x52: {  	_ =	shalt  }
0x53: {  	_ =	shalt  }
0x54: {  	_ =	shalt  }
0x55: {  	_ =	shalt  }
0x56: {  	_ =	shalt  }
0x57: {  	_ =	shalt  }
0x58: {  	_ =	shalt  }
0x59: {  	_ =	shalt  }
0x5a: {  	_ =	shalt  }
0x5b: {  	_ =	shalt  }
0x5c: {  	_ =	shalt  }
0x5d: {  	_ =	shalt  }
0x5e: {  	_ =	shalt  }
0x5f: {  	_ =	shalt  }
0x60: {  	_ =	shalt  }
0x61: {  	_ =	shalt  }
0x62: {  	_ =	shalt  }
0x63: {  	_ =	shalt  }
0x64: {  	_ =	shalt  }
0x65: {  	_ =	shalt  }
0x66: {  	_ =	shalt  }
0x67: {  	_ =	shalt  }
0x68: {  	_ =	shalt  }
0x69: {  	_ =	shalt  }
0x6a: {  	_ =	shalt  }
0x6b: {  	_ =	shalt  }
0x6c: {  	_ =	shalt  }
0x6d: {  	_ =	shalt  }
0x6e: {  	_ =	shalt  }
0x6f: {  	_ =	shalt  }
0x70: {  	_ =	shalt  }
0x71: {  	_ =	shalt  }
0x72: {  	_ =	shalt  }
0x73: {  	_ =	shalt  }
0x74: {  	_ =	shalt  }
0x75: {  	_ =	shalt  }
0x76: {  	_ =	shalt  }
0x77: {  	_ =	shalt  }
0x78: {  	_ =	shalt  }
0x79: {  	_ =	shalt  }
0x7a: {  	_ =	shalt  }
0x7b: {  	_ =	shalt  }
0x7c: {  	_ =	shalt  }
0x7d: {  	_ =	shalt  }
0x7e: {  	_ =	shalt  }
0x7f: {  	_ =	shalt  }
0x80: {  	_ =	shalt  }
0x81: {  	_ =	shalt  }
0x82: {  	_ =	shalt  }
0x83: {  	_ =	shalt  }
0x84: {  	_ =	shalt  }
0x85: {  	_ =	shalt  }
0x86: {  	_ =	shalt  }
0x87: {  	_ =	shalt  }
.Lfunc_end0:
.L_simem_size_0:
called_computation.3_lowered:
.L_overlay_start_0:
0x88: {  	s2 =	sld [smem:$0x3FD9]  }
0x89: {  	s3 =	sld [smem:$0x3FFE];
	_ =	sdelay $0x1  }
0x8a: {  	s1 =	srdreg.scid  }
0x8b: {  	s0 =	sand.u32 $0x1, s1  }
0x8c: {  	s16 =	sshll.u32 s0, $0xA;
	s2 =	sadd.s32 s3, s2  }
0x8d: {  	s2 =	sadd.s32 s2, s16  }
0x8e: {  	[smem:$0x3FBB] =	sst s2  }
0x8f: {  	_ = 	snop  }
0x90: {  	(tm) =	ssettm $0x1  }
0x91: {  	s17 =	sld [smem:$0x3FFB];
	_ =	sdelay $0x3  }
0x92: {  	_ =	strace s17  }
0x93: {  	s2 =	sld [smem:$0x3FFC];
	_ =	sdelay $0x3  }
0x94: {  	_ =	strace s2  }
0x95: {  	s2 =	sld [smem:$0x3FFD];
	_ =	sdelay $0x3  }
0x96: {  	_ =	strace s2  }
0x97: {  	_ =	strace $0x8FFFFFFF  }
0x98: {  	s18 =	sld [smem:$0x3FDB];
	_ =	sdelay $0x1  }
0x99: {  	s19 =	simm.s32 $_scs_section_size  }
0x9a: {  	s4 =	simm.s32 $_size__tile_overlayer_lowered;
	s5 =	simm.s32 $_tile_overlayer_lowered  }
0x9b: {  	s22 =	simm.s32 $0x1BFF;
	s21 =	sshll.u32 s5, $0x1;
	s2 =	sadd.s32 s19, s18  }
0x9c: {  	s6 =	simm.s32 $0x0;
	s20 =	sshll.u32 s4, $0x1;
	s4 =	sadd.s32 s21, s2  }
0x9d: {  	[timem:s6], [sflag:s22] =	dma.local [hbm:s4], s20  }
0x9e: {  	_ =	swait.ge [sflag:s22], s20  }
0x9f: {  	s3 =	ssub.s32 $0x0, s20;
	[sflag:s22] =	ssyncset.done $0x0  }
0xa0: {  	[sflag:s22] =	ssyncadd.s32 s3;
	_ =	sdelay $0x1  }
0xa1: {  	s23 =	simm.s32 $0x1B8B  }
0xa2: {  	_ =	swait.ge [sflag:s23], $0x1  }
0xa3: {  	[sflag:s23] =	ssyncset.done $0x0  }
0xa4: {  	s25 =	simm.s32 $0x1B8E;
	s24 =	sld [smem:$0x3FFE];
	[sflag:s23] =	ssyncadd.s32 $0xFFFFFFFF  }
0xa5: {  	s26 =	simm.s32 $execute0_lowered;
	[smem:$0x3FD2] =	sst s25  }
0xa6: {  	s4 =	sshll.u32 s26, $0x1;
	_ =	strace $0x8000004F;
	[dreg:$0x1] =	wrdreg $0xFFFFFFFF  }
0xa7: {  	s28 =	simm.s32 $_size_execute0_lowered;
	s2 =	sadd.s32 s2, s4;
	[dreg:$0x0] =	wrdreg $0x0  }
0xa8: {  	s4 =	sshll.u32 s28, $0x1;
	[dreg:$0x2] =	wrdreg s2  }
0xa9: {  	[dreg:$0x3] =	wrdreg s4  }
0xaa: {  	[dreg:$0x4] =	wrdreg $0xC0  }
0xab: {  	_ =	task [dreg:s6], $0x5FFFF  }
0xac: {  	[dreg:$0x1] =	wrdreg $0xFFFFFFFF  }
0xad: {  	[dreg:$0x0] =	wrdreg $0x60  }
0xae: {  	[dreg:$0x2] =	wrdreg s24  }
0xaf: {  	[dreg:$0x3] =	wrdreg $0xB8000  }
0xb0: {  	[dreg:$0x4] =	wrdreg $0x9  }
0xb1: {  	_ =	task.clear_ibuf [dreg:s6], $0x5FFFF;
	_ =	strace $0x9000004F  }
0xb2: {  	s29 =	simm.s32 $0x9;
	_ =	strace $0x80000051  }
0xb3: {  	_ =	swait.ge [sflag:s29], $0x1  }
0xb4: {  	[sflag:s29] =	ssyncadd.s32 $0xFFFFFFFF  }
0xb5: {  	_ =	strace $0x90000051  }
0xb6: {  	_ =	sfence  }
0xb7: {  	s30 =	sld [smem:$0x0];
	_ =	sdelay $0x2  }
0xb8: {  	s31 =	sshll.u32 s1, $0xD;
	s1 =	sshrl.u32 s1, $0x2  }
0xb9: {  	s3 =	sand.u32 $0x4000, s31;
	s1 =	sadd.s32 s1, s30  }
0xba: {  	s0 =	sor.u32 s3, s0;
	s1 =	sshll.u32 s1, $0x11  }
0xbb: {  	s0 =	sor.u32 s1, s0  }
0xbc: {  	s0 =	sadd.s32 $0x8F2B, s0  }
0xbd: {  	[sflag:s0] =	ssyncadd.remote.s32 $0x1  }
0xbe: {  	_ =	sfence.sel $0xFFFF  }
0xbf: {  	[dreg:$0x0] =	wrdreg $0xFFFFFFFF;
	(pc) =	sbr.abs _section_cstart, $3  }
0xc0: {  	[dreg:$0x1] =	wrdreg $0xFFFFFFFF  }
0xc1: {  	_ =	task.clear_ibuf [dreg:s6], $0x2FFFF;
	_ =	strace $0x9FFFFFFF  }
0xc2: {  	(tm) =	ssettm $0x7FFFFFFF  }
0xc3: {  	_ =	shalt  }
tec
execute0_lowered:
.L_overlay_start_1:
0x0: {  	(tag) =	ssettag $0x1  }
0x1: {  	s0 =	rddreg [dreg:$0x0]  }
0x2: {  	s1 =	srdreg.scid;
	s11 =	stileid.u32  }
0x3: {  	s2 =	rddreg [dreg:$0x1];
	s5 =	smul.u32 $0x14000, s11  }
0x4: {  	s3 =	simm.s32 $0x0;
	s1 =	sand.u32 $0x1, s1;
	s8 =	smul.u32 $0x50000, s11  }
0x5: {  	[smem:$0x7FF] =	sst s3;
	s6 =	sadd.s32 $0xCA00, s0;
	s19 =	smul.u32 $0x2710, s11  }
0x6: {  	s7 =	sadd.s32 $0x2C00, s0;
	s4 =	smul.u32 $0x140000, s1;
	_ =	strace $0x80000050  }
0x7: {  	s24 =	ssub.s32 $0x2, s1;
	s10 =	sshll.u32 s1, $0x4;
	s1 =	smul.u32 $0x27100, s1  }
0x8: {  	s9 =	sshrl.u32 s24, $0x1;
	s8 =	sshrl.u32 s8, $0x2;
	s4 =	sadd.s32 s5, s4  }
0x9: {  	s10 =	sor.u32 s11, s10;
	s11 =	simm.s32 $0x50;
	s5 =	sshrl.u32 s4, $0x3  }
0xa: {  	s4 =	sadd.s32 $0x16800, s0;
	s0 =	sadd.s32 s5, s0;
	s5 =	sadd.s32 s8, s2  }
0xb: {  	s9 =	ssub.s32 s24, s9;
	s25 =	smul.u32 $0x2710, s10;
	s26 =	sadd.s32 $0x1000, s5  }
0xc: {  	s1 =	sadd.s32 s19, s1;
	s12 =	sadd.s32 $0x2000, s5;
	[dreg:$0x3] =	wrdreg s26  }
0xd: {  	s10 =	simm.s32 $0x80;
	s13 =	sadd.s32 $0x3000, s5;
	[dreg:$0x4] =	wrdreg s12  }
0xe: {  	s1 =	sadd.s32 $0xF0, s1;
	s14 =	sadd.s32 $0x4000, s5;
	[dreg:$0x5] =	wrdreg s13  }
0xf: {  	s8 =	sshrl.u32 s25, $0x3;
	s15 =	sadd.s32 $0x5000, s5;
	[dreg:$0x6] =	wrdreg s14  }
0x10: {  	s1 =	sshrl.u32 s1, $0x3;
	s16 =	sadd.s32 $0x6000, s5;
	[dreg:$0x7] =	wrdreg s15  }
0x11: {  	s17 =	sadd.s32 $0x7000, s5;
	s18 =	sadd.s32 $0x8000, s5;
	[dreg:$0x8] =	wrdreg s16  }
0x12: {  	s20 =	sadd.s32 $0x9000, s5;
	s21 =	sadd.s32 s7, s8;
	[dreg:$0x9] =	wrdreg s17  }
0x13: {  	s22 =	sadd.s32 $0xA, s8;
	s28 =	sadd.s32 $0xC000, s5;
	[dreg:$0xa] =	wrdreg s18  }
0x14: {  	s29 =	sadd.s32 $0xD000, s5;
	s30 =	sadd.s32 $0xE000, s5;
	[dreg:$0xb] =	wrdreg s20  }
0x15: {  	s31 =	sadd.s32 $0xF000, s5;
	[dreg:$0xc] =	wrdreg s21;
	s12 =	sadd.s32 s6, s8  }
0x16: {  	s23 =	sadd.s32 s7, s22;
	s24 =	sadd.s32 s6, s22;
	s8 =	sadd.s32 $0x14, s8  }
0x17: {  	s17 =	sadd.s32 s1, s6;
	s16 =	sadd.s32 s1, s7;
	[dreg:$0xd] =	wrdreg s12  }
0x18: {  	s26 =	sadd.s32 $0xA000, s5;
	s1 =	sadd.s32 $0x11000, s5;
	[dreg:$0xe] =	wrdreg s23  }
0x19: {  	s13 =	simm.s32 $0x2;
	s14 =	simm.s32 $0x0;
	[dreg:$0xf] =	wrdreg s24  }
.Ltmp0:
0x1a: {  	s25 =	sadd.s32 s7, s8;
	s8 =	sadd.s32 s6, s8;
	(pc) =	sbr.rel .LBB2_1-.Ltmp0, $4  }
0x1b: {  	[dreg:$0x12] =	wrdreg s26;
	s24 =	sadd.s32 $0x3DA00, s0;
	s26 =	sadd.s32 $0xB000, s5  }
0x1c: {  	s0 =	sadd.s32 $0x10000, s5;
	s6 =	sadd.s32 $0x12000, s5;
	[dreg:$0x10] =	wrdreg s25  }
0x1d: {  	s7 =	sadd.s32 $0x13000, s5;
	s12 =	simm.s32 $0x1;
	[dreg:$0x11] =	wrdreg s8  }
0x1e: {  	v0 =	vimm.f32 $0.0e+00;
	s25 =	smax.u32 s9, $0x1;
	s8 =	simm.s32 $0xA800;
	s9 =	simm.s32 $0x3  }
.LBB2_9:
0x1f: {  	_ =	swait.ge [sflag:s13], $0x2800  }
0x20: {  	[sflag:s13] =	ssyncset.done $0x0  }
0x21: {  	[sflag:s13] =	ssyncadd.s32 $0xFFFFD800  }
0x22: {  	s15 =	stileid.u32;
	_ =	swait.ge [sflag:s13], $0x2800  }
0x23: {  	s18 =	sshrl.u32 s5, $0x3;
	s14 =	sadd.s32 $0x1, s14;
	[sflag:s13] =	ssyncset.done $0x0  }
0x24: {  	s15 =	sshll.u32 s15, $0x6;
	p0 =	sne.s32 s14, s25;
	[sflag:s13] =	ssyncadd.s32 $0xFFFFD800  }
.Ltmp1:
0x25: {  	s15 =	sor.u32 $0x1C03, s15;
	[bflag:$0x0] =	sbarrier.arrive $0xFFFF;
	(pc) =	sbr.rel @!p0 .LBB2_10-.Ltmp1, $4  }
0x26: {  	[hbm:s24], [sflag:s15] =	dma.local [spmem:s18], $0x2800  }
0x27: {  	_ =	swait.ge [sflag:s9], $0x2800  }
0x28: {  	[sflag:s9] =	ssyncset.done $0x0  }
0x29: {  	[sflag:s9] =	ssyncadd.s32 $0xFFFFD800  }
.LBB2_1:
0x2a: {  	s15 =	simm.s32 $0x0;
	s18 =	simm.s32 $0x200  }
.LBB2_2:
0x2b: {  	p0 =	sne.s32 s18, $0x3E00;
	[tilespmem:s15+$0xA870] =	vst v0  }
0x2c: {  	[tilespmem:s15+$0xA800] =	vst v0  }
0x2d: {  	[tilespmem:s15+$0xA810] =	vst v0  }
.Ltmp2:
0x2e: {  	[tilespmem:s15+$0xA820] =	vst v0;
	(pc) =	sbr.rel @p0 .LBB2_2-.Ltmp2, $4  }
0x2f: {  	[tilespmem:s15+$0xA830] =	vst v0  }
0x30: {  	[tilespmem:s15+$0xA840] =	vst v0  }
0x31: {  	[tilespmem:s15+$0xA850] =	vst v0  }
0x32: {  	[tilespmem:s15+$0xA860] =	vst v0;
	s15 =	sshra.s32 s18, $0x2;
	s18 =	sadd.s32 $0x200, s18  }
0x33: {  	[tilespmem:s15+$0xA870] =	vst v0  }
0x34: {  	[tilespmem:s15+$0xA800] =	vst v0  }
0x35: {  	[tilespmem:s15+$0xA810] =	vst v0  }
0x36: {  	[tilespmem:s15+$0xA820] =	vst v0  }
0x37: {  	[tilespmem:s15+$0xA830] =	vst v0  }
0x38: {  	[tilespmem:s15+$0xA840] =	vst v0  }
0x39: {  	[tilespmem:s15+$0xA850] =	vst v0  }
0x3a: {  	[tilespmem:s15+$0xA860] =	vst v0  }
0x3b: {  	[spmem:s5] =	stream.linear.scatter [tilespmem:s8], [sflag:$0x3], $0x1000, $0x38;
	[tilespmem:$0x1F800] =	vst v63  }
0x3c: {  	_ =	swait.ge [sflag:s9], $0x1000  }
0x3d: {  	[sflag:s9] =	ssyncset.done $0x0  }
0x3e: {  	s19 =	rddreg [dreg:$0x3];
	[sflag:s9] =	ssyncadd.s32 $0xFFFFF000  }
0x3f: {  	[spmem:s19] =	stream.linear.scatter [tilespmem:s8], [sflag:$0x3], $0x1000, $0x38;
	[tilespmem:$0x1F800] =	vst v63  }
0x40: {  	_ =	swait.ge [sflag:s9], $0x1000  }
0x41: {  	[sflag:s9] =	ssyncset.done $0x0  }
0x42: {  	s20 =	rddreg [dreg:$0x4];
	[sflag:s9] =	ssyncadd.s32 $0xFFFFF000  }
0x43: {  	[spmem:s20] =	stream.linear.scatter [tilespmem:s8], [sflag:$0x3], $0x1000, $0x38;
	[tilespmem:$0x1F800] =	vst v63  }
0x44: {  	_ =	swait.ge [sflag:s9], $0x1000  }
0x45: {  	[sflag:s9] =	ssyncset.done $0x0  }
0x46: {  	s21 =	rddreg [dreg:$0x5];
	[sflag:s9] =	ssyncadd.s32 $0xFFFFF000  }
0x47: {  	[spmem:s21] =	stream.linear.scatter [tilespmem:s8], [sflag:$0x3], $0x1000, $0x38;
	[tilespmem:$0x1F800] =	vst v63  }
0x48: {  	_ =	swait.ge [sflag:s9], $0x1000  }
0x49: {  	[sflag:s9] =	ssyncset.done $0x0  }
0x4a: {  	s22 =	rddreg [dreg:$0x6];
	[sflag:s9] =	ssyncadd.s32 $0xFFFFF000  }
0x4b: {  	[spmem:s22] =	stream.linear.scatter [tilespmem:s8], [sflag:$0x3], $0x1000, $0x38;
	[tilespmem:$0x1F800] =	vst v63  }
0x4c: {  	_ =	swait.ge [sflag:s9], $0x1000  }
0x4d: {  	[sflag:s9] =	ssyncset.done $0x0  }
0x4e: {  	s23 =	rddreg [dreg:$0x7];
	[sflag:s9] =	ssyncadd.s32 $0xFFFFF000  }
0x4f: {  	[spmem:s23] =	stream.linear.scatter [tilespmem:s8], [sflag:$0x3], $0x1000, $0x38;
	[tilespmem:$0x1F800] =	vst v63  }
0x50: {  	_ =	swait.ge [sflag:s9], $0x1000  }
0x51: {  	[sflag:s9] =	ssyncset.done $0x0  }
0x52: {  	s18 =	rddreg [dreg:$0x8];
	[sflag:s9] =	ssyncadd.s32 $0xFFFFF000  }
0x53: {  	[spmem:s18] =	stream.linear.scatter [tilespmem:s8], [sflag:$0x3], $0x1000, $0x38;
	[tilespmem:$0x1F800] =	vst v63  }
0x54: {  	_ =	swait.ge [sflag:s9], $0x1000  }
0x55: {  	[sflag:s9] =	ssyncset.done $0x0  }
0x56: {  	s19 =	rddreg [dreg:$0x9];
	[sflag:s9] =	ssyncadd.s32 $0xFFFFF000  }
0x57: {  	[spmem:s19] =	stream.linear.scatter [tilespmem:s8], [sflag:$0x3], $0x1000, $0x38;
	[tilespmem:$0x1F800] =	vst v63  }
0x58: {  	_ =	swait.ge [sflag:s9], $0x1000  }
0x59: {  	[sflag:s9] =	ssyncset.done $0x0  }
0x5a: {  	s20 =	rddreg [dreg:$0xa];
	[sflag:s9] =	ssyncadd.s32 $0xFFFFF000  }
0x5b: {  	[spmem:s20] =	stream.linear.scatter [tilespmem:s8], [sflag:$0x3], $0x1000, $0x38;
	[tilespmem:$0x1F800] =	vst v63  }
0x5c: {  	_ =	swait.ge [sflag:s9], $0x1000  }
0x5d: {  	[sflag:s9] =	ssyncset.done $0x0  }
0x5e: {  	s21 =	rddreg [dreg:$0xb];
	[sflag:s9] =	ssyncadd.s32 $0xFFFFF000  }
0x5f: {  	[spmem:s21] =	stream.linear.scatter [tilespmem:s8], [sflag:$0x3], $0x1000, $0x38;
	[tilespmem:$0x1F800] =	vst v63  }
0x60: {  	_ =	swait.ge [sflag:s9], $0x1000  }
0x61: {  	[sflag:s9] =	ssyncset.done $0x0  }
0x62: {  	s22 =	rddreg [dreg:$0x12];
	[sflag:s9] =	ssyncadd.s32 $0xFFFFF000  }
0x63: {  	[spmem:s22] =	stream.linear.scatter [tilespmem:s8], [sflag:$0x3], $0x1000, $0x38;
	[tilespmem:$0x1F800] =	vst v63  }
0x64: {  	_ =	swait.ge [sflag:s9], $0x1000  }
0x65: {  	[sflag:s9] =	ssyncset.done $0x0  }
0x66: {  	[sflag:s9] =	ssyncadd.s32 $0xFFFFF000  }
0x67: {  	[spmem:s26] =	stream.linear.scatter [tilespmem:s8], [sflag:$0x3], $0x1000, $0x38;
	[tilespmem:$0x1F800] =	vst v63  }
0x68: {  	_ =	swait.ge [sflag:s9], $0x1000  }
0x69: {  	[sflag:s9] =	ssyncset.done $0x0  }
0x6a: {  	[sflag:s9] =	ssyncadd.s32 $0xFFFFF000  }
0x6b: {  	[spmem:s28] =	stream.linear.scatter [tilespmem:s8], [sflag:$0x3], $0x1000, $0x38;
	[tilespmem:$0x1F800] =	vst v63  }
0x6c: {  	_ =	swait.ge [sflag:s9], $0x1000  }
0x6d: {  	[sflag:s9] =	ssyncset.done $0x0  }
0x6e: {  	[sflag:s9] =	ssyncadd.s32 $0xFFFFF000  }
0x6f: {  	[spmem:s29] =	stream.linear.scatter [tilespmem:s8], [sflag:$0x3], $0x1000, $0x38;
	[tilespmem:$0x1F800] =	vst v63  }
0x70: {  	_ =	swait.ge [sflag:s9], $0x1000  }
0x71: {  	[sflag:s9] =	ssyncset.done $0x0  }
0x72: {  	[sflag:s9] =	ssyncadd.s32 $0xFFFFF000  }
0x73: {  	[spmem:s30] =	stream.linear.scatter [tilespmem:s8], [sflag:$0x3], $0x1000, $0x38;
	[tilespmem:$0x1F800] =	vst v63  }
0x74: {  	_ =	swait.ge [sflag:s9], $0x1000  }
0x75: {  	[sflag:s9] =	ssyncset.done $0x0  }
0x76: {  	[sflag:s9] =	ssyncadd.s32 $0xFFFFF000  }
0x77: {  	[spmem:s31] =	stream.linear.scatter [tilespmem:s8], [sflag:$0x3], $0x1000, $0x38;
	[tilespmem:$0x1F800] =	vst v63  }
0x78: {  	_ =	swait.ge [sflag:s9], $0x1000  }
0x79: {  	[sflag:s9] =	ssyncset.done $0x0  }
0x7a: {  	[sflag:s9] =	ssyncadd.s32 $0xFFFFF000  }
0x7b: {  	[spmem:s0] =	stream.linear.scatter [tilespmem:s8], [sflag:$0x3], $0x1000, $0x38;
	[tilespmem:$0x1F800] =	vst v63  }
0x7c: {  	_ =	swait.ge [sflag:s9], $0x1000  }
0x7d: {  	[sflag:s9] =	ssyncset.done $0x0  }
0x7e: {  	[sflag:s9] =	ssyncadd.s32 $0xFFFFF000  }
0x7f: {  	[spmem:s1] =	stream.linear.scatter [tilespmem:s8], [sflag:$0x3], $0x1000, $0x38;
	[tilespmem:$0x1F800] =	vst v63  }
0x80: {  	_ =	swait.ge [sflag:s9], $0x1000  }
0x81: {  	[sflag:s9] =	ssyncset.done $0x0  }
0x82: {  	[sflag:s9] =	ssyncadd.s32 $0xFFFFF000  }
0x83: {  	[spmem:s6] =	stream.linear.scatter [tilespmem:s8], [sflag:$0x3], $0x1000, $0x38;
	[tilespmem:$0x1F800] =	vst v63  }
0x84: {  	_ =	swait.ge [sflag:s9], $0x1000  }
0x85: {  	[sflag:s9] =	ssyncset.done $0x0  }
0x86: {  	[sflag:s9] =	ssyncadd.s32 $0xFFFFF000  }
0x87: {  	[spmem:s7] =	stream.linear.scatter [tilespmem:s8], [sflag:$0x3], $0x1000, $0x38;
	[tilespmem:$0x1F800] =	vst v63  }
0x88: {  	_ =	swait.ge [sflag:s9], $0x1000  }
0x89: {  	s15 =	simm.s32 $0x0;
	[sflag:s9] =	ssyncset.done $0x0  }
0x8a: {  	s19 =	simm.s32 $0x400;
	s18 =	rddreg [dreg:$0xc];
	[sflag:s9] =	ssyncadd.s32 $0xFFFFF000  }
0x8b: {  	[tilespmem:s19], [sflag:$0x3] =	stream.linear.gather [hbm4b:s18+s15], $0x50, $0x38;
	[tilespmem:$0x1F800] =	vst v63  }
0x8c: {  	_ =	swait.ge [sflag:s9], $0x50  }
0x8d: {  	[sflag:s9] =	ssyncset.done $0x0  }
0x8e: {  	s23 =	rddreg [dreg:$0xd];
	[sflag:s9] =	ssyncadd.s32 $0xFFFFFFB0  }
0x8f: {  	[tilespmem:s15], [sflag:$0x3] =	stream.linear.gather [hbm4b:s23+s15], $0x50, $0x38;
	[tilespmem:$0x1F800] =	vst v63  }
0x90: {  	_ =	swait.ge [sflag:s9], $0x50  }
0x91: {  	[sflag:s9] =	ssyncset.done $0x0  }
0x92: {  	s20 =	simm.s32 $0x480;
	s19 =	rddreg [dreg:$0xe];
	[sflag:s9] =	ssyncadd.s32 $0xFFFFFFB0  }
0x93: {  	[tilespmem:s20], [sflag:$0x3] =	stream.linear.gather [hbm4b:s19+s15], $0x50, $0x38;
	[tilespmem:$0x1F800] =	vst v63  }
0x94: {  	_ =	swait.ge [sflag:s9], $0x50  }
0x95: {  	[sflag:s9] =	ssyncset.done $0x0  }
0x96: {  	s21 =	rddreg [dreg:$0xf];
	[sflag:s9] =	ssyncadd.s32 $0xFFFFFFB0  }
0x97: {  	[tilespmem:s10], [sflag:$0x3] =	stream.linear.gather [hbm4b:s21+s15], $0x50, $0x38;
	[tilespmem:$0x1F800] =	vst v63  }
0x98: {  	_ =	swait.ge [sflag:s9], $0x50  }
0x99: {  	[sflag:s9] =	ssyncset.done $0x0  }
0x9a: {  	s23 =	simm.s32 $0x500;
	s22 =	rddreg [dreg:$0x10];
	[sflag:s9] =	ssyncadd.s32 $0xFFFFFFB0  }
0x9b: {  	[tilespmem:s23], [sflag:$0x3] =	stream.linear.gather [hbm4b:s22+s15], $0x50, $0x38;
	[tilespmem:$0x1F800] =	vst v63  }
0x9c: {  	_ =	swait.ge [sflag:s9], $0x50  }
0x9d: {  	[sflag:s9] =	ssyncset.done $0x0  }
0x9e: {  	s21 =	simm.s32 $0x100;
	s20 =	rddreg [dreg:$0x11];
	[sflag:s9] =	ssyncadd.s32 $0xFFFFFFB0  }
0x9f: {  	[tilespmem:s21], [sflag:$0x3] =	stream.linear.gather [hbm4b:s20+s15], $0x50, $0x38;
	[tilespmem:$0x1F800] =	vst v63  }
0xa0: {  	_ =	swait.ge [sflag:s9], $0x50  }
0xa1: {  	[sflag:s9] =	ssyncset.done $0x0  }
.Ltmp3:
0xa2: {  	[sflag:s9] =	ssyncadd.s32 $0xFFFFFFB0;
	(pc) =	sbr.rel .LBB2_4-.Ltmp3, $4  }
0xa3: {  	s22 =	simm.s32 $0x800;
	[bflag:$0x0] =	sbarrier.arrive $0xFFFF  }
0xa4: {  	[tilespmem:s22], [sflag:$0x1] =	stream.indirect.gather [hbm4b:s4+s11], $0x80, s15, s11, $0xb8;
	[tilespmem:$0x1F800] =	vst v63  }
0xa5: {  	s23 =	simm.s32 $0x3000;
	s21 =	smov.u32 s17;
	s22 =	smov.u32 s16  }
0xa6: {  	[tilespmem:s23], [sflag:$0x1] =	stream.indirect.gather [hbm4b:s4+s11], $0x80, s10, s11, $0xb8;
	[tilespmem:$0x1F800] =	vst v63  }
.LBB2_5:
0xa7: {  	s19 =	sadd.s32 $0x201, s18  }
0xa8: {  	s19 =	sshrl.u32 s19, $0xA  }
0xa9: {  	s19 =	sand.u32 $0x3F, s19  }
0xaa: {  	s19 =	smul.u32 $0x6, s19;
	_ =	sdelay $0x1  }
0xab: {  	s19 =	ssub.s32 s15, s19  }
0xac: {  	s19 =	sadd.s32 $0x3, s19  }
0xad: {  	s19 =	sand.u32 $0xFF, s19  }
0xae: {  	s19 =	sshll.u32 s19, $0x7  }
0xaf: {  	s20 =	sadd.s32 $0x400, s19  }
0xb0: {  	[tilespmem:s20], [sflag:$0x3] =	stream.linear.gather [hbm4b:s22+s3], $0x50, $0x38;
	[tilespmem:$0x1F800] =	vst v63  }
0xb1: {  	_ =	swait.ge [sflag:s9], $0x50  }
0xb2: {  	[sflag:s9] =	ssyncset.done $0x0  }
0xb3: {  	[sflag:s9] =	ssyncadd.s32 $0xFFFFFFB0  }
0xb4: {  	[tilespmem:s19], [sflag:$0x3] =	stream.linear.gather [hbm4b:s21+s3], $0x50, $0x38;
	[tilespmem:$0x1F800] =	vst v63  }
0xb5: {  	_ =	swait.ge [sflag:s9], $0x50  }
0xb6: {  	[sflag:s9] =	ssyncset.done $0x0  }
0xb7: {  	[sflag:s9] =	ssyncadd.s32 $0xFFFFFFB0  }
.LBB2_7:
0xb8: {  	s19 =	sadd.s32 $0x156, s18  }
0xb9: {  	s19 =	sshrl.u32 s19, $0xA  }
0xba: {  	s20 =	sadd.s32 $0x2, s15;
	s19 =	sand.u32 $0x3F, s19  }
0xbb: {  	s23 =	sand.u32 $0x3, s20;
	s19 =	smul.u32 $0x6, s19  }
0xbc: {  	s23 =	smul.u32 $0xA000, s23  }
0xbd: {  	s19 =	ssub.s32 s20, s19  }
0xbe: {  	s23 =	sshrl.u32 s23, $0x2;
	s19 =	sand.u32 $0xFF, s19  }
0xbf: {  	s20 =	sadd.s32 $0x800, s23;
	s19 =	sshll.u32 s19, $0x7  }
0xc0: {  	[tilespmem:s20], [sflag:$0x1] =	stream.indirect.gather [hbm4b:s4+s11], $0x80, s19, s11, $0xb8;
	[tilespmem:$0x1F800] =	vst v63  }
.LBB2_8:
0xc1: {  	s18 =	sshrl.u32 s18, $0xA  }
0xc2: {  	s18 =	sand.u32 $0x3F, s18  }
0xc3: {  	s18 =	smul.u32 $0x6, s18;
	_ =	sdelay $0x1  }
0xc4: {  	s19 =	sand.u32 $0x3, s15;
	s18 =	ssub.s32 s15, s18;
	s15 =	sadd.s32 $0x1, s15  }
0xc5: {  	s19 =	smul.u32 $0xA000, s19;
	p0 =	sne.s32 s15, $0x7D  }
.Ltmp4:
0xc6: {  	_ =	swait.ge [sflag:s12], $0x2800;
	(pc) =	sbr.rel @!p0 .LBB2_9-.Ltmp4, $4  }
0xc7: {  	s21 =	sadd.s32 $0xA, s21;
	s22 =	sadd.s32 $0xA, s22;
	s18 =	sand.u32 $0xFF, s18  }
0xc8: {  	[sflag:s12] =	ssyncset.done $0x0;
	s19 =	sshrl.u32 s19, $0x2;
	s18 =	sshll.u32 s18, $0x7  }
0xc9: {  	[sflag:s12] =	ssyncadd.s32 $0xFFFFD800;
	s19 =	sadd.s32 $0x800, s19;
	s18 =	sadd.s32 $0x400, s18  }
0xca: {  	[spmem:s2] =	stream.indirect.scatter.add.f32 [tilespmem:s19], [sflag:$0x2], $0x80, s18, s11, $0xb8;
	[tilespmem:$0x1F800] =	vst v63  }
.LBB2_4:
0xcb: {  	p0 =	slt.u32 s15, $0x2  }
0xcc: {  	p1 =	sgt.u32 @!p0 s15, $0x79  }
0xcd: {  	p1 =	por p0, !p1  }
.Ltmp5:
0xce: {  	_ = 	snop;
	(pc) =	sbr.rel @p1 .LBB2_5-.Ltmp5, $4  }
0xcf: {  	s19 =	simm.s32 @!p0 $0x2  }
0xd0: {  	_ =	swait.ge @!p0 [sflag:s19], $0x2800  }
0xd1: {  	s18 =	smul.u32 $0xAB, s15;
	[sflag:s19] =	ssyncset.done @!p0 $0x0  }
0xd2: {  	[sflag:s19] =	ssyncadd.s32 @!p0 $0xFFFFD800  }
0xd3: {  	p0 =	sne.s32 s15, $0x7A  }
.Ltmp6:
0xd4: {  	_ = 	snop;
	(pc) =	sbr.rel @p0 .LBB2_8-.Ltmp6, $4  }
.Ltmp7:
0xd5: {  	_ = 	snop;
	(pc) =	sbr.rel @!p0 .LBB2_7-.Ltmp7, $4  }
0xd6: {  	_ = 	snop  }
0xd7: {  	_ = 	snop  }
0xd8: {  	_ = 	snop  }
0xd9: {  	_ = 	snop  }
.LBB2_10:
0xda: {  	_ =	sfence.sel $0x180000  }
0xdb: {  	[bflag:$0x0] =	sbarrier.arrive $0xFFFF  }
0xdc: {  	_ =	strace $0x90000050  }
0xdd: {  	s0 =	stileid.u32;
	[bflag:$0x2] =	sbarrier.arrive $0xFFFF  }
0xde: {  	p0 =	sne.s32 s0, $0x0;
	s0 =	rddreg [dreg:$0x2]  }
0xdf: {  	s0 =	sadd.s32 @!p0 $0x100000, s0  }
0xe0: {  	[sflag:s0] =	ssyncadd.tile.s32 @!p0 $0x1;
	_ =	shalt  }
.Lfunc_end2:
_tile_overlayer_lowered:
.L_overlay_start_2:
0xe1: {  	(tag) =	ssettag $0x2  }
0xe2: {  	s0 =	rddreg [dreg:$0x0];
	s2 =	stileid.u32  }
0xe3: {  	s1 =	rddreg [dreg:$0x1];
	p0 =	sne.s32 s2, $0x0  }
0xe4: {  	s3 =	rddreg [dreg:$0x2];
	[bflag:$0x3] =	sbarrier.arrive $0xFFFF;
	s2 =	simm.s32 @!p0 $0x1C03  }
0xe5: {  	[timem:s3], [sflag:s2] =	dma.local @!p0 [hbm:s0], s1  }
0xe6: {  	s0 =	simm.s32 @!p0 $0x3  }
0xe7: {  	_ =	swait.ge @!p0 [sflag:s0], s1  }
0xe8: {  	s1 =	ssub.s32 @!p0 $0x0, s1;
	[sflag:s0] =	ssyncset.done @!p0 $0x0  }
0xe9: {  	[sflag:s0] =	ssyncadd.s32 @!p0 s1  }
0xea: {  	[bflag:$0x3] =	sbarrier.arrive $0xFFFF  }
0xeb: {  	_ =	shalt  }

</sc_bundles>
